<compile_context>
chip_gen: v7x
topology: tpu7x:2x2x1
jax: 0.10.2.dev20260603
libtpu: 0.0.44.dev20260713+nightly
codegen_flags: <defaults>
</compile_context>

<pallas_src>
import functools

import jax
import jax.numpy as jnp
from jax import lax
from jax.experimental import pallas as pl
from jax.experimental.pallas import tpu as pltpu
from jax.experimental.pallas import tpu_sc as plsc

_N = 10000
_K = 32
_C = 128
_NSC = 2
_NT = 16
_CPT = _C // _NT
_WPT = _CPT // 2
_NPAD = 10240
_NPC = _NPAD // _NSC
_CN = 128
_NCHK = _NPC // _CN
_G = _CN // 16


def _sc_max_rel(x_shard, idx_prep):
    mesh = plsc.VectorSubcoreMesh(core_axis_name="c", subcore_axis_name="s")

    @functools.partial(
        pl.kernel,
        mesh=mesh,
        out_type=jax.ShapeDtypeStruct((_NT, _WPT, _NSC, _NCHK, _CN),
                                      jnp.int32),
        compiler_params=pltpu.CompilerParams(needs_layout_passes=False),
        scratch_types=[
            pltpu.VMEM((_NPAD * _WPT,), jnp.int32),
            pltpu.VMEM((2, _K, _CN), jnp.int32),
            pltpu.VMEM((2, _K, _CN), jnp.int32),
            pltpu.VMEM((_WPT, _CN), jnp.int32),
            pltpu.VMEM((_WPT, _CN), jnp.int32),
            pltpu.SemaphoreType.DMA,
            pltpu.SemaphoreType.DMA,
            pltpu.SemaphoreType.DMA,
            pltpu.SemaphoreType.DMA,
        ],
    )
    def sc_kernel(x_hbm, idx_hbm, out_hbm, table, ib0, ib1, ob0, ob1,
                  si0, si1, so0, so1):
        c = lax.axis_index("c")
        t = lax.axis_index("s")
        ib = (ib0, ib1)
        ob = (ob0, ob1)
        si = (si0, si1)
        so = (so0, so1)
        w_vecs = [jnp.full((16,), w * _NPAD, jnp.int32) for w in range(_WPT)]

        pltpu.sync_copy(x_hbm.at[t], table)

        def fire_idx(ci, j):
            pltpu.async_copy(idx_hbm.at[c, ci], ib[j], si[j])

        def wait_idx(j):
            pltpu.make_async_copy(idx_hbm.at[c, 0], ib[j], si[j]).wait()

        def fire_out(ci, j):
            pltpu.async_copy(ob[j], out_hbm.at[t, :, c, ci], so[j])

        def wait_out(j):
            pltpu.make_async_copy(ob[j], out_hbm.at[t, :, c, 0], so[j]).wait()

        def compute(j):
            ib_ = ib[j]
            ob_ = ob[j]

            def group_body(g, carry):
                n0 = g * 16
                accs = None
                for k in range(_K):
                    isv = ib_[0, k, pl.ds(n0, 16)]
                    idv = ib_[1, k, pl.ds(n0, 16)]
                    new = []
                    for w in range(_WPT):
                        avs = isv if w == 0 else isv + w_vecs[w]
                        avd = idv if w == 0 else idv + w_vecs[w]
                        s = plsc.bitcast(
                            plsc.load_gather(table, [avs]), jnp.bfloat16)
                        d = plsc.bitcast(
                            plsc.load_gather(table, [avd]), jnp.bfloat16)
                        diff = s - d
                        if accs is None:
                            new.append(diff)
                        else:
                            new.append(jnp.maximum(accs[w], diff))
                    accs = new
                for w in range(_WPT):
                    ob_[w, pl.ds(n0, 16)] = plsc.bitcast(accs[w], jnp.int32)
                return carry

            lax.fori_loop(0, _G, group_body, 0)

        fire_idx(0, 0)

        def pair_body(p, carry):
            for j in range(2):
                ci = 2 * p + j
                wait_idx(j)

                @pl.when(ci + 1 < _NCHK)
                def _(ci=ci, j=j):
                    fire_idx(ci + 1, 1 - j)

                @pl.when(p >= 1)
                def _(j=j):
                    wait_out(j)

                compute(j)
                fire_out(ci, j)
            return carry

        lax.fori_loop(0, _NCHK // 2, pair_body, 0)
        wait_out(0)
        wait_out(1)

    return sc_kernel(x_shard, idx_prep)


_BN = 1024
_NBLK = _NPAD // _BN


def _tc_fuse(x2p, xq, a, b_lo, b_hi, gamma, beta):
    def body(x2_ref, xq_ref, a_ref, bl_ref, bh_ref, g_ref, bt_ref, o_ref,
             y_scr, s_scr, q_scr):
        ph = pl.program_id(0)
        blk = pl.program_id(1)

        @pl.when(ph == 0)
        def _():
            xw = xq_ref[...]
            xlo = lax.bitcast_convert_type(xw << 16, jnp.float32)
            xhi = lax.bitcast_convert_type(xw & jnp.int32(-65536),
                                           jnp.float32)
            nn = (((1,), (0,)), ((), ()))
            y = lax.dot_general(a_ref[...], x2_ref[...], nn,
                                precision=lax.Precision.HIGHEST,
                                preferred_element_type=jnp.float32)
            y = y + lax.dot_general(bl_ref[...], xlo, nn,
                                    precision=lax.Precision.HIGHEST,
                                    preferred_element_type=jnp.float32)
            y = y + lax.dot_general(bh_ref[...], xhi, nn,
                                    precision=lax.Precision.HIGHEST,
                                    preferred_element_type=jnp.float32)
            y_scr[:, pl.ds(blk * _BN, _BN)] = y

            @pl.when(blk == 0)
            def _():
                s_scr[...] = jnp.zeros_like(s_scr)
                q_scr[...] = jnp.zeros_like(q_scr)

            s_scr[...] += jnp.sum(y, axis=1, keepdims=True)
            q_scr[...] += jnp.sum(y * y, axis=1, keepdims=True)

        @pl.when(ph == 1)
        def _():
            y = y_scr[:, pl.ds(blk * _BN, _BN)]
            mean = s_scr[...] * (1.0 / _N)
            var = q_scr[...] * (1.0 / _N) - mean * mean
            scale = g_ref[...] * lax.rsqrt(var + 1e-5)
            o_ref[...] = jnp.maximum((y - mean) * scale + bt_ref[...], 0.0)

    const = lambda ph, blk: (0, 0)
    phase0 = lambda ph, blk: (0, blk * (1 - ph))
    return pl.pallas_call(
        body,
        grid=(2, _NBLK),
        in_specs=[
            pl.BlockSpec((_C, _BN), phase0),
            pl.BlockSpec((_C // 2, _BN), phase0),
            pl.BlockSpec((_C, _C), const),
            pl.BlockSpec((_C, _C // 2), const),
            pl.BlockSpec((_C, _C // 2), const),
            pl.BlockSpec((_C, 1), const),
            pl.BlockSpec((_C, 1), const),
        ],
        out_specs=pl.BlockSpec((_C, _BN), lambda ph, blk: (0, blk * ph)),
        scratch_shapes=[
            pltpu.VMEM((_C, _NPAD), jnp.float32),
            pltpu.VMEM((_C, 1), jnp.float32),
            pltpu.VMEM((_C, 1), jnp.float32),
        ],
        out_shape=jax.ShapeDtypeStruct((_C, _NPAD), jnp.float32),
    )(x2p, xq, a, b_lo, b_hi, gamma, beta)


def kernel(x, edge_index, conv_w, conv_b, bn_gamma, bn_beta):
    del conv_b
    x2 = x[0, :, :, 0]
    pairs = x2.astype(jnp.bfloat16).reshape(_C // 2, 2, _N)
    lo = lax.bitcast_convert_type(pairs[:, 0], jnp.uint16).astype(jnp.uint32)
    hi = lax.bitcast_convert_type(pairs[:, 1], jnp.uint16).astype(jnp.uint32)
    words = lax.bitcast_convert_type(lo | (hi << 16), jnp.int32)
    x_shard = jnp.pad(words, ((0, 0), (0, _NPAD - _N))).reshape(
        _NT, _WPT * _NPAD)
    ei_p = jnp.pad(edge_index, ((0, 0), (0, _NPAD - _N), (0, 0)))
    idx_prep = (ei_p.transpose(0, 2, 1)
                .reshape(2, _K, _NSC, _NCHK, _CN)
                .transpose(2, 3, 0, 1, 4))
    outp = _sc_max_rel(x_shard, idx_prep)
    xq = outp.reshape(_C // 2, _NPAD)
    w = conv_w.reshape(4, 32, 32, 2)
    eye = jnp.eye(4, dtype=conv_w.dtype)
    a = jnp.einsum('goc,gh->gohc', w[..., 0], eye).reshape(_C, _C)
    b = jnp.einsum('goc,gh->gohc', w[..., 1], eye).reshape(_C, _C)
    b_pairs = b.reshape(_C, _C // 2, 2)
    b_lo = b_pairs[:, :, 0]
    b_hi = b_pairs[:, :, 1]
    x2p = jnp.pad(x2, ((0, 0), (0, _NPAD - _N)))
    y = _tc_fuse(x2p, xq, a, b_lo, b_hi,
                 bn_gamma.reshape(_C, 1), bn_beta.reshape(_C, 1))
    return y[None, :, :10000, None]

# --- scband reference (transcript-rebuilt; emitter-appended) ---
"""Pipeline reference for scband-mrconv2d-81638738362644 (READ-ONLY COPY).

The authoritative reference and input builder live on the scoring server;
editing this copy changes nothing except your own understanding.
"""

import jax, jax.numpy as jnp
import numpy as np

N = 10000
K = 32
C_IN = 128
C_OUT = 128
GROUPS = 4

def setup_inputs(seed: int = 0) -> dict:
    key = jax.random.key(seed)
    k1, k2, k3, k4 = jax.random.split(key, 4)
    x = jax.random.normal(k1, (1, C_IN, N, 1), dtype=jnp.float32)
    edge_index = jax.random.randint(k2, (2, N, K), 0, N, dtype=jnp.int32)
    fan_in = 2 * C_IN // GROUPS
    conv_w = jax.random.normal(k3, (C_OUT, fan_in), dtype=jnp.float32) / np.sqrt(fan_in)
    conv_b = jax.random.normal(k4, (C_OUT,), dtype=jnp.float32) * 0.01
    bn_gamma = jnp.ones((C_OUT,), dtype=jnp.float32)
    bn_beta = jnp.zeros((C_OUT,), dtype=jnp.float32)
    return {"x": x, "edge_index": edge_index, "conv_w": conv_w, "conv_b": conv_b, "bn_gamma": bn_gamma, "bn_beta": bn_beta}

def _batched_index_select(x, idx):
    # x: [1, C, N, 1], idx: [V, k] -> gathered neighbor features [1, C, V, k]
    x2 = x[0, :, :, 0]                      # [C, N]
    feat = jnp.take(x2, idx, axis=1)        # [C, V, k]  (gather: SparseCore-friendly)
    return feat[None]                       # [1, C, V, k]

def reference(x, edge_index, conv_w, conv_b, bn_gamma, bn_beta):
    # Max-Relative graph conv (ViG MRConv2d, dense format, batch=1)
    x_i = _batched_index_select(x, edge_index[1])   # dst-anchored gather [1,C,N,k]
    x_j = _batched_index_select(x, edge_index[0])   # src/neighbor gather [1,C,N,k]
    x_j = jnp.max(x_j - x_i, axis=-1, keepdims=True)  # [1,C,N,1]
    b, c, n, w = x.shape
    # interleave (x, x_j) per channel: cat on new dim 2 then reshape to 2c channels
    xx = jnp.concatenate([x[:, :, None], x_j[:, :, None]], axis=2).reshape(b, 2 * c, n, w)
    # grouped 1x1 conv (groups=4)
    xg = xx.reshape(b, GROUPS, 2 * c // GROUPS, n * w)            # [1,4,64,N]
    wg = conv_w.reshape(GROUPS, C_OUT // GROUPS, 2 * c // GROUPS)  # [4,32,64]
    y = jnp.einsum('bgin,goi->bgon', xg, wg).reshape(b, C_OUT, n, w)
    y = y + conv_b[None, :, None, None]
    # BatchNorm2d (training mode: biased batch statistics over (B,H,W))
    mean = y.mean(axis=(0, 2, 3), keepdims=True)
    var = y.var(axis=(0, 2, 3), keepdims=True)
    y = (y - mean) / jnp.sqrt(var + 1e-5)
    y = y * bn_gamma[None, :, None, None] + bn_beta[None, :, None, None]
    return jax.nn.relu(y)

if __name__ == "__main__":
    import jax
    _d = setup_inputs()
    print(jax.jit(kernel)(*tuple(_d.values())))

</pallas_src>

<mosaic_0001>
#map = affine_map<(d0, d1) -> (0, 0)>
#map1 = affine_map<(d0, d1) -> (0, 0, 0, 0, 0)>
module attributes {stable_mosaic.version = 14 : i64} {
  func.func @sc_kernel(%arg0: i32, %arg1: i32, %arg2: memref<16x40960xi32, #tpu.memory_space<hbm>>, %arg3: memref<2x40x2x32x128xi32, #tpu.memory_space<hbm>>, %arg4: memref<16x4x2x40x128xi32, #tpu.memory_space<hbm>>, %arg5: memref<40960xi32, #tpu.memory_space<vmem>>, %arg6: memref<2x32x128xi32, #tpu.memory_space<vmem>>, %arg7: memref<2x32x128xi32, #tpu.memory_space<vmem>>, %arg8: memref<4x128xi32, #tpu.memory_space<vmem>>, %arg9: memref<4x128xi32, #tpu.memory_space<vmem>>, %arg10: memref<!tpu.dma_semaphore, #tpu.memory_space<semaphore_mem>>, %arg11: memref<!tpu.dma_semaphore, #tpu.memory_space<semaphore_mem>>, %arg12: memref<!tpu.dma_semaphore, #tpu.memory_space<semaphore_mem>>, %arg13: memref<!tpu.dma_semaphore, #tpu.memory_space<semaphore_mem>>) attributes {dimension_semantics = [#tpu.dimension_semantics<core_parallel>, #tpu.dimension_semantics<subcore_parallel>], iteration_bounds = array<i64: 2, 16>, scalar_prefetch = 0 : i64, scratch_operands = 9 : i64, tpu.core_type = #tpu.core_type<sc_vector_subcore>, window_params = [{transform_indices = #map}, {transform_indices = #map1}, {transform_indices = #map1}]} {
    %broadcast_in_dim3A = arith.constant 0 : i32
    %broadcast_in_dim3A_0 = vector.broadcast %broadcast_in_dim3A : i32 to vector<16xi32>
    %broadcast_in_dim3A_1 = arith.constant 10240 : i32
    %broadcast_in_dim3A_2 = vector.broadcast %broadcast_in_dim3A_1 : i32 to vector<16xi32>
    %broadcast_in_dim3A_3 = arith.constant 20480 : i32
    %broadcast_in_dim3A_4 = vector.broadcast %broadcast_in_dim3A_3 : i32 to vector<16xi32>
    %broadcast_in_dim3A_5 = arith.constant 30720 : i32
    %broadcast_in_dim3A_6 = vector.broadcast %broadcast_in_dim3A_5 : i32 to vector<16xi32>
    "tpu.region"() ({
      %run_scoped3A = tpu.sem_alloc : memref<!tpu.dma_semaphore, #tpu.memory_space<semaphore_mem>>
      %dma_start3A_39 = arith.constant 0 : i32
      %dma_start3A_40 = tpu.memref_slice %arg2[%arg1, %dma_start3A_39] : memref<16x40960xi32, #tpu.memory_space<hbm>> -> memref<1x40960xi32, #tpu.memory_space<hbm>>
      %dma_start3A_41 = tpu.memref_squeeze %dma_start3A_40 : memref<1x40960xi32, #tpu.memory_space<hbm>> -> memref<40960xi32, #tpu.memory_space<hbm>>
      %dma_start3A_42 = arith.constant 0 : i32
      %dma_start3A_43 = tpu.memref_slice %arg2[%arg1, %dma_start3A_42] : memref<16x40960xi32, #tpu.memory_space<hbm>> -> memref<1x40960xi32, #tpu.memory_space<hbm>>
      %dma_start3A_44 = tpu.memref_squeeze %dma_start3A_43 : memref<1x40960xi32, #tpu.memory_space<hbm>> -> memref<40960xi32, #tpu.memory_space<hbm>>
      tpu.enqueue_dma source(%dma_start3A_44 : memref<40960xi32, #tpu.memory_space<hbm>>) target(%arg5 : memref<40960xi32, #tpu.memory_space<vmem>>) target_semaphore(%run_scoped3A : memref<!tpu.dma_semaphore, #tpu.memory_space<semaphore_mem>>)
      %dma_wait3A_45 = arith.constant 0 : i32
      %dma_wait3A_46 = tpu.memref_slice %arg2[%arg1, %dma_wait3A_45] : memref<16x40960xi32, #tpu.memory_space<hbm>> -> memref<1x40960xi32, #tpu.memory_space<hbm>>
      %dma_wait3A_47 = tpu.memref_squeeze %dma_wait3A_46 : memref<1x40960xi32, #tpu.memory_space<hbm>> -> memref<40960xi32, #tpu.memory_space<hbm>>
      %dma_wait3A_48 = arith.constant 0 : i32
      %dma_wait3A_49 = tpu.memref_slice %arg2[%arg1, %dma_wait3A_48] : memref<16x40960xi32, #tpu.memory_space<hbm>> -> memref<1x40960xi32, #tpu.memory_space<hbm>>
      %dma_wait3A_50 = tpu.memref_squeeze %dma_wait3A_49 : memref<1x40960xi32, #tpu.memory_space<hbm>> -> memref<40960xi32, #tpu.memory_space<hbm>>
      tpu.wait_dma2 semaphore(%run_scoped3A : memref<!tpu.dma_semaphore, #tpu.memory_space<semaphore_mem>>) src(%dma_wait3A_50 : memref<40960xi32, #tpu.memory_space<hbm>>) dst(%arg5 : memref<40960xi32, #tpu.memory_space<vmem>>)
      tpu.yield
    }) : () -> ()
    %dma_start3A = arith.constant 0 : i32
    %dma_start3A_7 = arith.constant 0 : i32
    %dma_start3A_8 = arith.constant 0 : i32
    %dma_start3A_9 = arith.constant 0 : i32
    %dma_start3A_10 = tpu.memref_slice %arg3[%arg0, %dma_start3A, %dma_start3A_7, %dma_start3A_8, %dma_start3A_9] : memref<2x40x2x32x128xi32, #tpu.memory_space<hbm>> -> memref<1x1x2x32x128xi32, #tpu.memory_space<hbm>>
    %dma_start3A_11 = tpu.memref_squeeze %dma_start3A_10 : memref<1x1x2x32x128xi32, #tpu.memory_space<hbm>> -> memref<2x32x128xi32, #tpu.memory_space<hbm>>
    %dma_start3A_12 = arith.constant 0 : i32
    %dma_start3A_13 = arith.constant 0 : i32
    %dma_start3A_14 = arith.constant 0 : i32
    %dma_start3A_15 = tpu.memref_slice %arg3[%arg0, %dma_start3A, %dma_start3A_12, %dma_start3A_13, %dma_start3A_14] : memref<2x40x2x32x128xi32, #tpu.memory_space<hbm>> -> memref<1x1x2x32x128xi32, #tpu.memory_space<hbm>>
    %dma_start3A_16 = tpu.memref_squeeze %dma_start3A_15 : memref<1x1x2x32x128xi32, #tpu.memory_space<hbm>> -> memref<2x32x128xi32, #tpu.memory_space<hbm>>
    tpu.enqueue_dma source(%dma_start3A_16 : memref<2x32x128xi32, #tpu.memory_space<hbm>>) target(%arg6 : memref<2x32x128xi32, #tpu.memory_space<vmem>>) target_semaphore(%arg10 : memref<!tpu.dma_semaphore, #tpu.memory_space<semaphore_mem>>)
    %scan3A = arith.constant 0 : i32
    %scan3A_17 = arith.constant 0 : i32
    %scan3A_18 = arith.constant 20 : i32
    %scan3A_19 = arith.addi %scan3A_17, %scan3A_18 : i32
    %scan3A_20 = arith.constant 1 : i32
    scf.for %scan3A_39 = %scan3A_17 to %scan3A_19 step %scan3A_20  : i32 {
      %mul3A = arith.constant 2 : i32
      %mul3A_40 = arith.muli %mul3A, %scan3A_39 : i32
      %add3A = arith.constant 0 : i32
      %add3A_41 = arith.addi %mul3A_40, %add3A : i32
      %dma_wait3A_42 = arith.constant 0 : i32
      %dma_wait3A_43 = arith.constant 0 : i32
      %dma_wait3A_44 = arith.constant 0 : i32
      %dma_wait3A_45 = arith.constant 0 : i32
      %dma_wait3A_46 = tpu.memref_slice %arg3[%arg0, %dma_wait3A_42, %dma_wait3A_43, %dma_wait3A_44, %dma_wait3A_45] : memref<2x40x2x32x128xi32, #tpu.memory_space<hbm>> -> memref<1x1x2x32x128xi32, #tpu.memory_space<hbm>>
      %dma_wait3A_47 = tpu.memref_squeeze %dma_wait3A_46 : memref<1x1x2x32x128xi32, #tpu.memory_space<hbm>> -> memref<2x32x128xi32, #tpu.memory_space<hbm>>
      %dma_wait3A_48 = arith.constant 0 : i32
      %dma_wait3A_49 = arith.constant 0 : i32
      %dma_wait3A_50 = arith.constant 0 : i32
      %dma_wait3A_51 = tpu.memref_slice %arg3[%arg0, %dma_wait3A_42, %dma_wait3A_48, %dma_wait3A_49, %dma_wait3A_50] : memref<2x40x2x32x128xi32, #tpu.memory_space<hbm>> -> memref<1x1x2x32x128xi32, #tpu.memory_space<hbm>>
      %dma_wait3A_52 = tpu.memref_squeeze %dma_wait3A_51 : memref<1x1x2x32x128xi32, #tpu.memory_space<hbm>> -> memref<2x32x128xi32, #tpu.memory_space<hbm>>
      tpu.wait_dma2 semaphore(%arg10 : memref<!tpu.dma_semaphore, #tpu.memory_space<semaphore_mem>>) src(%dma_wait3A_52 : memref<2x32x128xi32, #tpu.memory_space<hbm>>) dst(%arg6 : memref<2x32x128xi32, #tpu.memory_space<vmem>>)
      %add3A_53 = arith.constant 1 : i32
      %add3A_54 = arith.addi %add3A_41, %add3A_53 : i32
      %lt3A = arith.constant 40 : i32
      %lt3A_55 = arith.cmpi slt, %add3A_54, %lt3A : i32
      %convert_element_type3A = arith.extui %lt3A_55 : i1 to i32
      %cond3A = arith.constant 0 : i32
      %cond3A_56 = arith.cmpi ne, %convert_element_type3A, %cond3A : i32
      scf.if %cond3A_56 {
        %add3A_116 = arith.constant 1 : i32
        %add3A_117 = arith.addi %add3A_41, %add3A_116 : i32
        %dma_start3A_118 = arith.constant 0 : i32
        %dma_start3A_119 = arith.constant 0 : i32
        %dma_start3A_120 = arith.constant 0 : i32
        %dma_start3A_121 = tpu.memref_slice %arg3[%arg0, %add3A_117, %dma_start3A_118, %dma_start3A_119, %dma_start3A_120] : memref<2x40x2x32x128xi32, #tpu.memory_space<hbm>> -> memref<1x1x2x32x128xi32, #tpu.memory_space<hbm>>
        %dma_start3A_122 = tpu.memref_squeeze %dma_start3A_121 : memref<1x1x2x32x128xi32, #tpu.memory_space<hbm>> -> memref<2x32x128xi32, #tpu.memory_space<hbm>>
        %dma_start3A_123 = arith.constant 0 : i32
        %dma_start3A_124 = arith.constant 0 : i32
        %dma_start3A_125 = arith.constant 0 : i32
        %dma_start3A_126 = tpu.memref_slice %arg3[%arg0, %add3A_117, %dma_start3A_123, %dma_start3A_124, %dma_start3A_125] : memref<2x40x2x32x128xi32, #tpu.memory_space<hbm>> -> memref<1x1x2x32x128xi32, #tpu.memory_space<hbm>>
        %dma_start3A_127 = tpu.memref_squeeze %dma_start3A_126 : memref<1x1x2x32x128xi32, #tpu.memory_space<hbm>> -> memref<2x32x128xi32, #tpu.memory_space<hbm>>
        tpu.enqueue_dma source(%dma_start3A_127 : memref<2x32x128xi32, #tpu.memory_space<hbm>>) target(%arg7 : memref<2x32x128xi32, #tpu.memory_space<vmem>>) target_semaphore(%arg11 : memref<!tpu.dma_semaphore, #tpu.memory_space<semaphore_mem>>)
      } else {
      }
      %ge3A = arith.constant 1 : i32
      %ge3A_57 = arith.cmpi sge, %scan3A_39, %ge3A : i32
      %convert_element_type3A_58 = arith.extui %ge3A_57 : i1 to i32
      %cond3A_59 = arith.constant 0 : i32
      %cond3A_60 = arith.cmpi ne, %convert_element_type3A_58, %cond3A_59 : i32
      scf.if %cond3A_60 {
        %dma_wait3A_116 = arith.constant 0 : i32
        %dma_wait3A_117 = arith.constant 0 : i32
        %dma_wait3A_118 = arith.constant 0 : i32
        %dma_wait3A_119 = tpu.memref_slice %arg4[%arg1, %dma_wait3A_117, %arg0, %dma_wait3A_116, %dma_wait3A_118] : memref<16x4x2x40x128xi32, #tpu.memory_space<hbm>> -> memref<1x4x1x1x128xi32, #tpu.memory_space<hbm>>
        %dma_wait3A_120 = tpu.memref_squeeze %dma_wait3A_119 : memref<1x4x1x1x128xi32, #tpu.memory_space<hbm>> -> memref<4x128xi32, #tpu.memory_space<hbm>>
        %dma_wait3A_121 = arith.constant 0 : i32
        %dma_wait3A_122 = arith.constant 0 : i32
        %dma_wait3A_123 = tpu.memref_slice %arg4[%arg1, %dma_wait3A_121, %arg0, %dma_wait3A_116, %dma_wait3A_122] : memref<16x4x2x40x128xi32, #tpu.memory_space<hbm>> -> memref<1x4x1x1x128xi32, #tpu.memory_space<hbm>>
        %dma_wait3A_124 = tpu.memref_squeeze %dma_wait3A_123 : memref<1x4x1x1x128xi32, #tpu.memory_space<hbm>> -> memref<4x128xi32, #tpu.memory_space<hbm>>
        tpu.wait_dma2 semaphore(%arg12 : memref<!tpu.dma_semaphore, #tpu.memory_space<semaphore_mem>>) src(%arg8 : memref<4x128xi32, #tpu.memory_space<vmem>>) dst(%dma_wait3A_124 : memref<4x128xi32, #tpu.memory_space<hbm>>)
      } else {
      }
      %scan3A_61 = arith.constant 0 : i32
      %scan3A_62 = arith.constant 0 : i32
      %scan3A_63 = arith.constant 8 : i32
      %scan3A_64 = arith.addi %scan3A_62, %scan3A_63 : i32
      %scan3A_65 = arith.constant 1 : i32
      scf.for %scan3A_116 = %scan3A_62 to %scan3A_64 step %scan3A_65  : i32 {
        %mul3A_117 = arith.constant 16 : i32
        %mul3A_118 = arith.muli %scan3A_116, %mul3A_117 : i32
        %get3A = arith.constant 0 : i32
        %get3A_119 = arith.constant 0 : i32
        %get3A_120 = arith.index_cast %get3A : i32 to index
        %get3A_121 = arith.index_cast %get3A_119 : i32 to index
        %get3A_122 = arith.index_cast %mul3A_118 : i32 to index
        %get3A_123 = tpu.vector_load %arg6[%get3A_120, %get3A_121, %get3A_122] {strides = array<i32>} : memref<2x32x128xi32, #tpu.memory_space<vmem>>, vector<16xi32>,
        %get3A_124 = arith.constant 1 : i32
        %get3A_125 = arith.constant 0 : i32
        %get3A_126 = arith.index_cast %get3A_124 : i32 to index
        %get3A_127 = arith.index_cast %get3A_125 : i32 to index
        %get3A_128 = arith.index_cast %mul3A_118 : i32 to index
        %get3A_129 = tpu.vector_load %arg6[%get3A_126, %get3A_127, %get3A_128] {strides = array<i32>} : memref<2x32x128xi32, #tpu.memory_space<vmem>>, vector<16xi32>,
        %gather3A = tpu.vector_load_idx %arg5[%get3A_123] : memref<40960xi32, #tpu.memory_space<vmem>>[vector<16xi32>], vector<16xi32>,
        %bitcast3A = vector.bitcast %gather3A : vector<16xi32> to vector<32xbf16>
        %gather3A_130 = tpu.vector_load_idx %arg5[%get3A_129] : memref<40960xi32, #tpu.memory_space<vmem>>[vector<16xi32>], vector<16xi32>,
        %bitcast3A_131 = vector.bitcast %gather3A_130 : vector<16xi32> to vector<32xbf16>
        %sub3A = arith.subf %bitcast3A, %bitcast3A_131 : vector<32xbf16>
        %add3A_132 = arith.addi %get3A_123, %broadcast_in_dim3A_2 : vector<16xi32>
        %add3A_133 = arith.addi %get3A_129, %broadcast_in_dim3A_2 : vector<16xi32>
        %gather3A_134 = tpu.vector_load_idx %arg5[%add3A_132] : memref<40960xi32, #tpu.memory_space<vmem>>[vector<16xi32>], vector<16xi32>,
        %bitcast3A_135 = vector.bitcast %gather3A_134 : vector<16xi32> to vector<32xbf16>
        %gather3A_136 = tpu.vector_load_idx %arg5[%add3A_133] : memref<40960xi32, #tpu.memory_space<vmem>>[vector<16xi32>], vector<16xi32>,
        %bitcast3A_137 = vector.bitcast %gather3A_136 : vector<16xi32> to vector<32xbf16>
        %sub3A_138 = arith.subf %bitcast3A_135, %bitcast3A_137 : vector<32xbf16>
        %add3A_139 = arith.addi %get3A_123, %broadcast_in_dim3A_4 : vector<16xi32>
        %add3A_140 = arith.addi %get3A_129, %broadcast_in_dim3A_4 : vector<16xi32>
        %gather3A_141 = tpu.vector_load_idx %arg5[%add3A_139] : memref<40960xi32, #tpu.memory_space<vmem>>[vector<16xi32>], vector<16xi32>,
        %bitcast3A_142 = vector.bitcast %gather3A_141 : vector<16xi32> to vector<32xbf16>
        %gather3A_143 = tpu.vector_load_idx %arg5[%add3A_140] : memref<40960xi32, #tpu.memory_space<vmem>>[vector<16xi32>], vector<16xi32>,
        %bitcast3A_144 = vector.bitcast %gather3A_143 : vector<16xi32> to vector<32xbf16>
        %sub3A_145 = arith.subf %bitcast3A_142, %bitcast3A_144 : vector<32xbf16>
        %add3A_146 = arith.addi %get3A_123, %broadcast_in_dim3A_6 : vector<16xi32>
        %add3A_147 = arith.addi %get3A_129, %broadcast_in_dim3A_6 : vector<16xi32>
        %gather3A_148 = tpu.vector_load_idx %arg5[%add3A_146] : memref<40960xi32, #tpu.memory_space<vmem>>[vector<16xi32>], vector<16xi32>,
        %bitcast3A_149 = vector.bitcast %gather3A_148 : vector<16xi32> to vector<32xbf16>
        %gather3A_150 = tpu.vector_load_idx %arg5[%add3A_147] : memref<40960xi32, #tpu.memory_space<vmem>>[vector<16xi32>], vector<16xi32>,
        %bitcast3A_151 = vector.bitcast %gather3A_150 : vector<16xi32> to vector<32xbf16>
        %sub3A_152 = arith.subf %bitcast3A_149, %bitcast3A_151 : vector<32xbf16>
        %get3A_153 = arith.constant 0 : i32
        %get3A_154 = arith.constant 1 : i32
        %get3A_155 = arith.index_cast %get3A_153 : i32 to index
        %get3A_156 = arith.index_cast %get3A_154 : i32 to index
        %get3A_157 = arith.index_cast %mul3A_118 : i32 to index
        %get3A_158 = tpu.vector_load %arg6[%get3A_155, %get3A_156, %get3A_157] {strides = array<i32>} : memref<2x32x128xi32, #tpu.memory_space<vmem>>, vector<16xi32>,
        %get3A_159 = arith.constant 1 : i32
        %get3A_160 = arith.constant 1 : i32
        %get3A_161 = arith.index_cast %get3A_159 : i32 to index
        %get3A_162 = arith.index_cast %get3A_160 : i32 to index
        %get3A_163 = arith.index_cast %mul3A_118 : i32 to index
        %get3A_164 = tpu.vector_load %arg6[%get3A_161, %get3A_162, %get3A_163] {strides = array<i32>} : memref<2x32x128xi32, #tpu.memory_space<vmem>>, vector<16xi32>,
        %gather3A_165 = tpu.vector_load_idx %arg5[%get3A_158] : memref<40960xi32, #tpu.memory_space<vmem>>[vector<16xi32>], vector<16xi32>,
        %bitcast3A_166 = vector.bitcast %gather3A_165 : vector<16xi32> to vector<32xbf16>
        %gather3A_167 = tpu.vector_load_idx %arg5[%get3A_164] : memref<40960xi32, #tpu.memory_space<vmem>>[vector<16xi32>], vector<16xi32>,
        %bitcast3A_168 = vector.bitcast %gather3A_167 : vector<16xi32> to vector<32xbf16>
        %sub3A_169 = arith.subf %bitcast3A_166, %bitcast3A_168 : vector<32xbf16>
        %max3A = arith.maximumf %sub3A, %sub3A_169 : vector<32xbf16>
        %add3A_170 = arith.addi %get3A_158, %broadcast_in_dim3A_2 : vector<16xi32>
        %add3A_171 = arith.addi %get3A_164, %broadcast_in_dim3A_2 : vector<16xi32>
        %gather3A_172 = tpu.vector_load_idx %arg5[%add3A_170] : memref<40960xi32, #tpu.memory_space<vmem>>[vector<16xi32>], vector<16xi32>,
        %bitcast3A_173 = vector.bitcast %gather3A_172 : vector<16xi32> to vector<32xbf16>
        %gather3A_174 = tpu.vector_load_idx %arg5[%add3A_171] : memref<40960xi32, #tpu.memory_space<vmem>>[vector<16xi32>], vector<16xi32>,
        %bitcast3A_175 = vector.bitcast %gather3A_174 : vector<16xi32> to vector<32xbf16>
        %sub3A_176 = arith.subf %bitcast3A_173, %bitcast3A_175 : vector<32xbf16>
        %max3A_177 = arith.maximumf %sub3A_138, %sub3A_176 : vector<32xbf16>
        %add3A_178 = arith.addi %get3A_158, %broadcast_in_dim3A_4 : vector<16xi32>
        %add3A_179 = arith.addi %get3A_164, %broadcast_in_dim3A_4 : vector<16xi32>
        %gather3A_180 = tpu.vector_load_idx %arg5[%add3A_178] : memref<40960xi32, #tpu.memory_space<vmem>>[vector<16xi32>], vector<16xi32>,
        %bitcast3A_181 = vector.bitcast %gather3A_180 : vector<16xi32> to vector<32xbf16>
        %gather3A_182 = tpu.vector_load_idx %arg5[%add3A_179] : memref<40960xi32, #tpu.memory_space<vmem>>[vector<16xi32>], vector<16xi32>,
        %bitcast3A_183 = vector.bitcast %gather3A_182 : vector<16xi32> to vector<32xbf16>
        %sub3A_184 = arith.subf %bitcast3A_181, %bitcast3A_183 : vector<32xbf16>
        %max3A_185 = arith.maximumf %sub3A_145, %sub3A_184 : vector<32xbf16>
        %add3A_186 = arith.addi %get3A_158, %broadcast_in_dim3A_6 : vector<16xi32>
        %add3A_187 = arith.addi %get3A_164, %broadcast_in_dim3A_6 : vector<16xi32>
        %gather3A_188 = tpu.vector_load_idx %arg5[%add3A_186] : memref<40960xi32, #tpu.memory_space<vmem>>[vector<16xi32>], vector<16xi32>,
        %bitcast3A_189 = vector.bitcast %gather3A_188 : vector<16xi32> to vector<32xbf16>
        %gather3A_190 = tpu.vector_load_idx %arg5[%add3A_187] : memref<40960xi32, #tpu.memory_space<vmem>>[vector<16xi32>], vector<16xi32>,
        %bitcast3A_191 = vector.bitcast %gather3A_190 : vector<16xi32> to vector<32xbf16>
        %sub3A_192 = arith.subf %bitcast3A_189, %bitcast3A_191 : vector<32xbf16>
        %max3A_193 = arith.maximumf %sub3A_152, %sub3A_192 : vector<32xbf16>
        %get3A_194 = arith.constant 0 : i32
        %get3A_195 = arith.constant 2 : i32
        %get3A_196 = arith.index_cast %get3A_194 : i32 to index
        %get3A_197 = arith.index_cast %get3A_195 : i32 to index
        %get3A_198 = arith.index_cast %mul3A_118 : i32 to index
        %get3A_199 = tpu.vector_load %arg6[%get3A_196, %get3A_197, %get3A_198] {strides = array<i32>} : memref<2x32x128xi32, #tpu.memory_space<vmem>>, vector<16xi32>,
        %get3A_200 = arith.constant 1 : i32
        %get3A_201 = arith.constant 2 : i32
        %get3A_202 = arith.index_cast %get3A_200 : i32 to index
        %get3A_203 = arith.index_cast %get3A_201 : i32 to index
        %get3A_204 = arith.index_cast %mul3A_118 : i32 to index
        %get3A_205 = tpu.vector_load %arg6[%get3A_202, %get3A_203, %get3A_204] {strides = array<i32>} : memref<2x32x128xi32, #tpu.memory_space<vmem>>, vector<16xi32>,
        %gather3A_206 = tpu.vector_load_idx %arg5[%get3A_199] : memref<40960xi32, #tpu.memory_space<vmem>>[vector<16xi32>], vector<16xi32>,
        %bitcast3A_207 = vector.bitcast %gather3A_206 : vector<16xi32> to vector<32xbf16>
        %gather3A_208 = tpu.vector_load_idx %arg5[%get3A_205] : memref<40960xi32, #tpu.memory_space<vmem>>[vector<16xi32>], vector<16xi32>,
        %bitcast3A_209 = vector.bitcast %gather3A_208 : vector<16xi32> to vector<32xbf16>
        %sub3A_210 = arith.subf %bitcast3A_207, %bitcast3A_209 : vector<32xbf16>
        %max3A_211 = arith.maximumf %max3A, %sub3A_210 : vector<32xbf16>
        %add3A_212 = arith.addi %get3A_199, %broadcast_in_dim3A_2 : vector<16xi32>
        %add3A_213 = arith.addi %get3A_205, %broadcast_in_dim3A_2 : vector<16xi32>
        %gather3A_214 = tpu.vector_load_idx %arg5[%add3A_212] : memref<40960xi32, #tpu.memory_space<vmem>>[vector<16xi32>], vector<16xi32>,
        %bitcast3A_215 = vector.bitcast %gather3A_214 : vector<16xi32> to vector<32xbf16>
        %gather3A_216 = tpu.vector_load_idx %arg5[%add3A_213] : memref<40960xi32, #tpu.memory_space<vmem>>[vector<16xi32>], vector<16xi32>,
        %bitcast3A_217 = vector.bitcast %gather3A_216 : vector<16xi32> to vector<32xbf16>
        %sub3A_218 = arith.subf %bitcast3A_215, %bitcast3A_217 : vector<32xbf16>
        %max3A_219 = arith.maximumf %max3A_177, %sub3A_218 : vector<32xbf16>
        %add3A_220 = arith.addi %get3A_199, %broadcast_in_dim3A_4 : vector<16xi32>
        %add3A_221 = arith.addi %get3A_205, %broadcast_in_dim3A_4 : vector<16xi32>
        %gather3A_222 = tpu.vector_load_idx %arg5[%add3A_220] : memref<40960xi32, #tpu.memory_space<vmem>>[vector<16xi32>], vector<16xi32>,
        %bitcast3A_223 = vector.bitcast %gather3A_222 : vector<16xi32> to vector<32xbf16>
        %gather3A_224 = tpu.vector_load_idx %arg5[%add3A_221] : memref<40960xi32, #tpu.memory_space<vmem>>[vector<16xi32>], vector<16xi32>,
        %bitcast3A_225 = vector.bitcast %gather3A_224 : vector<16xi32> to vector<32xbf16>
        %sub3A_226 = arith.subf %bitcast3A_223, %bitcast3A_225 : vector<32xbf16>
        %max3A_227 = arith.maximumf %max3A_185, %sub3A_226 : vector<32xbf16>
        %add3A_228 = arith.addi %get3A_199, %broadcast_in_dim3A_6 : vector<16xi32>
        %add3A_229 = arith.addi %get3A_205, %broadcast_in_dim3A_6 : vector<16xi32>
        %gather3A_230 = tpu.vector_load_idx %arg5[%add3A_228] : memref<40960xi32, #tpu.memory_space<vmem>>[vector<16xi32>], vector<16xi32>,
        %bitcast3A_231 = vector.bitcast %gather3A_230 : vector<16xi32> to vector<32xbf16>
        %gather3A_232 = tpu.vector_load_idx %arg5[%add3A_229] : memref<40960xi32, #tpu.memory_space<vmem>>[vector<16xi32>], vector<16xi32>,
        %bitcast3A_233 = vector.bitcast %gather3A_232 : vector<16xi32> to vector<32xbf16>
        %sub3A_234 = arith.subf %bitcast3A_231, %bitcast3A_233 : vector<32xbf16>
        %max3A_235 = arith.maximumf %max3A_193, %sub3A_234 : vector<32xbf16>
        %get3A_236 = arith.constant 0 : i32
        %get3A_237 = arith.constant 3 : i32
        %get3A_238 = arith.index_cast %get3A_236 : i32 to index
        %get3A_239 = arith.index_cast %get3A_237 : i32 to index
        %get3A_240 = arith.index_cast %mul3A_118 : i32 to index
        %get3A_241 = tpu.vector_load %arg6[%get3A_238, %get3A_239, %get3A_240] {strides = array<i32>} : memref<2x32x128xi32, #tpu.memory_space<vmem>>, vector<16xi32>,
        %get3A_242 = arith.constant 1 : i32
        %get3A_243 = arith.constant 3 : i32
        %get3A_244 = arith.index_cast %get3A_242 : i32 to index
        %get3A_245 = arith.index_cast %get3A_243 : i32 to index
        %get3A_246 = arith.index_cast %mul3A_118 : i32 to index
        %get3A_247 = tpu.vector_load %arg6[%get3A_244, %get3A_245, %get3A_246] {strides = array<i32>} : memref<2x32x128xi32, #tpu.memory_space<vmem>>, vector<16xi32>,
        %gather3A_248 = tpu.vector_load_idx %arg5[%get3A_241] : memref<40960xi32, #tpu.memory_space<vmem>>[vector<16xi32>], vector<16xi32>,
        %bitcast3A_249 = vector.bitcast %gather3A_248 : vector<16xi32> to vector<32xbf16>
        %gather3A_250 = tpu.vector_load_idx %arg5[%get3A_247] : memref<40960xi32, #tpu.memory_space<vmem>>[vector<16xi32>], vector<16xi32>,
        %bitcast3A_251 = vector.bitcast %gather3A_250 : vector<16xi32> to vector<32xbf16>
        %sub3A_252 = arith.subf %bitcast3A_249, %bitcast3A_251 : vector<32xbf16>
        %max3A_253 = arith.maximumf %max3A_211, %sub3A_252 : vector<32xbf16>
        %add3A_254 = arith.addi %get3A_241, %broadcast_in_dim3A_2 : vector<16xi32>
        %add3A_255 = arith.addi %get3A_247, %broadcast_in_dim3A_2 : vector<16xi32>
        %gather3A_256 = tpu.vector_load_idx %arg5[%add3A_254] : memref<40960xi32, #tpu.memory_space<vmem>>[vector<16xi32>], vector<16xi32>,
        %bitcast3A_257 = vector.bitcast %gather3A_256 : vector<16xi32> to vector<32xbf16>
        %gather3A_258 = tpu.vector_load_idx %arg5[%add3A_255] : memref<40960xi32, #tpu.memory_space<vmem>>[vector<16xi32>], vector<16xi32>,
        %bitcast3A_259 = vector.bitcast %gather3A_258 : vector<16xi32> to vector<32xbf16>
        %sub3A_260 = arith.subf %bitcast3A_257, %bitcast3A_259 : vector<32xbf16>
        %max3A_261 = arith.maximumf %max3A_219, %sub3A_260 : vector<32xbf16>
        %add3A_262 = arith.addi %get3A_241, %broadcast_in_dim3A_4 : vector<16xi32>
        %add3A_263 = arith.addi %get3A_247, %broadcast_in_dim3A_4 : vector<16xi32>
        %gather3A_264 = tpu.vector_load_idx %arg5[%add3A_262] : memref<40960xi32, #tpu.memory_space<vmem>>[vector<16xi32>], vector<16xi32>,
        %bitcast3A_265 = vector.bitcast %gather3A_264 : vector<16xi32> to vector<32xbf16>
        %gather3A_266 = tpu.vector_load_idx %arg5[%add3A_263] : memref<40960xi32, #tpu.memory_space<vmem>>[vector<16xi32>], vector<16xi32>,
        %bitcast3A_267 = vector.bitcast %gather3A_266 : vector<16xi32> to vector<32xbf16>
        %sub3A_268 = arith.subf %bitcast3A_265, %bitcast3A_267 : vector<32xbf16>
        %max3A_269 = arith.maximumf %max3A_227, %sub3A_268 : vector<32xbf16>
        %add3A_270 = arith.addi %get3A_241, %broadcast_in_dim3A_6 : vector<16xi32>
        %add3A_271 = arith.addi %get3A_247, %broadcast_in_dim3A_6 : vector<16xi32>
        %gather3A_272 = tpu.vector_load_idx %arg5[%add3A_270] : memref<40960xi32, #tpu.memory_space<vmem>>[vector<16xi32>], vector<16xi32>,
        %bitcast3A_273 = vector.bitcast %gather3A_272 : vector<16xi32> to vector<32xbf16>
        %gather3A_274 = tpu.vector_load_idx %arg5[%add3A_271] : memref<40960xi32, #tpu.memory_space<vmem>>[vector<16xi32>], vector<16xi32>,
        %bitcast3A_275 = vector.bitcast %gather3A_274 : vector<16xi32> to vector<32xbf16>
        %sub3A_276 = arith.subf %bitcast3A_273, %bitcast3A_275 : vector<32xbf16>
        %max3A_277 = arith.maximumf %max3A_235, %sub3A_276 : vector<32xbf16>
        %get3A_278 = arith.constant 0 : i32
        %get3A_279 = arith.constant 4 : i32
        %get3A_280 = arith.index_cast %get3A_278 : i32 to index
        %get3A_281 = arith.index_cast %get3A_279 : i32 to index
        %get3A_282 = arith.index_cast %mul3A_118 : i32 to index
        %get3A_283 = tpu.vector_load %arg6[%get3A_280, %get3A_281, %get3A_282] {strides = array<i32>} : memref<2x32x128xi32, #tpu.memory_space<vmem>>, vector<16xi32>,
        %get3A_284 = arith.constant 1 : i32
        %get3A_285 = arith.constant 4 : i32
        %get3A_286 = arith.index_cast %get3A_284 : i32 to index
        %get3A_287 = arith.index_cast %get3A_285 : i32 to index
        %get3A_288 = arith.index_cast %mul3A_118 : i32 to index
        %get3A_289 = tpu.vector_load %arg6[%get3A_286, %get3A_287, %get3A_288] {strides = array<i32>} : memref<2x32x128xi32, #tpu.memory_space<vmem>>, vector<16xi32>,
        %gather3A_290 = tpu.vector_load_idx %arg5[%get3A_283] : memref<40960xi32, #tpu.memory_space<vmem>>[vector<16xi32>], vector<16xi32>,
        %bitcast3A_291 = vector.bitcast %gather3A_290 : vector<16xi32> to vector<32xbf16>
        %gather3A_292 = tpu.vector_load_idx %arg5[%get3A_289] : memref<40960xi32, #tpu.memory_space<vmem>>[vector<16xi32>], vector<16xi32>,
        %bitcast3A_293 = vector.bitcast %gather3A_292 : vector<16xi32> to vector<32xbf16>
        %sub3A_294 = arith.subf %bitcast3A_291, %bitcast3A_293 : vector<32xbf16>
        %max3A_295 = arith.maximumf %max3A_253, %sub3A_294 : vector<32xbf16>
        %add3A_296 = arith.addi %get3A_283, %broadcast_in_dim3A_2 : vector<16xi32>
        %add3A_297 = arith.addi %get3A_289, %broadcast_in_dim3A_2 : vector<16xi32>
        %gather3A_298 = tpu.vector_load_idx %arg5[%add3A_296] : memref<40960xi32, #tpu.memory_space<vmem>>[vector<16xi32>], vector<16xi32>,
        %bitcast3A_299 = vector.bitcast %gather3A_298 : vector<16xi32> to vector<32xbf16>
        %gather3A_300 = tpu.vector_load_idx %arg5[%add3A_297] : memref<40960xi32, #tpu.memory_space<vmem>>[vector<16xi32>], vector<16xi32>,
        %bitcast3A_301 = vector.bitcast %gather3A_300 : vector<16xi32> to vector<32xbf16>
        %sub3A_302 = arith.subf %bitcast3A_299, %bitcast3A_301 : vector<32xbf16>
        %max3A_303 = arith.maximumf %max3A_261, %sub3A_302 : vector<32xbf16>
        %add3A_304 = arith.addi %get3A_283, %broadcast_in_dim3A_4 : vector<16xi32>
        %add3A_305 = arith.addi %get3A_289, %broadcast_in_dim3A_4 : vector<16xi32>
        %gather3A_306 = tpu.vector_load_idx %arg5[%add3A_304] : memref<40960xi32, #tpu.memory_space<vmem>>[vector<16xi32>], vector<16xi32>,
        %bitcast3A_307 = vector.bitcast %gather3A_306 : vector<16xi32> to vector<32xbf16>
        %gather3A_308 = tpu.vector_load_idx %arg5[%add3A_305] : memref<40960xi32, #tpu.memory_space<vmem>>[vector<16xi32>], vector<16xi32>,
        %bitcast3A_309 = vector.bitcast %gather3A_308 : vector<16xi32> to vector<32xbf16>
        %sub3A_310 = arith.subf %bitcast3A_307, %bitcast3A_309 : vector<32xbf16>
        %max3A_311 = arith.maximumf %max3A_269, %sub3A_310 : vector<32xbf16>
        %add3A_312 = arith.addi %get3A_283, %broadcast_in_dim3A_6 : vector<16xi32>
        %add3A_313 = arith.addi %get3A_289, %broadcast_in_dim3A_6 : vector<16xi32>
        %gather3A_314 = tpu.vector_load_idx %arg5[%add3A_312] : memref<40960xi32, #tpu.memory_space<vmem>>[vector<16xi32>], vector<16xi32>,
        %bitcast3A_315 = vector.bitcast %gather3A_314 : vector<16xi32> to vector<32xbf16>
        %gather3A_316 = tpu.vector_load_idx %arg5[%add3A_313] : memref<40960xi32, #tpu.memory_space<vmem>>[vector<16xi32>], vector<16xi32>,
        %bitcast3A_317 = vector.bitcast %gather3A_316 : vector<16xi32> to vector<32xbf16>
        %sub3A_318 = arith.subf %bitcast3A_315, %bitcast3A_317 : vector<32xbf16>
        %max3A_319 = arith.maximumf %max3A_277, %sub3A_318 : vector<32xbf16>
        %get3A_320 = arith.constant 0 : i32
        %get3A_321 = arith.constant 5 : i32
        %get3A_322 = arith.index_cast %get3A_320 : i32 to index
        %get3A_323 = arith.index_cast %get3A_321 : i32 to index
        %get3A_324 = arith.index_cast %mul3A_118 : i32 to index
        %get3A_325 = tpu.vector_load %arg6[%get3A_322, %get3A_323, %get3A_324] {strides = array<i32>} : memref<2x32x128xi32, #tpu.memory_space<vmem>>, vector<16xi32>,
        %get3A_326 = arith.constant 1 : i32
        %get3A_327 = arith.constant 5 : i32
        %get3A_328 = arith.index_cast %get3A_326 : i32 to index
        %get3A_329 = arith.index_cast %get3A_327 : i32 to index
        %get3A_330 = arith.index_cast %mul3A_118 : i32 to index
        %get3A_331 = tpu.vector_load %arg6[%get3A_328, %get3A_329, %get3A_330] {strides = array<i32>} : memref<2x32x128xi32, #tpu.memory_space<vmem>>, vector<16xi32>,
        %gather3A_332 = tpu.vector_load_idx %arg5[%get3A_325] : memref<40960xi32, #tpu.memory_space<vmem>>[vector<16xi32>], vector<16xi32>,
        %bitcast3A_333 = vector.bitcast %gather3A_332 : vector<16xi32> to vector<32xbf16>
        %gather3A_334 = tpu.vector_load_idx %arg5[%get3A_331] : memref<40960xi32, #tpu.memory_space<vmem>>[vector<16xi32>], vector<16xi32>,
        %bitcast3A_335 = vector.bitcast %gather3A_334 : vector<16xi32> to vector<32xbf16>
        %sub3A_336 = arith.subf %bitcast3A_333, %bitcast3A_335 : vector<32xbf16>
        %max3A_337 = arith.maximumf %max3A_295, %sub3A_336 : vector<32xbf16>
        %add3A_338 = arith.addi %get3A_325, %broadcast_in_dim3A_2 : vector<16xi32>
        %add3A_339 = arith.addi %get3A_331, %broadcast_in_dim3A_2 : vector<16xi32>
        %gather3A_340 = tpu.vector_load_idx %arg5[%add3A_338] : memref<40960xi32, #tpu.memory_space<vmem>>[vector<16xi32>], vector<16xi32>,
        %bitcast3A_341 = vector.bitcast %gather3A_340 : vector<16xi32> to vector<32xbf16>
        %gather3A_342 = tpu.vector_load_idx %arg5[%add3A_339] : memref<40960xi32, #tpu.memory_space<vmem>>[vector<16xi32>], vector<16xi32>,
        %bitcast3A_343 = vector.bitcast %gather3A_342 : vector<16xi32> to vector<32xbf16>
        %sub3A_344 = arith.subf %bitcast3A_341, %bitcast3A_343 : vector<32xbf16>
        %max3A_345 = arith.maximumf %max3A_303, %sub3A_344 : vector<32xbf16>
        %add3A_346 = arith.addi %get3A_325, %broadcast_in_dim3A_4 : vector<16xi32>
        %add3A_347 = arith.addi %get3A_331, %broadcast_in_dim3A_4 : vector<16xi32>
        %gather3A_348 = tpu.vector_load_idx %arg5[%add3A_346] : memref<40960xi32, #tpu.memory_space<vmem>>[vector<16xi32>], vector<16xi32>,
        %bitcast3A_349 = vector.bitcast %gather3A_348 : vector<16xi32> to vector<32xbf16>
        %gather3A_350 = tpu.vector_load_idx %arg5[%add3A_347] : memref<40960xi32, #tpu.memory_space<vmem>>[vector<16xi32>], vector<16xi32>,
        %bitcast3A_351 = vector.bitcast %gather3A_350 : vector<16xi32> to vector<32xbf16>
        %sub3A_352 = arith.subf %bitcast3A_349, %bitcast3A_351 : vector<32xbf16>
        %max3A_353 = arith.maximumf %max3A_311, %sub3A_352 : vector<32xbf16>
        %add3A_354 = arith.addi %get3A_325, %broadcast_in_dim3A_6 : vector<16xi32>
        %add3A_355 = arith.addi %get3A_331, %broadcast_in_dim3A_6 : vector<16xi32>
        %gather3A_356 = tpu.vector_load_idx %arg5[%add3A_354] : memref<40960xi32, #tpu.memory_space<vmem>>[vector<16xi32>], vector<16xi32>,
        %bitcast3A_357 = vector.bitcast %gather3A_356 : vector<16xi32> to vector<32xbf16>
        %gather3A_358 = tpu.vector_load_idx %arg5[%add3A_355] : memref<40960xi32, #tpu.memory_space<vmem>>[vector<16xi32>], vector<16xi32>,
        %bitcast3A_359 = vector.bitcast %gather3A_358 : vector<16xi32> to vector<32xbf16>
        %sub3A_360 = arith.subf %bitcast3A_357, %bitcast3A_359 : vector<32xbf16>
        %max3A_361 = arith.maximumf %max3A_319, %sub3A_360 : vector<32xbf16>
        %get3A_362 = arith.constant 0 : i32
        %get3A_363 = arith.constant 6 : i32
        %get3A_364 = arith.index_cast %get3A_362 : i32 to index
        %get3A_365 = arith.index_cast %get3A_363 : i32 to index
        %get3A_366 = arith.index_cast %mul3A_118 : i32 to index
        %get3A_367 = tpu.vector_load %arg6[%get3A_364, %get3A_365, %get3A_366] {strides = array<i32>} : memref<2x32x128xi32, #tpu.memory_space<vmem>>, vector<16xi32>,
        %get3A_368 = arith.constant 1 : i32
        %get3A_369 = arith.constant 6 : i32
        %get3A_370 = arith.index_cast %get3A_368 : i32 to index
        %get3A_371 = arith.index_cast %get3A_369 : i32 to index
        %get3A_372 = arith.index_cast %mul3A_118 : i32 to index
        %get3A_373 = tpu.vector_load %arg6[%get3A_370, %get3A_371, %get3A_372] {strides = array<i32>} : memref<2x32x128xi32, #tpu.memory_space<vmem>>, vector<16xi32>,
        %gather3A_374 = tpu.vector_load_idx %arg5[%get3A_367] : memref<40960xi32, #tpu.memory_space<vmem>>[vector<16xi32>], vector<16xi32>,
        %bitcast3A_375 = vector.bitcast %gather3A_374 : vector<16xi32> to vector<32xbf16>
        %gather3A_376 = tpu.vector_load_idx %arg5[%get3A_373] : memref<40960xi32, #tpu.memory_space<vmem>>[vector<16xi32>], vector<16xi32>,
        %bitcast3A_377 = vector.bitcast %gather3A_376 : vector<16xi32> to vector<32xbf16>
        %sub3A_378 = arith.subf %bitcast3A_375, %bitcast3A_377 : vector<32xbf16>
        %max3A_379 = arith.maximumf %max3A_337, %sub3A_378 : vector<32xbf16>
        %add3A_380 = arith.addi %get3A_367, %broadcast_in_dim3A_2 : vector<16xi32>
        %add3A_381 = arith.addi %get3A_373, %broadcast_in_dim3A_2 : vector<16xi32>
        %gather3A_382 = tpu.vector_load_idx %arg5[%add3A_380] : memref<40960xi32, #tpu.memory_space<vmem>>[vector<16xi32>], vector<16xi32>,
        %bitcast3A_383 = vector.bitcast %gather3A_382 : vector<16xi32> to vector<32xbf16>
        %gather3A_384 = tpu.vector_load_idx %arg5[%add3A_381] : memref<40960xi32, #tpu.memory_space<vmem>>[vector<16xi32>], vector<16xi32>,
        %bitcast3A_385 = vector.bitcast %gather3A_384 : vector<16xi32> to vector<32xbf16>
        %sub3A_386 = arith.subf %bitcast3A_383, %bitcast3A_385 : vector<32xbf16>
        %max3A_387 = arith.maximumf %max3A_345, %sub3A_386 : vector<32xbf16>
        %add3A_388 = arith.addi %get3A_367, %broadcast_in_dim3A_4 : vector<16xi32>
        %add3A_389 = arith.addi %get3A_373, %broadcast_in_dim3A_4 : vector<16xi32>
        %gather3A_390 = tpu.vector_load_idx %arg5[%add3A_388] : memref<40960xi32, #tpu.memory_space<vmem>>[vector<16xi32>], vector<16xi32>,
        %bitcast3A_391 = vector.bitcast %gather3A_390 : vector<16xi32> to vector<32xbf16>
        %gather3A_392 = tpu.vector_load_idx %arg5[%add3A_389] : memref<40960xi32, #tpu.memory_space<vmem>>[vector<16xi32>], vector<16xi32>,
        %bitcast3A_393 = vector.bitcast %gather3A_392 : vector<16xi32> to vector<32xbf16>
        %sub3A_394 = arith.subf %bitcast3A_391, %bitcast3A_393 : vector<32xbf16>
        %max3A_395 = arith.maximumf %max3A_353, %sub3A_394 : vector<32xbf16>
        %add3A_396 = arith.addi %get3A_367, %broadcast_in_dim3A_6 : vector<16xi32>
        %add3A_397 = arith.addi %get3A_373, %broadcast_in_dim3A_6 : vector<16xi32>
        %gather3A_398 = tpu.vector_load_idx %arg5[%add3A_396] : memref<40960xi32, #tpu.memory_space<vmem>>[vector<16xi32>], vector<16xi32>,
        %bitcast3A_399 = vector.bitcast %gather3A_398 : vector<16xi32> to vector<32xbf16>
        %gather3A_400 = tpu.vector_load_idx %arg5[%add3A_397] : memref<40960xi32, #tpu.memory_space<vmem>>[vector<16xi32>], vector<16xi32>,
        %bitcast3A_401 = vector.bitcast %gather3A_400 : vector<16xi32> to vector<32xbf16>
        %sub3A_402 = arith.subf %bitcast3A_399, %bitcast3A_401 : vector<32xbf16>
        %max3A_403 = arith.maximumf %max3A_361, %sub3A_402 : vector<32xbf16>
        %get3A_404 = arith.constant 0 : i32
        %get3A_405 = arith.constant 7 : i32
        %get3A_406 = arith.index_cast %get3A_404 : i32 to index
        %get3A_407 = arith.index_cast %get3A_405 : i32 to index
        %get3A_408 = arith.index_cast %mul3A_118 : i32 to index
        %get3A_409 = tpu.vector_load %arg6[%get3A_406, %get3A_407, %get3A_408] {strides = array<i32>} : memref<2x32x128xi32, #tpu.memory_space<vmem>>, vector<16xi32>,
        %get3A_410 = arith.constant 1 : i32
        %get3A_411 = arith.constant 7 : i32
        %get3A_412 = arith.index_cast %get3A_410 : i32 to index
        %get3A_413 = arith.index_cast %get3A_411 : i32 to index
        %get3A_414 = arith.index_cast %mul3A_118 : i32 to index
        %get3A_415 = tpu.vector_load %arg6[%get3A_412, %get3A_413, %get3A_414] {strides = array<i32>} : memref<2x32x128xi32, #tpu.memory_space<vmem>>, vector<16xi32>,
        %gather3A_416 = tpu.vector_load_idx %arg5[%get3A_409] : memref<40960xi32, #tpu.memory_space<vmem>>[vector<16xi32>], vector<16xi32>,
        %bitcast3A_417 = vector.bitcast %gather3A_416 : vector<16xi32> to vector<32xbf16>
        %gather3A_418 = tpu.vector_load_idx %arg5[%get3A_415] : memref<40960xi32, #tpu.memory_space<vmem>>[vector<16xi32>], vector<16xi32>,
        %bitcast3A_419 = vector.bitcast %gather3A_418 : vector<16xi32> to vector<32xbf16>
        %sub3A_420 = arith.subf %bitcast3A_417, %bitcast3A_419 : vector<32xbf16>
        %max3A_421 = arith.maximumf %max3A_379, %sub3A_420 : vector<32xbf16>
        %add3A_422 = arith.addi %get3A_409, %broadcast_in_dim3A_2 : vector<16xi32>
        %add3A_423 = arith.addi %get3A_415, %broadcast_in_dim3A_2 : vector<16xi32>
        %gather3A_424 = tpu.vector_load_idx %arg5[%add3A_422] : memref<40960xi32, #tpu.memory_space<vmem>>[vector<16xi32>], vector<16xi32>,
        %bitcast3A_425 = vector.bitcast %gather3A_424 : vector<16xi32> to vector<32xbf16>
        %gather3A_426 = tpu.vector_load_idx %arg5[%add3A_423] : memref<40960xi32, #tpu.memory_space<vmem>>[vector<16xi32>], vector<16xi32>,
        %bitcast3A_427 = vector.bitcast %gather3A_426 : vector<16xi32> to vector<32xbf16>
        %sub3A_428 = arith.subf %bitcast3A_425, %bitcast3A_427 : vector<32xbf16>
        %max3A_429 = arith.maximumf %max3A_387, %sub3A_428 : vector<32xbf16>
        %add3A_430 = arith.addi %get3A_409, %broadcast_in_dim3A_4 : vector<16xi32>
        %add3A_431 = arith.addi %get3A_415, %broadcast_in_dim3A_4 : vector<16xi32>
        %gather3A_432 = tpu.vector_load_idx %arg5[%add3A_430] : memref<40960xi32, #tpu.memory_space<vmem>>[vector<16xi32>], vector<16xi32>,
        %bitcast3A_433 = vector.bitcast %gather3A_432 : vector<16xi32> to vector<32xbf16>
        %gather3A_434 = tpu.vector_load_idx %arg5[%add3A_431] : memref<40960xi32, #tpu.memory_space<vmem>>[vector<16xi32>], vector<16xi32>,
        %bitcast3A_435 = vector.bitcast %gather3A_434 : vector<16xi32> to vector<32xbf16>
        %sub3A_436 = arith.subf %bitcast3A_433, %bitcast3A_435 : vector<32xbf16>
        %max3A_437 = arith.maximumf %max3A_395, %sub3A_436 : vector<32xbf16>
        %add3A_438 = arith.addi %get3A_409, %broadcast_in_dim3A_6 : vector<16xi32>
        %add3A_439 = arith.addi %get3A_415, %broadcast_in_dim3A_6 : vector<16xi32>
        %gather3A_440 = tpu.vector_load_idx %arg5[%add3A_438] : memref<40960xi32, #tpu.memory_space<vmem>>[vector<16xi32>], vector<16xi32>,
        %bitcast3A_441 = vector.bitcast %gather3A_440 : vector<16xi32> to vector<32xbf16>
        %gather3A_442 = tpu.vector_load_idx %arg5[%add3A_439] : memref<40960xi32, #tpu.memory_space<vmem>>[vector<16xi32>], vector<16xi32>,
        %bitcast3A_443 = vector.bitcast %gather3A_442 : vector<16xi32> to vector<32xbf16>
        %sub3A_444 = arith.subf %bitcast3A_441, %bitcast3A_443 : vector<32xbf16>
        %max3A_445 = arith.maximumf %max3A_403, %sub3A_444 : vector<32xbf16>
        %get3A_446 = arith.constant 0 : i32
        %get3A_447 = arith.constant 8 : i32
        %get3A_448 = arith.index_cast %get3A_446 : i32 to index
        %get3A_449 = arith.index_cast %get3A_447 : i32 to index
        %get3A_450 = arith.index_cast %mul3A_118 : i32 to index
        %get3A_451 = tpu.vector_load %arg6[%get3A_448, %get3A_449, %get3A_450] {strides = array<i32>} : memref<2x32x128xi32, #tpu.memory_space<vmem>>, vector<16xi32>,
        %get3A_452 = arith.constant 1 : i32
        %get3A_453 = arith.constant 8 : i32
        %get3A_454 = arith.index_cast %get3A_452 : i32 to index
        %get3A_455 = arith.index_cast %get3A_453 : i32 to index
        %get3A_456 = arith.index_cast %mul3A_118 : i32 to index
        %get3A_457 = tpu.vector_load %arg6[%get3A_454, %get3A_455, %get3A_456] {strides = array<i32>} : memref<2x32x128xi32, #tpu.memory_space<vmem>>, vector<16xi32>,
        %gather3A_458 = tpu.vector_load_idx %arg5[%get3A_451] : memref<40960xi32, #tpu.memory_space<vmem>>[vector<16xi32>], vector<16xi32>,
        %bitcast3A_459 = vector.bitcast %gather3A_458 : vector<16xi32> to vector<32xbf16>
        %gather3A_460 = tpu.vector_load_idx %arg5[%get3A_457] : memref<40960xi32, #tpu.memory_space<vmem>>[vector<16xi32>], vector<16xi32>,
        %bitcast3A_461 = vector.bitcast %gather3A_460 : vector<16xi32> to vector<32xbf16>
        %sub3A_462 = arith.subf %bitcast3A_459, %bitcast3A_461 : vector<32xbf16>
        %max3A_463 = arith.maximumf %max3A_421, %sub3A_462 : vector<32xbf16>
        %add3A_464 = arith.addi %get3A_451, %broadcast_in_dim3A_2 : vector<16xi32>
        %add3A_465 = arith.addi %get3A_457, %broadcast_in_dim3A_2 : vector<16xi32>
        %gather3A_466 = tpu.vector_load_idx %arg5[%add3A_464] : memref<40960xi32, #tpu.memory_space<vmem>>[vector<16xi32>], vector<16xi32>,
        %bitcast3A_467 = vector.bitcast %gather3A_466 : vector<16xi32> to vector<32xbf16>
        %gather3A_468 = tpu.vector_load_idx %arg5[%add3A_465] : memref<40960xi32, #tpu.memory_space<vmem>>[vector<16xi32>], vector<16xi32>,
        %bitcast3A_469 = vector.bitcast %gather3A_468 : vector<16xi32> to vector<32xbf16>
        %sub3A_470 = arith.subf %bitcast3A_467, %bitcast3A_469 : vector<32xbf16>
        %max3A_471 = arith.maximumf %max3A_429, %sub3A_470 : vector<32xbf16>
        %add3A_472 = arith.addi %get3A_451, %broadcast_in_dim3A_4 : vector<16xi32>
        %add3A_473 = arith.addi %get3A_457, %broadcast_in_dim3A_4 : vector<16xi32>
        %gather3A_474 = tpu.vector_load_idx %arg5[%add3A_472] : memref<40960xi32, #tpu.memory_space<vmem>>[vector<16xi32>], vector<16xi32>,
        %bitcast3A_475 = vector.bitcast %gather3A_474 : vector<16xi32> to vector<32xbf16>
        %gather3A_476 = tpu.vector_load_idx %arg5[%add3A_473] : memref<40960xi32, #tpu.memory_space<vmem>>[vector<16xi32>], vector<16xi32>,
        %bitcast3A_477 = vector.bitcast %gather3A_476 : vector<16xi32> to vector<32xbf16>
        %sub3A_478 = arith.subf %bitcast3A_475, %bitcast3A_477 : vector<32xbf16>
        %max3A_479 = arith.maximumf %max3A_437, %sub3A_478 : vector<32xbf16>
        %add3A_480 = arith.addi %get3A_451, %broadcast_in_dim3A_6 : vector<16xi32>
        %add3A_481 = arith.addi %get3A_457, %broadcast_in_dim3A_6 : vector<16xi32>
        %gather3A_482 = tpu.vector_load_idx %arg5[%add3A_480] : memref<40960xi32, #tpu.memory_space<vmem>>[vector<16xi32>], vector<16xi32>,
        %bitcast3A_483 = vector.bitcast %gather3A_482 : vector<16xi32> to vector<32xbf16>
        %gather3A_484 = tpu.vector_load_idx %arg5[%add3A_481] : memref<40960xi32, #tpu.memory_space<vmem>>[vector<16xi32>], vector<16xi32>,
        %bitcast3A_485 = vector.bitcast %gather3A_484 : vector<16xi32> to vector<32xbf16>
        %sub3A_486 = arith.subf %bitcast3A_483, %bitcast3A_485 : vector<32xbf16>
        %max3A_487 = arith.maximumf %max3A_445, %sub3A_486 : vector<32xbf16>
        %get3A_488 = arith.constant 0 : i32
        %get3A_489 = arith.constant 9 : i32
        %get3A_490 = arith.index_cast %get3A_488 : i32 to index
        %get3A_491 = arith.index_cast %get3A_489 : i32 to index
        %get3A_492 = arith.index_cast %mul3A_118 : i32 to index
        %get3A_493 = tpu.vector_load %arg6[%get3A_490, %get3A_491, %get3A_492] {strides = array<i32>} : memref<2x32x128xi32, #tpu.memory_space<vmem>>, vector<16xi32>,
        %get3A_494 = arith.constant 1 : i32
        %get3A_495 = arith.constant 9 : i32
        %get3A_496 = arith.index_cast %get3A_494 : i32 to index
        %get3A_497 = arith.index_cast %get3A_495 : i32 to index
        %get3A_498 = arith.index_cast %mul3A_118 : i32 to index
        %get3A_499 = tpu.vector_load %arg6[%get3A_496, %get3A_497, %get3A_498] {strides = array<i32>} : memref<2x32x128xi32, #tpu.memory_space<vmem>>, vector<16xi32>,
        %gather3A_500 = tpu.vector_load_idx %arg5[%get3A_493] : memref<40960xi32, #tpu.memory_space<vmem>>[vector<16xi32>], vector<16xi32>,
        %bitcast3A_501 = vector.bitcast %gather3A_500 : vector<16xi32> to vector<32xbf16>
        %gather3A_502 = tpu.vector_load_idx %arg5[%get3A_499] : memref<40960xi32, #tpu.memory_space<vmem>>[vector<16xi32>], vector<16xi32>,
        %bitcast3A_503 = vector.bitcast %gather3A_502 : vector<16xi32> to vector<32xbf16>
        %sub3A_504 = arith.subf %bitcast3A_501, %bitcast3A_503 : vector<32xbf16>
        %max3A_505 = arith.maximumf %max3A_463, %sub3A_504 : vector<32xbf16>
        %add3A_506 = arith.addi %get3A_493, %broadcast_in_dim3A_2 : vector<16xi32>
        %add3A_507 = arith.addi %get3A_499, %broadcast_in_dim3A_2 : vector<16xi32>
        %gather3A_508 = tpu.vector_load_idx %arg5[%add3A_506] : memref<40960xi32, #tpu.memory_space<vmem>>[vector<16xi32>], vector<16xi32>,
        %bitcast3A_509 = vector.bitcast %gather3A_508 : vector<16xi32> to vector<32xbf16>
        %gather3A_510 = tpu.vector_load_idx %arg5[%add3A_507] : memref<40960xi32, #tpu.memory_space<vmem>>[vector<16xi32>], vector<16xi32>,
        %bitcast3A_511 = vector.bitcast %gather3A_510 : vector<16xi32> to vector<32xbf16>
        %sub3A_512 = arith.subf %bitcast3A_509, %bitcast3A_511 : vector<32xbf16>
        %max3A_513 = arith.maximumf %max3A_471, %sub3A_512 : vector<32xbf16>
        %add3A_514 = arith.addi %get3A_493, %broadcast_in_dim3A_4 : vector<16xi32>
        %add3A_515 = arith.addi %get3A_499, %broadcast_in_dim3A_4 : vector<16xi32>
        %gather3A_516 = tpu.vector_load_idx %arg5[%add3A_514] : memref<40960xi32, #tpu.memory_space<vmem>>[vector<16xi32>], vector<16xi32>,
        %bitcast3A_517 = vector.bitcast %gather3A_516 : vector<16xi32> to vector<32xbf16>
        %gather3A_518 = tpu.vector_load_idx %arg5[%add3A_515] : memref<40960xi32, #tpu.memory_space<vmem>>[vector<16xi32>], vector<16xi32>,
        %bitcast3A_519 = vector.bitcast %gather3A_518 : vector<16xi32> to vector<32xbf16>
        %sub3A_520 = arith.subf %bitcast3A_517, %bitcast3A_519 : vector<32xbf16>
        %max3A_521 = arith.maximumf %max3A_479, %sub3A_520 : vector<32xbf16>
        %add3A_522 = arith.addi %get3A_493, %broadcast_in_dim3A_6 : vector<16xi32>
        %add3A_523 = arith.addi %get3A_499, %broadcast_in_dim3A_6 : vector<16xi32>
        %gather3A_524 = tpu.vector_load_idx %arg5[%add3A_522] : memref<40960xi32, #tpu.memory_space<vmem>>[vector<16xi32>], vector<16xi32>,
        %bitcast3A_525 = vector.bitcast %gather3A_524 : vector<16xi32> to vector<32xbf16>
        %gather3A_526 = tpu.vector_load_idx %arg5[%add3A_523] : memref<40960xi32, #tpu.memory_space<vmem>>[vector<16xi32>], vector<16xi32>,
        %bitcast3A_527 = vector.bitcast %gather3A_526 : vector<16xi32> to vector<32xbf16>
        %sub3A_528 = arith.subf %bitcast3A_525, %bitcast3A_527 : vector<32xbf16>
        %max3A_529 = arith.maximumf %max3A_487, %sub3A_528 : vector<32xbf16>
        %get3A_530 = arith.constant 0 : i32
        %get3A_531 = arith.constant 10 : i32
        %get3A_532 = arith.index_cast %get3A_530 : i32 to index
        %get3A_533 = arith.index_cast %get3A_531 : i32 to index
        %get3A_534 = arith.index_cast %mul3A_118 : i32 to index
        %get3A_535 = tpu.vector_load %arg6[%get3A_532, %get3A_533, %get3A_534] {strides = array<i32>} : memref<2x32x128xi32, #tpu.memory_space<vmem>>, vector<16xi32>,
        %get3A_536 = arith.constant 1 : i32
        %get3A_537 = arith.constant 10 : i32
        %get3A_538 = arith.index_cast %get3A_536 : i32 to index
        %get3A_539 = arith.index_cast %get3A_537 : i32 to index
        %get3A_540 = arith.index_cast %mul3A_118 : i32 to index
        %get3A_541 = tpu.vector_load %arg6[%get3A_538, %get3A_539, %get3A_540] {strides = array<i32>} : memref<2x32x128xi32, #tpu.memory_space<vmem>>, vector<16xi32>,
        %gather3A_542 = tpu.vector_load_idx %arg5[%get3A_535] : memref<40960xi32, #tpu.memory_space<vmem>>[vector<16xi32>], vector<16xi32>,
        %bitcast3A_543 = vector.bitcast %gather3A_542 : vector<16xi32> to vector<32xbf16>
        %gather3A_544 = tpu.vector_load_idx %arg5[%get3A_541] : memref<40960xi32, #tpu.memory_space<vmem>>[vector<16xi32>], vector<16xi32>,
        %bitcast3A_545 = vector.bitcast %gather3A_544 : vector<16xi32> to vector<32xbf16>
        %sub3A_546 = arith.subf %bitcast3A_543, %bitcast3A_545 : vector<32xbf16>
        %max3A_547 = arith.maximumf %max3A_505, %sub3A_546 : vector<32xbf16>
        %add3A_548 = arith.addi %get3A_535, %broadcast_in_dim3A_2 : vector<16xi32>
        %add3A_549 = arith.addi %get3A_541, %broadcast_in_dim3A_2 : vector<16xi32>
        %gather3A_550 = tpu.vector_load_idx %arg5[%add3A_548] : memref<40960xi32, #tpu.memory_space<vmem>>[vector<16xi32>], vector<16xi32>,
        %bitcast3A_551 = vector.bitcast %gather3A_550 : vector<16xi32> to vector<32xbf16>
        %gather3A_552 = tpu.vector_load_idx %arg5[%add3A_549] : memref<40960xi32, #tpu.memory_space<vmem>>[vector<16xi32>], vector<16xi32>,
        %bitcast3A_553 = vector.bitcast %gather3A_552 : vector<16xi32> to vector<32xbf16>
        %sub3A_554 = arith.subf %bitcast3A_551, %bitcast3A_553 : vector<32xbf16>
        %max3A_555 = arith.maximumf %max3A_513, %sub3A_554 : vector<32xbf16>
        %add3A_556 = arith.addi %get3A_535, %broadcast_in_dim3A_4 : vector<16xi32>
        %add3A_557 = arith.addi %get3A_541, %broadcast_in_dim3A_4 : vector<16xi32>
        %gather3A_558 = tpu.vector_load_idx %arg5[%add3A_556] : memref<40960xi32, #tpu.memory_space<vmem>>[vector<16xi32>], vector<16xi32>,
        %bitcast3A_559 = vector.bitcast %gather3A_558 : vector<16xi32> to vector<32xbf16>
        %gather3A_560 = tpu.vector_load_idx %arg5[%add3A_557] : memref<40960xi32, #tpu.memory_space<vmem>>[vector<16xi32>], vector<16xi32>,
        %bitcast3A_561 = vector.bitcast %gather3A_560 : vector<16xi32> to vector<32xbf16>
        %sub3A_562 = arith.subf %bitcast3A_559, %bitcast3A_561 : vector<32xbf16>
        %max3A_563 = arith.maximumf %max3A_521, %sub3A_562 : vector<32xbf16>
        %add3A_564 = arith.addi %get3A_535, %broadcast_in_dim3A_6 : vector<16xi32>
        %add3A_565 = arith.addi %get3A_541, %broadcast_in_dim3A_6 : vector<16xi32>
        %gather3A_566 = tpu.vector_load_idx %arg5[%add3A_564] : memref<40960xi32, #tpu.memory_space<vmem>>[vector<16xi32>], vector<16xi32>,
        %bitcast3A_567 = vector.bitcast %gather3A_566 : vector<16xi32> to vector<32xbf16>
        %gather3A_568 = tpu.vector_load_idx %arg5[%add3A_565] : memref<40960xi32, #tpu.memory_space<vmem>>[vector<16xi32>], vector<16xi32>,
        %bitcast3A_569 = vector.bitcast %gather3A_568 : vector<16xi32> to vector<32xbf16>
        %sub3A_570 = arith.subf %bitcast3A_567, %bitcast3A_569 : vector<32xbf16>
        %max3A_571 = arith.maximumf %max3A_529, %sub3A_570 : vector<32xbf16>
        %get3A_572 = arith.constant 0 : i32
        %get3A_573 = arith.constant 11 : i32
        %get3A_574 = arith.index_cast %get3A_572 : i32 to index
        %get3A_575 = arith.index_cast %get3A_573 : i32 to index
        %get3A_576 = arith.index_cast %mul3A_118 : i32 to index
        %get3A_577 = tpu.vector_load %arg6[%get3A_574, %get3A_575, %get3A_576] {strides = array<i32>} : memref<2x32x128xi32, #tpu.memory_space<vmem>>, vector<16xi32>,
        %get3A_578 = arith.constant 1 : i32
        %get3A_579 = arith.constant 11 : i32
        %get3A_580 = arith.index_cast %get3A_578 : i32 to index
        %get3A_581 = arith.index_cast %get3A_579 : i32 to index
        %get3A_582 = arith.index_cast %mul3A_118 : i32 to index
        %get3A_583 = tpu.vector_load %arg6[%get3A_580, %get3A_581, %get3A_582] {strides = array<i32>} : memref<2x32x128xi32, #tpu.memory_space<vmem>>, vector<16xi32>,
        %gather3A_584 = tpu.vector_load_idx %arg5[%get3A_577] : memref<40960xi32, #tpu.memory_space<vmem>>[vector<16xi32>], vector<16xi32>,
        %bitcast3A_585 = vector.bitcast %gather3A_584 : vector<16xi32> to vector<32xbf16>
        %gather3A_586 = tpu.vector_load_idx %arg5[%get3A_583] : memref<40960xi32, #tpu.memory_space<vmem>>[vector<16xi32>], vector<16xi32>,
        %bitcast3A_587 = vector.bitcast %gather3A_586 : vector<16xi32> to vector<32xbf16>
        %sub3A_588 = arith.subf %bitcast3A_585, %bitcast3A_587 : vector<32xbf16>
        %max3A_589 = arith.maximumf %max3A_547, %sub3A_588 : vector<32xbf16>
        %add3A_590 = arith.addi %get3A_577, %broadcast_in_dim3A_2 : vector<16xi32>
        %add3A_591 = arith.addi %get3A_583, %broadcast_in_dim3A_2 : vector<16xi32>
        %gather3A_592 = tpu.vector_load_idx %arg5[%add3A_590] : memref<40960xi32, #tpu.memory_space<vmem>>[vector<16xi32>], vector<16xi32>,
        %bitcast3A_593 = vector.bitcast %gather3A_592 : vector<16xi32> to vector<32xbf16>
        %gather3A_594 = tpu.vector_load_idx %arg5[%add3A_591] : memref<40960xi32, #tpu.memory_space<vmem>>[vector<16xi32>], vector<16xi32>,
        %bitcast3A_595 = vector.bitcast %gather3A_594 : vector<16xi32> to vector<32xbf16>
        %sub3A_596 = arith.subf %bitcast3A_593, %bitcast3A_595 : vector<32xbf16>
        %max3A_597 = arith.maximumf %max3A_555, %sub3A_596 : vector<32xbf16>
        %add3A_598 = arith.addi %get3A_577, %broadcast_in_dim3A_4 : vector<16xi32>
        %add3A_599 = arith.addi %get3A_583, %broadcast_in_dim3A_4 : vector<16xi32>
        %gather3A_600 = tpu.vector_load_idx %arg5[%add3A_598] : memref<40960xi32, #tpu.memory_space<vmem>>[vector<16xi32>], vector<16xi32>,
        %bitcast3A_601 = vector.bitcast %gather3A_600 : vector<16xi32> to vector<32xbf16>
        %gather3A_602 = tpu.vector_load_idx %arg5[%add3A_599] : memref<40960xi32, #tpu.memory_space<vmem>>[vector<16xi32>], vector<16xi32>,
        %bitcast3A_603 = vector.bitcast %gather3A_602 : vector<16xi32> to vector<32xbf16>
        %sub3A_604 = arith.subf %bitcast3A_601, %bitcast3A_603 : vector<32xbf16>
        %max3A_605 = arith.maximumf %max3A_563, %sub3A_604 : vector<32xbf16>
        %add3A_606 = arith.addi %get3A_577, %broadcast_in_dim3A_6 : vector<16xi32>
        %add3A_607 = arith.addi %get3A_583, %broadcast_in_dim3A_6 : vector<16xi32>
        %gather3A_608 = tpu.vector_load_idx %arg5[%add3A_606] : memref<40960xi32, #tpu.memory_space<vmem>>[vector<16xi32>], vector<16xi32>,
        %bitcast3A_609 = vector.bitcast %gather3A_608 : vector<16xi32> to vector<32xbf16>
        %gather3A_610 = tpu.vector_load_idx %arg5[%add3A_607] : memref<40960xi32, #tpu.memory_space<vmem>>[vector<16xi32>], vector<16xi32>,
        %bitcast3A_611 = vector.bitcast %gather3A_610 : vector<16xi32> to vector<32xbf16>
        %sub3A_612 = arith.subf %bitcast3A_609, %bitcast3A_611 : vector<32xbf16>
        %max3A_613 = arith.maximumf %max3A_571, %sub3A_612 : vector<32xbf16>
        %get3A_614 = arith.constant 0 : i32
        %get3A_615 = arith.constant 12 : i32
        %get3A_616 = arith.index_cast %get3A_614 : i32 to index
        %get3A_617 = arith.index_cast %get3A_615 : i32 to index
        %get3A_618 = arith.index_cast %mul3A_118 : i32 to index
        %get3A_619 = tpu.vector_load %arg6[%get3A_616, %get3A_617, %get3A_618] {strides = array<i32>} : memref<2x32x128xi32, #tpu.memory_space<vmem>>, vector<16xi32>,
        %get3A_620 = arith.constant 1 : i32
        %get3A_621 = arith.constant 12 : i32
        %get3A_622 = arith.index_cast %get3A_620 : i32 to index
        %get3A_623 = arith.index_cast %get3A_621 : i32 to index
        %get3A_624 = arith.index_cast %mul3A_118 : i32 to index
        %get3A_625 = tpu.vector_load %arg6[%get3A_622, %get3A_623, %get3A_624] {strides = array<i32>} : memref<2x32x128xi32, #tpu.memory_space<vmem>>, vector<16xi32>,
        %gather3A_626 = tpu.vector_load_idx %arg5[%get3A_619] : memref<40960xi32, #tpu.memory_space<vmem>>[vector<16xi32>], vector<16xi32>,
        %bitcast3A_627 = vector.bitcast %gather3A_626 : vector<16xi32> to vector<32xbf16>
        %gather3A_628 = tpu.vector_load_idx %arg5[%get3A_625] : memref<40960xi32, #tpu.memory_space<vmem>>[vector<16xi32>], vector<16xi32>,
        %bitcast3A_629 = vector.bitcast %gather3A_628 : vector<16xi32> to vector<32xbf16>
        %sub3A_630 = arith.subf %bitcast3A_627, %bitcast3A_629 : vector<32xbf16>
        %max3A_631 = arith.maximumf %max3A_589, %sub3A_630 : vector<32xbf16>
        %add3A_632 = arith.addi %get3A_619, %broadcast_in_dim3A_2 : vector<16xi32>
        %add3A_633 = arith.addi %get3A_625, %broadcast_in_dim3A_2 : vector<16xi32>
        %gather3A_634 = tpu.vector_load_idx %arg5[%add3A_632] : memref<40960xi32, #tpu.memory_space<vmem>>[vector<16xi32>], vector<16xi32>,
        %bitcast3A_635 = vector.bitcast %gather3A_634 : vector<16xi32> to vector<32xbf16>
        %gather3A_636 = tpu.vector_load_idx %arg5[%add3A_633] : memref<40960xi32, #tpu.memory_space<vmem>>[vector<16xi32>], vector<16xi32>,
        %bitcast3A_637 = vector.bitcast %gather3A_636 : vector<16xi32> to vector<32xbf16>
        %sub3A_638 = arith.subf %bitcast3A_635, %bitcast3A_637 : vector<32xbf16>
        %max3A_639 = arith.maximumf %max3A_597, %sub3A_638 : vector<32xbf16>
        %add3A_640 = arith.addi %get3A_619, %broadcast_in_dim3A_4 : vector<16xi32>
        %add3A_641 = arith.addi %get3A_625, %broadcast_in_dim3A_4 : vector<16xi32>
        %gather3A_642 = tpu.vector_load_idx %arg5[%add3A_640] : memref<40960xi32, #tpu.memory_space<vmem>>[vector<16xi32>], vector<16xi32>,
        %bitcast3A_643 = vector.bitcast %gather3A_642 : vector<16xi32> to vector<32xbf16>
        %gather3A_644 = tpu.vector_load_idx %arg5[%add3A_641] : memref<40960xi32, #tpu.memory_space<vmem>>[vector<16xi32>], vector<16xi32>,
        %bitcast3A_645 = vector.bitcast %gather3A_644 : vector<16xi32> to vector<32xbf16>
        %sub3A_646 = arith.subf %bitcast3A_643, %bitcast3A_645 : vector<32xbf16>
        %max3A_647 = arith.maximumf %max3A_605, %sub3A_646 : vector<32xbf16>
        %add3A_648 = arith.addi %get3A_619, %broadcast_in_dim3A_6 : vector<16xi32>
        %add3A_649 = arith.addi %get3A_625, %broadcast_in_dim3A_6 : vector<16xi32>
        %gather3A_650 = tpu.vector_load_idx %arg5[%add3A_648] : memref<40960xi32, #tpu.memory_space<vmem>>[vector<16xi32>], vector<16xi32>,
        %bitcast3A_651 = vector.bitcast %gather3A_650 : vector<16xi32> to vector<32xbf16>
        %gather3A_652 = tpu.vector_load_idx %arg5[%add3A_649] : memref<40960xi32, #tpu.memory_space<vmem>>[vector<16xi32>], vector<16xi32>,
        %bitcast3A_653 = vector.bitcast %gather3A_652 : vector<16xi32> to vector<32xbf16>
        %sub3A_654 = arith.subf %bitcast3A_651, %bitcast3A_653 : vector<32xbf16>
        %max3A_655 = arith.maximumf %max3A_613, %sub3A_654 : vector<32xbf16>
        %get3A_656 = arith.constant 0 : i32
        %get3A_657 = arith.constant 13 : i32
        %get3A_658 = arith.index_cast %get3A_656 : i32 to index
        %get3A_659 = arith.index_cast %get3A_657 : i32 to index
        %get3A_660 = arith.index_cast %mul3A_118 : i32 to index
        %get3A_661 = tpu.vector_load %arg6[%get3A_658, %get3A_659, %get3A_660] {strides = array<i32>} : memref<2x32x128xi32, #tpu.memory_space<vmem>>, vector<16xi32>,
        %get3A_662 = arith.constant 1 : i32
        %get3A_663 = arith.constant 13 : i32
        %get3A_664 = arith.index_cast %get3A_662 : i32 to index
        %get3A_665 = arith.index_cast %get3A_663 : i32 to index
        %get3A_666 = arith.index_cast %mul3A_118 : i32 to index
        %get3A_667 = tpu.vector_load %arg6[%get3A_664, %get3A_665, %get3A_666] {strides = array<i32>} : memref<2x32x128xi32, #tpu.memory_space<vmem>>, vector<16xi32>,
        %gather3A_668 = tpu.vector_load_idx %arg5[%get3A_661] : memref<40960xi32, #tpu.memory_space<vmem>>[vector<16xi32>], vector<16xi32>,
        %bitcast3A_669 = vector.bitcast %gather3A_668 : vector<16xi32> to vector<32xbf16>
        %gather3A_670 = tpu.vector_load_idx %arg5[%get3A_667] : memref<40960xi32, #tpu.memory_space<vmem>>[vector<16xi32>], vector<16xi32>,
        %bitcast3A_671 = vector.bitcast %gather3A_670 : vector<16xi32> to vector<32xbf16>
        %sub3A_672 = arith.subf %bitcast3A_669, %bitcast3A_671 : vector<32xbf16>
        %max3A_673 = arith.maximumf %max3A_631, %sub3A_672 : vector<32xbf16>
        %add3A_674 = arith.addi %get3A_661, %broadcast_in_dim3A_2 : vector<16xi32>
        %add3A_675 = arith.addi %get3A_667, %broadcast_in_dim3A_2 : vector<16xi32>
        %gather3A_676 = tpu.vector_load_idx %arg5[%add3A_674] : memref<40960xi32, #tpu.memory_space<vmem>>[vector<16xi32>], vector<16xi32>,
        %bitcast3A_677 = vector.bitcast %gather3A_676 : vector<16xi32> to vector<32xbf16>
        %gather3A_678 = tpu.vector_load_idx %arg5[%add3A_675] : memref<40960xi32, #tpu.memory_space<vmem>>[vector<16xi32>], vector<16xi32>,
        %bitcast3A_679 = vector.bitcast %gather3A_678 : vector<16xi32> to vector<32xbf16>
        %sub3A_680 = arith.subf %bitcast3A_677, %bitcast3A_679 : vector<32xbf16>
        %max3A_681 = arith.maximumf %max3A_639, %sub3A_680 : vector<32xbf16>
        %add3A_682 = arith.addi %get3A_661, %broadcast_in_dim3A_4 : vector<16xi32>
        %add3A_683 = arith.addi %get3A_667, %broadcast_in_dim3A_4 : vector<16xi32>
        %gather3A_684 = tpu.vector_load_idx %arg5[%add3A_682] : memref<40960xi32, #tpu.memory_space<vmem>>[vector<16xi32>], vector<16xi32>,
        %bitcast3A_685 = vector.bitcast %gather3A_684 : vector<16xi32> to vector<32xbf16>
        %gather3A_686 = tpu.vector_load_idx %arg5[%add3A_683] : memref<40960xi32, #tpu.memory_space<vmem>>[vector<16xi32>], vector<16xi32>,
        %bitcast3A_687 = vector.bitcast %gather3A_686 : vector<16xi32> to vector<32xbf16>
        %sub3A_688 = arith.subf %bitcast3A_685, %bitcast3A_687 : vector<32xbf16>
        %max3A_689 = arith.maximumf %max3A_647, %sub3A_688 : vector<32xbf16>
        %add3A_690 = arith.addi %get3A_661, %broadcast_in_dim3A_6 : vector<16xi32>
        %add3A_691 = arith.addi %get3A_667, %broadcast_in_dim3A_6 : vector<16xi32>
        %gather3A_692 = tpu.vector_load_idx %arg5[%add3A_690] : memref<40960xi32, #tpu.memory_space<vmem>>[vector<16xi32>], vector<16xi32>,
        %bitcast3A_693 = vector.bitcast %gather3A_692 : vector<16xi32> to vector<32xbf16>
        %gather3A_694 = tpu.vector_load_idx %arg5[%add3A_691] : memref<40960xi32, #tpu.memory_space<vmem>>[vector<16xi32>], vector<16xi32>,
        %bitcast3A_695 = vector.bitcast %gather3A_694 : vector<16xi32> to vector<32xbf16>
        %sub3A_696 = arith.subf %bitcast3A_693, %bitcast3A_695 : vector<32xbf16>
        %max3A_697 = arith.maximumf %max3A_655, %sub3A_696 : vector<32xbf16>
        %get3A_698 = arith.constant 0 : i32
        %get3A_699 = arith.constant 14 : i32
        %get3A_700 = arith.index_cast %get3A_698 : i32 to index
        %get3A_701 = arith.index_cast %get3A_699 : i32 to index
        %get3A_702 = arith.index_cast %mul3A_118 : i32 to index
        %get3A_703 = tpu.vector_load %arg6[%get3A_700, %get3A_701, %get3A_702] {strides = array<i32>} : memref<2x32x128xi32, #tpu.memory_space<vmem>>, vector<16xi32>,
        %get3A_704 = arith.constant 1 : i32
        %get3A_705 = arith.constant 14 : i32
        %get3A_706 = arith.index_cast %get3A_704 : i32 to index
        %get3A_707 = arith.index_cast %get3A_705 : i32 to index
        %get3A_708 = arith.index_cast %mul3A_118 : i32 to index
        %get3A_709 = tpu.vector_load %arg6[%get3A_706, %get3A_707, %get3A_708] {strides = array<i32>} : memref<2x32x128xi32, #tpu.memory_space<vmem>>, vector<16xi32>,
        %gather3A_710 = tpu.vector_load_idx %arg5[%get3A_703] : memref<40960xi32, #tpu.memory_space<vmem>>[vector<16xi32>], vector<16xi32>,
        %bitcast3A_711 = vector.bitcast %gather3A_710 : vector<16xi32> to vector<32xbf16>
        %gather3A_712 = tpu.vector_load_idx %arg5[%get3A_709] : memref<40960xi32, #tpu.memory_space<vmem>>[vector<16xi32>], vector<16xi32>,
        %bitcast3A_713 = vector.bitcast %gather3A_712 : vector<16xi32> to vector<32xbf16>
        %sub3A_714 = arith.subf %bitcast3A_711, %bitcast3A_713 : vector<32xbf16>
        %max3A_715 = arith.maximumf %max3A_673, %sub3A_714 : vector<32xbf16>
        %add3A_716 = arith.addi %get3A_703, %broadcast_in_dim3A_2 : vector<16xi32>
        %add3A_717 = arith.addi %get3A_709, %broadcast_in_dim3A_2 : vector<16xi32>
        %gather3A_718 = tpu.vector_load_idx %arg5[%add3A_716] : memref<40960xi32, #tpu.memory_space<vmem>>[vector<16xi32>], vector<16xi32>,
        %bitcast3A_719 = vector.bitcast %gather3A_718 : vector<16xi32> to vector<32xbf16>
        %gather3A_720 = tpu.vector_load_idx %arg5[%add3A_717] : memref<40960xi32, #tpu.memory_space<vmem>>[vector<16xi32>], vector<16xi32>,
        %bitcast3A_721 = vector.bitcast %gather3A_720 : vector<16xi32> to vector<32xbf16>
        %sub3A_722 = arith.subf %bitcast3A_719, %bitcast3A_721 : vector<32xbf16>
        %max3A_723 = arith.maximumf %max3A_681, %sub3A_722 : vector<32xbf16>
        %add3A_724 = arith.addi %get3A_703, %broadcast_in_dim3A_4 : vector<16xi32>
        %add3A_725 = arith.addi %get3A_709, %broadcast_in_dim3A_4 : vector<16xi32>
        %gather3A_726 = tpu.vector_load_idx %arg5[%add3A_724] : memref<40960xi32, #tpu.memory_space<vmem>>[vector<16xi32>], vector<16xi32>,
        %bitcast3A_727 = vector.bitcast %gather3A_726 : vector<16xi32> to vector<32xbf16>
        %gather3A_728 = tpu.vector_load_idx %arg5[%add3A_725] : memref<40960xi32, #tpu.memory_space<vmem>>[vector<16xi32>], vector<16xi32>,
        %bitcast3A_729 = vector.bitcast %gather3A_728 : vector<16xi32> to vector<32xbf16>
        %sub3A_730 = arith.subf %bitcast3A_727, %bitcast3A_729 : vector<32xbf16>
        %max3A_731 = arith.maximumf %max3A_689, %sub3A_730 : vector<32xbf16>
        %add3A_732 = arith.addi %get3A_703, %broadcast_in_dim3A_6 : vector<16xi32>
        %add3A_733 = arith.addi %get3A_709, %broadcast_in_dim3A_6 : vector<16xi32>
        %gather3A_734 = tpu.vector_load_idx %arg5[%add3A_732] : memref<40960xi32, #tpu.memory_space<vmem>>[vector<16xi32>], vector<16xi32>,
        %bitcast3A_735 = vector.bitcast %gather3A_734 : vector<16xi32> to vector<32xbf16>
        %gather3A_736 = tpu.vector_load_idx %arg5[%add3A_733] : memref<40960xi32, #tpu.memory_space<vmem>>[vector<16xi32>], vector<16xi32>,
        %bitcast3A_737 = vector.bitcast %gather3A_736 : vector<16xi32> to vector<32xbf16>
        %sub3A_738 = arith.subf %bitcast3A_735, %bitcast3A_737 : vector<32xbf16>
        %max3A_739 = arith.maximumf %max3A_697, %sub3A_738 : vector<32xbf16>
        %get3A_740 = arith.constant 0 : i32
        %get3A_741 = arith.constant 15 : i32
        %get3A_742 = arith.index_cast %get3A_740 : i32 to index
        %get3A_743 = arith.index_cast %get3A_741 : i32 to index
        %get3A_744 = arith.index_cast %mul3A_118 : i32 to index
        %get3A_745 = tpu.vector_load %arg6[%get3A_742, %get3A_743, %get3A_744] {strides = array<i32>} : memref<2x32x128xi32, #tpu.memory_space<vmem>>, vector<16xi32>,
        %get3A_746 = arith.constant 1 : i32
        %get3A_747 = arith.constant 15 : i32
        %get3A_748 = arith.index_cast %get3A_746 : i32 to index
        %get3A_749 = arith.index_cast %get3A_747 : i32 to index
        %get3A_750 = arith.index_cast %mul3A_118 : i32 to index
        %get3A_751 = tpu.vector_load %arg6[%get3A_748, %get3A_749, %get3A_750] {strides = array<i32>} : memref<2x32x128xi32, #tpu.memory_space<vmem>>, vector<16xi32>,
        %gather3A_752 = tpu.vector_load_idx %arg5[%get3A_745] : memref<40960xi32, #tpu.memory_space<vmem>>[vector<16xi32>], vector<16xi32>,
        %bitcast3A_753 = vector.bitcast %gather3A_752 : vector<16xi32> to vector<32xbf16>
        %gather3A_754 = tpu.vector_load_idx %arg5[%get3A_751] : memref<40960xi32, #tpu.memory_space<vmem>>[vector<16xi32>], vector<16xi32>,
        %bitcast3A_755 = vector.bitcast %gather3A_754 : vector<16xi32> to vector<32xbf16>
        %sub3A_756 = arith.subf %bitcast3A_753, %bitcast3A_755 : vector<32xbf16>
        %max3A_757 = arith.maximumf %max3A_715, %sub3A_756 : vector<32xbf16>
        %add3A_758 = arith.addi %get3A_745, %broadcast_in_dim3A_2 : vector<16xi32>
        %add3A_759 = arith.addi %get3A_751, %broadcast_in_dim3A_2 : vector<16xi32>
        %gather3A_760 = tpu.vector_load_idx %arg5[%add3A_758] : memref<40960xi32, #tpu.memory_space<vmem>>[vector<16xi32>], vector<16xi32>,
        %bitcast3A_761 = vector.bitcast %gather3A_760 : vector<16xi32> to vector<32xbf16>
        %gather3A_762 = tpu.vector_load_idx %arg5[%add3A_759] : memref<40960xi32, #tpu.memory_space<vmem>>[vector<16xi32>], vector<16xi32>,
        %bitcast3A_763 = vector.bitcast %gather3A_762 : vector<16xi32> to vector<32xbf16>
        %sub3A_764 = arith.subf %bitcast3A_761, %bitcast3A_763 : vector<32xbf16>
        %max3A_765 = arith.maximumf %max3A_723, %sub3A_764 : vector<32xbf16>
        %add3A_766 = arith.addi %get3A_745, %broadcast_in_dim3A_4 : vector<16xi32>
        %add3A_767 = arith.addi %get3A_751, %broadcast_in_dim3A_4 : vector<16xi32>
        %gather3A_768 = tpu.vector_load_idx %arg5[%add3A_766] : memref<40960xi32, #tpu.memory_space<vmem>>[vector<16xi32>], vector<16xi32>,
        %bitcast3A_769 = vector.bitcast %gather3A_768 : vector<16xi32> to vector<32xbf16>
        %gather3A_770 = tpu.vector_load_idx %arg5[%add3A_767] : memref<40960xi32, #tpu.memory_space<vmem>>[vector<16xi32>], vector<16xi32>,
        %bitcast3A_771 = vector.bitcast %gather3A_770 : vector<16xi32> to vector<32xbf16>
        %sub3A_772 = arith.subf %bitcast3A_769, %bitcast3A_771 : vector<32xbf16>
        %max3A_773 = arith.maximumf %max3A_731, %sub3A_772 : vector<32xbf16>
        %add3A_774 = arith.addi %get3A_745, %broadcast_in_dim3A_6 : vector<16xi32>
        %add3A_775 = arith.addi %get3A_751, %broadcast_in_dim3A_6 : vector<16xi32>
        %gather3A_776 = tpu.vector_load_idx %arg5[%add3A_774] : memref<40960xi32, #tpu.memory_space<vmem>>[vector<16xi32>], vector<16xi32>,
        %bitcast3A_777 = vector.bitcast %gather3A_776 : vector<16xi32> to vector<32xbf16>
        %gather3A_778 = tpu.vector_load_idx %arg5[%add3A_775] : memref<40960xi32, #tpu.memory_space<vmem>>[vector<16xi32>], vector<16xi32>,
        %bitcast3A_779 = vector.bitcast %gather3A_778 : vector<16xi32> to vector<32xbf16>
        %sub3A_780 = arith.subf %bitcast3A_777, %bitcast3A_779 : vector<32xbf16>
        %max3A_781 = arith.maximumf %max3A_739, %sub3A_780 : vector<32xbf16>
        %get3A_782 = arith.constant 0 : i32
        %get3A_783 = arith.constant 16 : i32
        %get3A_784 = arith.index_cast %get3A_782 : i32 to index
        %get3A_785 = arith.index_cast %get3A_783 : i32 to index
        %get3A_786 = arith.index_cast %mul3A_118 : i32 to index
        %get3A_787 = tpu.vector_load %arg6[%get3A_784, %get3A_785, %get3A_786] {strides = array<i32>} : memref<2x32x128xi32, #tpu.memory_space<vmem>>, vector<16xi32>,
        %get3A_788 = arith.constant 1 : i32
        %get3A_789 = arith.constant 16 : i32
        %get3A_790 = arith.index_cast %get3A_788 : i32 to index
        %get3A_791 = arith.index_cast %get3A_789 : i32 to index
        %get3A_792 = arith.index_cast %mul3A_118 : i32 to index
        %get3A_793 = tpu.vector_load %arg6[%get3A_790, %get3A_791, %get3A_792] {strides = array<i32>} : memref<2x32x128xi32, #tpu.memory_space<vmem>>, vector<16xi32>,
        %gather3A_794 = tpu.vector_load_idx %arg5[%get3A_787] : memref<40960xi32, #tpu.memory_space<vmem>>[vector<16xi32>], vector<16xi32>,
        %bitcast3A_795 = vector.bitcast %gather3A_794 : vector<16xi32> to vector<32xbf16>
        %gather3A_796 = tpu.vector_load_idx %arg5[%get3A_793] : memref<40960xi32, #tpu.memory_space<vmem>>[vector<16xi32>], vector<16xi32>,
        %bitcast3A_797 = vector.bitcast %gather3A_796 : vector<16xi32> to vector<32xbf16>
        %sub3A_798 = arith.subf %bitcast3A_795, %bitcast3A_797 : vector<32xbf16>
        %max3A_799 = arith.maximumf %max3A_757, %sub3A_798 : vector<32xbf16>
        %add3A_800 = arith.addi %get3A_787, %broadcast_in_dim3A_2 : vector<16xi32>
        %add3A_801 = arith.addi %get3A_793, %broadcast_in_dim3A_2 : vector<16xi32>
        %gather3A_802 = tpu.vector_load_idx %arg5[%add3A_800] : memref<40960xi32, #tpu.memory_space<vmem>>[vector<16xi32>], vector<16xi32>,
        %bitcast3A_803 = vector.bitcast %gather3A_802 : vector<16xi32> to vector<32xbf16>
        %gather3A_804 = tpu.vector_load_idx %arg5[%add3A_801] : memref<40960xi32, #tpu.memory_space<vmem>>[vector<16xi32>], vector<16xi32>,
        %bitcast3A_805 = vector.bitcast %gather3A_804 : vector<16xi32> to vector<32xbf16>
        %sub3A_806 = arith.subf %bitcast3A_803, %bitcast3A_805 : vector<32xbf16>
        %max3A_807 = arith.maximumf %max3A_765, %sub3A_806 : vector<32xbf16>
        %add3A_808 = arith.addi %get3A_787, %broadcast_in_dim3A_4 : vector<16xi32>
        %add3A_809 = arith.addi %get3A_793, %broadcast_in_dim3A_4 : vector<16xi32>
        %gather3A_810 = tpu.vector_load_idx %arg5[%add3A_808] : memref<40960xi32, #tpu.memory_space<vmem>>[vector<16xi32>], vector<16xi32>,
        %bitcast3A_811 = vector.bitcast %gather3A_810 : vector<16xi32> to vector<32xbf16>
        %gather3A_812 = tpu.vector_load_idx %arg5[%add3A_809] : memref<40960xi32, #tpu.memory_space<vmem>>[vector<16xi32>], vector<16xi32>,
        %bitcast3A_813 = vector.bitcast %gather3A_812 : vector<16xi32> to vector<32xbf16>
        %sub3A_814 = arith.subf %bitcast3A_811, %bitcast3A_813 : vector<32xbf16>
        %max3A_815 = arith.maximumf %max3A_773, %sub3A_814 : vector<32xbf16>
        %add3A_816 = arith.addi %get3A_787, %broadcast_in_dim3A_6 : vector<16xi32>
        %add3A_817 = arith.addi %get3A_793, %broadcast_in_dim3A_6 : vector<16xi32>
        %gather3A_818 = tpu.vector_load_idx %arg5[%add3A_816] : memref<40960xi32, #tpu.memory_space<vmem>>[vector<16xi32>], vector<16xi32>,
        %bitcast3A_819 = vector.bitcast %gather3A_818 : vector<16xi32> to vector<32xbf16>
        %gather3A_820 = tpu.vector_load_idx %arg5[%add3A_817] : memref<40960xi32, #tpu.memory_space<vmem>>[vector<16xi32>], vector<16xi32>,
        %bitcast3A_821 = vector.bitcast %gather3A_820 : vector<16xi32> to vector<32xbf16>
        %sub3A_822 = arith.subf %bitcast3A_819, %bitcast3A_821 : vector<32xbf16>
        %max3A_823 = arith.maximumf %max3A_781, %sub3A_822 : vector<32xbf16>
        %get3A_824 = arith.constant 0 : i32
        %get3A_825 = arith.constant 17 : i32
        %get3A_826 = arith.index_cast %get3A_824 : i32 to index
        %get3A_827 = arith.index_cast %get3A_825 : i32 to index
        %get3A_828 = arith.index_cast %mul3A_118 : i32 to index
        %get3A_829 = tpu.vector_load %arg6[%get3A_826, %get3A_827, %get3A_828] {strides = array<i32>} : memref<2x32x128xi32, #tpu.memory_space<vmem>>, vector<16xi32>,
        %get3A_830 = arith.constant 1 : i32
        %get3A_831 = arith.constant 17 : i32
        %get3A_832 = arith.index_cast %get3A_830 : i32 to index
        %get3A_833 = arith.index_cast %get3A_831 : i32 to index
        %get3A_834 = arith.index_cast %mul3A_118 : i32 to index
        %get3A_835 = tpu.vector_load %arg6[%get3A_832, %get3A_833, %get3A_834] {strides = array<i32>} : memref<2x32x128xi32, #tpu.memory_space<vmem>>, vector<16xi32>,
        %gather3A_836 = tpu.vector_load_idx %arg5[%get3A_829] : memref<40960xi32, #tpu.memory_space<vmem>>[vector<16xi32>], vector<16xi32>,
        %bitcast3A_837 = vector.bitcast %gather3A_836 : vector<16xi32> to vector<32xbf16>
        %gather3A_838 = tpu.vector_load_idx %arg5[%get3A_835] : memref<40960xi32, #tpu.memory_space<vmem>>[vector<16xi32>], vector<16xi32>,
        %bitcast3A_839 = vector.bitcast %gather3A_838 : vector<16xi32> to vector<32xbf16>
        %sub3A_840 = arith.subf %bitcast3A_837, %bitcast3A_839 : vector<32xbf16>
        %max3A_841 = arith.maximumf %max3A_799, %sub3A_840 : vector<32xbf16>
        %add3A_842 = arith.addi %get3A_829, %broadcast_in_dim3A_2 : vector<16xi32>
        %add3A_843 = arith.addi %get3A_835, %broadcast_in_dim3A_2 : vector<16xi32>
        %gather3A_844 = tpu.vector_load_idx %arg5[%add3A_842] : memref<40960xi32, #tpu.memory_space<vmem>>[vector<16xi32>], vector<16xi32>,
        %bitcast3A_845 = vector.bitcast %gather3A_844 : vector<16xi32> to vector<32xbf16>
        %gather3A_846 = tpu.vector_load_idx %arg5[%add3A_843] : memref<40960xi32, #tpu.memory_space<vmem>>[vector<16xi32>], vector<16xi32>,
        %bitcast3A_847 = vector.bitcast %gather3A_846 : vector<16xi32> to vector<32xbf16>
        %sub3A_848 = arith.subf %bitcast3A_845, %bitcast3A_847 : vector<32xbf16>
        %max3A_849 = arith.maximumf %max3A_807, %sub3A_848 : vector<32xbf16>
        %add3A_850 = arith.addi %get3A_829, %broadcast_in_dim3A_4 : vector<16xi32>
        %add3A_851 = arith.addi %get3A_835, %broadcast_in_dim3A_4 : vector<16xi32>
        %gather3A_852 = tpu.vector_load_idx %arg5[%add3A_850] : memref<40960xi32, #tpu.memory_space<vmem>>[vector<16xi32>], vector<16xi32>,
        %bitcast3A_853 = vector.bitcast %gather3A_852 : vector<16xi32> to vector<32xbf16>
        %gather3A_854 = tpu.vector_load_idx %arg5[%add3A_851] : memref<40960xi32, #tpu.memory_space<vmem>>[vector<16xi32>], vector<16xi32>,
        %bitcast3A_855 = vector.bitcast %gather3A_854 : vector<16xi32> to vector<32xbf16>
        %sub3A_856 = arith.subf %bitcast3A_853, %bitcast3A_855 : vector<32xbf16>
        %max3A_857 = arith.maximumf %max3A_815, %sub3A_856 : vector<32xbf16>
        %add3A_858 = arith.addi %get3A_829, %broadcast_in_dim3A_6 : vector<16xi32>
        %add3A_859 = arith.addi %get3A_835, %broadcast_in_dim3A_6 : vector<16xi32>
        %gather3A_860 = tpu.vector_load_idx %arg5[%add3A_858] : memref<40960xi32, #tpu.memory_space<vmem>>[vector<16xi32>], vector<16xi32>,
        %bitcast3A_861 = vector.bitcast %gather3A_860 : vector<16xi32> to vector<32xbf16>
        %gather3A_862 = tpu.vector_load_idx %arg5[%add3A_859] : memref<40960xi32, #tpu.memory_space<vmem>>[vector<16xi32>], vector<16xi32>,
        %bitcast3A_863 = vector.bitcast %gather3A_862 : vector<16xi32> to vector<32xbf16>
        %sub3A_864 = arith.subf %bitcast3A_861, %bitcast3A_863 : vector<32xbf16>
        %max3A_865 = arith.maximumf %max3A_823, %sub3A_864 : vector<32xbf16>
        %get3A_866 = arith.constant 0 : i32
        %get3A_867 = arith.constant 18 : i32
        %get3A_868 = arith.index_cast %get3A_866 : i32 to index
        %get3A_869 = arith.index_cast %get3A_867 : i32 to index
        %get3A_870 = arith.index_cast %mul3A_118 : i32 to index
        %get3A_871 = tpu.vector_load %arg6[%get3A_868, %get3A_869, %get3A_870] {strides = array<i32>} : memref<2x32x128xi32, #tpu.memory_space<vmem>>, vector<16xi32>,
        %get3A_872 = arith.constant 1 : i32
        %get3A_873 = arith.constant 18 : i32
        %get3A_874 = arith.index_cast %get3A_872 : i32 to index
        %get3A_875 = arith.index_cast %get3A_873 : i32 to index
        %get3A_876 = arith.index_cast %mul3A_118 : i32 to index
        %get3A_877 = tpu.vector_load %arg6[%get3A_874, %get3A_875, %get3A_876] {strides = array<i32>} : memref<2x32x128xi32, #tpu.memory_space<vmem>>, vector<16xi32>,
        %gather3A_878 = tpu.vector_load_idx %arg5[%get3A_871] : memref<40960xi32, #tpu.memory_space<vmem>>[vector<16xi32>], vector<16xi32>,
        %bitcast3A_879 = vector.bitcast %gather3A_878 : vector<16xi32> to vector<32xbf16>
        %gather3A_880 = tpu.vector_load_idx %arg5[%get3A_877] : memref<40960xi32, #tpu.memory_space<vmem>>[vector<16xi32>], vector<16xi32>,
        %bitcast3A_881 = vector.bitcast %gather3A_880 : vector<16xi32> to vector<32xbf16>
        %sub3A_882 = arith.subf %bitcast3A_879, %bitcast3A_881 : vector<32xbf16>
        %max3A_883 = arith.maximumf %max3A_841, %sub3A_882 : vector<32xbf16>
        %add3A_884 = arith.addi %get3A_871, %broadcast_in_dim3A_2 : vector<16xi32>
        %add3A_885 = arith.addi %get3A_877, %broadcast_in_dim3A_2 : vector<16xi32>
        %gather3A_886 = tpu.vector_load_idx %arg5[%add3A_884] : memref<40960xi32, #tpu.memory_space<vmem>>[vector<16xi32>], vector<16xi32>,
        %bitcast3A_887 = vector.bitcast %gather3A_886 : vector<16xi32> to vector<32xbf16>
        %gather3A_888 = tpu.vector_load_idx %arg5[%add3A_885] : memref<40960xi32, #tpu.memory_space<vmem>>[vector<16xi32>], vector<16xi32>,
        %bitcast3A_889 = vector.bitcast %gather3A_888 : vector<16xi32> to vector<32xbf16>
        %sub3A_890 = arith.subf %bitcast3A_887, %bitcast3A_889 : vector<32xbf16>
        %max3A_891 = arith.maximumf %max3A_849, %sub3A_890 : vector<32xbf16>
        %add3A_892 = arith.addi %get3A_871, %broadcast_in_dim3A_4 : vector<16xi32>
        %add3A_893 = arith.addi %get3A_877, %broadcast_in_dim3A_4 : vector<16xi32>
        %gather3A_894 = tpu.vector_load_idx %arg5[%add3A_892] : memref<40960xi32, #tpu.memory_space<vmem>>[vector<16xi32>], vector<16xi32>,
        %bitcast3A_895 = vector.bitcast %gather3A_894 : vector<16xi32> to vector<32xbf16>
        %gather3A_896 = tpu.vector_load_idx %arg5[%add3A_893] : memref<40960xi32, #tpu.memory_space<vmem>>[vector<16xi32>], vector<16xi32>,
        %bitcast3A_897 = vector.bitcast %gather3A_896 : vector<16xi32> to vector<32xbf16>
        %sub3A_898 = arith.subf %bitcast3A_895, %bitcast3A_897 : vector<32xbf16>
        %max3A_899 = arith.maximumf %max3A_857, %sub3A_898 : vector<32xbf16>
        %add3A_900 = arith.addi %get3A_871, %broadcast_in_dim3A_6 : vector<16xi32>
        %add3A_901 = arith.addi %get3A_877, %broadcast_in_dim3A_6 : vector<16xi32>
        %gather3A_902 = tpu.vector_load_idx %arg5[%add3A_900] : memref<40960xi32, #tpu.memory_space<vmem>>[vector<16xi32>], vector<16xi32>,
        %bitcast3A_903 = vector.bitcast %gather3A_902 : vector<16xi32> to vector<32xbf16>
        %gather3A_904 = tpu.vector_load_idx %arg5[%add3A_901] : memref<40960xi32, #tpu.memory_space<vmem>>[vector<16xi32>], vector<16xi32>,
        %bitcast3A_905 = vector.bitcast %gather3A_904 : vector<16xi32> to vector<32xbf16>
        %sub3A_906 = arith.subf %bitcast3A_903, %bitcast3A_905 : vector<32xbf16>
        %max3A_907 = arith.maximumf %max3A_865, %sub3A_906 : vector<32xbf16>
        %get3A_908 = arith.constant 0 : i32
        %get3A_909 = arith.constant 19 : i32
        %get3A_910 = arith.index_cast %get3A_908 : i32 to index
        %get3A_911 = arith.index_cast %get3A_909 : i32 to index
        %get3A_912 = arith.index_cast %mul3A_118 : i32 to index
        %get3A_913 = tpu.vector_load %arg6[%get3A_910, %get3A_911, %get3A_912] {strides = array<i32>} : memref<2x32x128xi32, #tpu.memory_space<vmem>>, vector<16xi32>,
        %get3A_914 = arith.constant 1 : i32
        %get3A_915 = arith.constant 19 : i32
        %get3A_916 = arith.index_cast %get3A_914 : i32 to index
        %get3A_917 = arith.index_cast %get3A_915 : i32 to index
        %get3A_918 = arith.index_cast %mul3A_118 : i32 to index
        %get3A_919 = tpu.vector_load %arg6[%get3A_916, %get3A_917, %get3A_918] {strides = array<i32>} : memref<2x32x128xi32, #tpu.memory_space<vmem>>, vector<16xi32>,
        %gather3A_920 = tpu.vector_load_idx %arg5[%get3A_913] : memref<40960xi32, #tpu.memory_space<vmem>>[vector<16xi32>], vector<16xi32>,
        %bitcast3A_921 = vector.bitcast %gather3A_920 : vector<16xi32> to vector<32xbf16>
        %gather3A_922 = tpu.vector_load_idx %arg5[%get3A_919] : memref<40960xi32, #tpu.memory_space<vmem>>[vector<16xi32>], vector<16xi32>,
        %bitcast3A_923 = vector.bitcast %gather3A_922 : vector<16xi32> to vector<32xbf16>
        %sub3A_924 = arith.subf %bitcast3A_921, %bitcast3A_923 : vector<32xbf16>
        %max3A_925 = arith.maximumf %max3A_883, %sub3A_924 : vector<32xbf16>
        %add3A_926 = arith.addi %get3A_913, %broadcast_in_dim3A_2 : vector<16xi32>
        %add3A_927 = arith.addi %get3A_919, %broadcast_in_dim3A_2 : vector<16xi32>
        %gather3A_928 = tpu.vector_load_idx %arg5[%add3A_926] : memref<40960xi32, #tpu.memory_space<vmem>>[vector<16xi32>], vector<16xi32>,
        %bitcast3A_929 = vector.bitcast %gather3A_928 : vector<16xi32> to vector<32xbf16>
        %gather3A_930 = tpu.vector_load_idx %arg5[%add3A_927] : memref<40960xi32, #tpu.memory_space<vmem>>[vector<16xi32>], vector<16xi32>,
        %bitcast3A_931 = vector.bitcast %gather3A_930 : vector<16xi32> to vector<32xbf16>
        %sub3A_932 = arith.subf %bitcast3A_929, %bitcast3A_931 : vector<32xbf16>
        %max3A_933 = arith.maximumf %max3A_891, %sub3A_932 : vector<32xbf16>
        %add3A_934 = arith.addi %get3A_913, %broadcast_in_dim3A_4 : vector<16xi32>
        %add3A_935 = arith.addi %get3A_919, %broadcast_in_dim3A_4 : vector<16xi32>
        %gather3A_936 = tpu.vector_load_idx %arg5[%add3A_934] : memref<40960xi32, #tpu.memory_space<vmem>>[vector<16xi32>], vector<16xi32>,
        %bitcast3A_937 = vector.bitcast %gather3A_936 : vector<16xi32> to vector<32xbf16>
        %gather3A_938 = tpu.vector_load_idx %arg5[%add3A_935] : memref<40960xi32, #tpu.memory_space<vmem>>[vector<16xi32>], vector<16xi32>,
        %bitcast3A_939 = vector.bitcast %gather3A_938 : vector<16xi32> to vector<32xbf16>
        %sub3A_940 = arith.subf %bitcast3A_937, %bitcast3A_939 : vector<32xbf16>
        %max3A_941 = arith.maximumf %max3A_899, %sub3A_940 : vector<32xbf16>
        %add3A_942 = arith.addi %get3A_913, %broadcast_in_dim3A_6 : vector<16xi32>
        %add3A_943 = arith.addi %get3A_919, %broadcast_in_dim3A_6 : vector<16xi32>
        %gather3A_944 = tpu.vector_load_idx %arg5[%add3A_942] : memref<40960xi32, #tpu.memory_space<vmem>>[vector<16xi32>], vector<16xi32>,
        %bitcast3A_945 = vector.bitcast %gather3A_944 : vector<16xi32> to vector<32xbf16>
        %gather3A_946 = tpu.vector_load_idx %arg5[%add3A_943] : memref<40960xi32, #tpu.memory_space<vmem>>[vector<16xi32>], vector<16xi32>,
        %bitcast3A_947 = vector.bitcast %gather3A_946 : vector<16xi32> to vector<32xbf16>
        %sub3A_948 = arith.subf %bitcast3A_945, %bitcast3A_947 : vector<32xbf16>
        %max3A_949 = arith.maximumf %max3A_907, %sub3A_948 : vector<32xbf16>
        %get3A_950 = arith.constant 0 : i32
        %get3A_951 = arith.constant 20 : i32
        %get3A_952 = arith.index_cast %get3A_950 : i32 to index
        %get3A_953 = arith.index_cast %get3A_951 : i32 to index
        %get3A_954 = arith.index_cast %mul3A_118 : i32 to index
        %get3A_955 = tpu.vector_load %arg6[%get3A_952, %get3A_953, %get3A_954] {strides = array<i32>} : memref<2x32x128xi32, #tpu.memory_space<vmem>>, vector<16xi32>,
        %get3A_956 = arith.constant 1 : i32
        %get3A_957 = arith.constant 20 : i32
        %get3A_958 = arith.index_cast %get3A_956 : i32 to index
        %get3A_959 = arith.index_cast %get3A_957 : i32 to index
        %get3A_960 = arith.index_cast %mul3A_118 : i32 to index
        %get3A_961 = tpu.vector_load %arg6[%get3A_958, %get3A_959, %get3A_960] {strides = array<i32>} : memref<2x32x128xi32, #tpu.memory_space<vmem>>, vector<16xi32>,
        %gather3A_962 = tpu.vector_load_idx %arg5[%get3A_955] : memref<40960xi32, #tpu.memory_space<vmem>>[vector<16xi32>], vector<16xi32>,
        %bitcast3A_963 = vector.bitcast %gather3A_962 : vector<16xi32> to vector<32xbf16>
        %gather3A_964 = tpu.vector_load_idx %arg5[%get3A_961] : memref<40960xi32, #tpu.memory_space<vmem>>[vector<16xi32>], vector<16xi32>,
        %bitcast3A_965 = vector.bitcast %gather3A_964 : vector<16xi32> to vector<32xbf16>
        %sub3A_966 = arith.subf %bitcast3A_963, %bitcast3A_965 : vector<32xbf16>
        %max3A_967 = arith.maximumf %max3A_925, %sub3A_966 : vector<32xbf16>
        %add3A_968 = arith.addi %get3A_955, %broadcast_in_dim3A_2 : vector<16xi32>
        %add3A_969 = arith.addi %get3A_961, %broadcast_in_dim3A_2 : vector<16xi32>
        %gather3A_970 = tpu.vector_load_idx %arg5[%add3A_968] : memref<40960xi32, #tpu.memory_space<vmem>>[vector<16xi32>], vector<16xi32>,
        %bitcast3A_971 = vector.bitcast %gather3A_970 : vector<16xi32> to vector<32xbf16>
        %gather3A_972 = tpu.vector_load_idx %arg5[%add3A_969] : memref<40960xi32, #tpu.memory_space<vmem>>[vector<16xi32>], vector<16xi32>,
        %bitcast3A_973 = vector.bitcast %gather3A_972 : vector<16xi32> to vector<32xbf16>
        %sub3A_974 = arith.subf %bitcast3A_971, %bitcast3A_973 : vector<32xbf16>
        %max3A_975 = arith.maximumf %max3A_933, %sub3A_974 : vector<32xbf16>
        %add3A_976 = arith.addi %get3A_955, %broadcast_in_dim3A_4 : vector<16xi32>
        %add3A_977 = arith.addi %get3A_961, %broadcast_in_dim3A_4 : vector<16xi32>
        %gather3A_978 = tpu.vector_load_idx %arg5[%add3A_976] : memref<40960xi32, #tpu.memory_space<vmem>>[vector<16xi32>], vector<16xi32>,
        %bitcast3A_979 = vector.bitcast %gather3A_978 : vector<16xi32> to vector<32xbf16>
        %gather3A_980 = tpu.vector_load_idx %arg5[%add3A_977] : memref<40960xi32, #tpu.memory_space<vmem>>[vector<16xi32>], vector<16xi32>,
        %bitcast3A_981 = vector.bitcast %gather3A_980 : vector<16xi32> to vector<32xbf16>
        %sub3A_982 = arith.subf %bitcast3A_979, %bitcast3A_981 : vector<32xbf16>
        %max3A_983 = arith.maximumf %max3A_941, %sub3A_982 : vector<32xbf16>
        %add3A_984 = arith.addi %get3A_955, %broadcast_in_dim3A_6 : vector<16xi32>
        %add3A_985 = arith.addi %get3A_961, %broadcast_in_dim3A_6 : vector<16xi32>
        %gather3A_986 = tpu.vector_load_idx %arg5[%add3A_984] : memref<40960xi32, #tpu.memory_space<vmem>>[vector<16xi32>], vector<16xi32>,
        %bitcast3A_987 = vector.bitcast %gather3A_986 : vector<16xi32> to vector<32xbf16>
        %gather3A_988 = tpu.vector_load_idx %arg5[%add3A_985] : memref<40960xi32, #tpu.memory_space<vmem>>[vector<16xi32>], vector<16xi32>,
        %bitcast3A_989 = vector.bitcast %gather3A_988 : vector<16xi32> to vector<32xbf16>
        %sub3A_990 = arith.subf %bitcast3A_987, %bitcast3A_989 : vector<32xbf16>
        %max3A_991 = arith.maximumf %max3A_949, %sub3A_990 : vector<32xbf16>
        %get3A_992 = arith.constant 0 : i32
        %get3A_993 = arith.constant 21 : i32
        %get3A_994 = arith.index_cast %get3A_992 : i32 to index
        %get3A_995 = arith.index_cast %get3A_993 : i32 to index
        %get3A_996 = arith.index_cast %mul3A_118 : i32 to index
        %get3A_997 = tpu.vector_load %arg6[%get3A_994, %get3A_995, %get3A_996] {strides = array<i32>} : memref<2x32x128xi32, #tpu.memory_space<vmem>>, vector<16xi32>,
        %get3A_998 = arith.constant 1 : i32
        %get3A_999 = arith.constant 21 : i32
        %get3A_1000 = arith.index_cast %get3A_998 : i32 to index
        %get3A_1001 = arith.index_cast %get3A_999 : i32 to index
        %get3A_1002 = arith.index_cast %mul3A_118 : i32 to index
        %get3A_1003 = tpu.vector_load %arg6[%get3A_1000, %get3A_1001, %get3A_1002] {strides = array<i32>} : memref<2x32x128xi32, #tpu.memory_space<vmem>>, vector<16xi32>,
        %gather3A_1004 = tpu.vector_load_idx %arg5[%get3A_997] : memref<40960xi32, #tpu.memory_space<vmem>>[vector<16xi32>], vector<16xi32>,
        %bitcast3A_1005 = vector.bitcast %gather3A_1004 : vector<16xi32> to vector<32xbf16>
        %gather3A_1006 = tpu.vector_load_idx %arg5[%get3A_1003] : memref<40960xi32, #tpu.memory_space<vmem>>[vector<16xi32>], vector<16xi32>,
        %bitcast3A_1007 = vector.bitcast %gather3A_1006 : vector<16xi32> to vector<32xbf16>
        %sub3A_1008 = arith.subf %bitcast3A_1005, %bitcast3A_1007 : vector<32xbf16>
        %max3A_1009 = arith.maximumf %max3A_967, %sub3A_1008 : vector<32xbf16>
        %add3A_1010 = arith.addi %get3A_997, %broadcast_in_dim3A_2 : vector<16xi32>
        %add3A_1011 = arith.addi %get3A_1003, %broadcast_in_dim3A_2 : vector<16xi32>
        %gather3A_1012 = tpu.vector_load_idx %arg5[%add3A_1010] : memref<40960xi32, #tpu.memory_space<vmem>>[vector<16xi32>], vector<16xi32>,
        %bitcast3A_1013 = vector.bitcast %gather3A_1012 : vector<16xi32> to vector<32xbf16>
        %gather3A_1014 = tpu.vector_load_idx %arg5[%add3A_1011] : memref<40960xi32, #tpu.memory_space<vmem>>[vector<16xi32>], vector<16xi32>,
        %bitcast3A_1015 = vector.bitcast %gather3A_1014 : vector<16xi32> to vector<32xbf16>
        %sub3A_1016 = arith.subf %bitcast3A_1013, %bitcast3A_1015 : vector<32xbf16>
        %max3A_1017 = arith.maximumf %max3A_975, %sub3A_1016 : vector<32xbf16>
        %add3A_1018 = arith.addi %get3A_997, %broadcast_in_dim3A_4 : vector<16xi32>
        %add3A_1019 = arith.addi %get3A_1003, %broadcast_in_dim3A_4 : vector<16xi32>
        %gather3A_1020 = tpu.vector_load_idx %arg5[%add3A_1018] : memref<40960xi32, #tpu.memory_space<vmem>>[vector<16xi32>], vector<16xi32>,
        %bitcast3A_1021 = vector.bitcast %gather3A_1020 : vector<16xi32> to vector<32xbf16>
        %gather3A_1022 = tpu.vector_load_idx %arg5[%add3A_1019] : memref<40960xi32, #tpu.memory_space<vmem>>[vector<16xi32>], vector<16xi32>,
        %bitcast3A_1023 = vector.bitcast %gather3A_1022 : vector<16xi32> to vector<32xbf16>
        %sub3A_1024 = arith.subf %bitcast3A_1021, %bitcast3A_1023 : vector<32xbf16>
        %max3A_1025 = arith.maximumf %max3A_983, %sub3A_1024 : vector<32xbf16>
        %add3A_1026 = arith.addi %get3A_997, %broadcast_in_dim3A_6 : vector<16xi32>
        %add3A_1027 = arith.addi %get3A_1003, %broadcast_in_dim3A_6 : vector<16xi32>
        %gather3A_1028 = tpu.vector_load_idx %arg5[%add3A_1026] : memref<40960xi32, #tpu.memory_space<vmem>>[vector<16xi32>], vector<16xi32>,
        %bitcast3A_1029 = vector.bitcast %gather3A_1028 : vector<16xi32> to vector<32xbf16>
        %gather3A_1030 = tpu.vector_load_idx %arg5[%add3A_1027] : memref<40960xi32, #tpu.memory_space<vmem>>[vector<16xi32>], vector<16xi32>,
        %bitcast3A_1031 = vector.bitcast %gather3A_1030 : vector<16xi32> to vector<32xbf16>
        %sub3A_1032 = arith.subf %bitcast3A_1029, %bitcast3A_1031 : vector<32xbf16>
        %max3A_1033 = arith.maximumf %max3A_991, %sub3A_1032 : vector<32xbf16>
        %get3A_1034 = arith.constant 0 : i32
        %get3A_1035 = arith.constant 22 : i32
        %get3A_1036 = arith.index_cast %get3A_1034 : i32 to index
        %get3A_1037 = arith.index_cast %get3A_1035 : i32 to index
        %get3A_1038 = arith.index_cast %mul3A_118 : i32 to index
        %get3A_1039 = tpu.vector_load %arg6[%get3A_1036, %get3A_1037, %get3A_1038] {strides = array<i32>} : memref<2x32x128xi32, #tpu.memory_space<vmem>>, vector<16xi32>,
        %get3A_1040 = arith.constant 1 : i32
        %get3A_1041 = arith.constant 22 : i32
        %get3A_1042 = arith.index_cast %get3A_1040 : i32 to index
        %get3A_1043 = arith.index_cast %get3A_1041 : i32 to index
        %get3A_1044 = arith.index_cast %mul3A_118 : i32 to index
        %get3A_1045 = tpu.vector_load %arg6[%get3A_1042, %get3A_1043, %get3A_1044] {strides = array<i32>} : memref<2x32x128xi32, #tpu.memory_space<vmem>>, vector<16xi32>,
        %gather3A_1046 = tpu.vector_load_idx %arg5[%get3A_1039] : memref<40960xi32, #tpu.memory_space<vmem>>[vector<16xi32>], vector<16xi32>,
        %bitcast3A_1047 = vector.bitcast %gather3A_1046 : vector<16xi32> to vector<32xbf16>
        %gather3A_1048 = tpu.vector_load_idx %arg5[%get3A_1045] : memref<40960xi32, #tpu.memory_space<vmem>>[vector<16xi32>], vector<16xi32>,
        %bitcast3A_1049 = vector.bitcast %gather3A_1048 : vector<16xi32> to vector<32xbf16>
        %sub3A_1050 = arith.subf %bitcast3A_1047, %bitcast3A_1049 : vector<32xbf16>
        %max3A_1051 = arith.maximumf %max3A_1009, %sub3A_1050 : vector<32xbf16>
        %add3A_1052 = arith.addi %get3A_1039, %broadcast_in_dim3A_2 : vector<16xi32>
        %add3A_1053 = arith.addi %get3A_1045, %broadcast_in_dim3A_2 : vector<16xi32>
        %gather3A_1054 = tpu.vector_load_idx %arg5[%add3A_1052] : memref<40960xi32, #tpu.memory_space<vmem>>[vector<16xi32>], vector<16xi32>,
        %bitcast3A_1055 = vector.bitcast %gather3A_1054 : vector<16xi32> to vector<32xbf16>
        %gather3A_1056 = tpu.vector_load_idx %arg5[%add3A_1053] : memref<40960xi32, #tpu.memory_space<vmem>>[vector<16xi32>], vector<16xi32>,
        %bitcast3A_1057 = vector.bitcast %gather3A_1056 : vector<16xi32> to vector<32xbf16>
        %sub3A_1058 = arith.subf %bitcast3A_1055, %bitcast3A_1057 : vector<32xbf16>
        %max3A_1059 = arith.maximumf %max3A_1017, %sub3A_1058 : vector<32xbf16>
        %add3A_1060 = arith.addi %get3A_1039, %broadcast_in_dim3A_4 : vector<16xi32>
        %add3A_1061 = arith.addi %get3A_1045, %broadcast_in_dim3A_4 : vector<16xi32>
        %gather3A_1062 = tpu.vector_load_idx %arg5[%add3A_1060] : memref<40960xi32, #tpu.memory_space<vmem>>[vector<16xi32>], vector<16xi32>,
        %bitcast3A_1063 = vector.bitcast %gather3A_1062 : vector<16xi32> to vector<32xbf16>
        %gather3A_1064 = tpu.vector_load_idx %arg5[%add3A_1061] : memref<40960xi32, #tpu.memory_space<vmem>>[vector<16xi32>], vector<16xi32>,
        %bitcast3A_1065 = vector.bitcast %gather3A_1064 : vector<16xi32> to vector<32xbf16>
        %sub3A_1066 = arith.subf %bitcast3A_1063, %bitcast3A_1065 : vector<32xbf16>
        %max3A_1067 = arith.maximumf %max3A_1025, %sub3A_1066 : vector<32xbf16>
        %add3A_1068 = arith.addi %get3A_1039, %broadcast_in_dim3A_6 : vector<16xi32>
        %add3A_1069 = arith.addi %get3A_1045, %broadcast_in_dim3A_6 : vector<16xi32>
        %gather3A_1070 = tpu.vector_load_idx %arg5[%add3A_1068] : memref<40960xi32, #tpu.memory_space<vmem>>[vector<16xi32>], vector<16xi32>,
        %bitcast3A_1071 = vector.bitcast %gather3A_1070 : vector<16xi32> to vector<32xbf16>
        %gather3A_1072 = tpu.vector_load_idx %arg5[%add3A_1069] : memref<40960xi32, #tpu.memory_space<vmem>>[vector<16xi32>], vector<16xi32>,
        %bitcast3A_1073 = vector.bitcast %gather3A_1072 : vector<16xi32> to vector<32xbf16>
        %sub3A_1074 = arith.subf %bitcast3A_1071, %bitcast3A_1073 : vector<32xbf16>
        %max3A_1075 = arith.maximumf %max3A_1033, %sub3A_1074 : vector<32xbf16>
        %get3A_1076 = arith.constant 0 : i32
        %get3A_1077 = arith.constant 23 : i32
        %get3A_1078 = arith.index_cast %get3A_1076 : i32 to index
        %get3A_1079 = arith.index_cast %get3A_1077 : i32 to index
        %get3A_1080 = arith.index_cast %mul3A_118 : i32 to index
        %get3A_1081 = tpu.vector_load %arg6[%get3A_1078, %get3A_1079, %get3A_1080] {strides = array<i32>} : memref<2x32x128xi32, #tpu.memory_space<vmem>>, vector<16xi32>,
        %get3A_1082 = arith.constant 1 : i32
        %get3A_1083 = arith.constant 23 : i32
        %get3A_1084 = arith.index_cast %get3A_1082 : i32 to index
        %get3A_1085 = arith.index_cast %get3A_1083 : i32 to index
        %get3A_1086 = arith.index_cast %mul3A_118 : i32 to index
        %get3A_1087 = tpu.vector_load %arg6[%get3A_1084, %get3A_1085, %get3A_1086] {strides = array<i32>} : memref<2x32x128xi32, #tpu.memory_space<vmem>>, vector<16xi32>,
        %gather3A_1088 = tpu.vector_load_idx %arg5[%get3A_1081] : memref<40960xi32, #tpu.memory_space<vmem>>[vector<16xi32>], vector<16xi32>,
        %bitcast3A_1089 = vector.bitcast %gather3A_1088 : vector<16xi32> to vector<32xbf16>
        %gather3A_1090 = tpu.vector_load_idx %arg5[%get3A_1087] : memref<40960xi32, #tpu.memory_space<vmem>>[vector<16xi32>], vector<16xi32>,
        %bitcast3A_1091 = vector.bitcast %gather3A_1090 : vector<16xi32> to vector<32xbf16>
        %sub3A_1092 = arith.subf %bitcast3A_1089, %bitcast3A_1091 : vector<32xbf16>
        %max3A_1093 = arith.maximumf %max3A_1051, %sub3A_1092 : vector<32xbf16>
        %add3A_1094 = arith.addi %get3A_1081, %broadcast_in_dim3A_2 : vector<16xi32>
        %add3A_1095 = arith.addi %get3A_1087, %broadcast_in_dim3A_2 : vector<16xi32>
        %gather3A_1096 = tpu.vector_load_idx %arg5[%add3A_1094] : memref<40960xi32, #tpu.memory_space<vmem>>[vector<16xi32>], vector<16xi32>,
        %bitcast3A_1097 = vector.bitcast %gather3A_1096 : vector<16xi32> to vector<32xbf16>
        %gather3A_1098 = tpu.vector_load_idx %arg5[%add3A_1095] : memref<40960xi32, #tpu.memory_space<vmem>>[vector<16xi32>], vector<16xi32>,
        %bitcast3A_1099 = vector.bitcast %gather3A_1098 : vector<16xi32> to vector<32xbf16>
        %sub3A_1100 = arith.subf %bitcast3A_1097, %bitcast3A_1099 : vector<32xbf16>
        %max3A_1101 = arith.maximumf %max3A_1059, %sub3A_1100 : vector<32xbf16>
        %add3A_1102 = arith.addi %get3A_1081, %broadcast_in_dim3A_4 : vector<16xi32>
        %add3A_1103 = arith.addi %get3A_1087, %broadcast_in_dim3A_4 : vector<16xi32>
        %gather3A_1104 = tpu.vector_load_idx %arg5[%add3A_1102] : memref<40960xi32, #tpu.memory_space<vmem>>[vector<16xi32>], vector<16xi32>,
        %bitcast3A_1105 = vector.bitcast %gather3A_1104 : vector<16xi32> to vector<32xbf16>
        %gather3A_1106 = tpu.vector_load_idx %arg5[%add3A_1103] : memref<40960xi32, #tpu.memory_space<vmem>>[vector<16xi32>], vector<16xi32>,
        %bitcast3A_1107 = vector.bitcast %gather3A_1106 : vector<16xi32> to vector<32xbf16>
        %sub3A_1108 = arith.subf %bitcast3A_1105, %bitcast3A_1107 : vector<32xbf16>
        %max3A_1109 = arith.maximumf %max3A_1067, %sub3A_1108 : vector<32xbf16>
        %add3A_1110 = arith.addi %get3A_1081, %broadcast_in_dim3A_6 : vector<16xi32>
        %add3A_1111 = arith.addi %get3A_1087, %broadcast_in_dim3A_6 : vector<16xi32>
        %gather3A_1112 = tpu.vector_load_idx %arg5[%add3A_1110] : memref<40960xi32, #tpu.memory_space<vmem>>[vector<16xi32>], vector<16xi32>,
        %bitcast3A_1113 = vector.bitcast %gather3A_1112 : vector<16xi32> to vector<32xbf16>
        %gather3A_1114 = tpu.vector_load_idx %arg5[%add3A_1111] : memref<40960xi32, #tpu.memory_space<vmem>>[vector<16xi32>], vector<16xi32>,
        %bitcast3A_1115 = vector.bitcast %gather3A_1114 : vector<16xi32> to vector<32xbf16>
        %sub3A_1116 = arith.subf %bitcast3A_1113, %bitcast3A_1115 : vector<32xbf16>
        %max3A_1117 = arith.maximumf %max3A_1075, %sub3A_1116 : vector<32xbf16>
        %get3A_1118 = arith.constant 0 : i32
        %get3A_1119 = arith.constant 24 : i32
        %get3A_1120 = arith.index_cast %get3A_1118 : i32 to index
        %get3A_1121 = arith.index_cast %get3A_1119 : i32 to index
        %get3A_1122 = arith.index_cast %mul3A_118 : i32 to index
        %get3A_1123 = tpu.vector_load %arg6[%get3A_1120, %get3A_1121, %get3A_1122] {strides = array<i32>} : memref<2x32x128xi32, #tpu.memory_space<vmem>>, vector<16xi32>,
        %get3A_1124 = arith.constant 1 : i32
        %get3A_1125 = arith.constant 24 : i32
        %get3A_1126 = arith.index_cast %get3A_1124 : i32 to index
        %get3A_1127 = arith.index_cast %get3A_1125 : i32 to index
        %get3A_1128 = arith.index_cast %mul3A_118 : i32 to index
        %get3A_1129 = tpu.vector_load %arg6[%get3A_1126, %get3A_1127, %get3A_1128] {strides = array<i32>} : memref<2x32x128xi32, #tpu.memory_space<vmem>>, vector<16xi32>,
        %gather3A_1130 = tpu.vector_load_idx %arg5[%get3A_1123] : memref<40960xi32, #tpu.memory_space<vmem>>[vector<16xi32>], vector<16xi32>,
        %bitcast3A_1131 = vector.bitcast %gather3A_1130 : vector<16xi32> to vector<32xbf16>
        %gather3A_1132 = tpu.vector_load_idx %arg5[%get3A_1129] : memref<40960xi32, #tpu.memory_space<vmem>>[vector<16xi32>], vector<16xi32>,
        %bitcast3A_1133 = vector.bitcast %gather3A_1132 : vector<16xi32> to vector<32xbf16>
        %sub3A_1134 = arith.subf %bitcast3A_1131, %bitcast3A_1133 : vector<32xbf16>
        %max3A_1135 = arith.maximumf %max3A_1093, %sub3A_1134 : vector<32xbf16>
        %add3A_1136 = arith.addi %get3A_1123, %broadcast_in_dim3A_2 : vector<16xi32>
        %add3A_1137 = arith.addi %get3A_1129, %broadcast_in_dim3A_2 : vector<16xi32>
        %gather3A_1138 = tpu.vector_load_idx %arg5[%add3A_1136] : memref<40960xi32, #tpu.memory_space<vmem>>[vector<16xi32>], vector<16xi32>,
        %bitcast3A_1139 = vector.bitcast %gather3A_1138 : vector<16xi32> to vector<32xbf16>
        %gather3A_1140 = tpu.vector_load_idx %arg5[%add3A_1137] : memref<40960xi32, #tpu.memory_space<vmem>>[vector<16xi32>], vector<16xi32>,
        %bitcast3A_1141 = vector.bitcast %gather3A_1140 : vector<16xi32> to vector<32xbf16>
        %sub3A_1142 = arith.subf %bitcast3A_1139, %bitcast3A_1141 : vector<32xbf16>
        %max3A_1143 = arith.maximumf %max3A_1101, %sub3A_1142 : vector<32xbf16>
        %add3A_1144 = arith.addi %get3A_1123, %broadcast_in_dim3A_4 : vector<16xi32>
        %add3A_1145 = arith.addi %get3A_1129, %broadcast_in_dim3A_4 : vector<16xi32>
        %gather3A_1146 = tpu.vector_load_idx %arg5[%add3A_1144] : memref<40960xi32, #tpu.memory_space<vmem>>[vector<16xi32>], vector<16xi32>,
        %bitcast3A_1147 = vector.bitcast %gather3A_1146 : vector<16xi32> to vector<32xbf16>
        %gather3A_1148 = tpu.vector_load_idx %arg5[%add3A_1145] : memref<40960xi32, #tpu.memory_space<vmem>>[vector<16xi32>], vector<16xi32>,
        %bitcast3A_1149 = vector.bitcast %gather3A_1148 : vector<16xi32> to vector<32xbf16>
        %sub3A_1150 = arith.subf %bitcast3A_1147, %bitcast3A_1149 : vector<32xbf16>
        %max3A_1151 = arith.maximumf %max3A_1109, %sub3A_1150 : vector<32xbf16>
        %add3A_1152 = arith.addi %get3A_1123, %broadcast_in_dim3A_6 : vector<16xi32>
        %add3A_1153 = arith.addi %get3A_1129, %broadcast_in_dim3A_6 : vector<16xi32>
        %gather3A_1154 = tpu.vector_load_idx %arg5[%add3A_1152] : memref<40960xi32, #tpu.memory_space<vmem>>[vector<16xi32>], vector<16xi32>,
        %bitcast3A_1155 = vector.bitcast %gather3A_1154 : vector<16xi32> to vector<32xbf16>
        %gather3A_1156 = tpu.vector_load_idx %arg5[%add3A_1153] : memref<40960xi32, #tpu.memory_space<vmem>>[vector<16xi32>], vector<16xi32>,
        %bitcast3A_1157 = vector.bitcast %gather3A_1156 : vector<16xi32> to vector<32xbf16>
        %sub3A_1158 = arith.subf %bitcast3A_1155, %bitcast3A_1157 : vector<32xbf16>
        %max3A_1159 = arith.maximumf %max3A_1117, %sub3A_1158 : vector<32xbf16>
        %get3A_1160 = arith.constant 0 : i32
        %get3A_1161 = arith.constant 25 : i32
        %get3A_1162 = arith.index_cast %get3A_1160 : i32 to index
        %get3A_1163 = arith.index_cast %get3A_1161 : i32 to index
        %get3A_1164 = arith.index_cast %mul3A_118 : i32 to index
        %get3A_1165 = tpu.vector_load %arg6[%get3A_1162, %get3A_1163, %get3A_1164] {strides = array<i32>} : memref<2x32x128xi32, #tpu.memory_space<vmem>>, vector<16xi32>,
        %get3A_1166 = arith.constant 1 : i32
        %get3A_1167 = arith.constant 25 : i32
        %get3A_1168 = arith.index_cast %get3A_1166 : i32 to index
        %get3A_1169 = arith.index_cast %get3A_1167 : i32 to index
        %get3A_1170 = arith.index_cast %mul3A_118 : i32 to index
        %get3A_1171 = tpu.vector_load %arg6[%get3A_1168, %get3A_1169, %get3A_1170] {strides = array<i32>} : memref<2x32x128xi32, #tpu.memory_space<vmem>>, vector<16xi32>,
        %gather3A_1172 = tpu.vector_load_idx %arg5[%get3A_1165] : memref<40960xi32, #tpu.memory_space<vmem>>[vector<16xi32>], vector<16xi32>,
        %bitcast3A_1173 = vector.bitcast %gather3A_1172 : vector<16xi32> to vector<32xbf16>
        %gather3A_1174 = tpu.vector_load_idx %arg5[%get3A_1171] : memref<40960xi32, #tpu.memory_space<vmem>>[vector<16xi32>], vector<16xi32>,
        %bitcast3A_1175 = vector.bitcast %gather3A_1174 : vector<16xi32> to vector<32xbf16>
        %sub3A_1176 = arith.subf %bitcast3A_1173, %bitcast3A_1175 : vector<32xbf16>
        %max3A_1177 = arith.maximumf %max3A_1135, %sub3A_1176 : vector<32xbf16>
        %add3A_1178 = arith.addi %get3A_1165, %broadcast_in_dim3A_2 : vector<16xi32>
        %add3A_1179 = arith.addi %get3A_1171, %broadcast_in_dim3A_2 : vector<16xi32>
        %gather3A_1180 = tpu.vector_load_idx %arg5[%add3A_1178] : memref<40960xi32, #tpu.memory_space<vmem>>[vector<16xi32>], vector<16xi32>,
        %bitcast3A_1181 = vector.bitcast %gather3A_1180 : vector<16xi32> to vector<32xbf16>
        %gather3A_1182 = tpu.vector_load_idx %arg5[%add3A_1179] : memref<40960xi32, #tpu.memory_space<vmem>>[vector<16xi32>], vector<16xi32>,
        %bitcast3A_1183 = vector.bitcast %gather3A_1182 : vector<16xi32> to vector<32xbf16>
        %sub3A_1184 = arith.subf %bitcast3A_1181, %bitcast3A_1183 : vector<32xbf16>
        %max3A_1185 = arith.maximumf %max3A_1143, %sub3A_1184 : vector<32xbf16>
        %add3A_1186 = arith.addi %get3A_1165, %broadcast_in_dim3A_4 : vector<16xi32>
        %add3A_1187 = arith.addi %get3A_1171, %broadcast_in_dim3A_4 : vector<16xi32>
        %gather3A_1188 = tpu.vector_load_idx %arg5[%add3A_1186] : memref<40960xi32, #tpu.memory_space<vmem>>[vector<16xi32>], vector<16xi32>,
        %bitcast3A_1189 = vector.bitcast %gather3A_1188 : vector<16xi32> to vector<32xbf16>
        %gather3A_1190 = tpu.vector_load_idx %arg5[%add3A_1187] : memref<40960xi32, #tpu.memory_space<vmem>>[vector<16xi32>], vector<16xi32>,
        %bitcast3A_1191 = vector.bitcast %gather3A_1190 : vector<16xi32> to vector<32xbf16>
        %sub3A_1192 = arith.subf %bitcast3A_1189, %bitcast3A_1191 : vector<32xbf16>
        %max3A_1193 = arith.maximumf %max3A_1151, %sub3A_1192 : vector<32xbf16>
        %add3A_1194 = arith.addi %get3A_1165, %broadcast_in_dim3A_6 : vector<16xi32>
        %add3A_1195 = arith.addi %get3A_1171, %broadcast_in_dim3A_6 : vector<16xi32>
        %gather3A_1196 = tpu.vector_load_idx %arg5[%add3A_1194] : memref<40960xi32, #tpu.memory_space<vmem>>[vector<16xi32>], vector<16xi32>,
        %bitcast3A_1197 = vector.bitcast %gather3A_1196 : vector<16xi32> to vector<32xbf16>
        %gather3A_1198 = tpu.vector_load_idx %arg5[%add3A_1195] : memref<40960xi32, #tpu.memory_space<vmem>>[vector<16xi32>], vector<16xi32>,
        %bitcast3A_1199 = vector.bitcast %gather3A_1198 : vector<16xi32> to vector<32xbf16>
        %sub3A_1200 = arith.subf %bitcast3A_1197, %bitcast3A_1199 : vector<32xbf16>
        %max3A_1201 = arith.maximumf %max3A_1159, %sub3A_1200 : vector<32xbf16>
        %get3A_1202 = arith.constant 0 : i32
        %get3A_1203 = arith.constant 26 : i32
        %get3A_1204 = arith.index_cast %get3A_1202 : i32 to index
        %get3A_1205 = arith.index_cast %get3A_1203 : i32 to index
        %get3A_1206 = arith.index_cast %mul3A_118 : i32 to index
        %get3A_1207 = tpu.vector_load %arg6[%get3A_1204, %get3A_1205, %get3A_1206] {strides = array<i32>} : memref<2x32x128xi32, #tpu.memory_space<vmem>>, vector<16xi32>,
        %get3A_1208 = arith.constant 1 : i32
        %get3A_1209 = arith.constant 26 : i32
        %get3A_1210 = arith.index_cast %get3A_1208 : i32 to index
        %get3A_1211 = arith.index_cast %get3A_1209 : i32 to index
        %get3A_1212 = arith.index_cast %mul3A_118 : i32 to index
        %get3A_1213 = tpu.vector_load %arg6[%get3A_1210, %get3A_1211, %get3A_1212] {strides = array<i32>} : memref<2x32x128xi32, #tpu.memory_space<vmem>>, vector<16xi32>,
        %gather3A_1214 = tpu.vector_load_idx %arg5[%get3A_1207] : memref<40960xi32, #tpu.memory_space<vmem>>[vector<16xi32>], vector<16xi32>,
        %bitcast3A_1215 = vector.bitcast %gather3A_1214 : vector<16xi32> to vector<32xbf16>
        %gather3A_1216 = tpu.vector_load_idx %arg5[%get3A_1213] : memref<40960xi32, #tpu.memory_space<vmem>>[vector<16xi32>], vector<16xi32>,
        %bitcast3A_1217 = vector.bitcast %gather3A_1216 : vector<16xi32> to vector<32xbf16>
        %sub3A_1218 = arith.subf %bitcast3A_1215, %bitcast3A_1217 : vector<32xbf16>
        %max3A_1219 = arith.maximumf %max3A_1177, %sub3A_1218 : vector<32xbf16>
        %add3A_1220 = arith.addi %get3A_1207, %broadcast_in_dim3A_2 : vector<16xi32>
        %add3A_1221 = arith.addi %get3A_1213, %broadcast_in_dim3A_2 : vector<16xi32>
        %gather3A_1222 = tpu.vector_load_idx %arg5[%add3A_1220] : memref<40960xi32, #tpu.memory_space<vmem>>[vector<16xi32>], vector<16xi32>,
        %bitcast3A_1223 = vector.bitcast %gather3A_1222 : vector<16xi32> to vector<32xbf16>
        %gather3A_1224 = tpu.vector_load_idx %arg5[%add3A_1221] : memref<40960xi32, #tpu.memory_space<vmem>>[vector<16xi32>], vector<16xi32>,
        %bitcast3A_1225 = vector.bitcast %gather3A_1224 : vector<16xi32> to vector<32xbf16>
        %sub3A_1226 = arith.subf %bitcast3A_1223, %bitcast3A_1225 : vector<32xbf16>
        %max3A_1227 = arith.maximumf %max3A_1185, %sub3A_1226 : vector<32xbf16>
        %add3A_1228 = arith.addi %get3A_1207, %broadcast_in_dim3A_4 : vector<16xi32>
        %add3A_1229 = arith.addi %get3A_1213, %broadcast_in_dim3A_4 : vector<16xi32>
        %gather3A_1230 = tpu.vector_load_idx %arg5[%add3A_1228] : memref<40960xi32, #tpu.memory_space<vmem>>[vector<16xi32>], vector<16xi32>,
        %bitcast3A_1231 = vector.bitcast %gather3A_1230 : vector<16xi32> to vector<32xbf16>
        %gather3A_1232 = tpu.vector_load_idx %arg5[%add3A_1229] : memref<40960xi32, #tpu.memory_space<vmem>>[vector<16xi32>], vector<16xi32>,
        %bitcast3A_1233 = vector.bitcast %gather3A_1232 : vector<16xi32> to vector<32xbf16>
        %sub3A_1234 = arith.subf %bitcast3A_1231, %bitcast3A_1233 : vector<32xbf16>
        %max3A_1235 = arith.maximumf %max3A_1193, %sub3A_1234 : vector<32xbf16>
        %add3A_1236 = arith.addi %get3A_1207, %broadcast_in_dim3A_6 : vector<16xi32>
        %add3A_1237 = arith.addi %get3A_1213, %broadcast_in_dim3A_6 : vector<16xi32>
        %gather3A_1238 = tpu.vector_load_idx %arg5[%add3A_1236] : memref<40960xi32, #tpu.memory_space<vmem>>[vector<16xi32>], vector<16xi32>,
        %bitcast3A_1239 = vector.bitcast %gather3A_1238 : vector<16xi32> to vector<32xbf16>
        %gather3A_1240 = tpu.vector_load_idx %arg5[%add3A_1237] : memref<40960xi32, #tpu.memory_space<vmem>>[vector<16xi32>], vector<16xi32>,
        %bitcast3A_1241 = vector.bitcast %gather3A_1240 : vector<16xi32> to vector<32xbf16>
        %sub3A_1242 = arith.subf %bitcast3A_1239, %bitcast3A_1241 : vector<32xbf16>
        %max3A_1243 = arith.maximumf %max3A_1201, %sub3A_1242 : vector<32xbf16>
        %get3A_1244 = arith.constant 0 : i32
        %get3A_1245 = arith.constant 27 : i32
        %get3A_1246 = arith.index_cast %get3A_1244 : i32 to index
        %get3A_1247 = arith.index_cast %get3A_1245 : i32 to index
        %get3A_1248 = arith.index_cast %mul3A_118 : i32 to index
        %get3A_1249 = tpu.vector_load %arg6[%get3A_1246, %get3A_1247, %get3A_1248] {strides = array<i32>} : memref<2x32x128xi32, #tpu.memory_space<vmem>>, vector<16xi32>,
        %get3A_1250 = arith.constant 1 : i32
        %get3A_1251 = arith.constant 27 : i32
        %get3A_1252 = arith.index_cast %get3A_1250 : i32 to index
        %get3A_1253 = arith.index_cast %get3A_1251 : i32 to index
        %get3A_1254 = arith.index_cast %mul3A_118 : i32 to index
        %get3A_1255 = tpu.vector_load %arg6[%get3A_1252, %get3A_1253, %get3A_1254] {strides = array<i32>} : memref<2x32x128xi32, #tpu.memory_space<vmem>>, vector<16xi32>,
        %gather3A_1256 = tpu.vector_load_idx %arg5[%get3A_1249] : memref<40960xi32, #tpu.memory_space<vmem>>[vector<16xi32>], vector<16xi32>,
        %bitcast3A_1257 = vector.bitcast %gather3A_1256 : vector<16xi32> to vector<32xbf16>
        %gather3A_1258 = tpu.vector_load_idx %arg5[%get3A_1255] : memref<40960xi32, #tpu.memory_space<vmem>>[vector<16xi32>], vector<16xi32>,
        %bitcast3A_1259 = vector.bitcast %gather3A_1258 : vector<16xi32> to vector<32xbf16>
        %sub3A_1260 = arith.subf %bitcast3A_1257, %bitcast3A_1259 : vector<32xbf16>
        %max3A_1261 = arith.maximumf %max3A_1219, %sub3A_1260 : vector<32xbf16>
        %add3A_1262 = arith.addi %get3A_1249, %broadcast_in_dim3A_2 : vector<16xi32>
        %add3A_1263 = arith.addi %get3A_1255, %broadcast_in_dim3A_2 : vector<16xi32>
        %gather3A_1264 = tpu.vector_load_idx %arg5[%add3A_1262] : memref<40960xi32, #tpu.memory_space<vmem>>[vector<16xi32>], vector<16xi32>,
        %bitcast3A_1265 = vector.bitcast %gather3A_1264 : vector<16xi32> to vector<32xbf16>
        %gather3A_1266 = tpu.vector_load_idx %arg5[%add3A_1263] : memref<40960xi32, #tpu.memory_space<vmem>>[vector<16xi32>], vector<16xi32>,
        %bitcast3A_1267 = vector.bitcast %gather3A_1266 : vector<16xi32> to vector<32xbf16>
        %sub3A_1268 = arith.subf %bitcast3A_1265, %bitcast3A_1267 : vector<32xbf16>
        %max3A_1269 = arith.maximumf %max3A_1227, %sub3A_1268 : vector<32xbf16>
        %add3A_1270 = arith.addi %get3A_1249, %broadcast_in_dim3A_4 : vector<16xi32>
        %add3A_1271 = arith.addi %get3A_1255, %broadcast_in_dim3A_4 : vector<16xi32>
        %gather3A_1272 = tpu.vector_load_idx %arg5[%add3A_1270] : memref<40960xi32, #tpu.memory_space<vmem>>[vector<16xi32>], vector<16xi32>,
        %bitcast3A_1273 = vector.bitcast %gather3A_1272 : vector<16xi32> to vector<32xbf16>
        %gather3A_1274 = tpu.vector_load_idx %arg5[%add3A_1271] : memref<40960xi32, #tpu.memory_space<vmem>>[vector<16xi32>], vector<16xi32>,
        %bitcast3A_1275 = vector.bitcast %gather3A_1274 : vector<16xi32> to vector<32xbf16>
        %sub3A_1276 = arith.subf %bitcast3A_1273, %bitcast3A_1275 : vector<32xbf16>
        %max3A_1277 = arith.maximumf %max3A_1235, %sub3A_1276 : vector<32xbf16>
        %add3A_1278 = arith.addi %get3A_1249, %broadcast_in_dim3A_6 : vector<16xi32>
        %add3A_1279 = arith.addi %get3A_1255, %broadcast_in_dim3A_6 : vector<16xi32>
        %gather3A_1280 = tpu.vector_load_idx %arg5[%add3A_1278] : memref<40960xi32, #tpu.memory_space<vmem>>[vector<16xi32>], vector<16xi32>,
        %bitcast3A_1281 = vector.bitcast %gather3A_1280 : vector<16xi32> to vector<32xbf16>
        %gather3A_1282 = tpu.vector_load_idx %arg5[%add3A_1279] : memref<40960xi32, #tpu.memory_space<vmem>>[vector<16xi32>], vector<16xi32>,
        %bitcast3A_1283 = vector.bitcast %gather3A_1282 : vector<16xi32> to vector<32xbf16>
        %sub3A_1284 = arith.subf %bitcast3A_1281, %bitcast3A_1283 : vector<32xbf16>
        %max3A_1285 = arith.maximumf %max3A_1243, %sub3A_1284 : vector<32xbf16>
        %get3A_1286 = arith.constant 0 : i32
        %get3A_1287 = arith.constant 28 : i32
        %get3A_1288 = arith.index_cast %get3A_1286 : i32 to index
        %get3A_1289 = arith.index_cast %get3A_1287 : i32 to index
        %get3A_1290 = arith.index_cast %mul3A_118 : i32 to index
        %get3A_1291 = tpu.vector_load %arg6[%get3A_1288, %get3A_1289, %get3A_1290] {strides = array<i32>} : memref<2x32x128xi32, #tpu.memory_space<vmem>>, vector<16xi32>,
        %get3A_1292 = arith.constant 1 : i32
        %get3A_1293 = arith.constant 28 : i32
        %get3A_1294 = arith.index_cast %get3A_1292 : i32 to index
        %get3A_1295 = arith.index_cast %get3A_1293 : i32 to index
        %get3A_1296 = arith.index_cast %mul3A_118 : i32 to index
        %get3A_1297 = tpu.vector_load %arg6[%get3A_1294, %get3A_1295, %get3A_1296] {strides = array<i32>} : memref<2x32x128xi32, #tpu.memory_space<vmem>>, vector<16xi32>,
        %gather3A_1298 = tpu.vector_load_idx %arg5[%get3A_1291] : memref<40960xi32, #tpu.memory_space<vmem>>[vector<16xi32>], vector<16xi32>,
        %bitcast3A_1299 = vector.bitcast %gather3A_1298 : vector<16xi32> to vector<32xbf16>
        %gather3A_1300 = tpu.vector_load_idx %arg5[%get3A_1297] : memref<40960xi32, #tpu.memory_space<vmem>>[vector<16xi32>], vector<16xi32>,
        %bitcast3A_1301 = vector.bitcast %gather3A_1300 : vector<16xi32> to vector<32xbf16>
        %sub3A_1302 = arith.subf %bitcast3A_1299, %bitcast3A_1301 : vector<32xbf16>
        %max3A_1303 = arith.maximumf %max3A_1261, %sub3A_1302 : vector<32xbf16>
        %add3A_1304 = arith.addi %get3A_1291, %broadcast_in_dim3A_2 : vector<16xi32>
        %add3A_1305 = arith.addi %get3A_1297, %broadcast_in_dim3A_2 : vector<16xi32>
        %gather3A_1306 = tpu.vector_load_idx %arg5[%add3A_1304] : memref<40960xi32, #tpu.memory_space<vmem>>[vector<16xi32>], vector<16xi32>,
        %bitcast3A_1307 = vector.bitcast %gather3A_1306 : vector<16xi32> to vector<32xbf16>
        %gather3A_1308 = tpu.vector_load_idx %arg5[%add3A_1305] : memref<40960xi32, #tpu.memory_space<vmem>>[vector<16xi32>], vector<16xi32>,
        %bitcast3A_1309 = vector.bitcast %gather3A_1308 : vector<16xi32> to vector<32xbf16>
        %sub3A_1310 = arith.subf %bitcast3A_1307, %bitcast3A_1309 : vector<32xbf16>
        %max3A_1311 = arith.maximumf %max3A_1269, %sub3A_1310 : vector<32xbf16>
        %add3A_1312 = arith.addi %get3A_1291, %broadcast_in_dim3A_4 : vector<16xi32>
        %add3A_1313 = arith.addi %get3A_1297, %broadcast_in_dim3A_4 : vector<16xi32>
        %gather3A_1314 = tpu.vector_load_idx %arg5[%add3A_1312] : memref<40960xi32, #tpu.memory_space<vmem>>[vector<16xi32>], vector<16xi32>,
        %bitcast3A_1315 = vector.bitcast %gather3A_1314 : vector<16xi32> to vector<32xbf16>
        %gather3A_1316 = tpu.vector_load_idx %arg5[%add3A_1313] : memref<40960xi32, #tpu.memory_space<vmem>>[vector<16xi32>], vector<16xi32>,
        %bitcast3A_1317 = vector.bitcast %gather3A_1316 : vector<16xi32> to vector<32xbf16>
        %sub3A_1318 = arith.subf %bitcast3A_1315, %bitcast3A_1317 : vector<32xbf16>
        %max3A_1319 = arith.maximumf %max3A_1277, %sub3A_1318 : vector<32xbf16>
        %add3A_1320 = arith.addi %get3A_1291, %broadcast_in_dim3A_6 : vector<16xi32>
        %add3A_1321 = arith.addi %get3A_1297, %broadcast_in_dim3A_6 : vector<16xi32>
        %gather3A_1322 = tpu.vector_load_idx %arg5[%add3A_1320] : memref<40960xi32, #tpu.memory_space<vmem>>[vector<16xi32>], vector<16xi32>,
        %bitcast3A_1323 = vector.bitcast %gather3A_1322 : vector<16xi32> to vector<32xbf16>
        %gather3A_1324 = tpu.vector_load_idx %arg5[%add3A_1321] : memref<40960xi32, #tpu.memory_space<vmem>>[vector<16xi32>], vector<16xi32>,
        %bitcast3A_1325 = vector.bitcast %gather3A_1324 : vector<16xi32> to vector<32xbf16>
        %sub3A_1326 = arith.subf %bitcast3A_1323, %bitcast3A_1325 : vector<32xbf16>
        %max3A_1327 = arith.maximumf %max3A_1285, %sub3A_1326 : vector<32xbf16>
        %get3A_1328 = arith.constant 0 : i32
        %get3A_1329 = arith.constant 29 : i32
        %get3A_1330 = arith.index_cast %get3A_1328 : i32 to index
        %get3A_1331 = arith.index_cast %get3A_1329 : i32 to index
        %get3A_1332 = arith.index_cast %mul3A_118 : i32 to index
        %get3A_1333 = tpu.vector_load %arg6[%get3A_1330, %get3A_1331, %get3A_1332] {strides = array<i32>} : memref<2x32x128xi32, #tpu.memory_space<vmem>>, vector<16xi32>,
        %get3A_1334 = arith.constant 1 : i32
        %get3A_1335 = arith.constant 29 : i32
        %get3A_1336 = arith.index_cast %get3A_1334 : i32 to index
        %get3A_1337 = arith.index_cast %get3A_1335 : i32 to index
        %get3A_1338 = arith.index_cast %mul3A_118 : i32 to index
        %get3A_1339 = tpu.vector_load %arg6[%get3A_1336, %get3A_1337, %get3A_1338] {strides = array<i32>} : memref<2x32x128xi32, #tpu.memory_space<vmem>>, vector<16xi32>,
        %gather3A_1340 = tpu.vector_load_idx %arg5[%get3A_1333] : memref<40960xi32, #tpu.memory_space<vmem>>[vector<16xi32>], vector<16xi32>,
        %bitcast3A_1341 = vector.bitcast %gather3A_1340 : vector<16xi32> to vector<32xbf16>
        %gather3A_1342 = tpu.vector_load_idx %arg5[%get3A_1339] : memref<40960xi32, #tpu.memory_space<vmem>>[vector<16xi32>], vector<16xi32>,
        %bitcast3A_1343 = vector.bitcast %gather3A_1342 : vector<16xi32> to vector<32xbf16>
        %sub3A_1344 = arith.subf %bitcast3A_1341, %bitcast3A_1343 : vector<32xbf16>
        %max3A_1345 = arith.maximumf %max3A_1303, %sub3A_1344 : vector<32xbf16>
        %add3A_1346 = arith.addi %get3A_1333, %broadcast_in_dim3A_2 : vector<16xi32>
        %add3A_1347 = arith.addi %get3A_1339, %broadcast_in_dim3A_2 : vector<16xi32>
        %gather3A_1348 = tpu.vector_load_idx %arg5[%add3A_1346] : memref<40960xi32, #tpu.memory_space<vmem>>[vector<16xi32>], vector<16xi32>,
        %bitcast3A_1349 = vector.bitcast %gather3A_1348 : vector<16xi32> to vector<32xbf16>
        %gather3A_1350 = tpu.vector_load_idx %arg5[%add3A_1347] : memref<40960xi32, #tpu.memory_space<vmem>>[vector<16xi32>], vector<16xi32>,
        %bitcast3A_1351 = vector.bitcast %gather3A_1350 : vector<16xi32> to vector<32xbf16>
        %sub3A_1352 = arith.subf %bitcast3A_1349, %bitcast3A_1351 : vector<32xbf16>
        %max3A_1353 = arith.maximumf %max3A_1311, %sub3A_1352 : vector<32xbf16>
        %add3A_1354 = arith.addi %get3A_1333, %broadcast_in_dim3A_4 : vector<16xi32>
        %add3A_1355 = arith.addi %get3A_1339, %broadcast_in_dim3A_4 : vector<16xi32>
        %gather3A_1356 = tpu.vector_load_idx %arg5[%add3A_1354] : memref<40960xi32, #tpu.memory_space<vmem>>[vector<16xi32>], vector<16xi32>,
        %bitcast3A_1357 = vector.bitcast %gather3A_1356 : vector<16xi32> to vector<32xbf16>
        %gather3A_1358 = tpu.vector_load_idx %arg5[%add3A_1355] : memref<40960xi32, #tpu.memory_space<vmem>>[vector<16xi32>], vector<16xi32>,
        %bitcast3A_1359 = vector.bitcast %gather3A_1358 : vector<16xi32> to vector<32xbf16>
        %sub3A_1360 = arith.subf %bitcast3A_1357, %bitcast3A_1359 : vector<32xbf16>
        %max3A_1361 = arith.maximumf %max3A_1319, %sub3A_1360 : vector<32xbf16>
        %add3A_1362 = arith.addi %get3A_1333, %broadcast_in_dim3A_6 : vector<16xi32>
        %add3A_1363 = arith.addi %get3A_1339, %broadcast_in_dim3A_6 : vector<16xi32>
        %gather3A_1364 = tpu.vector_load_idx %arg5[%add3A_1362] : memref<40960xi32, #tpu.memory_space<vmem>>[vector<16xi32>], vector<16xi32>,
        %bitcast3A_1365 = vector.bitcast %gather3A_1364 : vector<16xi32> to vector<32xbf16>
        %gather3A_1366 = tpu.vector_load_idx %arg5[%add3A_1363] : memref<40960xi32, #tpu.memory_space<vmem>>[vector<16xi32>], vector<16xi32>,
        %bitcast3A_1367 = vector.bitcast %gather3A_1366 : vector<16xi32> to vector<32xbf16>
        %sub3A_1368 = arith.subf %bitcast3A_1365, %bitcast3A_1367 : vector<32xbf16>
        %max3A_1369 = arith.maximumf %max3A_1327, %sub3A_1368 : vector<32xbf16>
        %get3A_1370 = arith.constant 0 : i32
        %get3A_1371 = arith.constant 30 : i32
        %get3A_1372 = arith.index_cast %get3A_1370 : i32 to index
        %get3A_1373 = arith.index_cast %get3A_1371 : i32 to index
        %get3A_1374 = arith.index_cast %mul3A_118 : i32 to index
        %get3A_1375 = tpu.vector_load %arg6[%get3A_1372, %get3A_1373, %get3A_1374] {strides = array<i32>} : memref<2x32x128xi32, #tpu.memory_space<vmem>>, vector<16xi32>,
        %get3A_1376 = arith.constant 1 : i32
        %get3A_1377 = arith.constant 30 : i32
        %get3A_1378 = arith.index_cast %get3A_1376 : i32 to index
        %get3A_1379 = arith.index_cast %get3A_1377 : i32 to index
        %get3A_1380 = arith.index_cast %mul3A_118 : i32 to index
        %get3A_1381 = tpu.vector_load %arg6[%get3A_1378, %get3A_1379, %get3A_1380] {strides = array<i32>} : memref<2x32x128xi32, #tpu.memory_space<vmem>>, vector<16xi32>,
        %gather3A_1382 = tpu.vector_load_idx %arg5[%get3A_1375] : memref<40960xi32, #tpu.memory_space<vmem>>[vector<16xi32>], vector<16xi32>,
        %bitcast3A_1383 = vector.bitcast %gather3A_1382 : vector<16xi32> to vector<32xbf16>
        %gather3A_1384 = tpu.vector_load_idx %arg5[%get3A_1381] : memref<40960xi32, #tpu.memory_space<vmem>>[vector<16xi32>], vector<16xi32>,
        %bitcast3A_1385 = vector.bitcast %gather3A_1384 : vector<16xi32> to vector<32xbf16>
        %sub3A_1386 = arith.subf %bitcast3A_1383, %bitcast3A_1385 : vector<32xbf16>
        %max3A_1387 = arith.maximumf %max3A_1345, %sub3A_1386 : vector<32xbf16>
        %add3A_1388 = arith.addi %get3A_1375, %broadcast_in_dim3A_2 : vector<16xi32>
        %add3A_1389 = arith.addi %get3A_1381, %broadcast_in_dim3A_2 : vector<16xi32>
        %gather3A_1390 = tpu.vector_load_idx %arg5[%add3A_1388] : memref<40960xi32, #tpu.memory_space<vmem>>[vector<16xi32>], vector<16xi32>,
        %bitcast3A_1391 = vector.bitcast %gather3A_1390 : vector<16xi32> to vector<32xbf16>
        %gather3A_1392 = tpu.vector_load_idx %arg5[%add3A_1389] : memref<40960xi32, #tpu.memory_space<vmem>>[vector<16xi32>], vector<16xi32>,
        %bitcast3A_1393 = vector.bitcast %gather3A_1392 : vector<16xi32> to vector<32xbf16>
        %sub3A_1394 = arith.subf %bitcast3A_1391, %bitcast3A_1393 : vector<32xbf16>
        %max3A_1395 = arith.maximumf %max3A_1353, %sub3A_1394 : vector<32xbf16>
        %add3A_1396 = arith.addi %get3A_1375, %broadcast_in_dim3A_4 : vector<16xi32>
        %add3A_1397 = arith.addi %get3A_1381, %broadcast_in_dim3A_4 : vector<16xi32>
        %gather3A_1398 = tpu.vector_load_idx %arg5[%add3A_1396] : memref<40960xi32, #tpu.memory_space<vmem>>[vector<16xi32>], vector<16xi32>,
        %bitcast3A_1399 = vector.bitcast %gather3A_1398 : vector<16xi32> to vector<32xbf16>
        %gather3A_1400 = tpu.vector_load_idx %arg5[%add3A_1397] : memref<40960xi32, #tpu.memory_space<vmem>>[vector<16xi32>], vector<16xi32>,
        %bitcast3A_1401 = vector.bitcast %gather3A_1400 : vector<16xi32> to vector<32xbf16>
        %sub3A_1402 = arith.subf %bitcast3A_1399, %bitcast3A_1401 : vector<32xbf16>
        %max3A_1403 = arith.maximumf %max3A_1361, %sub3A_1402 : vector<32xbf16>
        %add3A_1404 = arith.addi %get3A_1375, %broadcast_in_dim3A_6 : vector<16xi32>
        %add3A_1405 = arith.addi %get3A_1381, %broadcast_in_dim3A_6 : vector<16xi32>
        %gather3A_1406 = tpu.vector_load_idx %arg5[%add3A_1404] : memref<40960xi32, #tpu.memory_space<vmem>>[vector<16xi32>], vector<16xi32>,
        %bitcast3A_1407 = vector.bitcast %gather3A_1406 : vector<16xi32> to vector<32xbf16>
        %gather3A_1408 = tpu.vector_load_idx %arg5[%add3A_1405] : memref<40960xi32, #tpu.memory_space<vmem>>[vector<16xi32>], vector<16xi32>,
        %bitcast3A_1409 = vector.bitcast %gather3A_1408 : vector<16xi32> to vector<32xbf16>
        %sub3A_1410 = arith.subf %bitcast3A_1407, %bitcast3A_1409 : vector<32xbf16>
        %max3A_1411 = arith.maximumf %max3A_1369, %sub3A_1410 : vector<32xbf16>
        %get3A_1412 = arith.constant 0 : i32
        %get3A_1413 = arith.constant 31 : i32
        %get3A_1414 = arith.index_cast %get3A_1412 : i32 to index
        %get3A_1415 = arith.index_cast %get3A_1413 : i32 to index
        %get3A_1416 = arith.index_cast %mul3A_118 : i32 to index
        %get3A_1417 = tpu.vector_load %arg6[%get3A_1414, %get3A_1415, %get3A_1416] {strides = array<i32>} : memref<2x32x128xi32, #tpu.memory_space<vmem>>, vector<16xi32>,
        %get3A_1418 = arith.constant 1 : i32
        %get3A_1419 = arith.constant 31 : i32
        %get3A_1420 = arith.index_cast %get3A_1418 : i32 to index
        %get3A_1421 = arith.index_cast %get3A_1419 : i32 to index
        %get3A_1422 = arith.index_cast %mul3A_118 : i32 to index
        %get3A_1423 = tpu.vector_load %arg6[%get3A_1420, %get3A_1421, %get3A_1422] {strides = array<i32>} : memref<2x32x128xi32, #tpu.memory_space<vmem>>, vector<16xi32>,
        %gather3A_1424 = tpu.vector_load_idx %arg5[%get3A_1417] : memref<40960xi32, #tpu.memory_space<vmem>>[vector<16xi32>], vector<16xi32>,
        %bitcast3A_1425 = vector.bitcast %gather3A_1424 : vector<16xi32> to vector<32xbf16>
        %gather3A_1426 = tpu.vector_load_idx %arg5[%get3A_1423] : memref<40960xi32, #tpu.memory_space<vmem>>[vector<16xi32>], vector<16xi32>,
        %bitcast3A_1427 = vector.bitcast %gather3A_1426 : vector<16xi32> to vector<32xbf16>
        %sub3A_1428 = arith.subf %bitcast3A_1425, %bitcast3A_1427 : vector<32xbf16>
        %max3A_1429 = arith.maximumf %max3A_1387, %sub3A_1428 : vector<32xbf16>
        %add3A_1430 = arith.addi %get3A_1417, %broadcast_in_dim3A_2 : vector<16xi32>
        %add3A_1431 = arith.addi %get3A_1423, %broadcast_in_dim3A_2 : vector<16xi32>
        %gather3A_1432 = tpu.vector_load_idx %arg5[%add3A_1430] : memref<40960xi32, #tpu.memory_space<vmem>>[vector<16xi32>], vector<16xi32>,
        %bitcast3A_1433 = vector.bitcast %gather3A_1432 : vector<16xi32> to vector<32xbf16>
        %gather3A_1434 = tpu.vector_load_idx %arg5[%add3A_1431] : memref<40960xi32, #tpu.memory_space<vmem>>[vector<16xi32>], vector<16xi32>,
        %bitcast3A_1435 = vector.bitcast %gather3A_1434 : vector<16xi32> to vector<32xbf16>
        %sub3A_1436 = arith.subf %bitcast3A_1433, %bitcast3A_1435 : vector<32xbf16>
        %max3A_1437 = arith.maximumf %max3A_1395, %sub3A_1436 : vector<32xbf16>
        %add3A_1438 = arith.addi %get3A_1417, %broadcast_in_dim3A_4 : vector<16xi32>
        %add3A_1439 = arith.addi %get3A_1423, %broadcast_in_dim3A_4 : vector<16xi32>
        %gather3A_1440 = tpu.vector_load_idx %arg5[%add3A_1438] : memref<40960xi32, #tpu.memory_space<vmem>>[vector<16xi32>], vector<16xi32>,
        %bitcast3A_1441 = vector.bitcast %gather3A_1440 : vector<16xi32> to vector<32xbf16>
        %gather3A_1442 = tpu.vector_load_idx %arg5[%add3A_1439] : memref<40960xi32, #tpu.memory_space<vmem>>[vector<16xi32>], vector<16xi32>,
        %bitcast3A_1443 = vector.bitcast %gather3A_1442 : vector<16xi32> to vector<32xbf16>
        %sub3A_1444 = arith.subf %bitcast3A_1441, %bitcast3A_1443 : vector<32xbf16>
        %max3A_1445 = arith.maximumf %max3A_1403, %sub3A_1444 : vector<32xbf16>
        %add3A_1446 = arith.addi %get3A_1417, %broadcast_in_dim3A_6 : vector<16xi32>
        %add3A_1447 = arith.addi %get3A_1423, %broadcast_in_dim3A_6 : vector<16xi32>
        %gather3A_1448 = tpu.vector_load_idx %arg5[%add3A_1446] : memref<40960xi32, #tpu.memory_space<vmem>>[vector<16xi32>], vector<16xi32>,
        %bitcast3A_1449 = vector.bitcast %gather3A_1448 : vector<16xi32> to vector<32xbf16>
        %gather3A_1450 = tpu.vector_load_idx %arg5[%add3A_1447] : memref<40960xi32, #tpu.memory_space<vmem>>[vector<16xi32>], vector<16xi32>,
        %bitcast3A_1451 = vector.bitcast %gather3A_1450 : vector<16xi32> to vector<32xbf16>
        %sub3A_1452 = arith.subf %bitcast3A_1449, %bitcast3A_1451 : vector<32xbf16>
        %max3A_1453 = arith.maximumf %max3A_1411, %sub3A_1452 : vector<32xbf16>
        %bitcast3A_1454 = vector.bitcast %max3A_1429 : vector<32xbf16> to vector<16xi32>
        %swap3A = arith.constant 0 : i32
        %swap3A_1455 = arith.index_cast %swap3A : i32 to index
        %swap3A_1456 = arith.index_cast %mul3A_118 : i32 to index
        %swap3A_1457 = tpu.vector_load %arg8[%swap3A_1455, %swap3A_1456] {strides = array<i32>} : memref<4x128xi32, #tpu.memory_space<vmem>>, vector<16xi32>,
        tpu.vector_store %arg8[%swap3A_1455, %swap3A_1456], %bitcast3A_1454 {strides = array<i32>} : memref<4x128xi32, #tpu.memory_space<vmem>>, vector<16xi32>,
        %bitcast3A_1458 = vector.bitcast %max3A_1437 : vector<32xbf16> to vector<16xi32>
        %swap3A_1459 = arith.constant 1 : i32
        %swap3A_1460 = arith.index_cast %swap3A_1459 : i32 to index
        %swap3A_1461 = arith.index_cast %mul3A_118 : i32 to index
        %swap3A_1462 = tpu.vector_load %arg8[%swap3A_1460, %swap3A_1461] {strides = array<i32>} : memref<4x128xi32, #tpu.memory_space<vmem>>, vector<16xi32>,
        tpu.vector_store %arg8[%swap3A_1460, %swap3A_1461], %bitcast3A_1458 {strides = array<i32>} : memref<4x128xi32, #tpu.memory_space<vmem>>, vector<16xi32>,
        %bitcast3A_1463 = vector.bitcast %max3A_1445 : vector<32xbf16> to vector<16xi32>
        %swap3A_1464 = arith.constant 2 : i32
        %swap3A_1465 = arith.index_cast %swap3A_1464 : i32 to index
        %swap3A_1466 = arith.index_cast %mul3A_118 : i32 to index
        %swap3A_1467 = tpu.vector_load %arg8[%swap3A_1465, %swap3A_1466] {strides = array<i32>} : memref<4x128xi32, #tpu.memory_space<vmem>>, vector<16xi32>,
        tpu.vector_store %arg8[%swap3A_1465, %swap3A_1466], %bitcast3A_1463 {strides = array<i32>} : memref<4x128xi32, #tpu.memory_space<vmem>>, vector<16xi32>,
        %bitcast3A_1468 = vector.bitcast %max3A_1453 : vector<32xbf16> to vector<16xi32>
        %swap3A_1469 = arith.constant 3 : i32
        %swap3A_1470 = arith.index_cast %swap3A_1469 : i32 to index
        %swap3A_1471 = arith.index_cast %mul3A_118 : i32 to index
        %swap3A_1472 = tpu.vector_load %arg8[%swap3A_1470, %swap3A_1471] {strides = array<i32>} : memref<4x128xi32, #tpu.memory_space<vmem>>, vector<16xi32>,
        tpu.vector_store %arg8[%swap3A_1470, %swap3A_1471], %bitcast3A_1468 {strides = array<i32>} : memref<4x128xi32, #tpu.memory_space<vmem>>, vector<16xi32>,
      }
      %scan3A_66 = arith.constant 8 : i32
      %dma_start3A_67 = arith.constant 0 : i32
      %dma_start3A_68 = arith.constant 0 : i32
      %dma_start3A_69 = tpu.memref_slice %arg4[%arg1, %dma_start3A_67, %arg0, %add3A_41, %dma_start3A_68] : memref<16x4x2x40x128xi32, #tpu.memory_space<hbm>> -> memref<1x4x1x1x128xi32, #tpu.memory_space<hbm>>
      %dma_start3A_70 = tpu.memref_squeeze %dma_start3A_69 : memref<1x4x1x1x128xi32, #tpu.memory_space<hbm>> -> memref<4x128xi32, #tpu.memory_space<hbm>>
      %dma_start3A_71 = arith.constant 0 : i32
      %dma_start3A_72 = arith.constant 0 : i32
      %dma_start3A_73 = tpu.memref_slice %arg4[%arg1, %dma_start3A_71, %arg0, %add3A_41, %dma_start3A_72] : memref<16x4x2x40x128xi32, #tpu.memory_space<hbm>> -> memref<1x4x1x1x128xi32, #tpu.memory_space<hbm>>
      %dma_start3A_74 = tpu.memref_squeeze %dma_start3A_73 : memref<1x4x1x1x128xi32, #tpu.memory_space<hbm>> -> memref<4x128xi32, #tpu.memory_space<hbm>>
      tpu.enqueue_dma source(%arg8 : memref<4x128xi32, #tpu.memory_space<vmem>>) target(%dma_start3A_74 : memref<4x128xi32, #tpu.memory_space<hbm>>) target_semaphore(%arg12 : memref<!tpu.dma_semaphore, #tpu.memory_space<semaphore_mem>>)
      %mul3A_75 = arith.constant 2 : i32
      %mul3A_76 = arith.muli %mul3A_75, %scan3A_39 : i32
      %add3A_77 = arith.constant 1 : i32
      %add3A_78 = arith.addi %mul3A_76, %add3A_77 : i32
      %dma_wait3A_79 = arith.constant 0 : i32
      %dma_wait3A_80 = arith.constant 0 : i32
      %dma_wait3A_81 = arith.constant 0 : i32
      %dma_wait3A_82 = arith.constant 0 : i32
      %dma_wait3A_83 = tpu.memref_slice %arg3[%arg0, %dma_wait3A_79, %dma_wait3A_80, %dma_wait3A_81, %dma_wait3A_82] : memref<2x40x2x32x128xi32, #tpu.memory_space<hbm>> -> memref<1x1x2x32x128xi32, #tpu.memory_space<hbm>>
      %dma_wait3A_84 = tpu.memref_squeeze %dma_wait3A_83 : memref<1x1x2x32x128xi32, #tpu.memory_space<hbm>> -> memref<2x32x128xi32, #tpu.memory_space<hbm>>
      %dma_wait3A_85 = arith.constant 0 : i32
      %dma_wait3A_86 = arith.constant 0 : i32
      %dma_wait3A_87 = arith.constant 0 : i32
      %dma_wait3A_88 = tpu.memref_slice %arg3[%arg0, %dma_wait3A_79, %dma_wait3A_85, %dma_wait3A_86, %dma_wait3A_87] : memref<2x40x2x32x128xi32, #tpu.memory_space<hbm>> -> memref<1x1x2x32x128xi32, #tpu.memory_space<hbm>>
      %dma_wait3A_89 = tpu.memref_squeeze %dma_wait3A_88 : memref<1x1x2x32x128xi32, #tpu.memory_space<hbm>> -> memref<2x32x128xi32, #tpu.memory_space<hbm>>
      tpu.wait_dma2 semaphore(%arg11 : memref<!tpu.dma_semaphore, #tpu.memory_space<semaphore_mem>>) src(%dma_wait3A_89 : memref<2x32x128xi32, #tpu.memory_space<hbm>>) dst(%arg7 : memref<2x32x128xi32, #tpu.memory_space<vmem>>)
      %add3A_90 = arith.constant 1 : i32
      %add3A_91 = arith.addi %add3A_78, %add3A_90 : i32
      %lt3A_92 = arith.constant 40 : i32
      %lt3A_93 = arith.cmpi slt, %add3A_91, %lt3A_92 : i32
      %convert_element_type3A_94 = arith.extui %lt3A_93 : i1 to i32
      %cond3A_95 = arith.constant 0 : i32
      %cond3A_96 = arith.cmpi ne, %convert_element_type3A_94, %cond3A_95 : i32
      scf.if %cond3A_96 {
        %add3A_116 = arith.constant 1 : i32
        %add3A_117 = arith.addi %add3A_78, %add3A_116 : i32
        %dma_start3A_118 = arith.constant 0 : i32
        %dma_start3A_119 = arith.constant 0 : i32
        %dma_start3A_120 = arith.constant 0 : i32
        %dma_start3A_121 = tpu.memref_slice %arg3[%arg0, %add3A_117, %dma_start3A_118, %dma_start3A_119, %dma_start3A_120] : memref<2x40x2x32x128xi32, #tpu.memory_space<hbm>> -> memref<1x1x2x32x128xi32, #tpu.memory_space<hbm>>
        %dma_start3A_122 = tpu.memref_squeeze %dma_start3A_121 : memref<1x1x2x32x128xi32, #tpu.memory_space<hbm>> -> memref<2x32x128xi32, #tpu.memory_space<hbm>>
        %dma_start3A_123 = arith.constant 0 : i32
        %dma_start3A_124 = arith.constant 0 : i32
        %dma_start3A_125 = arith.constant 0 : i32
        %dma_start3A_126 = tpu.memref_slice %arg3[%arg0, %add3A_117, %dma_start3A_123, %dma_start3A_124, %dma_start3A_125] : memref<2x40x2x32x128xi32, #tpu.memory_space<hbm>> -> memref<1x1x2x32x128xi32, #tpu.memory_space<hbm>>
        %dma_start3A_127 = tpu.memref_squeeze %dma_start3A_126 : memref<1x1x2x32x128xi32, #tpu.memory_space<hbm>> -> memref<2x32x128xi32, #tpu.memory_space<hbm>>
        tpu.enqueue_dma source(%dma_start3A_127 : memref<2x32x128xi32, #tpu.memory_space<hbm>>) target(%arg6 : memref<2x32x128xi32, #tpu.memory_space<vmem>>) target_semaphore(%arg10 : memref<!tpu.dma_semaphore, #tpu.memory_space<semaphore_mem>>)
      } else {
      }
      %ge3A_97 = arith.constant 1 : i32
      %ge3A_98 = arith.cmpi sge, %scan3A_39, %ge3A_97 : i32
      %convert_element_type3A_99 = arith.extui %ge3A_98 : i1 to i32
      %cond3A_100 = arith.constant 0 : i32
      %cond3A_101 = arith.cmpi ne, %convert_element_type3A_99, %cond3A_100 : i32
      scf.if %cond3A_101 {
        %dma_wait3A_116 = arith.constant 0 : i32
        %dma_wait3A_117 = arith.constant 0 : i32
        %dma_wait3A_118 = arith.constant 0 : i32
        %dma_wait3A_119 = tpu.memref_slice %arg4[%arg1, %dma_wait3A_117, %arg0, %dma_wait3A_116, %dma_wait3A_118] : memref<16x4x2x40x128xi32, #tpu.memory_space<hbm>> -> memref<1x4x1x1x128xi32, #tpu.memory_space<hbm>>
        %dma_wait3A_120 = tpu.memref_squeeze %dma_wait3A_119 : memref<1x4x1x1x128xi32, #tpu.memory_space<hbm>> -> memref<4x128xi32, #tpu.memory_space<hbm>>
        %dma_wait3A_121 = arith.constant 0 : i32
        %dma_wait3A_122 = arith.constant 0 : i32
        %dma_wait3A_123 = tpu.memref_slice %arg4[%arg1, %dma_wait3A_121, %arg0, %dma_wait3A_116, %dma_wait3A_122] : memref<16x4x2x40x128xi32, #tpu.memory_space<hbm>> -> memref<1x4x1x1x128xi32, #tpu.memory_space<hbm>>
        %dma_wait3A_124 = tpu.memref_squeeze %dma_wait3A_123 : memref<1x4x1x1x128xi32, #tpu.memory_space<hbm>> -> memref<4x128xi32, #tpu.memory_space<hbm>>
        tpu.wait_dma2 semaphore(%arg13 : memref<!tpu.dma_semaphore, #tpu.memory_space<semaphore_mem>>) src(%arg9 : memref<4x128xi32, #tpu.memory_space<vmem>>) dst(%dma_wait3A_124 : memref<4x128xi32, #tpu.memory_space<hbm>>)
      } else {
      }
      %scan3A_102 = arith.constant 0 : i32
      %scan3A_103 = arith.constant 0 : i32
      %scan3A_104 = arith.constant 8 : i32
      %scan3A_105 = arith.addi %scan3A_103, %scan3A_104 : i32
      %scan3A_106 = arith.constant 1 : i32
      scf.for %scan3A_116 = %scan3A_103 to %scan3A_105 step %scan3A_106  : i32 {
        %mul3A_117 = arith.constant 16 : i32
        %mul3A_118 = arith.muli %scan3A_116, %mul3A_117 : i32
        %get3A = arith.constant 0 : i32
        %get3A_119 = arith.constant 0 : i32
        %get3A_120 = arith.index_cast %get3A : i32 to index
        %get3A_121 = arith.index_cast %get3A_119 : i32 to index
        %get3A_122 = arith.index_cast %mul3A_118 : i32 to index
        %get3A_123 = tpu.vector_load %arg7[%get3A_120, %get3A_121, %get3A_122] {strides = array<i32>} : memref<2x32x128xi32, #tpu.memory_space<vmem>>, vector<16xi32>,
        %get3A_124 = arith.constant 1 : i32
        %get3A_125 = arith.constant 0 : i32
        %get3A_126 = arith.index_cast %get3A_124 : i32 to index
        %get3A_127 = arith.index_cast %get3A_125 : i32 to index
        %get3A_128 = arith.index_cast %mul3A_118 : i32 to index
        %get3A_129 = tpu.vector_load %arg7[%get3A_126, %get3A_127, %get3A_128] {strides = array<i32>} : memref<2x32x128xi32, #tpu.memory_space<vmem>>, vector<16xi32>,
        %gather3A = tpu.vector_load_idx %arg5[%get3A_123] : memref<40960xi32, #tpu.memory_space<vmem>>[vector<16xi32>], vector<16xi32>,
        %bitcast3A = vector.bitcast %gather3A : vector<16xi32> to vector<32xbf16>
        %gather3A_130 = tpu.vector_load_idx %arg5[%get3A_129] : memref<40960xi32, #tpu.memory_space<vmem>>[vector<16xi32>], vector<16xi32>,
        %bitcast3A_131 = vector.bitcast %gather3A_130 : vector<16xi32> to vector<32xbf16>
        %sub3A = arith.subf %bitcast3A, %bitcast3A_131 : vector<32xbf16>
        %add3A_132 = arith.addi %get3A_123, %broadcast_in_dim3A_2 : vector<16xi32>
        %add3A_133 = arith.addi %get3A_129, %broadcast_in_dim3A_2 : vector<16xi32>
        %gather3A_134 = tpu.vector_load_idx %arg5[%add3A_132] : memref<40960xi32, #tpu.memory_space<vmem>>[vector<16xi32>], vector<16xi32>,
        %bitcast3A_135 = vector.bitcast %gather3A_134 : vector<16xi32> to vector<32xbf16>
        %gather3A_136 = tpu.vector_load_idx %arg5[%add3A_133] : memref<40960xi32, #tpu.memory_space<vmem>>[vector<16xi32>], vector<16xi32>,
        %bitcast3A_137 = vector.bitcast %gather3A_136 : vector<16xi32> to vector<32xbf16>
        %sub3A_138 = arith.subf %bitcast3A_135, %bitcast3A_137 : vector<32xbf16>
        %add3A_139 = arith.addi %get3A_123, %broadcast_in_dim3A_4 : vector<16xi32>
        %add3A_140 = arith.addi %get3A_129, %broadcast_in_dim3A_4 : vector<16xi32>
        %gather3A_141 = tpu.vector_load_idx %arg5[%add3A_139] : memref<40960xi32, #tpu.memory_space<vmem>>[vector<16xi32>], vector<16xi32>,
        %bitcast3A_142 = vector.bitcast %gather3A_141 : vector<16xi32> to vector<32xbf16>
        %gather3A_143 = tpu.vector_load_idx %arg5[%add3A_140] : memref<40960xi32, #tpu.memory_space<vmem>>[vector<16xi32>], vector<16xi32>,
        %bitcast3A_144 = vector.bitcast %gather3A_143 : vector<16xi32> to vector<32xbf16>
        %sub3A_145 = arith.subf %bitcast3A_142, %bitcast3A_144 : vector<32xbf16>
        %add3A_146 = arith.addi %get3A_123, %broadcast_in_dim3A_6 : vector<16xi32>
        %add3A_147 = arith.addi %get3A_129, %broadcast_in_dim3A_6 : vector<16xi32>
        %gather3A_148 = tpu.vector_load_idx %arg5[%add3A_146] : memref<40960xi32, #tpu.memory_space<vmem>>[vector<16xi32>], vector<16xi32>,
        %bitcast3A_149 = vector.bitcast %gather3A_148 : vector<16xi32> to vector<32xbf16>
        %gather3A_150 = tpu.vector_load_idx %arg5[%add3A_147] : memref<40960xi32, #tpu.memory_space<vmem>>[vector<16xi32>], vector<16xi32>,
        %bitcast3A_151 = vector.bitcast %gather3A_150 : vector<16xi32> to vector<32xbf16>
        %sub3A_152 = arith.subf %bitcast3A_149, %bitcast3A_151 : vector<32xbf16>
        %get3A_153 = arith.constant 0 : i32
        %get3A_154 = arith.constant 1 : i32
        %get3A_155 = arith.index_cast %get3A_153 : i32 to index
        %get3A_156 = arith.index_cast %get3A_154 : i32 to index
        %get3A_157 = arith.index_cast %mul3A_118 : i32 to index
        %get3A_158 = tpu.vector_load %arg7[%get3A_155, %get3A_156, %get3A_157] {strides = array<i32>} : memref<2x32x128xi32, #tpu.memory_space<vmem>>, vector<16xi32>,
        %get3A_159 = arith.constant 1 : i32
        %get3A_160 = arith.constant 1 : i32
        %get3A_161 = arith.index_cast %get3A_159 : i32 to index
        %get3A_162 = arith.index_cast %get3A_160 : i32 to index
        %get3A_163 = arith.index_cast %mul3A_118 : i32 to index
        %get3A_164 = tpu.vector_load %arg7[%get3A_161, %get3A_162, %get3A_163] {strides = array<i32>} : memref<2x32x128xi32, #tpu.memory_space<vmem>>, vector<16xi32>,
        %gather3A_165 = tpu.vector_load_idx %arg5[%get3A_158] : memref<40960xi32, #tpu.memory_space<vmem>>[vector<16xi32>], vector<16xi32>,
        %bitcast3A_166 = vector.bitcast %gather3A_165 : vector<16xi32> to vector<32xbf16>
        %gather3A_167 = tpu.vector_load_idx %arg5[%get3A_164] : memref<40960xi32, #tpu.memory_space<vmem>>[vector<16xi32>], vector<16xi32>,
        %bitcast3A_168 = vector.bitcast %gather3A_167 : vector<16xi32> to vector<32xbf16>
        %sub3A_169 = arith.subf %bitcast3A_166, %bitcast3A_168 : vector<32xbf16>
        %max3A = arith.maximumf %sub3A, %sub3A_169 : vector<32xbf16>
        %add3A_170 = arith.addi %get3A_158, %broadcast_in_dim3A_2 : vector<16xi32>
        %add3A_171 = arith.addi %get3A_164, %broadcast_in_dim3A_2 : vector<16xi32>
        %gather3A_172 = tpu.vector_load_idx %arg5[%add3A_170] : memref<40960xi32, #tpu.memory_space<vmem>>[vector<16xi32>], vector<16xi32>,
        %bitcast3A_173 = vector.bitcast %gather3A_172 : vector<16xi32> to vector<32xbf16>
        %gather3A_174 = tpu.vector_load_idx %arg5[%add3A_171] : memref<40960xi32, #tpu.memory_space<vmem>>[vector<16xi32>], vector<16xi32>,
        %bitcast3A_175 = vector.bitcast %gather3A_174 : vector<16xi32> to vector<32xbf16>
        %sub3A_176 = arith.subf %bitcast3A_173, %bitcast3A_175 : vector<32xbf16>
        %max3A_177 = arith.maximumf %sub3A_138, %sub3A_176 : vector<32xbf16>
        %add3A_178 = arith.addi %get3A_158, %broadcast_in_dim3A_4 : vector<16xi32>
        %add3A_179 = arith.addi %get3A_164, %broadcast_in_dim3A_4 : vector<16xi32>
        %gather3A_180 = tpu.vector_load_idx %arg5[%add3A_178] : memref<40960xi32, #tpu.memory_space<vmem>>[vector<16xi32>], vector<16xi32>,
        %bitcast3A_181 = vector.bitcast %gather3A_180 : vector<16xi32> to vector<32xbf16>
        %gather3A_182 = tpu.vector_load_idx %arg5[%add3A_179] : memref<40960xi32, #tpu.memory_space<vmem>>[vector<16xi32>], vector<16xi32>,
        %bitcast3A_183 = vector.bitcast %gather3A_182 : vector<16xi32> to vector<32xbf16>
        %sub3A_184 = arith.subf %bitcast3A_181, %bitcast3A_183 : vector<32xbf16>
        %max3A_185 = arith.maximumf %sub3A_145, %sub3A_184 : vector<32xbf16>
        %add3A_186 = arith.addi %get3A_158, %broadcast_in_dim3A_6 : vector<16xi32>
        %add3A_187 = arith.addi %get3A_164, %broadcast_in_dim3A_6 : vector<16xi32>
        %gather3A_188 = tpu.vector_load_idx %arg5[%add3A_186] : memref<40960xi32, #tpu.memory_space<vmem>>[vector<16xi32>], vector<16xi32>,
        %bitcast3A_189 = vector.bitcast %gather3A_188 : vector<16xi32> to vector<32xbf16>
        %gather3A_190 = tpu.vector_load_idx %arg5[%add3A_187] : memref<40960xi32, #tpu.memory_space<vmem>>[vector<16xi32>], vector<16xi32>,
        %bitcast3A_191 = vector.bitcast %gather3A_190 : vector<16xi32> to vector<32xbf16>
        %sub3A_192 = arith.subf %bitcast3A_189, %bitcast3A_191 : vector<32xbf16>
        %max3A_193 = arith.maximumf %sub3A_152, %sub3A_192 : vector<32xbf16>
        %get3A_194 = arith.constant 0 : i32
        %get3A_195 = arith.constant 2 : i32
        %get3A_196 = arith.index_cast %get3A_194 : i32 to index
        %get3A_197 = arith.index_cast %get3A_195 : i32 to index
        %get3A_198 = arith.index_cast %mul3A_118 : i32 to index
        %get3A_199 = tpu.vector_load %arg7[%get3A_196, %get3A_197, %get3A_198] {strides = array<i32>} : memref<2x32x128xi32, #tpu.memory_space<vmem>>, vector<16xi32>,
        %get3A_200 = arith.constant 1 : i32
        %get3A_201 = arith.constant 2 : i32
        %get3A_202 = arith.index_cast %get3A_200 : i32 to index
        %get3A_203 = arith.index_cast %get3A_201 : i32 to index
        %get3A_204 = arith.index_cast %mul3A_118 : i32 to index
        %get3A_205 = tpu.vector_load %arg7[%get3A_202, %get3A_203, %get3A_204] {strides = array<i32>} : memref<2x32x128xi32, #tpu.memory_space<vmem>>, vector<16xi32>,
        %gather3A_206 = tpu.vector_load_idx %arg5[%get3A_199] : memref<40960xi32, #tpu.memory_space<vmem>>[vector<16xi32>], vector<16xi32>,
        %bitcast3A_207 = vector.bitcast %gather3A_206 : vector<16xi32> to vector<32xbf16>
        %gather3A_208 = tpu.vector_load_idx %arg5[%get3A_205] : memref<40960xi32, #tpu.memory_space<vmem>>[vector<16xi32>], vector<16xi32>,
        %bitcast3A_209 = vector.bitcast %gather3A_208 : vector<16xi32> to vector<32xbf16>
        %sub3A_210 = arith.subf %bitcast3A_207, %bitcast3A_209 : vector<32xbf16>
        %max3A_211 = arith.maximumf %max3A, %sub3A_210 : vector<32xbf16>
        %add3A_212 = arith.addi %get3A_199, %broadcast_in_dim3A_2 : vector<16xi32>
        %add3A_213 = arith.addi %get3A_205, %broadcast_in_dim3A_2 : vector<16xi32>
        %gather3A_214 = tpu.vector_load_idx %arg5[%add3A_212] : memref<40960xi32, #tpu.memory_space<vmem>>[vector<16xi32>], vector<16xi32>,
        %bitcast3A_215 = vector.bitcast %gather3A_214 : vector<16xi32> to vector<32xbf16>
        %gather3A_216 = tpu.vector_load_idx %arg5[%add3A_213] : memref<40960xi32, #tpu.memory_space<vmem>>[vector<16xi32>], vector<16xi32>,
        %bitcast3A_217 = vector.bitcast %gather3A_216 : vector<16xi32> to vector<32xbf16>
        %sub3A_218 = arith.subf %bitcast3A_215, %bitcast3A_217 : vector<32xbf16>
        %max3A_219 = arith.maximumf %max3A_177, %sub3A_218 : vector<32xbf16>
        %add3A_220 = arith.addi %get3A_199, %broadcast_in_dim3A_4 : vector<16xi32>
        %add3A_221 = arith.addi %get3A_205, %broadcast_in_dim3A_4 : vector<16xi32>
        %gather3A_222 = tpu.vector_load_idx %arg5[%add3A_220] : memref<40960xi32, #tpu.memory_space<vmem>>[vector<16xi32>], vector<16xi32>,
        %bitcast3A_223 = vector.bitcast %gather3A_222 : vector<16xi32> to vector<32xbf16>
        %gather3A_224 = tpu.vector_load_idx %arg5[%add3A_221] : memref<40960xi32, #tpu.memory_space<vmem>>[vector<16xi32>], vector<16xi32>,
        %bitcast3A_225 = vector.bitcast %gather3A_224 : vector<16xi32> to vector<32xbf16>
        %sub3A_226 = arith.subf %bitcast3A_223, %bitcast3A_225 : vector<32xbf16>
        %max3A_227 = arith.maximumf %max3A_185, %sub3A_226 : vector<32xbf16>
        %add3A_228 = arith.addi %get3A_199, %broadcast_in_dim3A_6 : vector<16xi32>
        %add3A_229 = arith.addi %get3A_205, %broadcast_in_dim3A_6 : vector<16xi32>
        %gather3A_230 = tpu.vector_load_idx %arg5[%add3A_228] : memref<40960xi32, #tpu.memory_space<vmem>>[vector<16xi32>], vector<16xi32>,
        %bitcast3A_231 = vector.bitcast %gather3A_230 : vector<16xi32> to vector<32xbf16>
        %gather3A_232 = tpu.vector_load_idx %arg5[%add3A_229] : memref<40960xi32, #tpu.memory_space<vmem>>[vector<16xi32>], vector<16xi32>,
        %bitcast3A_233 = vector.bitcast %gather3A_232 : vector<16xi32> to vector<32xbf16>
        %sub3A_234 = arith.subf %bitcast3A_231, %bitcast3A_233 : vector<32xbf16>
        %max3A_235 = arith.maximumf %max3A_193, %sub3A_234 : vector<32xbf16>
        %get3A_236 = arith.constant 0 : i32
        %get3A_237 = arith.constant 3 : i32
        %get3A_238 = arith.index_cast %get3A_236 : i32 to index
        %get3A_239 = arith.index_cast %get3A_237 : i32 to index
        %get3A_240 = arith.index_cast %mul3A_118 : i32 to index
        %get3A_241 = tpu.vector_load %arg7[%get3A_238, %get3A_239, %get3A_240] {strides = array<i32>} : memref<2x32x128xi32, #tpu.memory_space<vmem>>, vector<16xi32>,
        %get3A_242 = arith.constant 1 : i32
        %get3A_243 = arith.constant 3 : i32
        %get3A_244 = arith.index_cast %get3A_242 : i32 to index
        %get3A_245 = arith.index_cast %get3A_243 : i32 to index
        %get3A_246 = arith.index_cast %mul3A_118 : i32 to index
        %get3A_247 = tpu.vector_load %arg7[%get3A_244, %get3A_245, %get3A_246] {strides = array<i32>} : memref<2x32x128xi32, #tpu.memory_space<vmem>>, vector<16xi32>,
        %gather3A_248 = tpu.vector_load_idx %arg5[%get3A_241] : memref<40960xi32, #tpu.memory_space<vmem>>[vector<16xi32>], vector<16xi32>,
        %bitcast3A_249 = vector.bitcast %gather3A_248 : vector<16xi32> to vector<32xbf16>
        %gather3A_250 = tpu.vector_load_idx %arg5[%get3A_247] : memref<40960xi32, #tpu.memory_space<vmem>>[vector<16xi32>], vector<16xi32>,
        %bitcast3A_251 = vector.bitcast %gather3A_250 : vector<16xi32> to vector<32xbf16>
        %sub3A_252 = arith.subf %bitcast3A_249, %bitcast3A_251 : vector<32xbf16>
        %max3A_253 = arith.maximumf %max3A_211, %sub3A_252 : vector<32xbf16>
        %add3A_254 = arith.addi %get3A_241, %broadcast_in_dim3A_2 : vector<16xi32>
        %add3A_255 = arith.addi %get3A_247, %broadcast_in_dim3A_2 : vector<16xi32>
        %gather3A_256 = tpu.vector_load_idx %arg5[%add3A_254] : memref<40960xi32, #tpu.memory_space<vmem>>[vector<16xi32>], vector<16xi32>,
        %bitcast3A_257 = vector.bitcast %gather3A_256 : vector<16xi32> to vector<32xbf16>
        %gather3A_258 = tpu.vector_load_idx %arg5[%add3A_255] : memref<40960xi32, #tpu.memory_space<vmem>>[vector<16xi32>], vector<16xi32>,
        %bitcast3A_259 = vector.bitcast %gather3A_258 : vector<16xi32> to vector<32xbf16>
        %sub3A_260 = arith.subf %bitcast3A_257, %bitcast3A_259 : vector<32xbf16>
        %max3A_261 = arith.maximumf %max3A_219, %sub3A_260 : vector<32xbf16>
        %add3A_262 = arith.addi %get3A_241, %broadcast_in_dim3A_4 : vector<16xi32>
        %add3A_263 = arith.addi %get3A_247, %broadcast_in_dim3A_4 : vector<16xi32>
        %gather3A_264 = tpu.vector_load_idx %arg5[%add3A_262] : memref<40960xi32, #tpu.memory_space<vmem>>[vector<16xi32>], vector<16xi32>,
        %bitcast3A_265 = vector.bitcast %gather3A_264 : vector<16xi32> to vector<32xbf16>
        %gather3A_266 = tpu.vector_load_idx %arg5[%add3A_263] : memref<40960xi32, #tpu.memory_space<vmem>>[vector<16xi32>], vector<16xi32>,
        %bitcast3A_267 = vector.bitcast %gather3A_266 : vector<16xi32> to vector<32xbf16>
        %sub3A_268 = arith.subf %bitcast3A_265, %bitcast3A_267 : vector<32xbf16>
        %max3A_269 = arith.maximumf %max3A_227, %sub3A_268 : vector<32xbf16>
        %add3A_270 = arith.addi %get3A_241, %broadcast_in_dim3A_6 : vector<16xi32>
        %add3A_271 = arith.addi %get3A_247, %broadcast_in_dim3A_6 : vector<16xi32>
        %gather3A_272 = tpu.vector_load_idx %arg5[%add3A_270] : memref<40960xi32, #tpu.memory_space<vmem>>[vector<16xi32>], vector<16xi32>,
        %bitcast3A_273 = vector.bitcast %gather3A_272 : vector<16xi32> to vector<32xbf16>
        %gather3A_274 = tpu.vector_load_idx %arg5[%add3A_271] : memref<40960xi32, #tpu.memory_space<vmem>>[vector<16xi32>], vector<16xi32>,
        %bitcast3A_275 = vector.bitcast %gather3A_274 : vector<16xi32> to vector<32xbf16>
        %sub3A_276 = arith.subf %bitcast3A_273, %bitcast3A_275 : vector<32xbf16>
        %max3A_277 = arith.maximumf %max3A_235, %sub3A_276 : vector<32xbf16>
        %get3A_278 = arith.constant 0 : i32
        %get3A_279 = arith.constant 4 : i32
        %get3A_280 = arith.index_cast %get3A_278 : i32 to index
        %get3A_281 = arith.index_cast %get3A_279 : i32 to index
        %get3A_282 = arith.index_cast %mul3A_118 : i32 to index
        %get3A_283 = tpu.vector_load %arg7[%get3A_280, %get3A_281, %get3A_282] {strides = array<i32>} : memref<2x32x128xi32, #tpu.memory_space<vmem>>, vector<16xi32>,
        %get3A_284 = arith.constant 1 : i32
        %get3A_285 = arith.constant 4 : i32
        %get3A_286 = arith.index_cast %get3A_284 : i32 to index
        %get3A_287 = arith.index_cast %get3A_285 : i32 to index
        %get3A_288 = arith.index_cast %mul3A_118 : i32 to index
        %get3A_289 = tpu.vector_load %arg7[%get3A_286, %get3A_287, %get3A_288] {strides = array<i32>} : memref<2x32x128xi32, #tpu.memory_space<vmem>>, vector<16xi32>,
        %gather3A_290 = tpu.vector_load_idx %arg5[%get3A_283] : memref<40960xi32, #tpu.memory_space<vmem>>[vector<16xi32>], vector<16xi32>,
        %bitcast3A_291 = vector.bitcast %gather3A_290 : vector<16xi32> to vector<32xbf16>
        %gather3A_292 = tpu.vector_load_idx %arg5[%get3A_289] : memref<40960xi32, #tpu.memory_space<vmem>>[vector<16xi32>], vector<16xi32>,
        %bitcast3A_293 = vector.bitcast %gather3A_292 : vector<16xi32> to vector<32xbf16>
        %sub3A_294 = arith.subf %bitcast3A_291, %bitcast3A_293 : vector<32xbf16>
        %max3A_295 = arith.maximumf %max3A_253, %sub3A_294 : vector<32xbf16>
        %add3A_296 = arith.addi %get3A_283, %broadcast_in_dim3A_2 : vector<16xi32>
        %add3A_297 = arith.addi %get3A_289, %broadcast_in_dim3A_2 : vector<16xi32>
        %gather3A_298 = tpu.vector_load_idx %arg5[%add3A_296] : memref<40960xi32, #tpu.memory_space<vmem>>[vector<16xi32>], vector<16xi32>,
        %bitcast3A_299 = vector.bitcast %gather3A_298 : vector<16xi32> to vector<32xbf16>
        %gather3A_300 = tpu.vector_load_idx %arg5[%add3A_297] : memref<40960xi32, #tpu.memory_space<vmem>>[vector<16xi32>], vector<16xi32>,
        %bitcast3A_301 = vector.bitcast %gather3A_300 : vector<16xi32> to vector<32xbf16>
        %sub3A_302 = arith.subf %bitcast3A_299, %bitcast3A_301 : vector<32xbf16>
        %max3A_303 = arith.maximumf %max3A_261, %sub3A_302 : vector<32xbf16>
        %add3A_304 = arith.addi %get3A_283, %broadcast_in_dim3A_4 : vector<16xi32>
        %add3A_305 = arith.addi %get3A_289, %broadcast_in_dim3A_4 : vector<16xi32>
        %gather3A_306 = tpu.vector_load_idx %arg5[%add3A_304] : memref<40960xi32, #tpu.memory_space<vmem>>[vector<16xi32>], vector<16xi32>,
        %bitcast3A_307 = vector.bitcast %gather3A_306 : vector<16xi32> to vector<32xbf16>
        %gather3A_308 = tpu.vector_load_idx %arg5[%add3A_305] : memref<40960xi32, #tpu.memory_space<vmem>>[vector<16xi32>], vector<16xi32>,
        %bitcast3A_309 = vector.bitcast %gather3A_308 : vector<16xi32> to vector<32xbf16>
        %sub3A_310 = arith.subf %bitcast3A_307, %bitcast3A_309 : vector<32xbf16>
        %max3A_311 = arith.maximumf %max3A_269, %sub3A_310 : vector<32xbf16>
        %add3A_312 = arith.addi %get3A_283, %broadcast_in_dim3A_6 : vector<16xi32>
        %add3A_313 = arith.addi %get3A_289, %broadcast_in_dim3A_6 : vector<16xi32>
        %gather3A_314 = tpu.vector_load_idx %arg5[%add3A_312] : memref<40960xi32, #tpu.memory_space<vmem>>[vector<16xi32>], vector<16xi32>,
        %bitcast3A_315 = vector.bitcast %gather3A_314 : vector<16xi32> to vector<32xbf16>
        %gather3A_316 = tpu.vector_load_idx %arg5[%add3A_313] : memref<40960xi32, #tpu.memory_space<vmem>>[vector<16xi32>], vector<16xi32>,
        %bitcast3A_317 = vector.bitcast %gather3A_316 : vector<16xi32> to vector<32xbf16>
        %sub3A_318 = arith.subf %bitcast3A_315, %bitcast3A_317 : vector<32xbf16>
        %max3A_319 = arith.maximumf %max3A_277, %sub3A_318 : vector<32xbf16>
        %get3A_320 = arith.constant 0 : i32
        %get3A_321 = arith.constant 5 : i32
        %get3A_322 = arith.index_cast %get3A_320 : i32 to index
        %get3A_323 = arith.index_cast %get3A_321 : i32 to index
        %get3A_324 = arith.index_cast %mul3A_118 : i32 to index
        %get3A_325 = tpu.vector_load %arg7[%get3A_322, %get3A_323, %get3A_324] {strides = array<i32>} : memref<2x32x128xi32, #tpu.memory_space<vmem>>, vector<16xi32>,
        %get3A_326 = arith.constant 1 : i32
        %get3A_327 = arith.constant 5 : i32
        %get3A_328 = arith.index_cast %get3A_326 : i32 to index
        %get3A_329 = arith.index_cast %get3A_327 : i32 to index
        %get3A_330 = arith.index_cast %mul3A_118 : i32 to index
        %get3A_331 = tpu.vector_load %arg7[%get3A_328, %get3A_329, %get3A_330] {strides = array<i32>} : memref<2x32x128xi32, #tpu.memory_space<vmem>>, vector<16xi32>,
        %gather3A_332 = tpu.vector_load_idx %arg5[%get3A_325] : memref<40960xi32, #tpu.memory_space<vmem>>[vector<16xi32>], vector<16xi32>,
        %bitcast3A_333 = vector.bitcast %gather3A_332 : vector<16xi32> to vector<32xbf16>
        %gather3A_334 = tpu.vector_load_idx %arg5[%get3A_331] : memref<40960xi32, #tpu.memory_space<vmem>>[vector<16xi32>], vector<16xi32>,
        %bitcast3A_335 = vector.bitcast %gather3A_334 : vector<16xi32> to vector<32xbf16>
        %sub3A_336 = arith.subf %bitcast3A_333, %bitcast3A_335 : vector<32xbf16>
        %max3A_337 = arith.maximumf %max3A_295, %sub3A_336 : vector<32xbf16>
        %add3A_338 = arith.addi %get3A_325, %broadcast_in_dim3A_2 : vector<16xi32>
        %add3A_339 = arith.addi %get3A_331, %broadcast_in_dim3A_2 : vector<16xi32>
        %gather3A_340 = tpu.vector_load_idx %arg5[%add3A_338] : memref<40960xi32, #tpu.memory_space<vmem>>[vector<16xi32>], vector<16xi32>,
        %bitcast3A_341 = vector.bitcast %gather3A_340 : vector<16xi32> to vector<32xbf16>
        %gather3A_342 = tpu.vector_load_idx %arg5[%add3A_339] : memref<40960xi32, #tpu.memory_space<vmem>>[vector<16xi32>], vector<16xi32>,
        %bitcast3A_343 = vector.bitcast %gather3A_342 : vector<16xi32> to vector<32xbf16>
        %sub3A_344 = arith.subf %bitcast3A_341, %bitcast3A_343 : vector<32xbf16>
        %max3A_345 = arith.maximumf %max3A_303, %sub3A_344 : vector<32xbf16>
        %add3A_346 = arith.addi %get3A_325, %broadcast_in_dim3A_4 : vector<16xi32>
        %add3A_347 = arith.addi %get3A_331, %broadcast_in_dim3A_4 : vector<16xi32>
        %gather3A_348 = tpu.vector_load_idx %arg5[%add3A_346] : memref<40960xi32, #tpu.memory_space<vmem>>[vector<16xi32>], vector<16xi32>,
        %bitcast3A_349 = vector.bitcast %gather3A_348 : vector<16xi32> to vector<32xbf16>
        %gather3A_350 = tpu.vector_load_idx %arg5[%add3A_347] : memref<40960xi32, #tpu.memory_space<vmem>>[vector<16xi32>], vector<16xi32>,
        %bitcast3A_351 = vector.bitcast %gather3A_350 : vector<16xi32> to vector<32xbf16>
        %sub3A_352 = arith.subf %bitcast3A_349, %bitcast3A_351 : vector<32xbf16>
        %max3A_353 = arith.maximumf %max3A_311, %sub3A_352 : vector<32xbf16>
        %add3A_354 = arith.addi %get3A_325, %broadcast_in_dim3A_6 : vector<16xi32>
        %add3A_355 = arith.addi %get3A_331, %broadcast_in_dim3A_6 : vector<16xi32>
        %gather3A_356 = tpu.vector_load_idx %arg5[%add3A_354] : memref<40960xi32, #tpu.memory_space<vmem>>[vector<16xi32>], vector<16xi32>,
        %bitcast3A_357 = vector.bitcast %gather3A_356 : vector<16xi32> to vector<32xbf16>
        %gather3A_358 = tpu.vector_load_idx %arg5[%add3A_355] : memref<40960xi32, #tpu.memory_space<vmem>>[vector<16xi32>], vector<16xi32>,
        %bitcast3A_359 = vector.bitcast %gather3A_358 : vector<16xi32> to vector<32xbf16>
        %sub3A_360 = arith.subf %bitcast3A_357, %bitcast3A_359 : vector<32xbf16>
        %max3A_361 = arith.maximumf %max3A_319, %sub3A_360 : vector<32xbf16>
        %get3A_362 = arith.constant 0 : i32
        %get3A_363 = arith.constant 6 : i32
        %get3A_364 = arith.index_cast %get3A_362 : i32 to index
        %get3A_365 = arith.index_cast %get3A_363 : i32 to index
        %get3A_366 = arith.index_cast %mul3A_118 : i32 to index
        %get3A_367 = tpu.vector_load %arg7[%get3A_364, %get3A_365, %get3A_366] {strides = array<i32>} : memref<2x32x128xi32, #tpu.memory_space<vmem>>, vector<16xi32>,
        %get3A_368 = arith.constant 1 : i32
        %get3A_369 = arith.constant 6 : i32
        %get3A_370 = arith.index_cast %get3A_368 : i32 to index
        %get3A_371 = arith.index_cast %get3A_369 : i32 to index
        %get3A_372 = arith.index_cast %mul3A_118 : i32 to index
        %get3A_373 = tpu.vector_load %arg7[%get3A_370, %get3A_371, %get3A_372] {strides = array<i32>} : memref<2x32x128xi32, #tpu.memory_space<vmem>>, vector<16xi32>,
        %gather3A_374 = tpu.vector_load_idx %arg5[%get3A_367] : memref<40960xi32, #tpu.memory_space<vmem>>[vector<16xi32>], vector<16xi32>,
        %bitcast3A_375 = vector.bitcast %gather3A_374 : vector<16xi32> to vector<32xbf16>
        %gather3A_376 = tpu.vector_load_idx %arg5[%get3A_373] : memref<40960xi32, #tpu.memory_space<vmem>>[vector<16xi32>], vector<16xi32>,
        %bitcast3A_377 = vector.bitcast %gather3A_376 : vector<16xi32> to vector<32xbf16>
        %sub3A_378 = arith.subf %bitcast3A_375, %bitcast3A_377 : vector<32xbf16>
        %max3A_379 = arith.maximumf %max3A_337, %sub3A_378 : vector<32xbf16>
        %add3A_380 = arith.addi %get3A_367, %broadcast_in_dim3A_2 : vector<16xi32>
        %add3A_381 = arith.addi %get3A_373, %broadcast_in_dim3A_2 : vector<16xi32>
        %gather3A_382 = tpu.vector_load_idx %arg5[%add3A_380] : memref<40960xi32, #tpu.memory_space<vmem>>[vector<16xi32>], vector<16xi32>,
        %bitcast3A_383 = vector.bitcast %gather3A_382 : vector<16xi32> to vector<32xbf16>
        %gather3A_384 = tpu.vector_load_idx %arg5[%add3A_381] : memref<40960xi32, #tpu.memory_space<vmem>>[vector<16xi32>], vector<16xi32>,
        %bitcast3A_385 = vector.bitcast %gather3A_384 : vector<16xi32> to vector<32xbf16>
        %sub3A_386 = arith.subf %bitcast3A_383, %bitcast3A_385 : vector<32xbf16>
        %max3A_387 = arith.maximumf %max3A_345, %sub3A_386 : vector<32xbf16>
        %add3A_388 = arith.addi %get3A_367, %broadcast_in_dim3A_4 : vector<16xi32>
        %add3A_389 = arith.addi %get3A_373, %broadcast_in_dim3A_4 : vector<16xi32>
        %gather3A_390 = tpu.vector_load_idx %arg5[%add3A_388] : memref<40960xi32, #tpu.memory_space<vmem>>[vector<16xi32>], vector<16xi32>,
        %bitcast3A_391 = vector.bitcast %gather3A_390 : vector<16xi32> to vector<32xbf16>
        %gather3A_392 = tpu.vector_load_idx %arg5[%add3A_389] : memref<40960xi32, #tpu.memory_space<vmem>>[vector<16xi32>], vector<16xi32>,
        %bitcast3A_393 = vector.bitcast %gather3A_392 : vector<16xi32> to vector<32xbf16>
        %sub3A_394 = arith.subf %bitcast3A_391, %bitcast3A_393 : vector<32xbf16>
        %max3A_395 = arith.maximumf %max3A_353, %sub3A_394 : vector<32xbf16>
        %add3A_396 = arith.addi %get3A_367, %broadcast_in_dim3A_6 : vector<16xi32>
        %add3A_397 = arith.addi %get3A_373, %broadcast_in_dim3A_6 : vector<16xi32>
        %gather3A_398 = tpu.vector_load_idx %arg5[%add3A_396] : memref<40960xi32, #tpu.memory_space<vmem>>[vector<16xi32>], vector<16xi32>,
        %bitcast3A_399 = vector.bitcast %gather3A_398 : vector<16xi32> to vector<32xbf16>
        %gather3A_400 = tpu.vector_load_idx %arg5[%add3A_397] : memref<40960xi32, #tpu.memory_space<vmem>>[vector<16xi32>], vector<16xi32>,
        %bitcast3A_401 = vector.bitcast %gather3A_400 : vector<16xi32> to vector<32xbf16>
        %sub3A_402 = arith.subf %bitcast3A_399, %bitcast3A_401 : vector<32xbf16>
        %max3A_403 = arith.maximumf %max3A_361, %sub3A_402 : vector<32xbf16>
        %get3A_404 = arith.constant 0 : i32
        %get3A_405 = arith.constant 7 : i32
        %get3A_406 = arith.index_cast %get3A_404 : i32 to index
        %get3A_407 = arith.index_cast %get3A_405 : i32 to index
        %get3A_408 = arith.index_cast %mul3A_118 : i32 to index
        %get3A_409 = tpu.vector_load %arg7[%get3A_406, %get3A_407, %get3A_408] {strides = array<i32>} : memref<2x32x128xi32, #tpu.memory_space<vmem>>, vector<16xi32>,
        %get3A_410 = arith.constant 1 : i32
        %get3A_411 = arith.constant 7 : i32
        %get3A_412 = arith.index_cast %get3A_410 : i32 to index
        %get3A_413 = arith.index_cast %get3A_411 : i32 to index
        %get3A_414 = arith.index_cast %mul3A_118 : i32 to index
        %get3A_415 = tpu.vector_load %arg7[%get3A_412, %get3A_413, %get3A_414] {strides = array<i32>} : memref<2x32x128xi32, #tpu.memory_space<vmem>>, vector<16xi32>,
        %gather3A_416 = tpu.vector_load_idx %arg5[%get3A_409] : memref<40960xi32, #tpu.memory_space<vmem>>[vector<16xi32>], vector<16xi32>,
        %bitcast3A_417 = vector.bitcast %gather3A_416 : vector<16xi32> to vector<32xbf16>
        %gather3A_418 = tpu.vector_load_idx %arg5[%get3A_415] : memref<40960xi32, #tpu.memory_space<vmem>>[vector<16xi32>], vector<16xi32>,
        %bitcast3A_419 = vector.bitcast %gather3A_418 : vector<16xi32> to vector<32xbf16>
        %sub3A_420 = arith.subf %bitcast3A_417, %bitcast3A_419 : vector<32xbf16>
        %max3A_421 = arith.maximumf %max3A_379, %sub3A_420 : vector<32xbf16>
        %add3A_422 = arith.addi %get3A_409, %broadcast_in_dim3A_2 : vector<16xi32>
        %add3A_423 = arith.addi %get3A_415, %broadcast_in_dim3A_2 : vector<16xi32>
        %gather3A_424 = tpu.vector_load_idx %arg5[%add3A_422] : memref<40960xi32, #tpu.memory_space<vmem>>[vector<16xi32>], vector<16xi32>,
        %bitcast3A_425 = vector.bitcast %gather3A_424 : vector<16xi32> to vector<32xbf16>
        %gather3A_426 = tpu.vector_load_idx %arg5[%add3A_423] : memref<40960xi32, #tpu.memory_space<vmem>>[vector<16xi32>], vector<16xi32>,
        %bitcast3A_427 = vector.bitcast %gather3A_426 : vector<16xi32> to vector<32xbf16>
        %sub3A_428 = arith.subf %bitcast3A_425, %bitcast3A_427 : vector<32xbf16>
        %max3A_429 = arith.maximumf %max3A_387, %sub3A_428 : vector<32xbf16>
        %add3A_430 = arith.addi %get3A_409, %broadcast_in_dim3A_4 : vector<16xi32>
        %add3A_431 = arith.addi %get3A_415, %broadcast_in_dim3A_4 : vector<16xi32>
        %gather3A_432 = tpu.vector_load_idx %arg5[%add3A_430] : memref<40960xi32, #tpu.memory_space<vmem>>[vector<16xi32>], vector<16xi32>,
        %bitcast3A_433 = vector.bitcast %gather3A_432 : vector<16xi32> to vector<32xbf16>
        %gather3A_434 = tpu.vector_load_idx %arg5[%add3A_431] : memref<40960xi32, #tpu.memory_space<vmem>>[vector<16xi32>], vector<16xi32>,
        %bitcast3A_435 = vector.bitcast %gather3A_434 : vector<16xi32> to vector<32xbf16>
        %sub3A_436 = arith.subf %bitcast3A_433, %bitcast3A_435 : vector<32xbf16>
        %max3A_437 = arith.maximumf %max3A_395, %sub3A_436 : vector<32xbf16>
        %add3A_438 = arith.addi %get3A_409, %broadcast_in_dim3A_6 : vector<16xi32>
        %add3A_439 = arith.addi %get3A_415, %broadcast_in_dim3A_6 : vector<16xi32>
        %gather3A_440 = tpu.vector_load_idx %arg5[%add3A_438] : memref<40960xi32, #tpu.memory_space<vmem>>[vector<16xi32>], vector<16xi32>,
        %bitcast3A_441 = vector.bitcast %gather3A_440 : vector<16xi32> to vector<32xbf16>
        %gather3A_442 = tpu.vector_load_idx %arg5[%add3A_439] : memref<40960xi32, #tpu.memory_space<vmem>>[vector<16xi32>], vector<16xi32>,
        %bitcast3A_443 = vector.bitcast %gather3A_442 : vector<16xi32> to vector<32xbf16>
        %sub3A_444 = arith.subf %bitcast3A_441, %bitcast3A_443 : vector<32xbf16>
        %max3A_445 = arith.maximumf %max3A_403, %sub3A_444 : vector<32xbf16>
        %get3A_446 = arith.constant 0 : i32
        %get3A_447 = arith.constant 8 : i32
        %get3A_448 = arith.index_cast %get3A_446 : i32 to index
        %get3A_449 = arith.index_cast %get3A_447 : i32 to index
        %get3A_450 = arith.index_cast %mul3A_118 : i32 to index
        %get3A_451 = tpu.vector_load %arg7[%get3A_448, %get3A_449, %get3A_450] {strides = array<i32>} : memref<2x32x128xi32, #tpu.memory_space<vmem>>, vector<16xi32>,
        %get3A_452 = arith.constant 1 : i32
        %get3A_453 = arith.constant 8 : i32
        %get3A_454 = arith.index_cast %get3A_452 : i32 to index
        %get3A_455 = arith.index_cast %get3A_453 : i32 to index
        %get3A_456 = arith.index_cast %mul3A_118 : i32 to index
        %get3A_457 = tpu.vector_load %arg7[%get3A_454, %get3A_455, %get3A_456] {strides = array<i32>} : memref<2x32x128xi32, #tpu.memory_space<vmem>>, vector<16xi32>,
        %gather3A_458 = tpu.vector_load_idx %arg5[%get3A_451] : memref<40960xi32, #tpu.memory_space<vmem>>[vector<16xi32>], vector<16xi32>,
        %bitcast3A_459 = vector.bitcast %gather3A_458 : vector<16xi32> to vector<32xbf16>
        %gather3A_460 = tpu.vector_load_idx %arg5[%get3A_457] : memref<40960xi32, #tpu.memory_space<vmem>>[vector<16xi32>], vector<16xi32>,
        %bitcast3A_461 = vector.bitcast %gather3A_460 : vector<16xi32> to vector<32xbf16>
        %sub3A_462 = arith.subf %bitcast3A_459, %bitcast3A_461 : vector<32xbf16>
        %max3A_463 = arith.maximumf %max3A_421, %sub3A_462 : vector<32xbf16>
        %add3A_464 = arith.addi %get3A_451, %broadcast_in_dim3A_2 : vector<16xi32>
        %add3A_465 = arith.addi %get3A_457, %broadcast_in_dim3A_2 : vector<16xi32>
        %gather3A_466 = tpu.vector_load_idx %arg5[%add3A_464] : memref<40960xi32, #tpu.memory_space<vmem>>[vector<16xi32>], vector<16xi32>,
        %bitcast3A_467 = vector.bitcast %gather3A_466 : vector<16xi32> to vector<32xbf16>
        %gather3A_468 = tpu.vector_load_idx %arg5[%add3A_465] : memref<40960xi32, #tpu.memory_space<vmem>>[vector<16xi32>], vector<16xi32>,
        %bitcast3A_469 = vector.bitcast %gather3A_468 : vector<16xi32> to vector<32xbf16>
        %sub3A_470 = arith.subf %bitcast3A_467, %bitcast3A_469 : vector<32xbf16>
        %max3A_471 = arith.maximumf %max3A_429, %sub3A_470 : vector<32xbf16>
        %add3A_472 = arith.addi %get3A_451, %broadcast_in_dim3A_4 : vector<16xi32>
        %add3A_473 = arith.addi %get3A_457, %broadcast_in_dim3A_4 : vector<16xi32>
        %gather3A_474 = tpu.vector_load_idx %arg5[%add3A_472] : memref<40960xi32, #tpu.memory_space<vmem>>[vector<16xi32>], vector<16xi32>,
        %bitcast3A_475 = vector.bitcast %gather3A_474 : vector<16xi32> to vector<32xbf16>
        %gather3A_476 = tpu.vector_load_idx %arg5[%add3A_473] : memref<40960xi32, #tpu.memory_space<vmem>>[vector<16xi32>], vector<16xi32>,
        %bitcast3A_477 = vector.bitcast %gather3A_476 : vector<16xi32> to vector<32xbf16>
        %sub3A_478 = arith.subf %bitcast3A_475, %bitcast3A_477 : vector<32xbf16>
        %max3A_479 = arith.maximumf %max3A_437, %sub3A_478 : vector<32xbf16>
        %add3A_480 = arith.addi %get3A_451, %broadcast_in_dim3A_6 : vector<16xi32>
        %add3A_481 = arith.addi %get3A_457, %broadcast_in_dim3A_6 : vector<16xi32>
        %gather3A_482 = tpu.vector_load_idx %arg5[%add3A_480] : memref<40960xi32, #tpu.memory_space<vmem>>[vector<16xi32>], vector<16xi32>,
        %bitcast3A_483 = vector.bitcast %gather3A_482 : vector<16xi32> to vector<32xbf16>
        %gather3A_484 = tpu.vector_load_idx %arg5[%add3A_481] : memref<40960xi32, #tpu.memory_space<vmem>>[vector<16xi32>], vector<16xi32>,
        %bitcast3A_485 = vector.bitcast %gather3A_484 : vector<16xi32> to vector<32xbf16>
        %sub3A_486 = arith.subf %bitcast3A_483, %bitcast3A_485 : vector<32xbf16>
        %max3A_487 = arith.maximumf %max3A_445, %sub3A_486 : vector<32xbf16>
        %get3A_488 = arith.constant 0 : i32
        %get3A_489 = arith.constant 9 : i32
        %get3A_490 = arith.index_cast %get3A_488 : i32 to index
        %get3A_491 = arith.index_cast %get3A_489 : i32 to index
        %get3A_492 = arith.index_cast %mul3A_118 : i32 to index
        %get3A_493 = tpu.vector_load %arg7[%get3A_490, %get3A_491, %get3A_492] {strides = array<i32>} : memref<2x32x128xi32, #tpu.memory_space<vmem>>, vector<16xi32>,
        %get3A_494 = arith.constant 1 : i32
        %get3A_495 = arith.constant 9 : i32
        %get3A_496 = arith.index_cast %get3A_494 : i32 to index
        %get3A_497 = arith.index_cast %get3A_495 : i32 to index
        %get3A_498 = arith.index_cast %mul3A_118 : i32 to index
        %get3A_499 = tpu.vector_load %arg7[%get3A_496, %get3A_497, %get3A_498] {strides = array<i32>} : memref<2x32x128xi32, #tpu.memory_space<vmem>>, vector<16xi32>,
        %gather3A_500 = tpu.vector_load_idx %arg5[%get3A_493] : memref<40960xi32, #tpu.memory_space<vmem>>[vector<16xi32>], vector<16xi32>,
        %bitcast3A_501 = vector.bitcast %gather3A_500 : vector<16xi32> to vector<32xbf16>
        %gather3A_502 = tpu.vector_load_idx %arg5[%get3A_499] : memref<40960xi32, #tpu.memory_space<vmem>>[vector<16xi32>], vector<16xi32>,
        %bitcast3A_503 = vector.bitcast %gather3A_502 : vector<16xi32> to vector<32xbf16>
        %sub3A_504 = arith.subf %bitcast3A_501, %bitcast3A_503 : vector<32xbf16>
        %max3A_505 = arith.maximumf %max3A_463, %sub3A_504 : vector<32xbf16>
        %add3A_506 = arith.addi %get3A_493, %broadcast_in_dim3A_2 : vector<16xi32>
        %add3A_507 = arith.addi %get3A_499, %broadcast_in_dim3A_2 : vector<16xi32>
        %gather3A_508 = tpu.vector_load_idx %arg5[%add3A_506] : memref<40960xi32, #tpu.memory_space<vmem>>[vector<16xi32>], vector<16xi32>,
        %bitcast3A_509 = vector.bitcast %gather3A_508 : vector<16xi32> to vector<32xbf16>
        %gather3A_510 = tpu.vector_load_idx %arg5[%add3A_507] : memref<40960xi32, #tpu.memory_space<vmem>>[vector<16xi32>], vector<16xi32>,
        %bitcast3A_511 = vector.bitcast %gather3A_510 : vector<16xi32> to vector<32xbf16>
        %sub3A_512 = arith.subf %bitcast3A_509, %bitcast3A_511 : vector<32xbf16>
        %max3A_513 = arith.maximumf %max3A_471, %sub3A_512 : vector<32xbf16>
        %add3A_514 = arith.addi %get3A_493, %broadcast_in_dim3A_4 : vector<16xi32>
        %add3A_515 = arith.addi %get3A_499, %broadcast_in_dim3A_4 : vector<16xi32>
        %gather3A_516 = tpu.vector_load_idx %arg5[%add3A_514] : memref<40960xi32, #tpu.memory_space<vmem>>[vector<16xi32>], vector<16xi32>,
        %bitcast3A_517 = vector.bitcast %gather3A_516 : vector<16xi32> to vector<32xbf16>
        %gather3A_518 = tpu.vector_load_idx %arg5[%add3A_515] : memref<40960xi32, #tpu.memory_space<vmem>>[vector<16xi32>], vector<16xi32>,
        %bitcast3A_519 = vector.bitcast %gather3A_518 : vector<16xi32> to vector<32xbf16>
        %sub3A_520 = arith.subf %bitcast3A_517, %bitcast3A_519 : vector<32xbf16>
        %max3A_521 = arith.maximumf %max3A_479, %sub3A_520 : vector<32xbf16>
        %add3A_522 = arith.addi %get3A_493, %broadcast_in_dim3A_6 : vector<16xi32>
        %add3A_523 = arith.addi %get3A_499, %broadcast_in_dim3A_6 : vector<16xi32>
        %gather3A_524 = tpu.vector_load_idx %arg5[%add3A_522] : memref<40960xi32, #tpu.memory_space<vmem>>[vector<16xi32>], vector<16xi32>,
        %bitcast3A_525 = vector.bitcast %gather3A_524 : vector<16xi32> to vector<32xbf16>
        %gather3A_526 = tpu.vector_load_idx %arg5[%add3A_523] : memref<40960xi32, #tpu.memory_space<vmem>>[vector<16xi32>], vector<16xi32>,
        %bitcast3A_527 = vector.bitcast %gather3A_526 : vector<16xi32> to vector<32xbf16>
        %sub3A_528 = arith.subf %bitcast3A_525, %bitcast3A_527 : vector<32xbf16>
        %max3A_529 = arith.maximumf %max3A_487, %sub3A_528 : vector<32xbf16>
        %get3A_530 = arith.constant 0 : i32
        %get3A_531 = arith.constant 10 : i32
        %get3A_532 = arith.index_cast %get3A_530 : i32 to index
        %get3A_533 = arith.index_cast %get3A_531 : i32 to index
        %get3A_534 = arith.index_cast %mul3A_118 : i32 to index
        %get3A_535 = tpu.vector_load %arg7[%get3A_532, %get3A_533, %get3A_534] {strides = array<i32>} : memref<2x32x128xi32, #tpu.memory_space<vmem>>, vector<16xi32>,
        %get3A_536 = arith.constant 1 : i32
        %get3A_537 = arith.constant 10 : i32
        %get3A_538 = arith.index_cast %get3A_536 : i32 to index
        %get3A_539 = arith.index_cast %get3A_537 : i32 to index
        %get3A_540 = arith.index_cast %mul3A_118 : i32 to index
        %get3A_541 = tpu.vector_load %arg7[%get3A_538, %get3A_539, %get3A_540] {strides = array<i32>} : memref<2x32x128xi32, #tpu.memory_space<vmem>>, vector<16xi32>,
        %gather3A_542 = tpu.vector_load_idx %arg5[%get3A_535] : memref<40960xi32, #tpu.memory_space<vmem>>[vector<16xi32>], vector<16xi32>,
        %bitcast3A_543 = vector.bitcast %gather3A_542 : vector<16xi32> to vector<32xbf16>
        %gather3A_544 = tpu.vector_load_idx %arg5[%get3A_541] : memref<40960xi32, #tpu.memory_space<vmem>>[vector<16xi32>], vector<16xi32>,
        %bitcast3A_545 = vector.bitcast %gather3A_544 : vector<16xi32> to vector<32xbf16>
        %sub3A_546 = arith.subf %bitcast3A_543, %bitcast3A_545 : vector<32xbf16>
        %max3A_547 = arith.maximumf %max3A_505, %sub3A_546 : vector<32xbf16>
        %add3A_548 = arith.addi %get3A_535, %broadcast_in_dim3A_2 : vector<16xi32>
        %add3A_549 = arith.addi %get3A_541, %broadcast_in_dim3A_2 : vector<16xi32>
        %gather3A_550 = tpu.vector_load_idx %arg5[%add3A_548] : memref<40960xi32, #tpu.memory_space<vmem>>[vector<16xi32>], vector<16xi32>,
        %bitcast3A_551 = vector.bitcast %gather3A_550 : vector<16xi32> to vector<32xbf16>
        %gather3A_552 = tpu.vector_load_idx %arg5[%add3A_549] : memref<40960xi32, #tpu.memory_space<vmem>>[vector<16xi32>], vector<16xi32>,
        %bitcast3A_553 = vector.bitcast %gather3A_552 : vector<16xi32> to vector<32xbf16>
        %sub3A_554 = arith.subf %bitcast3A_551, %bitcast3A_553 : vector<32xbf16>
        %max3A_555 = arith.maximumf %max3A_513, %sub3A_554 : vector<32xbf16>
        %add3A_556 = arith.addi %get3A_535, %broadcast_in_dim3A_4 : vector<16xi32>
        %add3A_557 = arith.addi %get3A_541, %broadcast_in_dim3A_4 : vector<16xi32>
        %gather3A_558 = tpu.vector_load_idx %arg5[%add3A_556] : memref<40960xi32, #tpu.memory_space<vmem>>[vector<16xi32>], vector<16xi32>,
        %bitcast3A_559 = vector.bitcast %gather3A_558 : vector<16xi32> to vector<32xbf16>
        %gather3A_560 = tpu.vector_load_idx %arg5[%add3A_557] : memref<40960xi32, #tpu.memory_space<vmem>>[vector<16xi32>], vector<16xi32>,
        %bitcast3A_561 = vector.bitcast %gather3A_560 : vector<16xi32> to vector<32xbf16>
        %sub3A_562 = arith.subf %bitcast3A_559, %bitcast3A_561 : vector<32xbf16>
        %max3A_563 = arith.maximumf %max3A_521, %sub3A_562 : vector<32xbf16>
        %add3A_564 = arith.addi %get3A_535, %broadcast_in_dim3A_6 : vector<16xi32>
        %add3A_565 = arith.addi %get3A_541, %broadcast_in_dim3A_6 : vector<16xi32>
        %gather3A_566 = tpu.vector_load_idx %arg5[%add3A_564] : memref<40960xi32, #tpu.memory_space<vmem>>[vector<16xi32>], vector<16xi32>,
        %bitcast3A_567 = vector.bitcast %gather3A_566 : vector<16xi32> to vector<32xbf16>
        %gather3A_568 = tpu.vector_load_idx %arg5[%add3A_565] : memref<40960xi32, #tpu.memory_space<vmem>>[vector<16xi32>], vector<16xi32>,
        %bitcast3A_569 = vector.bitcast %gather3A_568 : vector<16xi32> to vector<32xbf16>
        %sub3A_570 = arith.subf %bitcast3A_567, %bitcast3A_569 : vector<32xbf16>
        %max3A_571 = arith.maximumf %max3A_529, %sub3A_570 : vector<32xbf16>
        %get3A_572 = arith.constant 0 : i32
        %get3A_573 = arith.constant 11 : i32
        %get3A_574 = arith.index_cast %get3A_572 : i32 to index
        %get3A_575 = arith.index_cast %get3A_573 : i32 to index
        %get3A_576 = arith.index_cast %mul3A_118 : i32 to index
        %get3A_577 = tpu.vector_load %arg7[%get3A_574, %get3A_575, %get3A_576] {strides = array<i32>} : memref<2x32x128xi32, #tpu.memory_space<vmem>>, vector<16xi32>,
        %get3A_578 = arith.constant 1 : i32
        %get3A_579 = arith.constant 11 : i32
        %get3A_580 = arith.index_cast %get3A_578 : i32 to index
        %get3A_581 = arith.index_cast %get3A_579 : i32 to index
        %get3A_582 = arith.index_cast %mul3A_118 : i32 to index
        %get3A_583 = tpu.vector_load %arg7[%get3A_580, %get3A_581, %get3A_582] {strides = array<i32>} : memref<2x32x128xi32, #tpu.memory_space<vmem>>, vector<16xi32>,
        %gather3A_584 = tpu.vector_load_idx %arg5[%get3A_577] : memref<40960xi32, #tpu.memory_space<vmem>>[vector<16xi32>], vector<16xi32>,
        %bitcast3A_585 = vector.bitcast %gather3A_584 : vector<16xi32> to vector<32xbf16>
        %gather3A_586 = tpu.vector_load_idx %arg5[%get3A_583] : memref<40960xi32, #tpu.memory_space<vmem>>[vector<16xi32>], vector<16xi32>,
        %bitcast3A_587 = vector.bitcast %gather3A_586 : vector<16xi32> to vector<32xbf16>
        %sub3A_588 = arith.subf %bitcast3A_585, %bitcast3A_587 : vector<32xbf16>
        %max3A_589 = arith.maximumf %max3A_547, %sub3A_588 : vector<32xbf16>
        %add3A_590 = arith.addi %get3A_577, %broadcast_in_dim3A_2 : vector<16xi32>
        %add3A_591 = arith.addi %get3A_583, %broadcast_in_dim3A_2 : vector<16xi32>
        %gather3A_592 = tpu.vector_load_idx %arg5[%add3A_590] : memref<40960xi32, #tpu.memory_space<vmem>>[vector<16xi32>], vector<16xi32>,
        %bitcast3A_593 = vector.bitcast %gather3A_592 : vector<16xi32> to vector<32xbf16>
        %gather3A_594 = tpu.vector_load_idx %arg5[%add3A_591] : memref<40960xi32, #tpu.memory_space<vmem>>[vector<16xi32>], vector<16xi32>,
        %bitcast3A_595 = vector.bitcast %gather3A_594 : vector<16xi32> to vector<32xbf16>
        %sub3A_596 = arith.subf %bitcast3A_593, %bitcast3A_595 : vector<32xbf16>
        %max3A_597 = arith.maximumf %max3A_555, %sub3A_596 : vector<32xbf16>
        %add3A_598 = arith.addi %get3A_577, %broadcast_in_dim3A_4 : vector<16xi32>
        %add3A_599 = arith.addi %get3A_583, %broadcast_in_dim3A_4 : vector<16xi32>
        %gather3A_600 = tpu.vector_load_idx %arg5[%add3A_598] : memref<40960xi32, #tpu.memory_space<vmem>>[vector<16xi32>], vector<16xi32>,
        %bitcast3A_601 = vector.bitcast %gather3A_600 : vector<16xi32> to vector<32xbf16>
        %gather3A_602 = tpu.vector_load_idx %arg5[%add3A_599] : memref<40960xi32, #tpu.memory_space<vmem>>[vector<16xi32>], vector<16xi32>,
        %bitcast3A_603 = vector.bitcast %gather3A_602 : vector<16xi32> to vector<32xbf16>
        %sub3A_604 = arith.subf %bitcast3A_601, %bitcast3A_603 : vector<32xbf16>
        %max3A_605 = arith.maximumf %max3A_563, %sub3A_604 : vector<32xbf16>
        %add3A_606 = arith.addi %get3A_577, %broadcast_in_dim3A_6 : vector<16xi32>
        %add3A_607 = arith.addi %get3A_583, %broadcast_in_dim3A_6 : vector<16xi32>
        %gather3A_608 = tpu.vector_load_idx %arg5[%add3A_606] : memref<40960xi32, #tpu.memory_space<vmem>>[vector<16xi32>], vector<16xi32>,
        %bitcast3A_609 = vector.bitcast %gather3A_608 : vector<16xi32> to vector<32xbf16>
        %gather3A_610 = tpu.vector_load_idx %arg5[%add3A_607] : memref<40960xi32, #tpu.memory_space<vmem>>[vector<16xi32>], vector<16xi32>,
        %bitcast3A_611 = vector.bitcast %gather3A_610 : vector<16xi32> to vector<32xbf16>
        %sub3A_612 = arith.subf %bitcast3A_609, %bitcast3A_611 : vector<32xbf16>
        %max3A_613 = arith.maximumf %max3A_571, %sub3A_612 : vector<32xbf16>
        %get3A_614 = arith.constant 0 : i32
        %get3A_615 = arith.constant 12 : i32
        %get3A_616 = arith.index_cast %get3A_614 : i32 to index
        %get3A_617 = arith.index_cast %get3A_615 : i32 to index
        %get3A_618 = arith.index_cast %mul3A_118 : i32 to index
        %get3A_619 = tpu.vector_load %arg7[%get3A_616, %get3A_617, %get3A_618] {strides = array<i32>} : memref<2x32x128xi32, #tpu.memory_space<vmem>>, vector<16xi32>,
        %get3A_620 = arith.constant 1 : i32
        %get3A_621 = arith.constant 12 : i32
        %get3A_622 = arith.index_cast %get3A_620 : i32 to index
        %get3A_623 = arith.index_cast %get3A_621 : i32 to index
        %get3A_624 = arith.index_cast %mul3A_118 : i32 to index
        %get3A_625 = tpu.vector_load %arg7[%get3A_622, %get3A_623, %get3A_624] {strides = array<i32>} : memref<2x32x128xi32, #tpu.memory_space<vmem>>, vector<16xi32>,
        %gather3A_626 = tpu.vector_load_idx %arg5[%get3A_619] : memref<40960xi32, #tpu.memory_space<vmem>>[vector<16xi32>], vector<16xi32>,
        %bitcast3A_627 = vector.bitcast %gather3A_626 : vector<16xi32> to vector<32xbf16>
        %gather3A_628 = tpu.vector_load_idx %arg5[%get3A_625] : memref<40960xi32, #tpu.memory_space<vmem>>[vector<16xi32>], vector<16xi32>,
        %bitcast3A_629 = vector.bitcast %gather3A_628 : vector<16xi32> to vector<32xbf16>
        %sub3A_630 = arith.subf %bitcast3A_627, %bitcast3A_629 : vector<32xbf16>
        %max3A_631 = arith.maximumf %max3A_589, %sub3A_630 : vector<32xbf16>
        %add3A_632 = arith.addi %get3A_619, %broadcast_in_dim3A_2 : vector<16xi32>
        %add3A_633 = arith.addi %get3A_625, %broadcast_in_dim3A_2 : vector<16xi32>
        %gather3A_634 = tpu.vector_load_idx %arg5[%add3A_632] : memref<40960xi32, #tpu.memory_space<vmem>>[vector<16xi32>], vector<16xi32>,
        %bitcast3A_635 = vector.bitcast %gather3A_634 : vector<16xi32> to vector<32xbf16>
        %gather3A_636 = tpu.vector_load_idx %arg5[%add3A_633] : memref<40960xi32, #tpu.memory_space<vmem>>[vector<16xi32>], vector<16xi32>,
        %bitcast3A_637 = vector.bitcast %gather3A_636 : vector<16xi32> to vector<32xbf16>
        %sub3A_638 = arith.subf %bitcast3A_635, %bitcast3A_637 : vector<32xbf16>
        %max3A_639 = arith.maximumf %max3A_597, %sub3A_638 : vector<32xbf16>
        %add3A_640 = arith.addi %get3A_619, %broadcast_in_dim3A_4 : vector<16xi32>
        %add3A_641 = arith.addi %get3A_625, %broadcast_in_dim3A_4 : vector<16xi32>
        %gather3A_642 = tpu.vector_load_idx %arg5[%add3A_640] : memref<40960xi32, #tpu.memory_space<vmem>>[vector<16xi32>], vector<16xi32>,
        %bitcast3A_643 = vector.bitcast %gather3A_642 : vector<16xi32> to vector<32xbf16>
        %gather3A_644 = tpu.vector_load_idx %arg5[%add3A_641] : memref<40960xi32, #tpu.memory_space<vmem>>[vector<16xi32>], vector<16xi32>,
        %bitcast3A_645 = vector.bitcast %gather3A_644 : vector<16xi32> to vector<32xbf16>
        %sub3A_646 = arith.subf %bitcast3A_643, %bitcast3A_645 : vector<32xbf16>
        %max3A_647 = arith.maximumf %max3A_605, %sub3A_646 : vector<32xbf16>
        %add3A_648 = arith.addi %get3A_619, %broadcast_in_dim3A_6 : vector<16xi32>
        %add3A_649 = arith.addi %get3A_625, %broadcast_in_dim3A_6 : vector<16xi32>
        %gather3A_650 = tpu.vector_load_idx %arg5[%add3A_648] : memref<40960xi32, #tpu.memory_space<vmem>>[vector<16xi32>], vector<16xi32>,
        %bitcast3A_651 = vector.bitcast %gather3A_650 : vector<16xi32> to vector<32xbf16>
        %gather3A_652 = tpu.vector_load_idx %arg5[%add3A_649] : memref<40960xi32, #tpu.memory_space<vmem>>[vector<16xi32>], vector<16xi32>,
        %bitcast3A_653 = vector.bitcast %gather3A_652 : vector<16xi32> to vector<32xbf16>
        %sub3A_654 = arith.subf %bitcast3A_651, %bitcast3A_653 : vector<32xbf16>
        %max3A_655 = arith.maximumf %max3A_613, %sub3A_654 : vector<32xbf16>
        %get3A_656 = arith.constant 0 : i32
        %get3A_657 = arith.constant 13 : i32
        %get3A_658 = arith.index_cast %get3A_656 : i32 to index
        %get3A_659 = arith.index_cast %get3A_657 : i32 to index
        %get3A_660 = arith.index_cast %mul3A_118 : i32 to index
        %get3A_661 = tpu.vector_load %arg7[%get3A_658, %get3A_659, %get3A_660] {strides = array<i32>} : memref<2x32x128xi32, #tpu.memory_space<vmem>>, vector<16xi32>,
        %get3A_662 = arith.constant 1 : i32
        %get3A_663 = arith.constant 13 : i32
        %get3A_664 = arith.index_cast %get3A_662 : i32 to index
        %get3A_665 = arith.index_cast %get3A_663 : i32 to index
        %get3A_666 = arith.index_cast %mul3A_118 : i32 to index
        %get3A_667 = tpu.vector_load %arg7[%get3A_664, %get3A_665, %get3A_666] {strides = array<i32>} : memref<2x32x128xi32, #tpu.memory_space<vmem>>, vector<16xi32>,
        %gather3A_668 = tpu.vector_load_idx %arg5[%get3A_661] : memref<40960xi32, #tpu.memory_space<vmem>>[vector<16xi32>], vector<16xi32>,
        %bitcast3A_669 = vector.bitcast %gather3A_668 : vector<16xi32> to vector<32xbf16>
        %gather3A_670 = tpu.vector_load_idx %arg5[%get3A_667] : memref<40960xi32, #tpu.memory_space<vmem>>[vector<16xi32>], vector<16xi32>,
        %bitcast3A_671 = vector.bitcast %gather3A_670 : vector<16xi32> to vector<32xbf16>
        %sub3A_672 = arith.subf %bitcast3A_669, %bitcast3A_671 : vector<32xbf16>
        %max3A_673 = arith.maximumf %max3A_631, %sub3A_672 : vector<32xbf16>
        %add3A_674 = arith.addi %get3A_661, %broadcast_in_dim3A_2 : vector<16xi32>
        %add3A_675 = arith.addi %get3A_667, %broadcast_in_dim3A_2 : vector<16xi32>
        %gather3A_676 = tpu.vector_load_idx %arg5[%add3A_674] : memref<40960xi32, #tpu.memory_space<vmem>>[vector<16xi32>], vector<16xi32>,
        %bitcast3A_677 = vector.bitcast %gather3A_676 : vector<16xi32> to vector<32xbf16>
        %gather3A_678 = tpu.vector_load_idx %arg5[%add3A_675] : memref<40960xi32, #tpu.memory_space<vmem>>[vector<16xi32>], vector<16xi32>,
        %bitcast3A_679 = vector.bitcast %gather3A_678 : vector<16xi32> to vector<32xbf16>
        %sub3A_680 = arith.subf %bitcast3A_677, %bitcast3A_679 : vector<32xbf16>
        %max3A_681 = arith.maximumf %max3A_639, %sub3A_680 : vector<32xbf16>
        %add3A_682 = arith.addi %get3A_661, %broadcast_in_dim3A_4 : vector<16xi32>
        %add3A_683 = arith.addi %get3A_667, %broadcast_in_dim3A_4 : vector<16xi32>
        %gather3A_684 = tpu.vector_load_idx %arg5[%add3A_682] : memref<40960xi32, #tpu.memory_space<vmem>>[vector<16xi32>], vector<16xi32>,
        %bitcast3A_685 = vector.bitcast %gather3A_684 : vector<16xi32> to vector<32xbf16>
        %gather3A_686 = tpu.vector_load_idx %arg5[%add3A_683] : memref<40960xi32, #tpu.memory_space<vmem>>[vector<16xi32>], vector<16xi32>,
        %bitcast3A_687 = vector.bitcast %gather3A_686 : vector<16xi32> to vector<32xbf16>
        %sub3A_688 = arith.subf %bitcast3A_685, %bitcast3A_687 : vector<32xbf16>
        %max3A_689 = arith.maximumf %max3A_647, %sub3A_688 : vector<32xbf16>
        %add3A_690 = arith.addi %get3A_661, %broadcast_in_dim3A_6 : vector<16xi32>
        %add3A_691 = arith.addi %get3A_667, %broadcast_in_dim3A_6 : vector<16xi32>
        %gather3A_692 = tpu.vector_load_idx %arg5[%add3A_690] : memref<40960xi32, #tpu.memory_space<vmem>>[vector<16xi32>], vector<16xi32>,
        %bitcast3A_693 = vector.bitcast %gather3A_692 : vector<16xi32> to vector<32xbf16>
        %gather3A_694 = tpu.vector_load_idx %arg5[%add3A_691] : memref<40960xi32, #tpu.memory_space<vmem>>[vector<16xi32>], vector<16xi32>,
        %bitcast3A_695 = vector.bitcast %gather3A_694 : vector<16xi32> to vector<32xbf16>
        %sub3A_696 = arith.subf %bitcast3A_693, %bitcast3A_695 : vector<32xbf16>
        %max3A_697 = arith.maximumf %max3A_655, %sub3A_696 : vector<32xbf16>
        %get3A_698 = arith.constant 0 : i32
        %get3A_699 = arith.constant 14 : i32
        %get3A_700 = arith.index_cast %get3A_698 : i32 to index
        %get3A_701 = arith.index_cast %get3A_699 : i32 to index
        %get3A_702 = arith.index_cast %mul3A_118 : i32 to index
        %get3A_703 = tpu.vector_load %arg7[%get3A_700, %get3A_701, %get3A_702] {strides = array<i32>} : memref<2x32x128xi32, #tpu.memory_space<vmem>>, vector<16xi32>,
        %get3A_704 = arith.constant 1 : i32
        %get3A_705 = arith.constant 14 : i32
        %get3A_706 = arith.index_cast %get3A_704 : i32 to index
        %get3A_707 = arith.index_cast %get3A_705 : i32 to index
        %get3A_708 = arith.index_cast %mul3A_118 : i32 to index
        %get3A_709 = tpu.vector_load %arg7[%get3A_706, %get3A_707, %get3A_708] {strides = array<i32>} : memref<2x32x128xi32, #tpu.memory_space<vmem>>, vector<16xi32>,
        %gather3A_710 = tpu.vector_load_idx %arg5[%get3A_703] : memref<40960xi32, #tpu.memory_space<vmem>>[vector<16xi32>], vector<16xi32>,
        %bitcast3A_711 = vector.bitcast %gather3A_710 : vector<16xi32> to vector<32xbf16>
        %gather3A_712 = tpu.vector_load_idx %arg5[%get3A_709] : memref<40960xi32, #tpu.memory_space<vmem>>[vector<16xi32>], vector<16xi32>,
        %bitcast3A_713 = vector.bitcast %gather3A_712 : vector<16xi32> to vector<32xbf16>
        %sub3A_714 = arith.subf %bitcast3A_711, %bitcast3A_713 : vector<32xbf16>
        %max3A_715 = arith.maximumf %max3A_673, %sub3A_714 : vector<32xbf16>
        %add3A_716 = arith.addi %get3A_703, %broadcast_in_dim3A_2 : vector<16xi32>
        %add3A_717 = arith.addi %get3A_709, %broadcast_in_dim3A_2 : vector<16xi32>
        %gather3A_718 = tpu.vector_load_idx %arg5[%add3A_716] : memref<40960xi32, #tpu.memory_space<vmem>>[vector<16xi32>], vector<16xi32>,
        %bitcast3A_719 = vector.bitcast %gather3A_718 : vector<16xi32> to vector<32xbf16>
        %gather3A_720 = tpu.vector_load_idx %arg5[%add3A_717] : memref<40960xi32, #tpu.memory_space<vmem>>[vector<16xi32>], vector<16xi32>,
        %bitcast3A_721 = vector.bitcast %gather3A_720 : vector<16xi32> to vector<32xbf16>
        %sub3A_722 = arith.subf %bitcast3A_719, %bitcast3A_721 : vector<32xbf16>
        %max3A_723 = arith.maximumf %max3A_681, %sub3A_722 : vector<32xbf16>
        %add3A_724 = arith.addi %get3A_703, %broadcast_in_dim3A_4 : vector<16xi32>
        %add3A_725 = arith.addi %get3A_709, %broadcast_in_dim3A_4 : vector<16xi32>
        %gather3A_726 = tpu.vector_load_idx %arg5[%add3A_724] : memref<40960xi32, #tpu.memory_space<vmem>>[vector<16xi32>], vector<16xi32>,
        %bitcast3A_727 = vector.bitcast %gather3A_726 : vector<16xi32> to vector<32xbf16>
        %gather3A_728 = tpu.vector_load_idx %arg5[%add3A_725] : memref<40960xi32, #tpu.memory_space<vmem>>[vector<16xi32>], vector<16xi32>,
        %bitcast3A_729 = vector.bitcast %gather3A_728 : vector<16xi32> to vector<32xbf16>
        %sub3A_730 = arith.subf %bitcast3A_727, %bitcast3A_729 : vector<32xbf16>
        %max3A_731 = arith.maximumf %max3A_689, %sub3A_730 : vector<32xbf16>
        %add3A_732 = arith.addi %get3A_703, %broadcast_in_dim3A_6 : vector<16xi32>
        %add3A_733 = arith.addi %get3A_709, %broadcast_in_dim3A_6 : vector<16xi32>
        %gather3A_734 = tpu.vector_load_idx %arg5[%add3A_732] : memref<40960xi32, #tpu.memory_space<vmem>>[vector<16xi32>], vector<16xi32>,
        %bitcast3A_735 = vector.bitcast %gather3A_734 : vector<16xi32> to vector<32xbf16>
        %gather3A_736 = tpu.vector_load_idx %arg5[%add3A_733] : memref<40960xi32, #tpu.memory_space<vmem>>[vector<16xi32>], vector<16xi32>,
        %bitcast3A_737 = vector.bitcast %gather3A_736 : vector<16xi32> to vector<32xbf16>
        %sub3A_738 = arith.subf %bitcast3A_735, %bitcast3A_737 : vector<32xbf16>
        %max3A_739 = arith.maximumf %max3A_697, %sub3A_738 : vector<32xbf16>
        %get3A_740 = arith.constant 0 : i32
        %get3A_741 = arith.constant 15 : i32
        %get3A_742 = arith.index_cast %get3A_740 : i32 to index
        %get3A_743 = arith.index_cast %get3A_741 : i32 to index
        %get3A_744 = arith.index_cast %mul3A_118 : i32 to index
        %get3A_745 = tpu.vector_load %arg7[%get3A_742, %get3A_743, %get3A_744] {strides = array<i32>} : memref<2x32x128xi32, #tpu.memory_space<vmem>>, vector<16xi32>,
        %get3A_746 = arith.constant 1 : i32
        %get3A_747 = arith.constant 15 : i32
        %get3A_748 = arith.index_cast %get3A_746 : i32 to index
        %get3A_749 = arith.index_cast %get3A_747 : i32 to index
        %get3A_750 = arith.index_cast %mul3A_118 : i32 to index
        %get3A_751 = tpu.vector_load %arg7[%get3A_748, %get3A_749, %get3A_750] {strides = array<i32>} : memref<2x32x128xi32, #tpu.memory_space<vmem>>, vector<16xi32>,
        %gather3A_752 = tpu.vector_load_idx %arg5[%get3A_745] : memref<40960xi32, #tpu.memory_space<vmem>>[vector<16xi32>], vector<16xi32>,
        %bitcast3A_753 = vector.bitcast %gather3A_752 : vector<16xi32> to vector<32xbf16>
        %gather3A_754 = tpu.vector_load_idx %arg5[%get3A_751] : memref<40960xi32, #tpu.memory_space<vmem>>[vector<16xi32>], vector<16xi32>,
        %bitcast3A_755 = vector.bitcast %gather3A_754 : vector<16xi32> to vector<32xbf16>
        %sub3A_756 = arith.subf %bitcast3A_753, %bitcast3A_755 : vector<32xbf16>
        %max3A_757 = arith.maximumf %max3A_715, %sub3A_756 : vector<32xbf16>
        %add3A_758 = arith.addi %get3A_745, %broadcast_in_dim3A_2 : vector<16xi32>
        %add3A_759 = arith.addi %get3A_751, %broadcast_in_dim3A_2 : vector<16xi32>
        %gather3A_760 = tpu.vector_load_idx %arg5[%add3A_758] : memref<40960xi32, #tpu.memory_space<vmem>>[vector<16xi32>], vector<16xi32>,
        %bitcast3A_761 = vector.bitcast %gather3A_760 : vector<16xi32> to vector<32xbf16>
        %gather3A_762 = tpu.vector_load_idx %arg5[%add3A_759] : memref<40960xi32, #tpu.memory_space<vmem>>[vector<16xi32>], vector<16xi32>,
        %bitcast3A_763 = vector.bitcast %gather3A_762 : vector<16xi32> to vector<32xbf16>
        %sub3A_764 = arith.subf %bitcast3A_761, %bitcast3A_763 : vector<32xbf16>
        %max3A_765 = arith.maximumf %max3A_723, %sub3A_764 : vector<32xbf16>
        %add3A_766 = arith.addi %get3A_745, %broadcast_in_dim3A_4 : vector<16xi32>
        %add3A_767 = arith.addi %get3A_751, %broadcast_in_dim3A_4 : vector<16xi32>
        %gather3A_768 = tpu.vector_load_idx %arg5[%add3A_766] : memref<40960xi32, #tpu.memory_space<vmem>>[vector<16xi32>], vector<16xi32>,
        %bitcast3A_769 = vector.bitcast %gather3A_768 : vector<16xi32> to vector<32xbf16>
        %gather3A_770 = tpu.vector_load_idx %arg5[%add3A_767] : memref<40960xi32, #tpu.memory_space<vmem>>[vector<16xi32>], vector<16xi32>,
        %bitcast3A_771 = vector.bitcast %gather3A_770 : vector<16xi32> to vector<32xbf16>
        %sub3A_772 = arith.subf %bitcast3A_769, %bitcast3A_771 : vector<32xbf16>
        %max3A_773 = arith.maximumf %max3A_731, %sub3A_772 : vector<32xbf16>
        %add3A_774 = arith.addi %get3A_745, %broadcast_in_dim3A_6 : vector<16xi32>
        %add3A_775 = arith.addi %get3A_751, %broadcast_in_dim3A_6 : vector<16xi32>
        %gather3A_776 = tpu.vector_load_idx %arg5[%add3A_774] : memref<40960xi32, #tpu.memory_space<vmem>>[vector<16xi32>], vector<16xi32>,
        %bitcast3A_777 = vector.bitcast %gather3A_776 : vector<16xi32> to vector<32xbf16>
        %gather3A_778 = tpu.vector_load_idx %arg5[%add3A_775] : memref<40960xi32, #tpu.memory_space<vmem>>[vector<16xi32>], vector<16xi32>,
        %bitcast3A_779 = vector.bitcast %gather3A_778 : vector<16xi32> to vector<32xbf16>
        %sub3A_780 = arith.subf %bitcast3A_777, %bitcast3A_779 : vector<32xbf16>
        %max3A_781 = arith.maximumf %max3A_739, %sub3A_780 : vector<32xbf16>
        %get3A_782 = arith.constant 0 : i32
        %get3A_783 = arith.constant 16 : i32
        %get3A_784 = arith.index_cast %get3A_782 : i32 to index
        %get3A_785 = arith.index_cast %get3A_783 : i32 to index
        %get3A_786 = arith.index_cast %mul3A_118 : i32 to index
        %get3A_787 = tpu.vector_load %arg7[%get3A_784, %get3A_785, %get3A_786] {strides = array<i32>} : memref<2x32x128xi32, #tpu.memory_space<vmem>>, vector<16xi32>,
        %get3A_788 = arith.constant 1 : i32
        %get3A_789 = arith.constant 16 : i32
        %get3A_790 = arith.index_cast %get3A_788 : i32 to index
        %get3A_791 = arith.index_cast %get3A_789 : i32 to index
        %get3A_792 = arith.index_cast %mul3A_118 : i32 to index
        %get3A_793 = tpu.vector_load %arg7[%get3A_790, %get3A_791, %get3A_792] {strides = array<i32>} : memref<2x32x128xi32, #tpu.memory_space<vmem>>, vector<16xi32>,
        %gather3A_794 = tpu.vector_load_idx %arg5[%get3A_787] : memref<40960xi32, #tpu.memory_space<vmem>>[vector<16xi32>], vector<16xi32>,
        %bitcast3A_795 = vector.bitcast %gather3A_794 : vector<16xi32> to vector<32xbf16>
        %gather3A_796 = tpu.vector_load_idx %arg5[%get3A_793] : memref<40960xi32, #tpu.memory_space<vmem>>[vector<16xi32>], vector<16xi32>,
        %bitcast3A_797 = vector.bitcast %gather3A_796 : vector<16xi32> to vector<32xbf16>
        %sub3A_798 = arith.subf %bitcast3A_795, %bitcast3A_797 : vector<32xbf16>
        %max3A_799 = arith.maximumf %max3A_757, %sub3A_798 : vector<32xbf16>
        %add3A_800 = arith.addi %get3A_787, %broadcast_in_dim3A_2 : vector<16xi32>
        %add3A_801 = arith.addi %get3A_793, %broadcast_in_dim3A_2 : vector<16xi32>
        %gather3A_802 = tpu.vector_load_idx %arg5[%add3A_800] : memref<40960xi32, #tpu.memory_space<vmem>>[vector<16xi32>], vector<16xi32>,
        %bitcast3A_803 = vector.bitcast %gather3A_802 : vector<16xi32> to vector<32xbf16>
        %gather3A_804 = tpu.vector_load_idx %arg5[%add3A_801] : memref<40960xi32, #tpu.memory_space<vmem>>[vector<16xi32>], vector<16xi32>,
        %bitcast3A_805 = vector.bitcast %gather3A_804 : vector<16xi32> to vector<32xbf16>
        %sub3A_806 = arith.subf %bitcast3A_803, %bitcast3A_805 : vector<32xbf16>
        %max3A_807 = arith.maximumf %max3A_765, %sub3A_806 : vector<32xbf16>
        %add3A_808 = arith.addi %get3A_787, %broadcast_in_dim3A_4 : vector<16xi32>
        %add3A_809 = arith.addi %get3A_793, %broadcast_in_dim3A_4 : vector<16xi32>
        %gather3A_810 = tpu.vector_load_idx %arg5[%add3A_808] : memref<40960xi32, #tpu.memory_space<vmem>>[vector<16xi32>], vector<16xi32>,
        %bitcast3A_811 = vector.bitcast %gather3A_810 : vector<16xi32> to vector<32xbf16>
        %gather3A_812 = tpu.vector_load_idx %arg5[%add3A_809] : memref<40960xi32, #tpu.memory_space<vmem>>[vector<16xi32>], vector<16xi32>,
        %bitcast3A_813 = vector.bitcast %gather3A_812 : vector<16xi32> to vector<32xbf16>
        %sub3A_814 = arith.subf %bitcast3A_811, %bitcast3A_813 : vector<32xbf16>
        %max3A_815 = arith.maximumf %max3A_773, %sub3A_814 : vector<32xbf16>
        %add3A_816 = arith.addi %get3A_787, %broadcast_in_dim3A_6 : vector<16xi32>
        %add3A_817 = arith.addi %get3A_793, %broadcast_in_dim3A_6 : vector<16xi32>
        %gather3A_818 = tpu.vector_load_idx %arg5[%add3A_816] : memref<40960xi32, #tpu.memory_space<vmem>>[vector<16xi32>], vector<16xi32>,
        %bitcast3A_819 = vector.bitcast %gather3A_818 : vector<16xi32> to vector<32xbf16>
        %gather3A_820 = tpu.vector_load_idx %arg5[%add3A_817] : memref<40960xi32, #tpu.memory_space<vmem>>[vector<16xi32>], vector<16xi32>,
        %bitcast3A_821 = vector.bitcast %gather3A_820 : vector<16xi32> to vector<32xbf16>
        %sub3A_822 = arith.subf %bitcast3A_819, %bitcast3A_821 : vector<32xbf16>
        %max3A_823 = arith.maximumf %max3A_781, %sub3A_822 : vector<32xbf16>
        %get3A_824 = arith.constant 0 : i32
        %get3A_825 = arith.constant 17 : i32
        %get3A_826 = arith.index_cast %get3A_824 : i32 to index
        %get3A_827 = arith.index_cast %get3A_825 : i32 to index
        %get3A_828 = arith.index_cast %mul3A_118 : i32 to index
        %get3A_829 = tpu.vector_load %arg7[%get3A_826, %get3A_827, %get3A_828] {strides = array<i32>} : memref<2x32x128xi32, #tpu.memory_space<vmem>>, vector<16xi32>,
        %get3A_830 = arith.constant 1 : i32
        %get3A_831 = arith.constant 17 : i32
        %get3A_832 = arith.index_cast %get3A_830 : i32 to index
        %get3A_833 = arith.index_cast %get3A_831 : i32 to index
        %get3A_834 = arith.index_cast %mul3A_118 : i32 to index
        %get3A_835 = tpu.vector_load %arg7[%get3A_832, %get3A_833, %get3A_834] {strides = array<i32>} : memref<2x32x128xi32, #tpu.memory_space<vmem>>, vector<16xi32>,
        %gather3A_836 = tpu.vector_load_idx %arg5[%get3A_829] : memref<40960xi32, #tpu.memory_space<vmem>>[vector<16xi32>], vector<16xi32>,
        %bitcast3A_837 = vector.bitcast %gather3A_836 : vector<16xi32> to vector<32xbf16>
        %gather3A_838 = tpu.vector_load_idx %arg5[%get3A_835] : memref<40960xi32, #tpu.memory_space<vmem>>[vector<16xi32>], vector<16xi32>,
        %bitcast3A_839 = vector.bitcast %gather3A_838 : vector<16xi32> to vector<32xbf16>
        %sub3A_840 = arith.subf %bitcast3A_837, %bitcast3A_839 : vector<32xbf16>
        %max3A_841 = arith.maximumf %max3A_799, %sub3A_840 : vector<32xbf16>
        %add3A_842 = arith.addi %get3A_829, %broadcast_in_dim3A_2 : vector<16xi32>
        %add3A_843 = arith.addi %get3A_835, %broadcast_in_dim3A_2 : vector<16xi32>
        %gather3A_844 = tpu.vector_load_idx %arg5[%add3A_842] : memref<40960xi32, #tpu.memory_space<vmem>>[vector<16xi32>], vector<16xi32>,
        %bitcast3A_845 = vector.bitcast %gather3A_844 : vector<16xi32> to vector<32xbf16>
        %gather3A_846 = tpu.vector_load_idx %arg5[%add3A_843] : memref<40960xi32, #tpu.memory_space<vmem>>[vector<16xi32>], vector<16xi32>,
        %bitcast3A_847 = vector.bitcast %gather3A_846 : vector<16xi32> to vector<32xbf16>
        %sub3A_848 = arith.subf %bitcast3A_845, %bitcast3A_847 : vector<32xbf16>
        %max3A_849 = arith.maximumf %max3A_807, %sub3A_848 : vector<32xbf16>
        %add3A_850 = arith.addi %get3A_829, %broadcast_in_dim3A_4 : vector<16xi32>
        %add3A_851 = arith.addi %get3A_835, %broadcast_in_dim3A_4 : vector<16xi32>
        %gather3A_852 = tpu.vector_load_idx %arg5[%add3A_850] : memref<40960xi32, #tpu.memory_space<vmem>>[vector<16xi32>], vector<16xi32>,
        %bitcast3A_853 = vector.bitcast %gather3A_852 : vector<16xi32> to vector<32xbf16>
        %gather3A_854 = tpu.vector_load_idx %arg5[%add3A_851] : memref<40960xi32, #tpu.memory_space<vmem>>[vector<16xi32>], vector<16xi32>,
        %bitcast3A_855 = vector.bitcast %gather3A_854 : vector<16xi32> to vector<32xbf16>
        %sub3A_856 = arith.subf %bitcast3A_853, %bitcast3A_855 : vector<32xbf16>
        %max3A_857 = arith.maximumf %max3A_815, %sub3A_856 : vector<32xbf16>
        %add3A_858 = arith.addi %get3A_829, %broadcast_in_dim3A_6 : vector<16xi32>
        %add3A_859 = arith.addi %get3A_835, %broadcast_in_dim3A_6 : vector<16xi32>
        %gather3A_860 = tpu.vector_load_idx %arg5[%add3A_858] : memref<40960xi32, #tpu.memory_space<vmem>>[vector<16xi32>], vector<16xi32>,
        %bitcast3A_861 = vector.bitcast %gather3A_860 : vector<16xi32> to vector<32xbf16>
        %gather3A_862 = tpu.vector_load_idx %arg5[%add3A_859] : memref<40960xi32, #tpu.memory_space<vmem>>[vector<16xi32>], vector<16xi32>,
        %bitcast3A_863 = vector.bitcast %gather3A_862 : vector<16xi32> to vector<32xbf16>
        %sub3A_864 = arith.subf %bitcast3A_861, %bitcast3A_863 : vector<32xbf16>
        %max3A_865 = arith.maximumf %max3A_823, %sub3A_864 : vector<32xbf16>
        %get3A_866 = arith.constant 0 : i32
        %get3A_867 = arith.constant 18 : i32
        %get3A_868 = arith.index_cast %get3A_866 : i32 to index
        %get3A_869 = arith.index_cast %get3A_867 : i32 to index
        %get3A_870 = arith.index_cast %mul3A_118 : i32 to index
        %get3A_871 = tpu.vector_load %arg7[%get3A_868, %get3A_869, %get3A_870] {strides = array<i32>} : memref<2x32x128xi32, #tpu.memory_space<vmem>>, vector<16xi32>,
        %get3A_872 = arith.constant 1 : i32
        %get3A_873 = arith.constant 18 : i32
        %get3A_874 = arith.index_cast %get3A_872 : i32 to index
        %get3A_875 = arith.index_cast %get3A_873 : i32 to index
        %get3A_876 = arith.index_cast %mul3A_118 : i32 to index
        %get3A_877 = tpu.vector_load %arg7[%get3A_874, %get3A_875, %get3A_876] {strides = array<i32>} : memref<2x32x128xi32, #tpu.memory_space<vmem>>, vector<16xi32>,
        %gather3A_878 = tpu.vector_load_idx %arg5[%get3A_871] : memref<40960xi32, #tpu.memory_space<vmem>>[vector<16xi32>], vector<16xi32>,
        %bitcast3A_879 = vector.bitcast %gather3A_878 : vector<16xi32> to vector<32xbf16>
        %gather3A_880 = tpu.vector_load_idx %arg5[%get3A_877] : memref<40960xi32, #tpu.memory_space<vmem>>[vector<16xi32>], vector<16xi32>,
        %bitcast3A_881 = vector.bitcast %gather3A_880 : vector<16xi32> to vector<32xbf16>
        %sub3A_882 = arith.subf %bitcast3A_879, %bitcast3A_881 : vector<32xbf16>
        %max3A_883 = arith.maximumf %max3A_841, %sub3A_882 : vector<32xbf16>
        %add3A_884 = arith.addi %get3A_871, %broadcast_in_dim3A_2 : vector<16xi32>
        %add3A_885 = arith.addi %get3A_877, %broadcast_in_dim3A_2 : vector<16xi32>
        %gather3A_886 = tpu.vector_load_idx %arg5[%add3A_884] : memref<40960xi32, #tpu.memory_space<vmem>>[vector<16xi32>], vector<16xi32>,
        %bitcast3A_887 = vector.bitcast %gather3A_886 : vector<16xi32> to vector<32xbf16>
        %gather3A_888 = tpu.vector_load_idx %arg5[%add3A_885] : memref<40960xi32, #tpu.memory_space<vmem>>[vector<16xi32>], vector<16xi32>,
        %bitcast3A_889 = vector.bitcast %gather3A_888 : vector<16xi32> to vector<32xbf16>
        %sub3A_890 = arith.subf %bitcast3A_887, %bitcast3A_889 : vector<32xbf16>
        %max3A_891 = arith.maximumf %max3A_849, %sub3A_890 : vector<32xbf16>
        %add3A_892 = arith.addi %get3A_871, %broadcast_in_dim3A_4 : vector<16xi32>
        %add3A_893 = arith.addi %get3A_877, %broadcast_in_dim3A_4 : vector<16xi32>
        %gather3A_894 = tpu.vector_load_idx %arg5[%add3A_892] : memref<40960xi32, #tpu.memory_space<vmem>>[vector<16xi32>], vector<16xi32>,
        %bitcast3A_895 = vector.bitcast %gather3A_894 : vector<16xi32> to vector<32xbf16>
        %gather3A_896 = tpu.vector_load_idx %arg5[%add3A_893] : memref<40960xi32, #tpu.memory_space<vmem>>[vector<16xi32>], vector<16xi32>,
        %bitcast3A_897 = vector.bitcast %gather3A_896 : vector<16xi32> to vector<32xbf16>
        %sub3A_898 = arith.subf %bitcast3A_895, %bitcast3A_897 : vector<32xbf16>
        %max3A_899 = arith.maximumf %max3A_857, %sub3A_898 : vector<32xbf16>
        %add3A_900 = arith.addi %get3A_871, %broadcast_in_dim3A_6 : vector<16xi32>
        %add3A_901 = arith.addi %get3A_877, %broadcast_in_dim3A_6 : vector<16xi32>
        %gather3A_902 = tpu.vector_load_idx %arg5[%add3A_900] : memref<40960xi32, #tpu.memory_space<vmem>>[vector<16xi32>], vector<16xi32>,
        %bitcast3A_903 = vector.bitcast %gather3A_902 : vector<16xi32> to vector<32xbf16>
        %gather3A_904 = tpu.vector_load_idx %arg5[%add3A_901] : memref<40960xi32, #tpu.memory_space<vmem>>[vector<16xi32>], vector<16xi32>,
        %bitcast3A_905 = vector.bitcast %gather3A_904 : vector<16xi32> to vector<32xbf16>
        %sub3A_906 = arith.subf %bitcast3A_903, %bitcast3A_905 : vector<32xbf16>
        %max3A_907 = arith.maximumf %max3A_865, %sub3A_906 : vector<32xbf16>
        %get3A_908 = arith.constant 0 : i32
        %get3A_909 = arith.constant 19 : i32
        %get3A_910 = arith.index_cast %get3A_908 : i32 to index
        %get3A_911 = arith.index_cast %get3A_909 : i32 to index
        %get3A_912 = arith.index_cast %mul3A_118 : i32 to index
        %get3A_913 = tpu.vector_load %arg7[%get3A_910, %get3A_911, %get3A_912] {strides = array<i32>} : memref<2x32x128xi32, #tpu.memory_space<vmem>>, vector<16xi32>,
        %get3A_914 = arith.constant 1 : i32
        %get3A_915 = arith.constant 19 : i32
        %get3A_916 = arith.index_cast %get3A_914 : i32 to index
        %get3A_917 = arith.index_cast %get3A_915 : i32 to index
        %get3A_918 = arith.index_cast %mul3A_118 : i32 to index
        %get3A_919 = tpu.vector_load %arg7[%get3A_916, %get3A_917, %get3A_918] {strides = array<i32>} : memref<2x32x128xi32, #tpu.memory_space<vmem>>, vector<16xi32>,
        %gather3A_920 = tpu.vector_load_idx %arg5[%get3A_913] : memref<40960xi32, #tpu.memory_space<vmem>>[vector<16xi32>], vector<16xi32>,
        %bitcast3A_921 = vector.bitcast %gather3A_920 : vector<16xi32> to vector<32xbf16>
        %gather3A_922 = tpu.vector_load_idx %arg5[%get3A_919] : memref<40960xi32, #tpu.memory_space<vmem>>[vector<16xi32>], vector<16xi32>,
        %bitcast3A_923 = vector.bitcast %gather3A_922 : vector<16xi32> to vector<32xbf16>
        %sub3A_924 = arith.subf %bitcast3A_921, %bitcast3A_923 : vector<32xbf16>
        %max3A_925 = arith.maximumf %max3A_883, %sub3A_924 : vector<32xbf16>
        %add3A_926 = arith.addi %get3A_913, %broadcast_in_dim3A_2 : vector<16xi32>
        %add3A_927 = arith.addi %get3A_919, %broadcast_in_dim3A_2 : vector<16xi32>
        %gather3A_928 = tpu.vector_load_idx %arg5[%add3A_926] : memref<40960xi32, #tpu.memory_space<vmem>>[vector<16xi32>], vector<16xi32>,
        %bitcast3A_929 = vector.bitcast %gather3A_928 : vector<16xi32> to vector<32xbf16>
        %gather3A_930 = tpu.vector_load_idx %arg5[%add3A_927] : memref<40960xi32, #tpu.memory_space<vmem>>[vector<16xi32>], vector<16xi32>,
        %bitcast3A_931 = vector.bitcast %gather3A_930 : vector<16xi32> to vector<32xbf16>
        %sub3A_932 = arith.subf %bitcast3A_929, %bitcast3A_931 : vector<32xbf16>
        %max3A_933 = arith.maximumf %max3A_891, %sub3A_932 : vector<32xbf16>
        %add3A_934 = arith.addi %get3A_913, %broadcast_in_dim3A_4 : vector<16xi32>
        %add3A_935 = arith.addi %get3A_919, %broadcast_in_dim3A_4 : vector<16xi32>
        %gather3A_936 = tpu.vector_load_idx %arg5[%add3A_934] : memref<40960xi32, #tpu.memory_space<vmem>>[vector<16xi32>], vector<16xi32>,
        %bitcast3A_937 = vector.bitcast %gather3A_936 : vector<16xi32> to vector<32xbf16>
        %gather3A_938 = tpu.vector_load_idx %arg5[%add3A_935] : memref<40960xi32, #tpu.memory_space<vmem>>[vector<16xi32>], vector<16xi32>,
        %bitcast3A_939 = vector.bitcast %gather3A_938 : vector<16xi32> to vector<32xbf16>
        %sub3A_940 = arith.subf %bitcast3A_937, %bitcast3A_939 : vector<32xbf16>
        %max3A_941 = arith.maximumf %max3A_899, %sub3A_940 : vector<32xbf16>
        %add3A_942 = arith.addi %get3A_913, %broadcast_in_dim3A_6 : vector<16xi32>
        %add3A_943 = arith.addi %get3A_919, %broadcast_in_dim3A_6 : vector<16xi32>
        %gather3A_944 = tpu.vector_load_idx %arg5[%add3A_942] : memref<40960xi32, #tpu.memory_space<vmem>>[vector<16xi32>], vector<16xi32>,
        %bitcast3A_945 = vector.bitcast %gather3A_944 : vector<16xi32> to vector<32xbf16>
        %gather3A_946 = tpu.vector_load_idx %arg5[%add3A_943] : memref<40960xi32, #tpu.memory_space<vmem>>[vector<16xi32>], vector<16xi32>,
        %bitcast3A_947 = vector.bitcast %gather3A_946 : vector<16xi32> to vector<32xbf16>
        %sub3A_948 = arith.subf %bitcast3A_945, %bitcast3A_947 : vector<32xbf16>
        %max3A_949 = arith.maximumf %max3A_907, %sub3A_948 : vector<32xbf16>
        %get3A_950 = arith.constant 0 : i32
        %get3A_951 = arith.constant 20 : i32
        %get3A_952 = arith.index_cast %get3A_950 : i32 to index
        %get3A_953 = arith.index_cast %get3A_951 : i32 to index
        %get3A_954 = arith.index_cast %mul3A_118 : i32 to index
        %get3A_955 = tpu.vector_load %arg7[%get3A_952, %get3A_953, %get3A_954] {strides = array<i32>} : memref<2x32x128xi32, #tpu.memory_space<vmem>>, vector<16xi32>,
        %get3A_956 = arith.constant 1 : i32
        %get3A_957 = arith.constant 20 : i32
        %get3A_958 = arith.index_cast %get3A_956 : i32 to index
        %get3A_959 = arith.index_cast %get3A_957 : i32 to index
        %get3A_960 = arith.index_cast %mul3A_118 : i32 to index
        %get3A_961 = tpu.vector_load %arg7[%get3A_958, %get3A_959, %get3A_960] {strides = array<i32>} : memref<2x32x128xi32, #tpu.memory_space<vmem>>, vector<16xi32>,
        %gather3A_962 = tpu.vector_load_idx %arg5[%get3A_955] : memref<40960xi32, #tpu.memory_space<vmem>>[vector<16xi32>], vector<16xi32>,
        %bitcast3A_963 = vector.bitcast %gather3A_962 : vector<16xi32> to vector<32xbf16>
        %gather3A_964 = tpu.vector_load_idx %arg5[%get3A_961] : memref<40960xi32, #tpu.memory_space<vmem>>[vector<16xi32>], vector<16xi32>,
        %bitcast3A_965 = vector.bitcast %gather3A_964 : vector<16xi32> to vector<32xbf16>
        %sub3A_966 = arith.subf %bitcast3A_963, %bitcast3A_965 : vector<32xbf16>
        %max3A_967 = arith.maximumf %max3A_925, %sub3A_966 : vector<32xbf16>
        %add3A_968 = arith.addi %get3A_955, %broadcast_in_dim3A_2 : vector<16xi32>
        %add3A_969 = arith.addi %get3A_961, %broadcast_in_dim3A_2 : vector<16xi32>
        %gather3A_970 = tpu.vector_load_idx %arg5[%add3A_968] : memref<40960xi32, #tpu.memory_space<vmem>>[vector<16xi32>], vector<16xi32>,
        %bitcast3A_971 = vector.bitcast %gather3A_970 : vector<16xi32> to vector<32xbf16>
        %gather3A_972 = tpu.vector_load_idx %arg5[%add3A_969] : memref<40960xi32, #tpu.memory_space<vmem>>[vector<16xi32>], vector<16xi32>,
        %bitcast3A_973 = vector.bitcast %gather3A_972 : vector<16xi32> to vector<32xbf16>
        %sub3A_974 = arith.subf %bitcast3A_971, %bitcast3A_973 : vector<32xbf16>
        %max3A_975 = arith.maximumf %max3A_933, %sub3A_974 : vector<32xbf16>
        %add3A_976 = arith.addi %get3A_955, %broadcast_in_dim3A_4 : vector<16xi32>
        %add3A_977 = arith.addi %get3A_961, %broadcast_in_dim3A_4 : vector<16xi32>
        %gather3A_978 = tpu.vector_load_idx %arg5[%add3A_976] : memref<40960xi32, #tpu.memory_space<vmem>>[vector<16xi32>], vector<16xi32>,
        %bitcast3A_979 = vector.bitcast %gather3A_978 : vector<16xi32> to vector<32xbf16>
        %gather3A_980 = tpu.vector_load_idx %arg5[%add3A_977] : memref<40960xi32, #tpu.memory_space<vmem>>[vector<16xi32>], vector<16xi32>,
        %bitcast3A_981 = vector.bitcast %gather3A_980 : vector<16xi32> to vector<32xbf16>
        %sub3A_982 = arith.subf %bitcast3A_979, %bitcast3A_981 : vector<32xbf16>
        %max3A_983 = arith.maximumf %max3A_941, %sub3A_982 : vector<32xbf16>
        %add3A_984 = arith.addi %get3A_955, %broadcast_in_dim3A_6 : vector<16xi32>
        %add3A_985 = arith.addi %get3A_961, %broadcast_in_dim3A_6 : vector<16xi32>
        %gather3A_986 = tpu.vector_load_idx %arg5[%add3A_984] : memref<40960xi32, #tpu.memory_space<vmem>>[vector<16xi32>], vector<16xi32>,
        %bitcast3A_987 = vector.bitcast %gather3A_986 : vector<16xi32> to vector<32xbf16>
        %gather3A_988 = tpu.vector_load_idx %arg5[%add3A_985] : memref<40960xi32, #tpu.memory_space<vmem>>[vector<16xi32>], vector<16xi32>,
        %bitcast3A_989 = vector.bitcast %gather3A_988 : vector<16xi32> to vector<32xbf16>
        %sub3A_990 = arith.subf %bitcast3A_987, %bitcast3A_989 : vector<32xbf16>
        %max3A_991 = arith.maximumf %max3A_949, %sub3A_990 : vector<32xbf16>
        %get3A_992 = arith.constant 0 : i32
        %get3A_993 = arith.constant 21 : i32
        %get3A_994 = arith.index_cast %get3A_992 : i32 to index
        %get3A_995 = arith.index_cast %get3A_993 : i32 to index
        %get3A_996 = arith.index_cast %mul3A_118 : i32 to index
        %get3A_997 = tpu.vector_load %arg7[%get3A_994, %get3A_995, %get3A_996] {strides = array<i32>} : memref<2x32x128xi32, #tpu.memory_space<vmem>>, vector<16xi32>,
        %get3A_998 = arith.constant 1 : i32
        %get3A_999 = arith.constant 21 : i32
        %get3A_1000 = arith.index_cast %get3A_998 : i32 to index
        %get3A_1001 = arith.index_cast %get3A_999 : i32 to index
        %get3A_1002 = arith.index_cast %mul3A_118 : i32 to index
        %get3A_1003 = tpu.vector_load %arg7[%get3A_1000, %get3A_1001, %get3A_1002] {strides = array<i32>} : memref<2x32x128xi32, #tpu.memory_space<vmem>>, vector<16xi32>,
        %gather3A_1004 = tpu.vector_load_idx %arg5[%get3A_997] : memref<40960xi32, #tpu.memory_space<vmem>>[vector<16xi32>], vector<16xi32>,
        %bitcast3A_1005 = vector.bitcast %gather3A_1004 : vector<16xi32> to vector<32xbf16>
        %gather3A_1006 = tpu.vector_load_idx %arg5[%get3A_1003] : memref<40960xi32, #tpu.memory_space<vmem>>[vector<16xi32>], vector<16xi32>,
        %bitcast3A_1007 = vector.bitcast %gather3A_1006 : vector<16xi32> to vector<32xbf16>
        %sub3A_1008 = arith.subf %bitcast3A_1005, %bitcast3A_1007 : vector<32xbf16>
        %max3A_1009 = arith.maximumf %max3A_967, %sub3A_1008 : vector<32xbf16>
        %add3A_1010 = arith.addi %get3A_997, %broadcast_in_dim3A_2 : vector<16xi32>
        %add3A_1011 = arith.addi %get3A_1003, %broadcast_in_dim3A_2 : vector<16xi32>
        %gather3A_1012 = tpu.vector_load_idx %arg5[%add3A_1010] : memref<40960xi32, #tpu.memory_space<vmem>>[vector<16xi32>], vector<16xi32>,
        %bitcast3A_1013 = vector.bitcast %gather3A_1012 : vector<16xi32> to vector<32xbf16>
        %gather3A_1014 = tpu.vector_load_idx %arg5[%add3A_1011] : memref<40960xi32, #tpu.memory_space<vmem>>[vector<16xi32>], vector<16xi32>,
        %bitcast3A_1015 = vector.bitcast %gather3A_1014 : vector<16xi32> to vector<32xbf16>
        %sub3A_1016 = arith.subf %bitcast3A_1013, %bitcast3A_1015 : vector<32xbf16>
        %max3A_1017 = arith.maximumf %max3A_975, %sub3A_1016 : vector<32xbf16>
        %add3A_1018 = arith.addi %get3A_997, %broadcast_in_dim3A_4 : vector<16xi32>
        %add3A_1019 = arith.addi %get3A_1003, %broadcast_in_dim3A_4 : vector<16xi32>
        %gather3A_1020 = tpu.vector_load_idx %arg5[%add3A_1018] : memref<40960xi32, #tpu.memory_space<vmem>>[vector<16xi32>], vector<16xi32>,
        %bitcast3A_1021 = vector.bitcast %gather3A_1020 : vector<16xi32> to vector<32xbf16>
        %gather3A_1022 = tpu.vector_load_idx %arg5[%add3A_1019] : memref<40960xi32, #tpu.memory_space<vmem>>[vector<16xi32>], vector<16xi32>,
        %bitcast3A_1023 = vector.bitcast %gather3A_1022 : vector<16xi32> to vector<32xbf16>
        %sub3A_1024 = arith.subf %bitcast3A_1021, %bitcast3A_1023 : vector<32xbf16>
        %max3A_1025 = arith.maximumf %max3A_983, %sub3A_1024 : vector<32xbf16>
        %add3A_1026 = arith.addi %get3A_997, %broadcast_in_dim3A_6 : vector<16xi32>
        %add3A_1027 = arith.addi %get3A_1003, %broadcast_in_dim3A_6 : vector<16xi32>
        %gather3A_1028 = tpu.vector_load_idx %arg5[%add3A_1026] : memref<40960xi32, #tpu.memory_space<vmem>>[vector<16xi32>], vector<16xi32>,
        %bitcast3A_1029 = vector.bitcast %gather3A_1028 : vector<16xi32> to vector<32xbf16>
        %gather3A_1030 = tpu.vector_load_idx %arg5[%add3A_1027] : memref<40960xi32, #tpu.memory_space<vmem>>[vector<16xi32>], vector<16xi32>,
        %bitcast3A_1031 = vector.bitcast %gather3A_1030 : vector<16xi32> to vector<32xbf16>
        %sub3A_1032 = arith.subf %bitcast3A_1029, %bitcast3A_1031 : vector<32xbf16>
        %max3A_1033 = arith.maximumf %max3A_991, %sub3A_1032 : vector<32xbf16>
        %get3A_1034 = arith.constant 0 : i32
        %get3A_1035 = arith.constant 22 : i32
        %get3A_1036 = arith.index_cast %get3A_1034 : i32 to index
        %get3A_1037 = arith.index_cast %get3A_1035 : i32 to index
        %get3A_1038 = arith.index_cast %mul3A_118 : i32 to index
        %get3A_1039 = tpu.vector_load %arg7[%get3A_1036, %get3A_1037, %get3A_1038] {strides = array<i32>} : memref<2x32x128xi32, #tpu.memory_space<vmem>>, vector<16xi32>,
        %get3A_1040 = arith.constant 1 : i32
        %get3A_1041 = arith.constant 22 : i32
        %get3A_1042 = arith.index_cast %get3A_1040 : i32 to index
        %get3A_1043 = arith.index_cast %get3A_1041 : i32 to index
        %get3A_1044 = arith.index_cast %mul3A_118 : i32 to index
        %get3A_1045 = tpu.vector_load %arg7[%get3A_1042, %get3A_1043, %get3A_1044] {strides = array<i32>} : memref<2x32x128xi32, #tpu.memory_space<vmem>>, vector<16xi32>,
        %gather3A_1046 = tpu.vector_load_idx %arg5[%get3A_1039] : memref<40960xi32, #tpu.memory_space<vmem>>[vector<16xi32>], vector<16xi32>,
        %bitcast3A_1047 = vector.bitcast %gather3A_1046 : vector<16xi32> to vector<32xbf16>
        %gather3A_1048 = tpu.vector_load_idx %arg5[%get3A_1045] : memref<40960xi32, #tpu.memory_space<vmem>>[vector<16xi32>], vector<16xi32>,
        %bitcast3A_1049 = vector.bitcast %gather3A_1048 : vector<16xi32> to vector<32xbf16>
        %sub3A_1050 = arith.subf %bitcast3A_1047, %bitcast3A_1049 : vector<32xbf16>
        %max3A_1051 = arith.maximumf %max3A_1009, %sub3A_1050 : vector<32xbf16>
        %add3A_1052 = arith.addi %get3A_1039, %broadcast_in_dim3A_2 : vector<16xi32>
        %add3A_1053 = arith.addi %get3A_1045, %broadcast_in_dim3A_2 : vector<16xi32>
        %gather3A_1054 = tpu.vector_load_idx %arg5[%add3A_1052] : memref<40960xi32, #tpu.memory_space<vmem>>[vector<16xi32>], vector<16xi32>,
        %bitcast3A_1055 = vector.bitcast %gather3A_1054 : vector<16xi32> to vector<32xbf16>
        %gather3A_1056 = tpu.vector_load_idx %arg5[%add3A_1053] : memref<40960xi32, #tpu.memory_space<vmem>>[vector<16xi32>], vector<16xi32>,
        %bitcast3A_1057 = vector.bitcast %gather3A_1056 : vector<16xi32> to vector<32xbf16>
        %sub3A_1058 = arith.subf %bitcast3A_1055, %bitcast3A_1057 : vector<32xbf16>
        %max3A_1059 = arith.maximumf %max3A_1017, %sub3A_1058 : vector<32xbf16>
        %add3A_1060 = arith.addi %get3A_1039, %broadcast_in_dim3A_4 : vector<16xi32>
        %add3A_1061 = arith.addi %get3A_1045, %broadcast_in_dim3A_4 : vector<16xi32>
        %gather3A_1062 = tpu.vector_load_idx %arg5[%add3A_1060] : memref<40960xi32, #tpu.memory_space<vmem>>[vector<16xi32>], vector<16xi32>,
        %bitcast3A_1063 = vector.bitcast %gather3A_1062 : vector<16xi32> to vector<32xbf16>
        %gather3A_1064 = tpu.vector_load_idx %arg5[%add3A_1061] : memref<40960xi32, #tpu.memory_space<vmem>>[vector<16xi32>], vector<16xi32>,
        %bitcast3A_1065 = vector.bitcast %gather3A_1064 : vector<16xi32> to vector<32xbf16>
        %sub3A_1066 = arith.subf %bitcast3A_1063, %bitcast3A_1065 : vector<32xbf16>
        %max3A_1067 = arith.maximumf %max3A_1025, %sub3A_1066 : vector<32xbf16>
        %add3A_1068 = arith.addi %get3A_1039, %broadcast_in_dim3A_6 : vector<16xi32>
        %add3A_1069 = arith.addi %get3A_1045, %broadcast_in_dim3A_6 : vector<16xi32>
        %gather3A_1070 = tpu.vector_load_idx %arg5[%add3A_1068] : memref<40960xi32, #tpu.memory_space<vmem>>[vector<16xi32>], vector<16xi32>,
        %bitcast3A_1071 = vector.bitcast %gather3A_1070 : vector<16xi32> to vector<32xbf16>
        %gather3A_1072 = tpu.vector_load_idx %arg5[%add3A_1069] : memref<40960xi32, #tpu.memory_space<vmem>>[vector<16xi32>], vector<16xi32>,
        %bitcast3A_1073 = vector.bitcast %gather3A_1072 : vector<16xi32> to vector<32xbf16>
        %sub3A_1074 = arith.subf %bitcast3A_1071, %bitcast3A_1073 : vector<32xbf16>
        %max3A_1075 = arith.maximumf %max3A_1033, %sub3A_1074 : vector<32xbf16>
        %get3A_1076 = arith.constant 0 : i32
        %get3A_1077 = arith.constant 23 : i32
        %get3A_1078 = arith.index_cast %get3A_1076 : i32 to index
        %get3A_1079 = arith.index_cast %get3A_1077 : i32 to index
        %get3A_1080 = arith.index_cast %mul3A_118 : i32 to index
        %get3A_1081 = tpu.vector_load %arg7[%get3A_1078, %get3A_1079, %get3A_1080] {strides = array<i32>} : memref<2x32x128xi32, #tpu.memory_space<vmem>>, vector<16xi32>,
        %get3A_1082 = arith.constant 1 : i32
        %get3A_1083 = arith.constant 23 : i32
        %get3A_1084 = arith.index_cast %get3A_1082 : i32 to index
        %get3A_1085 = arith.index_cast %get3A_1083 : i32 to index
        %get3A_1086 = arith.index_cast %mul3A_118 : i32 to index
        %get3A_1087 = tpu.vector_load %arg7[%get3A_1084, %get3A_1085, %get3A_1086] {strides = array<i32>} : memref<2x32x128xi32, #tpu.memory_space<vmem>>, vector<16xi32>,
        %gather3A_1088 = tpu.vector_load_idx %arg5[%get3A_1081] : memref<40960xi32, #tpu.memory_space<vmem>>[vector<16xi32>], vector<16xi32>,
        %bitcast3A_1089 = vector.bitcast %gather3A_1088 : vector<16xi32> to vector<32xbf16>
        %gather3A_1090 = tpu.vector_load_idx %arg5[%get3A_1087] : memref<40960xi32, #tpu.memory_space<vmem>>[vector<16xi32>], vector<16xi32>,
        %bitcast3A_1091 = vector.bitcast %gather3A_1090 : vector<16xi32> to vector<32xbf16>
        %sub3A_1092 = arith.subf %bitcast3A_1089, %bitcast3A_1091 : vector<32xbf16>
        %max3A_1093 = arith.maximumf %max3A_1051, %sub3A_1092 : vector<32xbf16>
        %add3A_1094 = arith.addi %get3A_1081, %broadcast_in_dim3A_2 : vector<16xi32>
        %add3A_1095 = arith.addi %get3A_1087, %broadcast_in_dim3A_2 : vector<16xi32>
        %gather3A_1096 = tpu.vector_load_idx %arg5[%add3A_1094] : memref<40960xi32, #tpu.memory_space<vmem>>[vector<16xi32>], vector<16xi32>,
        %bitcast3A_1097 = vector.bitcast %gather3A_1096 : vector<16xi32> to vector<32xbf16>
        %gather3A_1098 = tpu.vector_load_idx %arg5[%add3A_1095] : memref<40960xi32, #tpu.memory_space<vmem>>[vector<16xi32>], vector<16xi32>,
        %bitcast3A_1099 = vector.bitcast %gather3A_1098 : vector<16xi32> to vector<32xbf16>
        %sub3A_1100 = arith.subf %bitcast3A_1097, %bitcast3A_1099 : vector<32xbf16>
        %max3A_1101 = arith.maximumf %max3A_1059, %sub3A_1100 : vector<32xbf16>
        %add3A_1102 = arith.addi %get3A_1081, %broadcast_in_dim3A_4 : vector<16xi32>
        %add3A_1103 = arith.addi %get3A_1087, %broadcast_in_dim3A_4 : vector<16xi32>
        %gather3A_1104 = tpu.vector_load_idx %arg5[%add3A_1102] : memref<40960xi32, #tpu.memory_space<vmem>>[vector<16xi32>], vector<16xi32>,
        %bitcast3A_1105 = vector.bitcast %gather3A_1104 : vector<16xi32> to vector<32xbf16>
        %gather3A_1106 = tpu.vector_load_idx %arg5[%add3A_1103] : memref<40960xi32, #tpu.memory_space<vmem>>[vector<16xi32>], vector<16xi32>,
        %bitcast3A_1107 = vector.bitcast %gather3A_1106 : vector<16xi32> to vector<32xbf16>
        %sub3A_1108 = arith.subf %bitcast3A_1105, %bitcast3A_1107 : vector<32xbf16>
        %max3A_1109 = arith.maximumf %max3A_1067, %sub3A_1108 : vector<32xbf16>
        %add3A_1110 = arith.addi %get3A_1081, %broadcast_in_dim3A_6 : vector<16xi32>
        %add3A_1111 = arith.addi %get3A_1087, %broadcast_in_dim3A_6 : vector<16xi32>
        %gather3A_1112 = tpu.vector_load_idx %arg5[%add3A_1110] : memref<40960xi32, #tpu.memory_space<vmem>>[vector<16xi32>], vector<16xi32>,
        %bitcast3A_1113 = vector.bitcast %gather3A_1112 : vector<16xi32> to vector<32xbf16>
        %gather3A_1114 = tpu.vector_load_idx %arg5[%add3A_1111] : memref<40960xi32, #tpu.memory_space<vmem>>[vector<16xi32>], vector<16xi32>,
        %bitcast3A_1115 = vector.bitcast %gather3A_1114 : vector<16xi32> to vector<32xbf16>
        %sub3A_1116 = arith.subf %bitcast3A_1113, %bitcast3A_1115 : vector<32xbf16>
        %max3A_1117 = arith.maximumf %max3A_1075, %sub3A_1116 : vector<32xbf16>
        %get3A_1118 = arith.constant 0 : i32
        %get3A_1119 = arith.constant 24 : i32
        %get3A_1120 = arith.index_cast %get3A_1118 : i32 to index
        %get3A_1121 = arith.index_cast %get3A_1119 : i32 to index
        %get3A_1122 = arith.index_cast %mul3A_118 : i32 to index
        %get3A_1123 = tpu.vector_load %arg7[%get3A_1120, %get3A_1121, %get3A_1122] {strides = array<i32>} : memref<2x32x128xi32, #tpu.memory_space<vmem>>, vector<16xi32>,
        %get3A_1124 = arith.constant 1 : i32
        %get3A_1125 = arith.constant 24 : i32
        %get3A_1126 = arith.index_cast %get3A_1124 : i32 to index
        %get3A_1127 = arith.index_cast %get3A_1125 : i32 to index
        %get3A_1128 = arith.index_cast %mul3A_118 : i32 to index
        %get3A_1129 = tpu.vector_load %arg7[%get3A_1126, %get3A_1127, %get3A_1128] {strides = array<i32>} : memref<2x32x128xi32, #tpu.memory_space<vmem>>, vector<16xi32>,
        %gather3A_1130 = tpu.vector_load_idx %arg5[%get3A_1123] : memref<40960xi32, #tpu.memory_space<vmem>>[vector<16xi32>], vector<16xi32>,
        %bitcast3A_1131 = vector.bitcast %gather3A_1130 : vector<16xi32> to vector<32xbf16>
        %gather3A_1132 = tpu.vector_load_idx %arg5[%get3A_1129] : memref<40960xi32, #tpu.memory_space<vmem>>[vector<16xi32>], vector<16xi32>,
        %bitcast3A_1133 = vector.bitcast %gather3A_1132 : vector<16xi32> to vector<32xbf16>
        %sub3A_1134 = arith.subf %bitcast3A_1131, %bitcast3A_1133 : vector<32xbf16>
        %max3A_1135 = arith.maximumf %max3A_1093, %sub3A_1134 : vector<32xbf16>
        %add3A_1136 = arith.addi %get3A_1123, %broadcast_in_dim3A_2 : vector<16xi32>
        %add3A_1137 = arith.addi %get3A_1129, %broadcast_in_dim3A_2 : vector<16xi32>
        %gather3A_1138 = tpu.vector_load_idx %arg5[%add3A_1136] : memref<40960xi32, #tpu.memory_space<vmem>>[vector<16xi32>], vector<16xi32>,
        %bitcast3A_1139 = vector.bitcast %gather3A_1138 : vector<16xi32> to vector<32xbf16>
        %gather3A_1140 = tpu.vector_load_idx %arg5[%add3A_1137] : memref<40960xi32, #tpu.memory_space<vmem>>[vector<16xi32>], vector<16xi32>,
        %bitcast3A_1141 = vector.bitcast %gather3A_1140 : vector<16xi32> to vector<32xbf16>
        %sub3A_1142 = arith.subf %bitcast3A_1139, %bitcast3A_1141 : vector<32xbf16>
        %max3A_1143 = arith.maximumf %max3A_1101, %sub3A_1142 : vector<32xbf16>
        %add3A_1144 = arith.addi %get3A_1123, %broadcast_in_dim3A_4 : vector<16xi32>
        %add3A_1145 = arith.addi %get3A_1129, %broadcast_in_dim3A_4 : vector<16xi32>
        %gather3A_1146 = tpu.vector_load_idx %arg5[%add3A_1144] : memref<40960xi32, #tpu.memory_space<vmem>>[vector<16xi32>], vector<16xi32>,
        %bitcast3A_1147 = vector.bitcast %gather3A_1146 : vector<16xi32> to vector<32xbf16>
        %gather3A_1148 = tpu.vector_load_idx %arg5[%add3A_1145] : memref<40960xi32, #tpu.memory_space<vmem>>[vector<16xi32>], vector<16xi32>,
        %bitcast3A_1149 = vector.bitcast %gather3A_1148 : vector<16xi32> to vector<32xbf16>
        %sub3A_1150 = arith.subf %bitcast3A_1147, %bitcast3A_1149 : vector<32xbf16>
        %max3A_1151 = arith.maximumf %max3A_1109, %sub3A_1150 : vector<32xbf16>
        %add3A_1152 = arith.addi %get3A_1123, %broadcast_in_dim3A_6 : vector<16xi32>
        %add3A_1153 = arith.addi %get3A_1129, %broadcast_in_dim3A_6 : vector<16xi32>
        %gather3A_1154 = tpu.vector_load_idx %arg5[%add3A_1152] : memref<40960xi32, #tpu.memory_space<vmem>>[vector<16xi32>], vector<16xi32>,
        %bitcast3A_1155 = vector.bitcast %gather3A_1154 : vector<16xi32> to vector<32xbf16>
        %gather3A_1156 = tpu.vector_load_idx %arg5[%add3A_1153] : memref<40960xi32, #tpu.memory_space<vmem>>[vector<16xi32>], vector<16xi32>,
        %bitcast3A_1157 = vector.bitcast %gather3A_1156 : vector<16xi32> to vector<32xbf16>
        %sub3A_1158 = arith.subf %bitcast3A_1155, %bitcast3A_1157 : vector<32xbf16>
        %max3A_1159 = arith.maximumf %max3A_1117, %sub3A_1158 : vector<32xbf16>
        %get3A_1160 = arith.constant 0 : i32
        %get3A_1161 = arith.constant 25 : i32
        %get3A_1162 = arith.index_cast %get3A_1160 : i32 to index
        %get3A_1163 = arith.index_cast %get3A_1161 : i32 to index
        %get3A_1164 = arith.index_cast %mul3A_118 : i32 to index
        %get3A_1165 = tpu.vector_load %arg7[%get3A_1162, %get3A_1163, %get3A_1164] {strides = array<i32>} : memref<2x32x128xi32, #tpu.memory_space<vmem>>, vector<16xi32>,
        %get3A_1166 = arith.constant 1 : i32
        %get3A_1167 = arith.constant 25 : i32
        %get3A_1168 = arith.index_cast %get3A_1166 : i32 to index
        %get3A_1169 = arith.index_cast %get3A_1167 : i32 to index
        %get3A_1170 = arith.index_cast %mul3A_118 : i32 to index
        %get3A_1171 = tpu.vector_load %arg7[%get3A_1168, %get3A_1169, %get3A_1170] {strides = array<i32>} : memref<2x32x128xi32, #tpu.memory_space<vmem>>, vector<16xi32>,
        %gather3A_1172 = tpu.vector_load_idx %arg5[%get3A_1165] : memref<40960xi32, #tpu.memory_space<vmem>>[vector<16xi32>], vector<16xi32>,
        %bitcast3A_1173 = vector.bitcast %gather3A_1172 : vector<16xi32> to vector<32xbf16>
        %gather3A_1174 = tpu.vector_load_idx %arg5[%get3A_1171] : memref<40960xi32, #tpu.memory_space<vmem>>[vector<16xi32>], vector<16xi32>,
        %bitcast3A_1175 = vector.bitcast %gather3A_1174 : vector<16xi32> to vector<32xbf16>
        %sub3A_1176 = arith.subf %bitcast3A_1173, %bitcast3A_1175 : vector<32xbf16>
        %max3A_1177 = arith.maximumf %max3A_1135, %sub3A_1176 : vector<32xbf16>
        %add3A_1178 = arith.addi %get3A_1165, %broadcast_in_dim3A_2 : vector<16xi32>
        %add3A_1179 = arith.addi %get3A_1171, %broadcast_in_dim3A_2 : vector<16xi32>
        %gather3A_1180 = tpu.vector_load_idx %arg5[%add3A_1178] : memref<40960xi32, #tpu.memory_space<vmem>>[vector<16xi32>], vector<16xi32>,
        %bitcast3A_1181 = vector.bitcast %gather3A_1180 : vector<16xi32> to vector<32xbf16>
        %gather3A_1182 = tpu.vector_load_idx %arg5[%add3A_1179] : memref<40960xi32, #tpu.memory_space<vmem>>[vector<16xi32>], vector<16xi32>,
        %bitcast3A_1183 = vector.bitcast %gather3A_1182 : vector<16xi32> to vector<32xbf16>
        %sub3A_1184 = arith.subf %bitcast3A_1181, %bitcast3A_1183 : vector<32xbf16>
        %max3A_1185 = arith.maximumf %max3A_1143, %sub3A_1184 : vector<32xbf16>
        %add3A_1186 = arith.addi %get3A_1165, %broadcast_in_dim3A_4 : vector<16xi32>
        %add3A_1187 = arith.addi %get3A_1171, %broadcast_in_dim3A_4 : vector<16xi32>
        %gather3A_1188 = tpu.vector_load_idx %arg5[%add3A_1186] : memref<40960xi32, #tpu.memory_space<vmem>>[vector<16xi32>], vector<16xi32>,
        %bitcast3A_1189 = vector.bitcast %gather3A_1188 : vector<16xi32> to vector<32xbf16>
        %gather3A_1190 = tpu.vector_load_idx %arg5[%add3A_1187] : memref<40960xi32, #tpu.memory_space<vmem>>[vector<16xi32>], vector<16xi32>,
        %bitcast3A_1191 = vector.bitcast %gather3A_1190 : vector<16xi32> to vector<32xbf16>
        %sub3A_1192 = arith.subf %bitcast3A_1189, %bitcast3A_1191 : vector<32xbf16>
        %max3A_1193 = arith.maximumf %max3A_1151, %sub3A_1192 : vector<32xbf16>
        %add3A_1194 = arith.addi %get3A_1165, %broadcast_in_dim3A_6 : vector<16xi32>
        %add3A_1195 = arith.addi %get3A_1171, %broadcast_in_dim3A_6 : vector<16xi32>
        %gather3A_1196 = tpu.vector_load_idx %arg5[%add3A_1194] : memref<40960xi32, #tpu.memory_space<vmem>>[vector<16xi32>], vector<16xi32>,
        %bitcast3A_1197 = vector.bitcast %gather3A_1196 : vector<16xi32> to vector<32xbf16>
        %gather3A_1198 = tpu.vector_load_idx %arg5[%add3A_1195] : memref<40960xi32, #tpu.memory_space<vmem>>[vector<16xi32>], vector<16xi32>,
        %bitcast3A_1199 = vector.bitcast %gather3A_1198 : vector<16xi32> to vector<32xbf16>
        %sub3A_1200 = arith.subf %bitcast3A_1197, %bitcast3A_1199 : vector<32xbf16>
        %max3A_1201 = arith.maximumf %max3A_1159, %sub3A_1200 : vector<32xbf16>
        %get3A_1202 = arith.constant 0 : i32
        %get3A_1203 = arith.constant 26 : i32
        %get3A_1204 = arith.index_cast %get3A_1202 : i32 to index
        %get3A_1205 = arith.index_cast %get3A_1203 : i32 to index
        %get3A_1206 = arith.index_cast %mul3A_118 : i32 to index
        %get3A_1207 = tpu.vector_load %arg7[%get3A_1204, %get3A_1205, %get3A_1206] {strides = array<i32>} : memref<2x32x128xi32, #tpu.memory_space<vmem>>, vector<16xi32>,
        %get3A_1208 = arith.constant 1 : i32
        %get3A_1209 = arith.constant 26 : i32
        %get3A_1210 = arith.index_cast %get3A_1208 : i32 to index
        %get3A_1211 = arith.index_cast %get3A_1209 : i32 to index
        %get3A_1212 = arith.index_cast %mul3A_118 : i32 to index
        %get3A_1213 = tpu.vector_load %arg7[%get3A_1210, %get3A_1211, %get3A_1212] {strides = array<i32>} : memref<2x32x128xi32, #tpu.memory_space<vmem>>, vector<16xi32>,
        %gather3A_1214 = tpu.vector_load_idx %arg5[%get3A_1207] : memref<40960xi32, #tpu.memory_space<vmem>>[vector<16xi32>], vector<16xi32>,
        %bitcast3A_1215 = vector.bitcast %gather3A_1214 : vector<16xi32> to vector<32xbf16>
        %gather3A_1216 = tpu.vector_load_idx %arg5[%get3A_1213] : memref<40960xi32, #tpu.memory_space<vmem>>[vector<16xi32>], vector<16xi32>,
        %bitcast3A_1217 = vector.bitcast %gather3A_1216 : vector<16xi32> to vector<32xbf16>
        %sub3A_1218 = arith.subf %bitcast3A_1215, %bitcast3A_1217 : vector<32xbf16>
        %max3A_1219 = arith.maximumf %max3A_1177, %sub3A_1218 : vector<32xbf16>
        %add3A_1220 = arith.addi %get3A_1207, %broadcast_in_dim3A_2 : vector<16xi32>
        %add3A_1221 = arith.addi %get3A_1213, %broadcast_in_dim3A_2 : vector<16xi32>
        %gather3A_1222 = tpu.vector_load_idx %arg5[%add3A_1220] : memref<40960xi32, #tpu.memory_space<vmem>>[vector<16xi32>], vector<16xi32>,
        %bitcast3A_1223 = vector.bitcast %gather3A_1222 : vector<16xi32> to vector<32xbf16>
        %gather3A_1224 = tpu.vector_load_idx %arg5[%add3A_1221] : memref<40960xi32, #tpu.memory_space<vmem>>[vector<16xi32>], vector<16xi32>,
        %bitcast3A_1225 = vector.bitcast %gather3A_1224 : vector<16xi32> to vector<32xbf16>
        %sub3A_1226 = arith.subf %bitcast3A_1223, %bitcast3A_1225 : vector<32xbf16>
        %max3A_1227 = arith.maximumf %max3A_1185, %sub3A_1226 : vector<32xbf16>
        %add3A_1228 = arith.addi %get3A_1207, %broadcast_in_dim3A_4 : vector<16xi32>
        %add3A_1229 = arith.addi %get3A_1213, %broadcast_in_dim3A_4 : vector<16xi32>
        %gather3A_1230 = tpu.vector_load_idx %arg5[%add3A_1228] : memref<40960xi32, #tpu.memory_space<vmem>>[vector<16xi32>], vector<16xi32>,
        %bitcast3A_1231 = vector.bitcast %gather3A_1230 : vector<16xi32> to vector<32xbf16>
        %gather3A_1232 = tpu.vector_load_idx %arg5[%add3A_1229] : memref<40960xi32, #tpu.memory_space<vmem>>[vector<16xi32>], vector<16xi32>,
        %bitcast3A_1233 = vector.bitcast %gather3A_1232 : vector<16xi32> to vector<32xbf16>
        %sub3A_1234 = arith.subf %bitcast3A_1231, %bitcast3A_1233 : vector<32xbf16>
        %max3A_1235 = arith.maximumf %max3A_1193, %sub3A_1234 : vector<32xbf16>
        %add3A_1236 = arith.addi %get3A_1207, %broadcast_in_dim3A_6 : vector<16xi32>
        %add3A_1237 = arith.addi %get3A_1213, %broadcast_in_dim3A_6 : vector<16xi32>
        %gather3A_1238 = tpu.vector_load_idx %arg5[%add3A_1236] : memref<40960xi32, #tpu.memory_space<vmem>>[vector<16xi32>], vector<16xi32>,
        %bitcast3A_1239 = vector.bitcast %gather3A_1238 : vector<16xi32> to vector<32xbf16>
        %gather3A_1240 = tpu.vector_load_idx %arg5[%add3A_1237] : memref<40960xi32, #tpu.memory_space<vmem>>[vector<16xi32>], vector<16xi32>,
        %bitcast3A_1241 = vector.bitcast %gather3A_1240 : vector<16xi32> to vector<32xbf16>
        %sub3A_1242 = arith.subf %bitcast3A_1239, %bitcast3A_1241 : vector<32xbf16>
        %max3A_1243 = arith.maximumf %max3A_1201, %sub3A_1242 : vector<32xbf16>
        %get3A_1244 = arith.constant 0 : i32
        %get3A_1245 = arith.constant 27 : i32
        %get3A_1246 = arith.index_cast %get3A_1244 : i32 to index
        %get3A_1247 = arith.index_cast %get3A_1245 : i32 to index
        %get3A_1248 = arith.index_cast %mul3A_118 : i32 to index
        %get3A_1249 = tpu.vector_load %arg7[%get3A_1246, %get3A_1247, %get3A_1248] {strides = array<i32>} : memref<2x32x128xi32, #tpu.memory_space<vmem>>, vector<16xi32>,
        %get3A_1250 = arith.constant 1 : i32
        %get3A_1251 = arith.constant 27 : i32
        %get3A_1252 = arith.index_cast %get3A_1250 : i32 to index
        %get3A_1253 = arith.index_cast %get3A_1251 : i32 to index
        %get3A_1254 = arith.index_cast %mul3A_118 : i32 to index
        %get3A_1255 = tpu.vector_load %arg7[%get3A_1252, %get3A_1253, %get3A_1254] {strides = array<i32>} : memref<2x32x128xi32, #tpu.memory_space<vmem>>, vector<16xi32>,
        %gather3A_1256 = tpu.vector_load_idx %arg5[%get3A_1249] : memref<40960xi32, #tpu.memory_space<vmem>>[vector<16xi32>], vector<16xi32>,
        %bitcast3A_1257 = vector.bitcast %gather3A_1256 : vector<16xi32> to vector<32xbf16>
        %gather3A_1258 = tpu.vector_load_idx %arg5[%get3A_1255] : memref<40960xi32, #tpu.memory_space<vmem>>[vector<16xi32>], vector<16xi32>,
        %bitcast3A_1259 = vector.bitcast %gather3A_1258 : vector<16xi32> to vector<32xbf16>
        %sub3A_1260 = arith.subf %bitcast3A_1257, %bitcast3A_1259 : vector<32xbf16>
        %max3A_1261 = arith.maximumf %max3A_1219, %sub3A_1260 : vector<32xbf16>
        %add3A_1262 = arith.addi %get3A_1249, %broadcast_in_dim3A_2 : vector<16xi32>
        %add3A_1263 = arith.addi %get3A_1255, %broadcast_in_dim3A_2 : vector<16xi32>
        %gather3A_1264 = tpu.vector_load_idx %arg5[%add3A_1262] : memref<40960xi32, #tpu.memory_space<vmem>>[vector<16xi32>], vector<16xi32>,
        %bitcast3A_1265 = vector.bitcast %gather3A_1264 : vector<16xi32> to vector<32xbf16>
        %gather3A_1266 = tpu.vector_load_idx %arg5[%add3A_1263] : memref<40960xi32, #tpu.memory_space<vmem>>[vector<16xi32>], vector<16xi32>,
        %bitcast3A_1267 = vector.bitcast %gather3A_1266 : vector<16xi32> to vector<32xbf16>
        %sub3A_1268 = arith.subf %bitcast3A_1265, %bitcast3A_1267 : vector<32xbf16>
        %max3A_1269 = arith.maximumf %max3A_1227, %sub3A_1268 : vector<32xbf16>
        %add3A_1270 = arith.addi %get3A_1249, %broadcast_in_dim3A_4 : vector<16xi32>
        %add3A_1271 = arith.addi %get3A_1255, %broadcast_in_dim3A_4 : vector<16xi32>
        %gather3A_1272 = tpu.vector_load_idx %arg5[%add3A_1270] : memref<40960xi32, #tpu.memory_space<vmem>>[vector<16xi32>], vector<16xi32>,
        %bitcast3A_1273 = vector.bitcast %gather3A_1272 : vector<16xi32> to vector<32xbf16>
        %gather3A_1274 = tpu.vector_load_idx %arg5[%add3A_1271] : memref<40960xi32, #tpu.memory_space<vmem>>[vector<16xi32>], vector<16xi32>,
        %bitcast3A_1275 = vector.bitcast %gather3A_1274 : vector<16xi32> to vector<32xbf16>
        %sub3A_1276 = arith.subf %bitcast3A_1273, %bitcast3A_1275 : vector<32xbf16>
        %max3A_1277 = arith.maximumf %max3A_1235, %sub3A_1276 : vector<32xbf16>
        %add3A_1278 = arith.addi %get3A_1249, %broadcast_in_dim3A_6 : vector<16xi32>
        %add3A_1279 = arith.addi %get3A_1255, %broadcast_in_dim3A_6 : vector<16xi32>
        %gather3A_1280 = tpu.vector_load_idx %arg5[%add3A_1278] : memref<40960xi32, #tpu.memory_space<vmem>>[vector<16xi32>], vector<16xi32>,
        %bitcast3A_1281 = vector.bitcast %gather3A_1280 : vector<16xi32> to vector<32xbf16>
        %gather3A_1282 = tpu.vector_load_idx %arg5[%add3A_1279] : memref<40960xi32, #tpu.memory_space<vmem>>[vector<16xi32>], vector<16xi32>,
        %bitcast3A_1283 = vector.bitcast %gather3A_1282 : vector<16xi32> to vector<32xbf16>
        %sub3A_1284 = arith.subf %bitcast3A_1281, %bitcast3A_1283 : vector<32xbf16>
        %max3A_1285 = arith.maximumf %max3A_1243, %sub3A_1284 : vector<32xbf16>
        %get3A_1286 = arith.constant 0 : i32
        %get3A_1287 = arith.constant 28 : i32
        %get3A_1288 = arith.index_cast %get3A_1286 : i32 to index
        %get3A_1289 = arith.index_cast %get3A_1287 : i32 to index
        %get3A_1290 = arith.index_cast %mul3A_118 : i32 to index
        %get3A_1291 = tpu.vector_load %arg7[%get3A_1288, %get3A_1289, %get3A_1290] {strides = array<i32>} : memref<2x32x128xi32, #tpu.memory_space<vmem>>, vector<16xi32>,
        %get3A_1292 = arith.constant 1 : i32
        %get3A_1293 = arith.constant 28 : i32
        %get3A_1294 = arith.index_cast %get3A_1292 : i32 to index
        %get3A_1295 = arith.index_cast %get3A_1293 : i32 to index
        %get3A_1296 = arith.index_cast %mul3A_118 : i32 to index
        %get3A_1297 = tpu.vector_load %arg7[%get3A_1294, %get3A_1295, %get3A_1296] {strides = array<i32>} : memref<2x32x128xi32, #tpu.memory_space<vmem>>, vector<16xi32>,
        %gather3A_1298 = tpu.vector_load_idx %arg5[%get3A_1291] : memref<40960xi32, #tpu.memory_space<vmem>>[vector<16xi32>], vector<16xi32>,
        %bitcast3A_1299 = vector.bitcast %gather3A_1298 : vector<16xi32> to vector<32xbf16>
        %gather3A_1300 = tpu.vector_load_idx %arg5[%get3A_1297] : memref<40960xi32, #tpu.memory_space<vmem>>[vector<16xi32>], vector<16xi32>,
        %bitcast3A_1301 = vector.bitcast %gather3A_1300 : vector<16xi32> to vector<32xbf16>
        %sub3A_1302 = arith.subf %bitcast3A_1299, %bitcast3A_1301 : vector<32xbf16>
        %max3A_1303 = arith.maximumf %max3A_1261, %sub3A_1302 : vector<32xbf16>
        %add3A_1304 = arith.addi %get3A_1291, %broadcast_in_dim3A_2 : vector<16xi32>
        %add3A_1305 = arith.addi %get3A_1297, %broadcast_in_dim3A_2 : vector<16xi32>
        %gather3A_1306 = tpu.vector_load_idx %arg5[%add3A_1304] : memref<40960xi32, #tpu.memory_space<vmem>>[vector<16xi32>], vector<16xi32>,
        %bitcast3A_1307 = vector.bitcast %gather3A_1306 : vector<16xi32> to vector<32xbf16>
        %gather3A_1308 = tpu.vector_load_idx %arg5[%add3A_1305] : memref<40960xi32, #tpu.memory_space<vmem>>[vector<16xi32>], vector<16xi32>,
        %bitcast3A_1309 = vector.bitcast %gather3A_1308 : vector<16xi32> to vector<32xbf16>
        %sub3A_1310 = arith.subf %bitcast3A_1307, %bitcast3A_1309 : vector<32xbf16>
        %max3A_1311 = arith.maximumf %max3A_1269, %sub3A_1310 : vector<32xbf16>
        %add3A_1312 = arith.addi %get3A_1291, %broadcast_in_dim3A_4 : vector<16xi32>
        %add3A_1313 = arith.addi %get3A_1297, %broadcast_in_dim3A_4 : vector<16xi32>
        %gather3A_1314 = tpu.vector_load_idx %arg5[%add3A_1312] : memref<40960xi32, #tpu.memory_space<vmem>>[vector<16xi32>], vector<16xi32>,
        %bitcast3A_1315 = vector.bitcast %gather3A_1314 : vector<16xi32> to vector<32xbf16>
        %gather3A_1316 = tpu.vector_load_idx %arg5[%add3A_1313] : memref<40960xi32, #tpu.memory_space<vmem>>[vector<16xi32>], vector<16xi32>,
        %bitcast3A_1317 = vector.bitcast %gather3A_1316 : vector<16xi32> to vector<32xbf16>
        %sub3A_1318 = arith.subf %bitcast3A_1315, %bitcast3A_1317 : vector<32xbf16>
        %max3A_1319 = arith.maximumf %max3A_1277, %sub3A_1318 : vector<32xbf16>
        %add3A_1320 = arith.addi %get3A_1291, %broadcast_in_dim3A_6 : vector<16xi32>
        %add3A_1321 = arith.addi %get3A_1297, %broadcast_in_dim3A_6 : vector<16xi32>
        %gather3A_1322 = tpu.vector_load_idx %arg5[%add3A_1320] : memref<40960xi32, #tpu.memory_space<vmem>>[vector<16xi32>], vector<16xi32>,
        %bitcast3A_1323 = vector.bitcast %gather3A_1322 : vector<16xi32> to vector<32xbf16>
        %gather3A_1324 = tpu.vector_load_idx %arg5[%add3A_1321] : memref<40960xi32, #tpu.memory_space<vmem>>[vector<16xi32>], vector<16xi32>,
        %bitcast3A_1325 = vector.bitcast %gather3A_1324 : vector<16xi32> to vector<32xbf16>
        %sub3A_1326 = arith.subf %bitcast3A_1323, %bitcast3A_1325 : vector<32xbf16>
        %max3A_1327 = arith.maximumf %max3A_1285, %sub3A_1326 : vector<32xbf16>
        %get3A_1328 = arith.constant 0 : i32
        %get3A_1329 = arith.constant 29 : i32
        %get3A_1330 = arith.index_cast %get3A_1328 : i32 to index
        %get3A_1331 = arith.index_cast %get3A_1329 : i32 to index
        %get3A_1332 = arith.index_cast %mul3A_118 : i32 to index
        %get3A_1333 = tpu.vector_load %arg7[%get3A_1330, %get3A_1331, %get3A_1332] {strides = array<i32>} : memref<2x32x128xi32, #tpu.memory_space<vmem>>, vector<16xi32>,
        %get3A_1334 = arith.constant 1 : i32
        %get3A_1335 = arith.constant 29 : i32
        %get3A_1336 = arith.index_cast %get3A_1334 : i32 to index
        %get3A_1337 = arith.index_cast %get3A_1335 : i32 to index
        %get3A_1338 = arith.index_cast %mul3A_118 : i32 to index
        %get3A_1339 = tpu.vector_load %arg7[%get3A_1336, %get3A_1337, %get3A_1338] {strides = array<i32>} : memref<2x32x128xi32, #tpu.memory_space<vmem>>, vector<16xi32>,
        %gather3A_1340 = tpu.vector_load_idx %arg5[%get3A_1333] : memref<40960xi32, #tpu.memory_space<vmem>>[vector<16xi32>], vector<16xi32>,
        %bitcast3A_1341 = vector.bitcast %gather3A_1340 : vector<16xi32> to vector<32xbf16>
        %gather3A_1342 = tpu.vector_load_idx %arg5[%get3A_1339] : memref<40960xi32, #tpu.memory_space<vmem>>[vector<16xi32>], vector<16xi32>,
        %bitcast3A_1343 = vector.bitcast %gather3A_1342 : vector<16xi32> to vector<32xbf16>
        %sub3A_1344 = arith.subf %bitcast3A_1341, %bitcast3A_1343 : vector<32xbf16>
        %max3A_1345 = arith.maximumf %max3A_1303, %sub3A_1344 : vector<32xbf16>
        %add3A_1346 = arith.addi %get3A_1333, %broadcast_in_dim3A_2 : vector<16xi32>
        %add3A_1347 = arith.addi %get3A_1339, %broadcast_in_dim3A_2 : vector<16xi32>
        %gather3A_1348 = tpu.vector_load_idx %arg5[%add3A_1346] : memref<40960xi32, #tpu.memory_space<vmem>>[vector<16xi32>], vector<16xi32>,
        %bitcast3A_1349 = vector.bitcast %gather3A_1348 : vector<16xi32> to vector<32xbf16>
        %gather3A_1350 = tpu.vector_load_idx %arg5[%add3A_1347] : memref<40960xi32, #tpu.memory_space<vmem>>[vector<16xi32>], vector<16xi32>,
        %bitcast3A_1351 = vector.bitcast %gather3A_1350 : vector<16xi32> to vector<32xbf16>
        %sub3A_1352 = arith.subf %bitcast3A_1349, %bitcast3A_1351 : vector<32xbf16>
        %max3A_1353 = arith.maximumf %max3A_1311, %sub3A_1352 : vector<32xbf16>
        %add3A_1354 = arith.addi %get3A_1333, %broadcast_in_dim3A_4 : vector<16xi32>
        %add3A_1355 = arith.addi %get3A_1339, %broadcast_in_dim3A_4 : vector<16xi32>
        %gather3A_1356 = tpu.vector_load_idx %arg5[%add3A_1354] : memref<40960xi32, #tpu.memory_space<vmem>>[vector<16xi32>], vector<16xi32>,
        %bitcast3A_1357 = vector.bitcast %gather3A_1356 : vector<16xi32> to vector<32xbf16>
        %gather3A_1358 = tpu.vector_load_idx %arg5[%add3A_1355] : memref<40960xi32, #tpu.memory_space<vmem>>[vector<16xi32>], vector<16xi32>,
        %bitcast3A_1359 = vector.bitcast %gather3A_1358 : vector<16xi32> to vector<32xbf16>
        %sub3A_1360 = arith.subf %bitcast3A_1357, %bitcast3A_1359 : vector<32xbf16>
        %max3A_1361 = arith.maximumf %max3A_1319, %sub3A_1360 : vector<32xbf16>
        %add3A_1362 = arith.addi %get3A_1333, %broadcast_in_dim3A_6 : vector<16xi32>
        %add3A_1363 = arith.addi %get3A_1339, %broadcast_in_dim3A_6 : vector<16xi32>
        %gather3A_1364 = tpu.vector_load_idx %arg5[%add3A_1362] : memref<40960xi32, #tpu.memory_space<vmem>>[vector<16xi32>], vector<16xi32>,
        %bitcast3A_1365 = vector.bitcast %gather3A_1364 : vector<16xi32> to vector<32xbf16>
        %gather3A_1366 = tpu.vector_load_idx %arg5[%add3A_1363] : memref<40960xi32, #tpu.memory_space<vmem>>[vector<16xi32>], vector<16xi32>,
        %bitcast3A_1367 = vector.bitcast %gather3A_1366 : vector<16xi32> to vector<32xbf16>
        %sub3A_1368 = arith.subf %bitcast3A_1365, %bitcast3A_1367 : vector<32xbf16>
        %max3A_1369 = arith.maximumf %max3A_1327, %sub3A_1368 : vector<32xbf16>
        %get3A_1370 = arith.constant 0 : i32
        %get3A_1371 = arith.constant 30 : i32
        %get3A_1372 = arith.index_cast %get3A_1370 : i32 to index
        %get3A_1373 = arith.index_cast %get3A_1371 : i32 to index
        %get3A_1374 = arith.index_cast %mul3A_118 : i32 to index
        %get3A_1375 = tpu.vector_load %arg7[%get3A_1372, %get3A_1373, %get3A_1374] {strides = array<i32>} : memref<2x32x128xi32, #tpu.memory_space<vmem>>, vector<16xi32>,
        %get3A_1376 = arith.constant 1 : i32
        %get3A_1377 = arith.constant 30 : i32
        %get3A_1378 = arith.index_cast %get3A_1376 : i32 to index
        %get3A_1379 = arith.index_cast %get3A_1377 : i32 to index
        %get3A_1380 = arith.index_cast %mul3A_118 : i32 to index
        %get3A_1381 = tpu.vector_load %arg7[%get3A_1378, %get3A_1379, %get3A_1380] {strides = array<i32>} : memref<2x32x128xi32, #tpu.memory_space<vmem>>, vector<16xi32>,
        %gather3A_1382 = tpu.vector_load_idx %arg5[%get3A_1375] : memref<40960xi32, #tpu.memory_space<vmem>>[vector<16xi32>], vector<16xi32>,
        %bitcast3A_1383 = vector.bitcast %gather3A_1382 : vector<16xi32> to vector<32xbf16>
        %gather3A_1384 = tpu.vector_load_idx %arg5[%get3A_1381] : memref<40960xi32, #tpu.memory_space<vmem>>[vector<16xi32>], vector<16xi32>,
        %bitcast3A_1385 = vector.bitcast %gather3A_1384 : vector<16xi32> to vector<32xbf16>
        %sub3A_1386 = arith.subf %bitcast3A_1383, %bitcast3A_1385 : vector<32xbf16>
        %max3A_1387 = arith.maximumf %max3A_1345, %sub3A_1386 : vector<32xbf16>
        %add3A_1388 = arith.addi %get3A_1375, %broadcast_in_dim3A_2 : vector<16xi32>
        %add3A_1389 = arith.addi %get3A_1381, %broadcast_in_dim3A_2 : vector<16xi32>
        %gather3A_1390 = tpu.vector_load_idx %arg5[%add3A_1388] : memref<40960xi32, #tpu.memory_space<vmem>>[vector<16xi32>], vector<16xi32>,
        %bitcast3A_1391 = vector.bitcast %gather3A_1390 : vector<16xi32> to vector<32xbf16>
        %gather3A_1392 = tpu.vector_load_idx %arg5[%add3A_1389] : memref<40960xi32, #tpu.memory_space<vmem>>[vector<16xi32>], vector<16xi32>,
        %bitcast3A_1393 = vector.bitcast %gather3A_1392 : vector<16xi32> to vector<32xbf16>
        %sub3A_1394 = arith.subf %bitcast3A_1391, %bitcast3A_1393 : vector<32xbf16>
        %max3A_1395 = arith.maximumf %max3A_1353, %sub3A_1394 : vector<32xbf16>
        %add3A_1396 = arith.addi %get3A_1375, %broadcast_in_dim3A_4 : vector<16xi32>
        %add3A_1397 = arith.addi %get3A_1381, %broadcast_in_dim3A_4 : vector<16xi32>
        %gather3A_1398 = tpu.vector_load_idx %arg5[%add3A_1396] : memref<40960xi32, #tpu.memory_space<vmem>>[vector<16xi32>], vector<16xi32>,
        %bitcast3A_1399 = vector.bitcast %gather3A_1398 : vector<16xi32> to vector<32xbf16>
        %gather3A_1400 = tpu.vector_load_idx %arg5[%add3A_1397] : memref<40960xi32, #tpu.memory_space<vmem>>[vector<16xi32>], vector<16xi32>,
        %bitcast3A_1401 = vector.bitcast %gather3A_1400 : vector<16xi32> to vector<32xbf16>
        %sub3A_1402 = arith.subf %bitcast3A_1399, %bitcast3A_1401 : vector<32xbf16>
        %max3A_1403 = arith.maximumf %max3A_1361, %sub3A_1402 : vector<32xbf16>
        %add3A_1404 = arith.addi %get3A_1375, %broadcast_in_dim3A_6 : vector<16xi32>
        %add3A_1405 = arith.addi %get3A_1381, %broadcast_in_dim3A_6 : vector<16xi32>
        %gather3A_1406 = tpu.vector_load_idx %arg5[%add3A_1404] : memref<40960xi32, #tpu.memory_space<vmem>>[vector<16xi32>], vector<16xi32>,
        %bitcast3A_1407 = vector.bitcast %gather3A_1406 : vector<16xi32> to vector<32xbf16>
        %gather3A_1408 = tpu.vector_load_idx %arg5[%add3A_1405] : memref<40960xi32, #tpu.memory_space<vmem>>[vector<16xi32>], vector<16xi32>,
        %bitcast3A_1409 = vector.bitcast %gather3A_1408 : vector<16xi32> to vector<32xbf16>
        %sub3A_1410 = arith.subf %bitcast3A_1407, %bitcast3A_1409 : vector<32xbf16>
        %max3A_1411 = arith.maximumf %max3A_1369, %sub3A_1410 : vector<32xbf16>
        %get3A_1412 = arith.constant 0 : i32
        %get3A_1413 = arith.constant 31 : i32
        %get3A_1414 = arith.index_cast %get3A_1412 : i32 to index
        %get3A_1415 = arith.index_cast %get3A_1413 : i32 to index
        %get3A_1416 = arith.index_cast %mul3A_118 : i32 to index
        %get3A_1417 = tpu.vector_load %arg7[%get3A_1414, %get3A_1415, %get3A_1416] {strides = array<i32>} : memref<2x32x128xi32, #tpu.memory_space<vmem>>, vector<16xi32>,
        %get3A_1418 = arith.constant 1 : i32
        %get3A_1419 = arith.constant 31 : i32
        %get3A_1420 = arith.index_cast %get3A_1418 : i32 to index
        %get3A_1421 = arith.index_cast %get3A_1419 : i32 to index
        %get3A_1422 = arith.index_cast %mul3A_118 : i32 to index
        %get3A_1423 = tpu.vector_load %arg7[%get3A_1420, %get3A_1421, %get3A_1422] {strides = array<i32>} : memref<2x32x128xi32, #tpu.memory_space<vmem>>, vector<16xi32>,
        %gather3A_1424 = tpu.vector_load_idx %arg5[%get3A_1417] : memref<40960xi32, #tpu.memory_space<vmem>>[vector<16xi32>], vector<16xi32>,
        %bitcast3A_1425 = vector.bitcast %gather3A_1424 : vector<16xi32> to vector<32xbf16>
        %gather3A_1426 = tpu.vector_load_idx %arg5[%get3A_1423] : memref<40960xi32, #tpu.memory_space<vmem>>[vector<16xi32>], vector<16xi32>,
        %bitcast3A_1427 = vector.bitcast %gather3A_1426 : vector<16xi32> to vector<32xbf16>
        %sub3A_1428 = arith.subf %bitcast3A_1425, %bitcast3A_1427 : vector<32xbf16>
        %max3A_1429 = arith.maximumf %max3A_1387, %sub3A_1428 : vector<32xbf16>
        %add3A_1430 = arith.addi %get3A_1417, %broadcast_in_dim3A_2 : vector<16xi32>
        %add3A_1431 = arith.addi %get3A_1423, %broadcast_in_dim3A_2 : vector<16xi32>
        %gather3A_1432 = tpu.vector_load_idx %arg5[%add3A_1430] : memref<40960xi32, #tpu.memory_space<vmem>>[vector<16xi32>], vector<16xi32>,
        %bitcast3A_1433 = vector.bitcast %gather3A_1432 : vector<16xi32> to vector<32xbf16>
        %gather3A_1434 = tpu.vector_load_idx %arg5[%add3A_1431] : memref<40960xi32, #tpu.memory_space<vmem>>[vector<16xi32>], vector<16xi32>,
        %bitcast3A_1435 = vector.bitcast %gather3A_1434 : vector<16xi32> to vector<32xbf16>
        %sub3A_1436 = arith.subf %bitcast3A_1433, %bitcast3A_1435 : vector<32xbf16>
        %max3A_1437 = arith.maximumf %max3A_1395, %sub3A_1436 : vector<32xbf16>
        %add3A_1438 = arith.addi %get3A_1417, %broadcast_in_dim3A_4 : vector<16xi32>
        %add3A_1439 = arith.addi %get3A_1423, %broadcast_in_dim3A_4 : vector<16xi32>
        %gather3A_1440 = tpu.vector_load_idx %arg5[%add3A_1438] : memref<40960xi32, #tpu.memory_space<vmem>>[vector<16xi32>], vector<16xi32>,
        %bitcast3A_1441 = vector.bitcast %gather3A_1440 : vector<16xi32> to vector<32xbf16>
        %gather3A_1442 = tpu.vector_load_idx %arg5[%add3A_1439] : memref<40960xi32, #tpu.memory_space<vmem>>[vector<16xi32>], vector<16xi32>,
        %bitcast3A_1443 = vector.bitcast %gather3A_1442 : vector<16xi32> to vector<32xbf16>
        %sub3A_1444 = arith.subf %bitcast3A_1441, %bitcast3A_1443 : vector<32xbf16>
        %max3A_1445 = arith.maximumf %max3A_1403, %sub3A_1444 : vector<32xbf16>
        %add3A_1446 = arith.addi %get3A_1417, %broadcast_in_dim3A_6 : vector<16xi32>
        %add3A_1447 = arith.addi %get3A_1423, %broadcast_in_dim3A_6 : vector<16xi32>
        %gather3A_1448 = tpu.vector_load_idx %arg5[%add3A_1446] : memref<40960xi32, #tpu.memory_space<vmem>>[vector<16xi32>], vector<16xi32>,
        %bitcast3A_1449 = vector.bitcast %gather3A_1448 : vector<16xi32> to vector<32xbf16>
        %gather3A_1450 = tpu.vector_load_idx %arg5[%add3A_1447] : memref<40960xi32, #tpu.memory_space<vmem>>[vector<16xi32>], vector<16xi32>,
        %bitcast3A_1451 = vector.bitcast %gather3A_1450 : vector<16xi32> to vector<32xbf16>
        %sub3A_1452 = arith.subf %bitcast3A_1449, %bitcast3A_1451 : vector<32xbf16>
        %max3A_1453 = arith.maximumf %max3A_1411, %sub3A_1452 : vector<32xbf16>
        %bitcast3A_1454 = vector.bitcast %max3A_1429 : vector<32xbf16> to vector<16xi32>
        %swap3A = arith.constant 0 : i32
        %swap3A_1455 = arith.index_cast %swap3A : i32 to index
        %swap3A_1456 = arith.index_cast %mul3A_118 : i32 to index
        %swap3A_1457 = tpu.vector_load %arg9[%swap3A_1455, %swap3A_1456] {strides = array<i32>} : memref<4x128xi32, #tpu.memory_space<vmem>>, vector<16xi32>,
        tpu.vector_store %arg9[%swap3A_1455, %swap3A_1456], %bitcast3A_1454 {strides = array<i32>} : memref<4x128xi32, #tpu.memory_space<vmem>>, vector<16xi32>,
        %bitcast3A_1458 = vector.bitcast %max3A_1437 : vector<32xbf16> to vector<16xi32>
        %swap3A_1459 = arith.constant 1 : i32
        %swap3A_1460 = arith.index_cast %swap3A_1459 : i32 to index
        %swap3A_1461 = arith.index_cast %mul3A_118 : i32 to index
        %swap3A_1462 = tpu.vector_load %arg9[%swap3A_1460, %swap3A_1461] {strides = array<i32>} : memref<4x128xi32, #tpu.memory_space<vmem>>, vector<16xi32>,
        tpu.vector_store %arg9[%swap3A_1460, %swap3A_1461], %bitcast3A_1458 {strides = array<i32>} : memref<4x128xi32, #tpu.memory_space<vmem>>, vector<16xi32>,
        %bitcast3A_1463 = vector.bitcast %max3A_1445 : vector<32xbf16> to vector<16xi32>
        %swap3A_1464 = arith.constant 2 : i32
        %swap3A_1465 = arith.index_cast %swap3A_1464 : i32 to index
        %swap3A_1466 = arith.index_cast %mul3A_118 : i32 to index
        %swap3A_1467 = tpu.vector_load %arg9[%swap3A_1465, %swap3A_1466] {strides = array<i32>} : memref<4x128xi32, #tpu.memory_space<vmem>>, vector<16xi32>,
        tpu.vector_store %arg9[%swap3A_1465, %swap3A_1466], %bitcast3A_1463 {strides = array<i32>} : memref<4x128xi32, #tpu.memory_space<vmem>>, vector<16xi32>,
        %bitcast3A_1468 = vector.bitcast %max3A_1453 : vector<32xbf16> to vector<16xi32>
        %swap3A_1469 = arith.constant 3 : i32
        %swap3A_1470 = arith.index_cast %swap3A_1469 : i32 to index
        %swap3A_1471 = arith.index_cast %mul3A_118 : i32 to index
        %swap3A_1472 = tpu.vector_load %arg9[%swap3A_1470, %swap3A_1471] {strides = array<i32>} : memref<4x128xi32, #tpu.memory_space<vmem>>, vector<16xi32>,
        tpu.vector_store %arg9[%swap3A_1470, %swap3A_1471], %bitcast3A_1468 {strides = array<i32>} : memref<4x128xi32, #tpu.memory_space<vmem>>, vector<16xi32>,
      }
      %scan3A_107 = arith.constant 8 : i32
      %dma_start3A_108 = arith.constant 0 : i32
      %dma_start3A_109 = arith.constant 0 : i32
      %dma_start3A_110 = tpu.memref_slice %arg4[%arg1, %dma_start3A_108, %arg0, %add3A_78, %dma_start3A_109] : memref<16x4x2x40x128xi32, #tpu.memory_space<hbm>> -> memref<1x4x1x1x128xi32, #tpu.memory_space<hbm>>
      %dma_start3A_111 = tpu.memref_squeeze %dma_start3A_110 : memref<1x4x1x1x128xi32, #tpu.memory_space<hbm>> -> memref<4x128xi32, #tpu.memory_space<hbm>>
      %dma_start3A_112 = arith.constant 0 : i32
      %dma_start3A_113 = arith.constant 0 : i32
      %dma_start3A_114 = tpu.memref_slice %arg4[%arg1, %dma_start3A_112, %arg0, %add3A_78, %dma_start3A_113] : memref<16x4x2x40x128xi32, #tpu.memory_space<hbm>> -> memref<1x4x1x1x128xi32, #tpu.memory_space<hbm>>
      %dma_start3A_115 = tpu.memref_squeeze %dma_start3A_114 : memref<1x4x1x1x128xi32, #tpu.memory_space<hbm>> -> memref<4x128xi32, #tpu.memory_space<hbm>>
      tpu.enqueue_dma source(%arg9 : memref<4x128xi32, #tpu.memory_space<vmem>>) target(%dma_start3A_115 : memref<4x128xi32, #tpu.memory_space<hbm>>) target_semaphore(%arg13 : memref<!tpu.dma_semaphore, #tpu.memory_space<semaphore_mem>>)
    }
    %scan3A_21 = arith.constant 20 : i32
    %dma_wait3A = arith.constant 0 : i32
    %dma_wait3A_22 = arith.constant 0 : i32
    %dma_wait3A_23 = arith.constant 0 : i32
    %dma_wait3A_24 = tpu.memref_slice %arg4[%arg1, %dma_wait3A_22, %arg0, %dma_wait3A, %dma_wait3A_23] : memref<16x4x2x40x128xi32, #tpu.memory_space<hbm>> -> memref<1x4x1x1x128xi32, #tpu.memory_space<hbm>>
    %dma_wait3A_25 = tpu.memref_squeeze %dma_wait3A_24 : memref<1x4x1x1x128xi32, #tpu.memory_space<hbm>> -> memref<4x128xi32, #tpu.memory_space<hbm>>
    %dma_wait3A_26 = arith.constant 0 : i32
    %dma_wait3A_27 = arith.constant 0 : i32
    %dma_wait3A_28 = tpu.memref_slice %arg4[%arg1, %dma_wait3A_26, %arg0, %dma_wait3A, %dma_wait3A_27] : memref<16x4x2x40x128xi32, #tpu.memory_space<hbm>> -> memref<1x4x1x1x128xi32, #tpu.memory_space<hbm>>
    %dma_wait3A_29 = tpu.memref_squeeze %dma_wait3A_28 : memref<1x4x1x1x128xi32, #tpu.memory_space<hbm>> -> memref<4x128xi32, #tpu.memory_space<hbm>>
    tpu.wait_dma2 semaphore(%arg12 : memref<!tpu.dma_semaphore, #tpu.memory_space<semaphore_mem>>) src(%arg8 : memref<4x128xi32, #tpu.memory_space<vmem>>) dst(%dma_wait3A_29 : memref<4x128xi32, #tpu.memory_space<hbm>>)
    %dma_wait3A_30 = arith.constant 0 : i32
    %dma_wait3A_31 = arith.constant 0 : i32
    %dma_wait3A_32 = arith.constant 0 : i32
    %dma_wait3A_33 = tpu.memref_slice %arg4[%arg1, %dma_wait3A_31, %arg0, %dma_wait3A_30, %dma_wait3A_32] : memref<16x4x2x40x128xi32, #tpu.memory_space<hbm>> -> memref<1x4x1x1x128xi32, #tpu.memory_space<hbm>>
    %dma_wait3A_34 = tpu.memref_squeeze %dma_wait3A_33 : memref<1x4x1x1x128xi32, #tpu.memory_space<hbm>> -> memref<4x128xi32, #tpu.memory_space<hbm>>
    %dma_wait3A_35 = arith.constant 0 : i32
    %dma_wait3A_36 = arith.constant 0 : i32
    %dma_wait3A_37 = tpu.memref_slice %arg4[%arg1, %dma_wait3A_35, %arg0, %dma_wait3A_30, %dma_wait3A_36] : memref<16x4x2x40x128xi32, #tpu.memory_space<hbm>> -> memref<1x4x1x1x128xi32, #tpu.memory_space<hbm>>
    %dma_wait3A_38 = tpu.memref_squeeze %dma_wait3A_37 : memref<1x4x1x1x128xi32, #tpu.memory_space<hbm>> -> memref<4x128xi32, #tpu.memory_space<hbm>>
    tpu.wait_dma2 semaphore(%arg13 : memref<!tpu.dma_semaphore, #tpu.memory_space<semaphore_mem>>) src(%arg9 : memref<4x128xi32, #tpu.memory_space<vmem>>) dst(%dma_wait3A_38 : memref<4x128xi32, #tpu.memory_space<hbm>>)
    return
  }
}

module attributes {stable_mosaic.version = 14 : i64} {
  func.func @body(%arg0: i32, %arg1: i32, %arg2: memref<128x1024xf32, #tpu.memory_space<vmem>>, %arg3: memref<64x1024xi32, #tpu.memory_space<vmem>>, %arg4: memref<128x128xf32, #tpu.memory_space<vmem>>, %arg5: memref<128x64xf32, #tpu.memory_space<vmem>>, %arg6: memref<128x64xf32, #tpu.memory_space<vmem>>, %arg7: memref<128x1xf32, #tpu.memory_space<vmem>>, %arg8: memref<128x1xf32, #tpu.memory_space<vmem>>, %arg9: memref<128x1024xf32, #tpu.memory_space<vmem>>, %arg10: memref<128x10240xf32, #tpu.memory_space<vmem>>, %arg11: memref<128x1xf32, #tpu.memory_space<vmem>>, %arg12: memref<128x1xf32, #tpu.memory_space<vmem>>) attributes {dimension_semantics = [#tpu.dimension_semantics<arbitrary>, #tpu.dimension_semantics<arbitrary>], iteration_bounds = array<i64: 2, 10>, scalar_prefetch = 0 : i64, scratch_operands = 3 : i64, tpu.core_type = #tpu.core_type<tc>, window_params = [{transform_indices = @transform_0, window_bounds = array<i64: 128, 1024>}, {transform_indices = @transform_1, window_bounds = array<i64: 64, 1024>}, {pipeline_mode = #tpu.pipeline_mode<synchronous>, transform_indices = @transform_2, window_bounds = array<i64: 128, 128>}, {pipeline_mode = #tpu.pipeline_mode<synchronous>, transform_indices = @transform_3, window_bounds = array<i64: 128, 64>}, {pipeline_mode = #tpu.pipeline_mode<synchronous>, transform_indices = @transform_4, window_bounds = array<i64: 128, 64>}, {pipeline_mode = #tpu.pipeline_mode<synchronous>, transform_indices = @transform_5, window_bounds = array<i64: 128, 1>}, {pipeline_mode = #tpu.pipeline_mode<synchronous>, transform_indices = @transform_6, window_bounds = array<i64: 128, 1>}, {transform_indices = @transform_7, window_bounds = array<i64: 128, 1024>}]} {
    %eq3A = arith.constant 0 : i32
    %eq3A_0 = arith.cmpi eq, %arg0, %eq3A : i32
    %convert_element_type3A = arith.extui %eq3A_0 : i1 to i32
    %cond3A = arith.constant 0 : i32
    %cond3A_1 = arith.cmpi ne, %convert_element_type3A, %cond3A : i32
    scf.if %cond3A_1 {
      %get3A = arith.constant 0 : index
      %get3A_7 = arith.constant 0 : index
      %get3A_8 = vector.load %arg3[%get3A, %get3A_7] : memref<64x1024xi32, #tpu.memory_space<vmem>>, vector<64x1024xi32>
      %shift_left3A = arith.constant 16 : i32
      %shift_left3A_9 = vector.broadcast %shift_left3A : i32 to vector<64x1024xi32>
      %shift_left3A_10 = arith.shli %get3A_8, %shift_left3A_9 : vector<64x1024xi32>
      %bitcast_convert_type3A = tpu.bitcast %shift_left3A_10 : vector<64x1024xi32> -> vector<64x1024xf32>
      %and3A = arith.constant -65536 : i32
      %and3A_11 = vector.broadcast %and3A : i32 to vector<64x1024xi32>
      %and3A_12 = arith.andi %get3A_8, %and3A_11 : vector<64x1024xi32>
      %bitcast_convert_type3A_13 = tpu.bitcast %and3A_12 : vector<64x1024xi32> -> vector<64x1024xf32>
      %get3A_14 = arith.constant 0 : index
      %get3A_15 = arith.constant 0 : index
      %get3A_16 = vector.load %arg4[%get3A_14, %get3A_15] : memref<128x128xf32, #tpu.memory_space<vmem>>, vector<128x128xf32>
      %get3A_17 = arith.constant 0 : index
      %get3A_18 = arith.constant 0 : index
      %get3A_19 = vector.load %arg2[%get3A_17, %get3A_18] : memref<128x1024xf32, #tpu.memory_space<vmem>>, vector<128x1024xf32>
      %dot_general3A = arith.constant dense<0.000000e+00> : vector<128x1024xf32>
      %dot_general3A_20 = tpu.matmul %get3A_16, %get3A_19, %dot_general3A {dimension_numbers = #tpu.dot_dimension_numbers<[1], [0], [0], [1], [0, 0, 1, 1], [], []>, precision = #tpu.contract_precision<fp32>, transpose_lhs_hint = false} : vector<128x128xf32>, vector<128x1024xf32>, vector<128x1024xf32> -> vector<128x1024xf32>
      %get3A_21 = arith.constant 0 : index
      %get3A_22 = arith.constant 0 : index
      %get3A_23 = vector.load %arg5[%get3A_21, %get3A_22] : memref<128x64xf32, #tpu.memory_space<vmem>>, vector<128x64xf32>
      %dot_general3A_24 = arith.constant dense<0.000000e+00> : vector<128x1024xf32>
      %dot_general3A_25 = tpu.matmul %get3A_23, %bitcast_convert_type3A, %dot_general3A_24 {dimension_numbers = #tpu.dot_dimension_numbers<[1], [0], [0], [1], [0, 0, 1, 1], [], []>, precision = #tpu.contract_precision<fp32>, transpose_lhs_hint = false} : vector<128x64xf32>, vector<64x1024xf32>, vector<128x1024xf32> -> vector<128x1024xf32>
      %add3A = arith.addf %dot_general3A_20, %dot_general3A_25 : vector<128x1024xf32>
      %get3A_26 = arith.constant 0 : index
      %get3A_27 = arith.constant 0 : index
      %get3A_28 = vector.load %arg6[%get3A_26, %get3A_27] : memref<128x64xf32, #tpu.memory_space<vmem>>, vector<128x64xf32>
      %dot_general3A_29 = arith.constant dense<0.000000e+00> : vector<128x1024xf32>
      %dot_general3A_30 = tpu.matmul %get3A_28, %bitcast_convert_type3A_13, %dot_general3A_29 {dimension_numbers = #tpu.dot_dimension_numbers<[1], [0], [0], [1], [0, 0, 1, 1], [], []>, precision = #tpu.contract_precision<fp32>, transpose_lhs_hint = false} : vector<128x64xf32>, vector<64x1024xf32>, vector<128x1024xf32> -> vector<128x1024xf32>
      %add3A_31 = arith.addf %add3A, %dot_general3A_30 : vector<128x1024xf32>
      %mul3A = arith.constant 1024 : i32
      %mul3A_32 = arith.muli %arg1, %mul3A : i32
      %swap3A = arith.constant 0 : index
      %swap3A_33 = arith.index_cast %mul3A_32 : i32 to index
      %swap3A_34 = vector.load %arg10[%swap3A, %swap3A_33] : memref<128x10240xf32, #tpu.memory_space<vmem>>, vector<128x1024xf32>
      tpu.vector_store %arg10[%swap3A, %swap3A_33], %add3A_31 {strides = array<i32>} : memref<128x10240xf32, #tpu.memory_space<vmem>>, vector<128x1024xf32>,
      %eq3A_35 = arith.constant 0 : i32
      %eq3A_36 = arith.cmpi eq, %arg1, %eq3A_35 : i32
      %convert_element_type3A_37 = arith.extui %eq3A_36 : i1 to i32
      %cond3A_38 = arith.constant 0 : i32
      %cond3A_39 = arith.cmpi ne, %convert_element_type3A_37, %cond3A_38 : i32
      scf.if %cond3A_39 {
        %broadcast_in_dim3A_59 = arith.constant 0.000000e+00 : f32
        %broadcast_in_dim3A_60 = vector.broadcast %broadcast_in_dim3A_59 : f32 to vector<128x1xf32>
        %swap3A_61 = arith.constant 0 : index
        %swap3A_62 = arith.constant 0 : index
        %swap3A_63 = vector.load %arg11[%swap3A_61, %swap3A_62] : memref<128x1xf32, #tpu.memory_space<vmem>>, vector<128x1xf32>
        tpu.vector_store %arg11[%swap3A_61, %swap3A_62], %broadcast_in_dim3A_60 {strides = array<i32>} : memref<128x1xf32, #tpu.memory_space<vmem>>, vector<128x1xf32>,
        %broadcast_in_dim3A_64 = arith.constant 0.000000e+00 : f32
        %broadcast_in_dim3A_65 = vector.broadcast %broadcast_in_dim3A_64 : f32 to vector<128x1xf32>
        %swap3A_66 = arith.constant 0 : index
        %swap3A_67 = arith.constant 0 : index
        %swap3A_68 = vector.load %arg12[%swap3A_66, %swap3A_67] : memref<128x1xf32, #tpu.memory_space<vmem>>, vector<128x1xf32>
        tpu.vector_store %arg12[%swap3A_66, %swap3A_67], %broadcast_in_dim3A_65 {strides = array<i32>} : memref<128x1xf32, #tpu.memory_space<vmem>>, vector<128x1xf32>,
      } else {
      }
      %get3A_40 = arith.constant 0 : index
      %get3A_41 = arith.constant 0 : index
      %get3A_42 = vector.load %arg11[%get3A_40, %get3A_41] : memref<128x1xf32, #tpu.memory_space<vmem>>, vector<128x1xf32>
      %reduce_sum3A = arith.constant dense<0.000000e+00> : vector<128xf32>
      %reduce_sum3A_43 = vector.multi_reduction <add>, %add3A_31, %reduce_sum3A [1] : vector<128x1024xf32> to vector<128xf32>
      %broadcast_in_dim3A = vector.shape_cast %reduce_sum3A_43 : vector<128xf32> to vector<128x1xf32>
      %add3A_44 = arith.addf %get3A_42, %broadcast_in_dim3A : vector<128x1xf32>
      %swap3A_45 = arith.constant 0 : index
      %swap3A_46 = arith.constant 0 : index
      %swap3A_47 = vector.load %arg11[%swap3A_45, %swap3A_46] : memref<128x1xf32, #tpu.memory_space<vmem>>, vector<128x1xf32>
      tpu.vector_store %arg11[%swap3A_45, %swap3A_46], %add3A_44 {strides = array<i32>} : memref<128x1xf32, #tpu.memory_space<vmem>>, vector<128x1xf32>,
      %get3A_48 = arith.constant 0 : index
      %get3A_49 = arith.constant 0 : index
      %get3A_50 = vector.load %arg12[%get3A_48, %get3A_49] : memref<128x1xf32, #tpu.memory_space<vmem>>, vector<128x1xf32>
      %mul3A_51 = arith.mulf %add3A_31, %add3A_31 : vector<128x1024xf32>
      %reduce_sum3A_52 = arith.constant dense<0.000000e+00> : vector<128xf32>
      %reduce_sum3A_53 = vector.multi_reduction <add>, %mul3A_51, %reduce_sum3A_52 [1] : vector<128x1024xf32> to vector<128xf32>
      %broadcast_in_dim3A_54 = vector.shape_cast %reduce_sum3A_53 : vector<128xf32> to vector<128x1xf32>
      %add3A_55 = arith.addf %get3A_50, %broadcast_in_dim3A_54 : vector<128x1xf32>
      %swap3A_56 = arith.constant 0 : index
      %swap3A_57 = arith.constant 0 : index
      %swap3A_58 = vector.load %arg12[%swap3A_56, %swap3A_57] : memref<128x1xf32, #tpu.memory_space<vmem>>, vector<128x1xf32>
      tpu.vector_store %arg12[%swap3A_56, %swap3A_57], %add3A_55 {strides = array<i32>} : memref<128x1xf32, #tpu.memory_space<vmem>>, vector<128x1xf32>,
    } else {
    }
    %eq3A_2 = arith.constant 1 : i32
    %eq3A_3 = arith.cmpi eq, %arg0, %eq3A_2 : i32
    %convert_element_type3A_4 = arith.extui %eq3A_3 : i1 to i32
    %cond3A_5 = arith.constant 0 : i32
    %cond3A_6 = arith.cmpi ne, %convert_element_type3A_4, %cond3A_5 : i32
    scf.if %cond3A_6 {
      %mul3A = arith.constant 1024 : i32
      %mul3A_7 = arith.muli %arg1, %mul3A : i32
      %get3A = arith.constant 0 : index
      %get3A_8 = arith.index_cast %mul3A_7 : i32 to index
      %get3A_9 = vector.load %arg10[%get3A, %get3A_8] : memref<128x10240xf32, #tpu.memory_space<vmem>>, vector<128x1024xf32>
      %get3A_10 = arith.constant 0 : index
      %get3A_11 = arith.constant 0 : index
      %get3A_12 = vector.load %arg11[%get3A_10, %get3A_11] : memref<128x1xf32, #tpu.memory_space<vmem>>, vector<128x1xf32>
      %mul3A_13 = arith.constant 9.99999974E-5 : f32
      %mul3A_14 = vector.broadcast %mul3A_13 : f32 to vector<128x1xf32>
      %mul3A_15 = arith.mulf %get3A_12, %mul3A_14 : vector<128x1xf32>
      %get3A_16 = arith.constant 0 : index
      %get3A_17 = arith.constant 0 : index
      %get3A_18 = vector.load %arg12[%get3A_16, %get3A_17] : memref<128x1xf32, #tpu.memory_space<vmem>>, vector<128x1xf32>
      %mul3A_19 = arith.constant 9.99999974E-5 : f32
      %mul3A_20 = vector.broadcast %mul3A_19 : f32 to vector<128x1xf32>
      %mul3A_21 = arith.mulf %get3A_18, %mul3A_20 : vector<128x1xf32>
      %mul3A_22 = arith.mulf %mul3A_15, %mul3A_15 : vector<128x1xf32>
      %sub3A = arith.subf %mul3A_21, %mul3A_22 : vector<128x1xf32>
      %get3A_23 = arith.constant 0 : index
      %get3A_24 = arith.constant 0 : index
      %get3A_25 = vector.load %arg7[%get3A_23, %get3A_24] : memref<128x1xf32, #tpu.memory_space<vmem>>, vector<128x1xf32>
      %add3A = arith.constant 9.99999974E-6 : f32
      %add3A_26 = vector.broadcast %add3A : f32 to vector<128x1xf32>
      %add3A_27 = arith.addf %sub3A, %add3A_26 : vector<128x1xf32>
      %rsqrt3A = math.rsqrt %add3A_27 : vector<128x1xf32>
      %mul3A_28 = arith.mulf %get3A_25, %rsqrt3A : vector<128x1xf32>
      %sub3A_29 = vector.broadcast %mul3A_15 : vector<128x1xf32> to vector<128x1024xf32>
      %sub3A_30 = arith.subf %get3A_9, %sub3A_29 : vector<128x1024xf32>
      %mul3A_31 = vector.broadcast %mul3A_28 : vector<128x1xf32> to vector<128x1024xf32>
      %mul3A_32 = arith.mulf %sub3A_30, %mul3A_31 : vector<128x1024xf32>
      %get3A_33 = arith.constant 0 : index
      %get3A_34 = arith.constant 0 : index
      %get3A_35 = vector.load %arg8[%get3A_33, %get3A_34] : memref<128x1xf32, #tpu.memory_space<vmem>>, vector<128x1xf32>
      %add3A_36 = vector.broadcast %get3A_35 : vector<128x1xf32> to vector<128x1024xf32>
      %add3A_37 = arith.addf %mul3A_32, %add3A_36 : vector<128x1024xf32>
      %max3A = arith.constant 0.000000e+00 : f32
      %max3A_38 = vector.broadcast %max3A : f32 to vector<128x1024xf32>
      %max3A_39 = arith.maximumf %add3A_37, %max3A_38 : vector<128x1024xf32>
      %swap3A = arith.constant 0 : index
      %swap3A_40 = arith.constant 0 : index
      %swap3A_41 = vector.load %arg9[%swap3A, %swap3A_40] : memref<128x1024xf32, #tpu.memory_space<vmem>>, vector<128x1024xf32>
      tpu.vector_store %arg9[%swap3A, %swap3A_40], %max3A_39 {strides = array<i32>} : memref<128x1024xf32, #tpu.memory_space<vmem>>, vector<128x1024xf32>,
    } else {
    }
    return
  }
  func.func @transform_0(%arg0: i32, %arg1: i32) -> (i32, i32) {
    %sub3A = arith.constant 1 : i32
    %sub3A_0 = arith.subi %sub3A, %arg0 : i32
    %mul3A = arith.muli %arg1, %sub3A_0 : i32
    %c0_i32 = arith.constant 0 : i32
    %c0_i32_1 = arith.constant 0 : i32
    return %c0_i32, %mul3A : i32, i32
  }
  func.func @transform_1(%arg0: i32, %arg1: i32) -> (i32, i32) {
    %sub3A = arith.constant 1 : i32
    %sub3A_0 = arith.subi %sub3A, %arg0 : i32
    %mul3A = arith.muli %arg1, %sub3A_0 : i32
    %c0_i32 = arith.constant 0 : i32
    %c0_i32_1 = arith.constant 0 : i32
    return %c0_i32, %mul3A : i32, i32
  }
  func.func @transform_2(%arg0: i32, %arg1: i32) -> (i32, i32) {
    %c0_i32 = arith.constant 0 : i32
    %c0_i32_0 = arith.constant 0 : i32
    %c0_i32_1 = arith.constant 0 : i32
    return %c0_i32, %c0_i32_0 : i32, i32
  }
  func.func @transform_3(%arg0: i32, %arg1: i32) -> (i32, i32) {
    %c0_i32 = arith.constant 0 : i32
    %c0_i32_0 = arith.constant 0 : i32
    %c0_i32_1 = arith.constant 0 : i32
    return %c0_i32, %c0_i32_0 : i32, i32
  }
  func.func @transform_4(%arg0: i32, %arg1: i32) -> (i32, i32) {
    %c0_i32 = arith.constant 0 : i32
    %c0_i32_0 = arith.constant 0 : i32
    %c0_i32_1 = arith.constant 0 : i32
    return %c0_i32, %c0_i32_0 : i32, i32
  }
  func.func @transform_5(%arg0: i32, %arg1: i32) -> (i32, i32) {
    %c0_i32 = arith.constant 0 : i32
    %c0_i32_0 = arith.constant 0 : i32
    %c0_i32_1 = arith.constant 0 : i32
    return %c0_i32, %c0_i32_0 : i32, i32
  }
  func.func @transform_6(%arg0: i32, %arg1: i32) -> (i32, i32) {
    %c0_i32 = arith.constant 0 : i32
    %c0_i32_0 = arith.constant 0 : i32
    %c0_i32_1 = arith.constant 0 : i32
    return %c0_i32, %c0_i32_0 : i32, i32
  }
  func.func @transform_7(%arg0: i32, %arg1: i32) -> (i32, i32) {
    %mul3A = arith.muli %arg1, %arg0 : i32
    %c0_i32 = arith.constant 0 : i32
    %c0_i32_0 = arith.constant 0 : i32
    return %c0_i32, %mul3A : i32, i32
  }
}

</mosaic_0001>

<sc_bundles>
// kernel: kernel.4.cloned.1.call-start
scs
__scs_entry_jumppad:
0x0: {  	(pc) =	sbr.rel $0x88, $3  }
0x1: {  	(tag) =	ssettag $0x0;
	lr =	simm.s32 $0x1  }
0x2: {  	[smem:$0x3F9C] =	sst lr;
	_ =	strace $0xD0000000  }
0x3: {  	_ = 	snop  }
0x4: {  	_ = 	snop  }
0x5: {  	_ = 	snop  }
0x6: {  	_ = 	snop  }
0x7: {  	_ = 	snop  }
__scs_overlays_trampoline_lowered:
0x8: {  	[smem:$0x3FAB] =	sst s0  }
0x9: {  	[smem:$0x3FAC] =	sst s1  }
0xa: {  	[smem:$0x3FAD] =	sst s2  }
0xb: {  	[smem:$0x3FAE] =	sst s3  }
0xc: {  	[smem:$0x3FAF] =	sst s4  }
0xd: {  	[smem:$0x3FB0] =	sst s5  }
0xe: {  	[smem:$0x3FB1] =	sst s6  }
0xf: {  	[smem:$0x3FB2] =	sst s7  }
0x10: {  	[smem:$0x3FB3] =	sst s8  }
0x11: {  	[smem:$0x3FB4] =	sst s9;
	s0 =	simm.s32 @!p0 $0x0  }
0x12: {  	s1 =	sld [smem:$0x3F9A];
	s0 =	simm.s32 @p0 $0x1  }
0x13: {  	[smem:$0x3FB5] =	sst s0;
	s0 =	simm.s32 @!p1 $0x0  }
0x14: {  	s2 =	sld [smem:$0x3F99];
	s0 =	simm.s32 @p1 $0x1  }
0x15: {  	[smem:$0x3FB6] =	sst s0;
	s0 =	simm.s32 @!p2 $0x0  }
0x16: {  	s3 =	sld [smem:$0x3FDB];
	s0 =	simm.s32 @p2 $0x1  }
0x17: {  	s4 =	simm.s32 $0x1BF5;
	[smem:$0x3FB8] =	sst s0  }
0x18: {  	s0 =	sld [smem:$0x3F9B];
	_ =	swait.ge [sflag:s4], $0x0  }
0x19: {  	s7 =	sld [smem:$0x3F9C]  }
0x1a: {  	s8 =	sadd.s32 $0xFFFFE003, lr  }
0x1b: {  	s9 =	sadd.s32 $0xFFFFFEF7, lr;
	s5 =	simm.s32 $0xFFFFFFFF;
	p2 =	slt.u32 s8, $0xFFFFF086  }
0x1c: {  	p1 =	slt.u32 s9, $0xF7A;
	s5 =	simm.s32 @!p2 $0x0  }
0x1d: {  	s5 =	simm.s32 @p1 $0x1;
	p0 =	seq.s32 s7, s2  }
0x1e: {  	s7 =	smul.u32 @!p0 $0xF7A, s2;
	p2 =	seq.s32 @!p0 s5, $0x0  }
0x1f: {  	s9 =	smul.u32 $0xF7A, s1;
	s8 =	simm.s32 @!p0 $0x1BF5;
	p2 =	por !p2, p0  }
0x20: {  	[sflag:s8] =	ssyncset.s32 @!p0 $0xFFFFF086;
	s6 =	sadd.s32 @!p0 s3, s7;
	s7 =	simm.s32 @!p0 $0x108  }
0x21: {  	s3 =	sadd.s32 s3, s9;
	s6 =	sadd.s32 @!p0 $0x88, s6;
	s7 =	simm.s32 @p2 $0x1082  }
0x22: {  	[simem:s7], [sflag:s8] =	dma.local @!p0 [hbm:s6], $0xF7A  }
0x23: {  	s9 =	sor.u32 $0xD0000000, s2;
	s6 =	simm.s32 $0x108;
	_ =	swait.ge @!p0 [sflag:s8], $0x0  }
0x24: {  	s3 =	sadd.s32 $0x88, s3;
	s6 =	simm.s32 @!p1 $0x1082;
	[sflag:s4] =	ssyncset.s32 $0xFFFFF086  }
0x25: {  	[simem:s6], [sflag:s4] =	dma.local [hbm:s3], $0xF7A  }
0x26: {  	[smem:$0x3F9C] =	sst s1;
	(tag) =	ssettag s2;
	_ =	strace s9  }
0x27: {  	s1 =	sld [smem:$0x3FAC]  }
0x28: {  	s2 =	sld [smem:$0x3FAD]  }
0x29: {  	s4 =	sld [smem:$0x3FAF]  }
0x2a: {  	p0 =	seq.s32 s5, $0x0;
	s5 =	sld [smem:$0x3FB0]  }
0x2b: {  	s6 =	sld [smem:$0x3FB1]  }
0x2c: {  	s7 =	sld [smem:$0x3FB2]  }
0x2d: {  	s3 =	simm.s32 $0x108;
	s8 =	sld [smem:$0x3FB3]  }
0x2e: {  	s3 =	simm.s32 @!p0 $0x1082;
	s9 =	sld [smem:$0x3FB4]  }
0x2f: {  	lr =	sadd.s32 s0, s3;
	s0 =	sld [smem:$0x3FAB]  }
0x30: {  	s3 =	sld [smem:$0x3FAE]  }
0x31: {  	[smem:$0x3FB7] =	sst s10  }
0x32: {  	s10 =	sld [smem:$0x3FB5];
	_ =	sdelay $0x3  }
0x33: {  	p0 =	seq.s32 s10, $0x1;
	s10 =	sld [smem:$0x3FB7];
	_ =	sdelay $0x3  }
0x34: {  	[smem:$0x3FB7] =	sst s10  }
0x35: {  	s10 =	sld [smem:$0x3FB6];
	_ =	sdelay $0x3  }
0x36: {  	p1 =	seq.s32 s10, $0x1;
	s10 =	sld [smem:$0x3FB7];
	_ =	sdelay $0x3  }
0x37: {  	[smem:$0x3FB7] =	sst s10  }
0x38: {  	s10 =	sld [smem:$0x3FB8]  }
0x39: {  	_ = 	snop;
	(pc) =	sbr.ind lr, $3  }
0x3a: {  	_ = 	snop  }
0x3b: {  	_ = 	snop  }
0x3c: {  	p2 =	seq.s32 s10, $0x1;
	s10 =	sld [smem:$0x3FB7]  }
0x3d: {  	_ =	shalt  }
0x3e: {  	_ =	shalt  }
0x3f: {  	_ =	shalt  }
0x40: {  	_ =	shalt  }
0x41: {  	_ =	shalt  }
0x42: {  	_ =	shalt  }
0x43: {  	_ =	shalt  }
0x44: {  	_ =	shalt  }
0x45: {  	_ =	shalt  }
0x46: {  	_ =	shalt  }
0x47: {  	_ =	shalt  }
0x48: {  	_ =	shalt  }
0x49: {  	_ =	shalt  }
0x4a: {  	_ =	shalt  }
0x4b: {  	_ =	shalt  }
0x4c: {  	_ =	shalt  }
0x4d: {  	_ =	shalt  }
0x4e: {  	_ =	shalt  }
0x4f: {  	_ =	shalt  }
0x50: {  	_ =	shalt  }
0x51: {  	_ =	shalt  }
0x52: {  	_ =	shalt  }
0x53: {  	_ =	shalt  }
0x54: {  	_ =	shalt  }
0x55: {  	_ =	shalt  }
0x56: {  	_ =	shalt  }
0x57: {  	_ =	shalt  }
0x58: {  	_ =	shalt  }
0x59: {  	_ =	shalt  }
0x5a: {  	_ =	shalt  }
0x5b: {  	_ =	shalt  }
0x5c: {  	_ =	shalt  }
0x5d: {  	_ =	shalt  }
0x5e: {  	_ =	shalt  }
0x5f: {  	_ =	shalt  }
0x60: {  	_ =	shalt  }
0x61: {  	_ =	shalt  }
0x62: {  	_ =	shalt  }
0x63: {  	_ =	shalt  }
0x64: {  	_ =	shalt  }
0x65: {  	_ =	shalt  }
0x66: {  	_ =	shalt  }
0x67: {  	_ =	shalt  }
0x68: {  	_ =	shalt  }
0x69: {  	_ =	shalt  }
0x6a: {  	_ =	shalt  }
0x6b: {  	_ =	shalt  }
0x6c: {  	_ =	shalt  }
0x6d: {  	_ =	shalt  }
0x6e: {  	_ =	shalt  }
0x6f: {  	_ =	shalt  }
0x70: {  	_ =	shalt  }
0x71: {  	_ =	shalt  }
0x72: {  	_ =	shalt  }
0x73: {  	_ =	shalt  }
0x74: {  	_ =	shalt  }
0x75: {  	_ =	shalt  }
0x76: {  	_ =	shalt  }
0x77: {  	_ =	shalt  }
0x78: {  	_ =	shalt  }
0x79: {  	_ =	shalt  }
0x7a: {  	_ =	shalt  }
0x7b: {  	_ =	shalt  }
0x7c: {  	_ =	shalt  }
0x7d: {  	_ =	shalt  }
0x7e: {  	_ =	shalt  }
0x7f: {  	_ =	shalt  }
0x80: {  	_ =	shalt  }
0x81: {  	_ =	shalt  }
0x82: {  	_ =	shalt  }
0x83: {  	_ =	shalt  }
0x84: {  	_ =	shalt  }
0x85: {  	_ =	shalt  }
0x86: {  	_ =	shalt  }
0x87: {  	_ =	shalt  }
.Lfunc_end0:
.L_simem_size_0:
called_computation_lowered:
.L_overlay_start_0:
0x88: {  	s2 =	sld [smem:$0x3FD9]  }
0x89: {  	s3 =	sld [smem:$0x3FFE];
	_ =	sdelay $0x1  }
0x8a: {  	s1 =	srdreg.scid  }
0x8b: {  	s0 =	sand.u32 $0x1, s1  }
0x8c: {  	s17 =	sshll.u32 s0, $0xA;
	s2 =	sadd.s32 s3, s2  }
0x8d: {  	s2 =	sadd.s32 s2, s17  }
0x8e: {  	[smem:$0x3FC3] =	sst s2  }
0x8f: {  	_ = 	snop  }
0x90: {  	s2 =	sld [smem:$0x3FD0];
	(tm) =	ssettm $0x1  }
0x91: {  	s18 =	sld [smem:$0x3FFB];
	_ =	sdelay $0x3  }
0x92: {  	_ =	strace s18  }
0x93: {  	s3 =	sld [smem:$0x3FFC];
	_ =	sdelay $0x3  }
0x94: {  	_ =	strace s3  }
0x95: {  	s3 =	sld [smem:$0x3FFD];
	_ =	sdelay $0x3  }
0x96: {  	_ =	strace s3  }
0x97: {  	_ =	strace $0x8FFFFFFF  }
0x98: {  	s19 =	sld [smem:$0x3FDB];
	_ =	sdelay $0x1  }
0x99: {  	s4 =	simm.s32 $_scs_section_size  }
0x9a: {  	s5 =	simm.s32 $_size__tile_overlayer_lowered;
	s6 =	simm.s32 $_tile_overlayer_lowered  }
0x9b: {  	s22 =	simm.s32 $0x1BFF;
	s21 =	sshll.u32 s6, $0x1;
	s3 =	sadd.s32 s4, s19  }
0x9c: {  	s7 =	simm.s32 $0x0;
	s20 =	sshll.u32 s5, $0x1;
	s5 =	sadd.s32 s21, s3  }
0x9d: {  	[timem:s7], [sflag:s22] =	dma.local [hbm:s5], s20  }
0x9e: {  	_ =	swait.ge [sflag:s22], s20  }
0x9f: {  	s4 =	ssub.s32 $0x0, s20;
	[sflag:s22] =	ssyncset.done $0x0  }
0xa0: {  	[sflag:s22] =	ssyncadd.s32 s4;
	_ =	sdelay $0x1  }
0xa1: {  	s23 =	simm.s32 $0x1B8B  }
0xa2: {  	_ =	swait.ge [sflag:s23], $0x1  }
0xa3: {  	[sflag:s23] =	ssyncset.done $0x0  }
0xa4: {  	s25 =	simm.s32 $0x1B8E;
	s24 =	sld [smem:$0x3FFE];
	[sflag:s23] =	ssyncadd.s32 $0xFFFFFFFF  }
0xa5: {  	s26 =	simm.s32 $execute0_lowered;
	[smem:$0x3FD2] =	sst s25  }
0xa6: {  	s5 =	sshll.u32 s26, $0x1;
	_ =	strace $0x80000046;
	[dreg:$0x1] =	wrdreg $0xFFFFFFFF  }
0xa7: {  	s28 =	simm.s32 $_size_execute0_lowered;
	s3 =	sadd.s32 s3, s5;
	[dreg:$0x0] =	wrdreg $0x0  }
0xa8: {  	s5 =	sshll.u32 s28, $0x1;
	[dreg:$0x2] =	wrdreg s3  }
0xa9: {  	[dreg:$0x3] =	wrdreg s5  }
0xaa: {  	[dreg:$0x4] =	wrdreg $0xC0  }
0xab: {  	_ =	task [dreg:s7], $0x5FFFF  }
0xac: {  	[dreg:$0x1] =	wrdreg $0xFFFFFFFF  }
0xad: {  	[dreg:$0x0] =	wrdreg $0x60  }
0xae: {  	[dreg:$0x2] =	wrdreg s2  }
0xaf: {  	[dreg:$0x3] =	wrdreg s24  }
0xb0: {  	[dreg:$0x4] =	wrdreg $0x9  }
0xb1: {  	_ =	task.clear_ibuf [dreg:s7], $0x5FFFF;
	_ =	strace $0x90000046  }
0xb2: {  	s29 =	simm.s32 $0x9;
	_ =	strace $0x80000048  }
0xb3: {  	_ =	swait.ge [sflag:s29], $0x1  }
0xb4: {  	[sflag:s29] =	ssyncadd.s32 $0xFFFFFFFF  }
0xb5: {  	_ =	strace $0x90000048  }
0xb6: {  	_ =	sfence  }
0xb7: {  	s30 =	sld [smem:$0x0];
	_ =	sdelay $0x2  }
0xb8: {  	s31 =	sshll.u32 s1, $0xD;
	s1 =	sshrl.u32 s1, $0x2  }
0xb9: {  	s3 =	sand.u32 $0x4000, s31;
	s1 =	sadd.s32 s1, s30  }
0xba: {  	s0 =	sor.u32 s3, s0;
	s1 =	sshll.u32 s1, $0x11  }
0xbb: {  	s0 =	sor.u32 s1, s0  }
0xbc: {  	s0 =	sadd.s32 $0x8F2B, s0  }
0xbd: {  	[sflag:s0] =	ssyncadd.remote.s32 $0x1  }
0xbe: {  	_ =	sfence.sel $0xFFFF  }
0xbf: {  	[dreg:$0x0] =	wrdreg $0xFFFFFFFF;
	(pc) =	sbr.abs _section_cstart, $3  }
0xc0: {  	[dreg:$0x1] =	wrdreg $0xFFFFFFFF  }
0xc1: {  	_ =	task.clear_ibuf [dreg:s7], $0x2FFFF;
	_ =	strace $0x9FFFFFFF  }
0xc2: {  	(tm) =	ssettm $0x7FFFFFFF  }
0xc3: {  	_ =	shalt  }
tec
execute0_lowered:
.L_overlay_start_1:
0x0: {  	(tag) =	ssettag $0x1  }
0x1: {  	s6 =	rddreg [dreg:$0x0]  }
0x2: {  	s4 =	rddreg [dreg:$0x1]  }
0x3: {  	s0 =	rddreg [dreg:$0x2]  }
0x4: {  	s2 =	simm.s32 $0x0;
	s1 =	stileid.u32;
	s5 =	srdreg.scid  }
0x5: {  	s13 =	simm.s32 $0x5;
	s14 =	simm.s32 $0xA000;
	s15 =	simm.s32 $0x1  }
0x6: {  	s16 =	simm.s32 $0xC000;
	s17 =	simm.s32 $0x2800;
	s18 =	simm.s32 $0xE000  }
0x7: {  	s19 =	simm.s32 $0x2;
	s20 =	simm.s32 $0xE200;
	s21 =	simm.s32 $0x3  }
0x8: {  	s22 =	simm.s32 $0x4;
	s23 =	simm.s32 $0x0;
	[smem:$0x7FF] =	sst s2  }
0x9: {  	s7 =	sshrl.u32 s1, $0x3;
	s3 =	sadd.s32 $0x1800, s4;
	s11 =	smul.u32 $0xA000, s1  }
0xa: {  	s8 =	sand.u32 $0x1, s5;
	s4 =	sadd.s32 $0x15800, s4;
	s7 =	smul.u32 $0x50000, s7  }
0xb: {  	s9 =	sshll.u32 s1, $0x7;
	s5 =	smul.u32 $0x50000, s8;
	s10 =	ssub.s32 $0x2, s8  }
0xc: {  	s9 =	sand.u32 $0x380, s9;
	s8 =	smul.u32 $0x1400, s8;
	s12 =	sshrl.u32 s10, $0x1  }
0xd: {  	_ =	strace $0x80000047;
	s7 =	sor.u32 s9, s7;
	s10 =	ssub.s32 s10, s12  }
0xe: {  	s31 =	sshrl.u32 s5, $0x3;
	s8 =	sor.u32 s8, s11;
	s9 =	sor.u32 $0x4000, s5  }
0xf: {  	s11 =	simm.s32 $0x80;
	s12 =	simm.s32 $0x400;
	s7 =	sshrl.u32 s7, $0x3  }
0x10: {  	s10 =	smax.u32 s10, $0x1;
	s6 =	sadd.s32 s6, s7;
	s7 =	sadd.s32 s3, s31  }
.LBB2_1:
0x11: {  	[tilespmem:s2], [sflag:$0x5] =	stream.strided.gather [hbm4b:s6+s11], $0xA000, s12, s11, $0x38;
	[tilespmem:$0xE400] =	vst v63  }
0x12: {  	_ =	swait.ge [sflag:s13], $0xA000  }
0x13: {  	[sflag:s13] =	ssyncset.done $0x0  }
0x14: {  	s24 =	simm.s32 $0x0;
	[sflag:s13] =	ssyncadd.s32 $0xFFFF6000  }
0x15: {  	[tilespmem:s14], [sflag:$0x1] =	stream.linear.gather [hbm4b:s7+s2], $0x2000, $0x38;
	[tilespmem:$0xE400] =	vst v63  }
.LBB2_2:
0x16: {  	s25 =	sshllo.u32 s24, $0x1  }
0x17: {  	s26 =	sshll.u32 s25, $0xD  }
0x18: {  	_ =	swait.ge [sflag:s15], $0x2000;
	s26 =	sadd.s32 s5, s26  }
0x19: {  	[sflag:s15] =	ssyncset.done $0x0;
	s26 =	sshrl.u32 s26, $0x3  }
0x1a: {  	p0 =	seq.s32 s24, $0x0;
	[sflag:s15] =	ssyncadd.s32 $0xFFFFE000;
	s26 =	sadd.s32 s3, s26  }
0x1b: {  	[tilespmem:s16], [sflag:$0x2] =	stream.linear.gather [hbm4b:s26+s2], $0x2000, $0x38;
	[tilespmem:$0xE400] =	vst v63  }
0x1c: {  	s26 =	simm.s32 @!p0 $0x3  }
0x1d: {  	_ =	swait.ge @!p0 [sflag:s26], $0x200  }
0x1e: {  	[sflag:s26] =	ssyncset.done @!p0 $0x0  }
0x1f: {  	[sflag:s26] =	ssyncadd.s32 @!p0 $0xFFFFFE00;
	s26 =	simm.s32 $0xFFFFFE00  }
.LBB2_3:
0x20: {  	s28 =	sshra.s32 s26, $0x2  }
0x21: {  	v0 =	vld [tilespmem:s28+$0xA080]  }
0x22: {  	v1 =	vld [tilespmem:s28+$0xB080]  }
0x23: {  	v6 =	vld [tilespmem:s28+$0xA100]  }
0x24: {  	v7 =	vld [tilespmem:s28+$0xB100]  }
0x25: {  	v41 =	vld [tilespmem:s28+$0xA180]  }
0x26: {  	v43 =	vld [tilespmem:s28+$0xB180]  }
0x27: {  	v49 =	vld [tilespmem:s28+$0xA200]  }
0x28: {  	v50 =	vld [tilespmem:s28+$0xB200]  }
0x29: {  	v56 =	vld [tilespmem:s28+$0xA280]  }
0x2a: {  	v57 =	vld [tilespmem:s28+$0xB280]  }
0x2b: {  	v63 =	vld [tilespmem:s28+$0xA300]  }
0x2c: {  	v8 =	vld.idx.msk [tilespmem:v0+s2+$0x0], $0xffff  }
0x2d: {  	v9 =	vld.idx.msk [tilespmem:v1+s2+$0x0], $0xffff  }
0x2e: {  	v16 =	vld.idx.msk [tilespmem:v6+s2+$0x0], $0xffff  }
0x2f: {  	v22 =	vld.idx.msk [tilespmem:v7+s2+$0x0], $0xffff  }
0x30: {  	v19 =	vld.idx.msk [tilespmem:v41+s2+$0x0], $0xffff  }
0x31: {  	v25 =	vld.idx.msk [tilespmem:v43+s2+$0x0], $0xffff  }
0x32: {  	v30 =	vld.idx.msk [tilespmem:v49+s2+$0x0], $0xffff  }
0x33: {  	v2 =	vadd.s32 $0x2800, v0;
	v36 =	vld.idx.msk [tilespmem:v50+s2+$0x0], $0xffff  }
0x34: {  	v3 =	vadd.s32 $0x2800, v1;
	v4 =	vadd.s32 $0x5000, v0;
	v34 =	vld.idx.msk [tilespmem:v56+s2+$0x0], $0xffff  }
0x35: {  	v38 =	vadd.s32 $0x2800, v7;
	v40 =	vadd.s32 $0x5000, v7;
	v44 =	vadd.s32 $0x7800, v7;
	v7 =	vld [tilespmem:s28+$0xB300]  }
0x36: {  	v5 =	vadd.s32 $0x5000, v1;
	v35 =	vld.idx.msk [tilespmem:v63+s2+$0x0], $0xffff  }
0x37: {  	v37 =	vadd.s32 $0x2800, v6;
	v39 =	vadd.s32 $0x5000, v6;
	v42 =	vadd.s32 $0x7800, v6;
	v6 =	vld [tilespmem:s28+$0xB380]  }
0x38: {  	v11 =	vld.idx.msk [tilespmem:v2+s2+$0x0], $0xffff  }
0x39: {  	v15 =	vld.idx.msk [tilespmem:v3+s2+$0x0], $0xffff  }
0x3a: {  	v10 =	vld.idx.msk [tilespmem:v4+s2+$0x0], $0xffff  }
0x3b: {  	v12 =	vld.idx.msk [tilespmem:v5+s2+$0x0], $0xffff  }
0x3c: {  	v45 =	vadd.s32 $0x2800, v41;
	v17 =	vld.idx.msk [tilespmem:v37+s2+$0x0], $0xffff  }
0x3d: {  	v46 =	vadd.s32 $0x2800, v43;
	v23 =	vld.idx.msk [tilespmem:v38+s2+$0x0], $0xffff  }
0x3e: {  	v47 =	vadd.s32 $0x5000, v41;
	v20 =	vld.idx.msk [tilespmem:v40+s2+$0x0], $0xffff  }
0x3f: {  	v48 =	vadd.s32 $0x5000, v43;
	v21 =	vld.idx.msk [tilespmem:v42+s2+$0x0], $0xffff  }
0x40: {  	v51 =	vadd.s32 $0x7800, v43;
	v24 =	vld.idx.msk [tilespmem:v44+s2+$0x0], $0xffff  }
0x41: {  	v52 =	vadd.s32 $0x2800, v49;
	v26 =	vld.idx.msk [tilespmem:v45+s2+$0x0], $0xffff  }
0x42: {  	v53 =	vadd.s32 $0x2800, v50;
	v31 =	vld.idx.msk [tilespmem:v46+s2+$0x0], $0xffff  }
0x43: {  	v54 =	vadd.s32 $0x5000, v49;
	v27 =	vld.idx.msk [tilespmem:v47+s2+$0x0], $0xffff  }
0x44: {  	v55 =	vadd.s32 $0x5000, v50;
	v28 =	vld.idx.msk [tilespmem:v48+s2+$0x0], $0xffff  }
0x45: {  	v58 =	vadd.s32 $0x7800, v50;
	v32 =	vld.idx.msk [tilespmem:v51+s2+$0x0], $0xffff  }
0x46: {  	v43 =	vld.idx.msk [tilespmem:v52+s2+$0x0], $0xffff  }
0x47: {  	v59 =	vadd.s32 $0x2800, v56;
	v48 =	vld.idx.msk [tilespmem:v53+s2+$0x0], $0xffff  }
0x48: {  	v60 =	vadd.s32 $0x2800, v57;
	v42 =	vld.idx.msk [tilespmem:v54+s2+$0x0], $0xffff  }
0x49: {  	v61 =	vadd.s32 $0x5000, v56;
	v44 =	vld.idx.msk [tilespmem:v55+s2+$0x0], $0xffff  }
0x4a: {  	v62 =	vadd.s32 $0x5000, v57;
	v37 =	vld.idx.msk [tilespmem:v58+s2+$0x0], $0xffff  }
0x4b: {  	v38 =	vld.idx.msk [tilespmem:v57+s2+$0x0], $0xffff  }
0x4c: {  	v0 =	vadd.s32 $0x7800, v0;
	v45 =	vld.idx.msk [tilespmem:v59+s2+$0x0], $0xffff  }
0x4d: {  	v4 =	vadd.s32 $0x7800, v41;
	v54 =	vld.idx.msk [tilespmem:v60+s2+$0x0], $0xffff  }
0x4e: {  	v1 =	vadd.s32 $0x7800, v1;
	v46 =	vld.idx.msk [tilespmem:v61+s2+$0x0], $0xffff  }
0x4f: {  	v5 =	vadd.s32 $0x7800, v49;
	v41 =	vadd.s32 $0x7800, v57;
	v49 =	vld.idx.msk [tilespmem:v62+s2+$0x0], $0xffff  }
0x50: {  	v51 =	vadd.s32 $0x2800, v63;
	v2 =	vld [tilespmem:s28+$0xA400]  }
0x51: {  	v61 =	vadd.s32 $0x5000, v63;
	v13 =	vld.idx.msk [tilespmem:v0+s2+$0x0], $0xffff  }
0x52: {  	v29 =	vld.idx.msk [tilespmem:v4+s2+$0x0], $0xffff;
	v4 =	vadd.s32 $0x7800, v56  }
0x53: {  	v14 =	vld.idx.msk [tilespmem:v1+s2+$0x0], $0xffff  }
0x54: {  	v60 =	vadd.s32 $0x2800, v7;
	v56 =	vld.idx.msk [tilespmem:v41+s2+$0x0], $0xffff  }
0x55: {  	v63 =	vadd.s32 $0x7800, v63;
	v40 =	vld.idx.msk [tilespmem:v51+s2+$0x0], $0xffff  }
0x56: {  	v41 =	vadd.s32 $0x7800, v7;
	v47 =	vld.idx.msk [tilespmem:v61+s2+$0x0], $0xffff  }
0x57: {  	v62 =	vadd.s32 $0x5000, v7;
	v55 =	vld.idx.msk [tilespmem:v4+s2+$0x0], $0xffff  }
0x58: {  	v4 =	vld [tilespmem:s28+$0xA380]  }
0x59: {  	v57 =	vld.idx.msk [tilespmem:v60+s2+$0x0], $0xffff;
	v60 =	vadd.s32 $0x2800, v6  }
0x5a: {  	v51 =	vld.idx.msk [tilespmem:v63+s2+$0x0], $0xffff;
	v63 =	vadd.s32 $0x5000, v6  }
0x5b: {  	v59 =	vld.idx.msk [tilespmem:v41+s2+$0x0], $0xffff  }
0x5c: {  	v50 =	vld.idx.msk [tilespmem:v62+s2+$0x0], $0xffff  }
0x5d: {  	v62 =	vld.idx.msk [tilespmem:v6+s2+$0x0], $0xffff;
	v58 =	vadd.s32 $0x2800, v4  }
0x5e: {  	v1 =	vld.idx.msk [tilespmem:v60+s2+$0x0], $0xffff;
	v61 =	vadd.s32 $0x5000, v4  }
0x5f: {  	v60 =	vld.idx.msk [tilespmem:v63+s2+$0x0], $0xffff;
	v41 =	vadd.s32 $0x7800, v4  }
0x60: {  	[tilespmem:$0x1F7D0] =	vst v59;
	v59 =	vadd.s32 $0x2800, v2;
	v52 =	vld.idx.msk [tilespmem:v4+s2+$0x0], $0xffff  }
0x61: {  	v4 =	vld [tilespmem:s28+$0xB400]  }
0x62: {  	v53 =	vld.idx.msk [tilespmem:v58+s2+$0x0], $0xffff  }
0x63: {  	v58 =	vadd.s32 $0x7800, v6;
	v3 =	vld.idx.msk [tilespmem:v61+s2+$0x0], $0xffff  }
0x64: {  	v0 =	vld.idx.msk [tilespmem:v41+s2+$0x0], $0xffff  }
0x65: {  	v41 =	vld.idx.msk [tilespmem:v59+s2+$0x0], $0xffff  }
0x66: {  	v6 =	vld [tilespmem:s28+$0xB480]  }
0x67: {  	[tilespmem:$0x1F7E0] =	vst v62;
	v59 =	vld.idx.msk [tilespmem:v2+s2+$0x0], $0xffff  }
0x68: {  	[tilespmem:$0x1F7F0] =	vst v1;
	v61 =	vld.idx.msk [tilespmem:v58+s2+$0x0], $0xffff  }
0x69: {  	[tilespmem:$0x1F810] =	vst v60;
	v60 =	vld.idx.msk [tilespmem:v4+s2+$0x0], $0xffff  }
0x6a: {  	v62 =	vadd.s32 $0x2800, v4;
	[tilespmem:$0x1F800] =	vst v3;
	v3 =	vld [tilespmem:s28+$0xA480]  }
0x6b: {  	v63 =	vadd.s32 $0x5000, v2;
	v2 =	vadd.s32 $0x7800, v2;
	[tilespmem:$0x1F820] =	vst v0  }
0x6c: {  	v18 =	vld.idx.msk [tilespmem:v39+s2+$0x0], $0xffff;
	[tilespmem:$0x1F840] =	vst v59  }
0x6d: {  	v33 =	vld.idx.msk [tilespmem:v5+s2+$0x0], $0xffff;
	v58 =	vadd.s32 $0x5000, v4;
	[tilespmem:$0x1F830] =	vst v61  }
0x6e: {  	v39 =	vld.idx.msk [tilespmem:v7+s2+$0x0], $0xffff;
	v5 =	vadd.s32 $0x2800, v6;
	[tilespmem:$0x1F850] =	vst v60  }
0x6f: {  	v0 =	vld.idx.msk [tilespmem:v62+s2+$0x0], $0xffff;
	v62 =	vadd.s32 $0x2800, v3  }
0x70: {  	v2 =	vld.idx.msk [tilespmem:v2+s2+$0x0], $0xffff  }
0x71: {  	v61 =	vld.idx.msk [tilespmem:v63+s2+$0x0], $0xffff  }
0x72: {  	v63 =	vld.idx.msk [tilespmem:v58+s2+$0x0], $0xffff  }
0x73: {  	v1 =	vld.idx.msk [tilespmem:v5+s2+$0x0], $0xffff  }
0x74: {  	v58 =	vadd.s32 $0x5000, v3;
	[tilespmem:$0x1F860] =	vst v0;
	v0 =	vld.idx.msk [tilespmem:v62+s2+$0x0], $0xffff  }
0x75: {  	v59 =	vadd.s32 $0x5000, v6;
	[tilespmem:$0x1F890] =	vst v2;
	v2 =	vld [tilespmem:s28+$0xA500]  }
0x76: {  	v60 =	vld.idx.msk [tilespmem:v3+s2+$0x0], $0xffff;
	v3 =	vadd.s32 $0x7800, v3  }
0x77: {  	v5 =	vld [tilespmem:s28+$0xB500];
	v62 =	vadd.s32 $0x7800, v6  }
0x78: {  	[tilespmem:$0x1F870] =	vst v61;
	v61 =	vld.idx.msk [tilespmem:v6+s2+$0x0], $0xffff  }
0x79: {  	v4 =	vadd.s32 $0x7800, v4;
	[tilespmem:$0x1F8D0] =	vst v0;
	v0 =	vld.idx.msk [tilespmem:v58+s2+$0x0], $0xffff  }
0x7a: {  	[tilespmem:$0x1F880] =	vst v63;
	v63 =	vadd.s32 $0x2800, v2;
	v58 =	vld.idx.msk [tilespmem:v59+s2+$0x0], $0xffff  }
0x7b: {  	v59 =	vld.idx.msk [tilespmem:v3+s2+$0x0], $0xffff  }
0x7c: {  	[tilespmem:$0x1F8B0] =	vst v60;
	v60 =	vld.idx.msk [tilespmem:v62+s2+$0x0], $0xffff  }
0x7d: {  	v62 =	vadd.s32 $0x2800, v5;
	v3 =	vld [tilespmem:s28+$0xA580]  }
0x7e: {  	v7 =	vld.idx.msk [tilespmem:v4+s2+$0x0], $0xffff  }
0x7f: {  	[tilespmem:$0x1F8C0] =	vst v61;
	v61 =	vld.idx.msk [tilespmem:v63+s2+$0x0], $0xffff;
	v63 =	vadd.s32 $0x5000, v2  }
0x80: {  	v6 =	vld [tilespmem:s28+$0xB580];
	[tilespmem:$0x1F900] =	vst v58;
	v58 =	vadd.s32 $0x5000, v5  }
0x81: {  	[tilespmem:$0x1F910] =	vst v59;
	v59 =	vld.idx.msk [tilespmem:v2+s2+$0x0], $0xffff;
	v2 =	vadd.s32 $0x7800, v2  }
0x82: {  	[tilespmem:$0x1F8F0] =	vst v0;
	v0 =	vld.idx.msk [tilespmem:v62+s2+$0x0], $0xffff;
	v62 =	vadd.s32 $0x2800, v3  }
0x83: {  	[tilespmem:$0x1F920] =	vst v60;
	v60 =	vld.idx.msk [tilespmem:v5+s2+$0x0], $0xffff;
	v5 =	vadd.s32 $0x7800, v5  }
0x84: {  	[tilespmem:$0x1F950] =	vst v61;
	v61 =	vld.idx.msk [tilespmem:v63+s2+$0x0], $0xffff  }
0x85: {  	v63 =	vld.idx.msk [tilespmem:v58+s2+$0x0], $0xffff  }
0x86: {  	[tilespmem:$0x1F8A0] =	vst v7;
	v2 =	vld.idx.msk [tilespmem:v2+s2+$0x0], $0xffff  }
0x87: {  	[tilespmem:$0x1F960] =	vst v0;
	v0 =	vld.idx.msk [tilespmem:v62+s2+$0x0], $0xffff;
	v58 =	vadd.s32 $0x5000, v3  }
0x88: {  	[tilespmem:$0x1F930] =	vst v59;
	v7 =	vld.idx.msk [tilespmem:v5+s2+$0x0], $0xffff;
	v59 =	vadd.s32 $0x5000, v6  }
0x89: {  	[tilespmem:$0x1F940] =	vst v60;
	v60 =	vld.idx.msk [tilespmem:v3+s2+$0x0], $0xffff;
	v3 =	vadd.s32 $0x7800, v3  }
0x8a: {  	v62 =	vadd.s32 $0x7800, v6;
	v5 =	vld [tilespmem:s28+$0xB600]  }
0x8b: {  	[tilespmem:$0x1F990] =	vst v2;
	v2 =	vld [tilespmem:s28+$0xA600]  }
0x8c: {  	[tilespmem:$0x1F9D0] =	vst v0;
	v0 =	vld.idx.msk [tilespmem:v58+s2+$0x0], $0xffff  }
0x8d: {  	v58 =	vld.idx.msk [tilespmem:v59+s2+$0x0], $0xffff  }
0x8e: {  	v59 =	vld.idx.msk [tilespmem:v3+s2+$0x0], $0xffff  }
0x8f: {  	[tilespmem:$0x1F9B0] =	vst v60;
	v60 =	vld.idx.msk [tilespmem:v62+s2+$0x0], $0xffff  }
0x90: {  	v62 =	vadd.s32 $0x2800, v5;
	v3 =	vld [tilespmem:s28+$0xA680]  }
0x91: {  	[tilespmem:$0x1F970] =	vst v61  }
0x92: {  	[tilespmem:$0x1F980] =	vst v63;
	v61 =	vld.idx.msk [tilespmem:v6+s2+$0x0], $0xffff;
	v63 =	vadd.s32 $0x2800, v2;
	_ =	sdelay $0x1  }
0x93: {  	v4 =	vadd.s32 $0x2800, v6;
	v6 =	vld [tilespmem:s28+$0xB680]  }
0x94: {  	[tilespmem:$0x1F9F0] =	vst v0;
	v0 =	vld.idx.msk [tilespmem:v62+s2+$0x0], $0xffff;
	v62 =	vadd.s32 $0x2800, v3  }
0x95: {  	[tilespmem:$0x1FA20] =	vst v60;
	v60 =	vld.idx.msk [tilespmem:v5+s2+$0x0], $0xffff  }
0x96: {  	[tilespmem:$0x1F9C0] =	vst v61;
	v61 =	vld.idx.msk [tilespmem:v63+s2+$0x0], $0xffff;
	v63 =	vadd.s32 $0x5000, v2  }
0x97: {  	[tilespmem:$0x1FA10] =	vst v59;
	v59 =	vld.idx.msk [tilespmem:v2+s2+$0x0], $0xffff;
	v2 =	vadd.s32 $0x7800, v2  }
0x98: {  	[tilespmem:$0x1FA00] =	vst v58;
	v58 =	vadd.s32 $0x5000, v5  }
0x99: {  	v5 =	vadd.s32 $0x7800, v5;
	[tilespmem:$0x1FA60] =	vst v0;
	v0 =	vld.idx.msk [tilespmem:v62+s2+$0x0], $0xffff  }
0x9a: {  	[tilespmem:$0x1FA40] =	vst v60;
	v60 =	vld.idx.msk [tilespmem:v3+s2+$0x0], $0xffff  }
0x9b: {  	v62 =	vadd.s32 $0x7800, v6;
	[tilespmem:$0x1FA50] =	vst v61;
	v61 =	vld.idx.msk [tilespmem:v63+s2+$0x0], $0xffff  }
0x9c: {  	v2 =	vld.idx.msk [tilespmem:v2+s2+$0x0], $0xffff  }
0x9d: {  	[tilespmem:$0x1F9A0] =	vst v7;
	v63 =	vld.idx.msk [tilespmem:v58+s2+$0x0], $0xffff;
	v58 =	vadd.s32 $0x5000, v3  }
0x9e: {  	v7 =	vld.idx.msk [tilespmem:v5+s2+$0x0], $0xffff;
	[tilespmem:$0x1FA30] =	vst v59;
	v59 =	vadd.s32 $0x5000, v6  }
0x9f: {  	v5 =	vld [tilespmem:s28+$0xB700];
	v3 =	vadd.s32 $0x7800, v3  }
0xa0: {  	[tilespmem:$0x1FAB0] =	vst v60;
	v60 =	vld.idx.msk [tilespmem:v62+s2+$0x0], $0xffff  }
0xa1: {  	[tilespmem:$0x1FA90] =	vst v2;
	v2 =	vld [tilespmem:s28+$0xA700]  }
0xa2: {  	[tilespmem:$0x1FAD0] =	vst v0;
	v0 =	vld.idx.msk [tilespmem:v58+s2+$0x0], $0xffff  }
0xa3: {  	v58 =	vld.idx.msk [tilespmem:v59+s2+$0x0], $0xffff  }
0xa4: {  	v59 =	vld.idx.msk [tilespmem:v3+s2+$0x0], $0xffff  }
0xa5: {  	v62 =	vadd.s32 $0x2800, v5;
	[tilespmem:$0x1FA70] =	vst v61;
	v3 =	vld [tilespmem:s28+$0xA780]  }
0xa6: {  	[tilespmem:$0x1FA80] =	vst v63;
	v61 =	vld.idx.msk [tilespmem:v6+s2+$0x0], $0xffff;
	v63 =	vadd.s32 $0x2800, v2  }
0xa7: {  	[tilespmem:$0x1F8E0] =	vst v1;
	v1 =	vld.idx.msk [tilespmem:v4+s2+$0x0], $0xffff  }
0xa8: {  	v4 =	vadd.s32 $0x2800, v6;
	v6 =	vld [tilespmem:s28+$0xB780]  }
0xa9: {  	[tilespmem:$0x1FB20] =	vst v60;
	v60 =	vld.idx.msk [tilespmem:v5+s2+$0x0], $0xffff  }
0xaa: {  	[tilespmem:$0x1FAF0] =	vst v0;
	v0 =	vld.idx.msk [tilespmem:v62+s2+$0x0], $0xffff;
	v62 =	vadd.s32 $0x2800, v3  }
0xab: {  	[tilespmem:$0x1FAC0] =	vst v61;
	v61 =	vld.idx.msk [tilespmem:v63+s2+$0x0], $0xffff;
	v63 =	vadd.s32 $0x5000, v2  }
0xac: {  	[tilespmem:$0x1FB10] =	vst v59;
	v59 =	vld.idx.msk [tilespmem:v2+s2+$0x0], $0xffff;
	v2 =	vadd.s32 $0x7800, v2  }
0xad: {  	[tilespmem:$0x1FB00] =	vst v58;
	v58 =	vadd.s32 $0x5000, v5  }
0xae: {  	[tilespmem:$0x1FB40] =	vst v60;
	v5 =	vadd.s32 $0x7800, v5;
	v60 =	vld.idx.msk [tilespmem:v3+s2+$0x0], $0xffff  }
0xaf: {  	[tilespmem:$0x1FB60] =	vst v0;
	v0 =	vld.idx.msk [tilespmem:v62+s2+$0x0], $0xffff  }
0xb0: {  	v62 =	vadd.s32 $0x7800, v6;
	[tilespmem:$0x1FB50] =	vst v61;
	v61 =	vld.idx.msk [tilespmem:v63+s2+$0x0], $0xffff  }
0xb1: {  	v2 =	vld.idx.msk [tilespmem:v2+s2+$0x0], $0xffff  }
0xb2: {  	[tilespmem:$0x1FAA0] =	vst v7;
	v63 =	vld.idx.msk [tilespmem:v58+s2+$0x0], $0xffff;
	v58 =	vadd.s32 $0x5000, v3  }
0xb3: {  	v7 =	vld.idx.msk [tilespmem:v5+s2+$0x0], $0xffff;
	[tilespmem:$0x1FB30] =	vst v59;
	v59 =	vadd.s32 $0x5000, v6  }
0xb4: {  	v5 =	vld [tilespmem:s28+$0xB800];
	v3 =	vadd.s32 $0x7800, v3  }
0xb5: {  	[tilespmem:$0x1FBB0] =	vst v60;
	v60 =	vld.idx.msk [tilespmem:v62+s2+$0x0], $0xffff  }
0xb6: {  	[tilespmem:$0x1FB90] =	vst v2;
	v2 =	vld [tilespmem:s28+$0xA800]  }
0xb7: {  	[tilespmem:$0x1FBD0] =	vst v0;
	v0 =	vld.idx.msk [tilespmem:v58+s2+$0x0], $0xffff  }
0xb8: {  	v58 =	vld.idx.msk [tilespmem:v59+s2+$0x0], $0xffff  }
0xb9: {  	v59 =	vld.idx.msk [tilespmem:v3+s2+$0x0], $0xffff  }
0xba: {  	v62 =	vadd.s32 $0x2800, v5;
	[tilespmem:$0x1FB70] =	vst v61;
	v3 =	vld [tilespmem:s28+$0xA880]  }
0xbb: {  	[tilespmem:$0x1FB80] =	vst v63;
	v61 =	vld.idx.msk [tilespmem:v6+s2+$0x0], $0xffff;
	v63 =	vadd.s32 $0x2800, v2  }
0xbc: {  	[tilespmem:$0x1F9E0] =	vst v1;
	v1 =	vld.idx.msk [tilespmem:v4+s2+$0x0], $0xffff  }
0xbd: {  	v4 =	vadd.s32 $0x2800, v6;
	v6 =	vld [tilespmem:s28+$0xB880]  }
0xbe: {  	[tilespmem:$0x1FC20] =	vst v60;
	v60 =	vld.idx.msk [tilespmem:v5+s2+$0x0], $0xffff  }
0xbf: {  	[tilespmem:$0x1FBF0] =	vst v0;
	v0 =	vld.idx.msk [tilespmem:v62+s2+$0x0], $0xffff;
	v62 =	vadd.s32 $0x2800, v3  }
0xc0: {  	[tilespmem:$0x1FBC0] =	vst v61;
	v61 =	vld.idx.msk [tilespmem:v63+s2+$0x0], $0xffff;
	v63 =	vadd.s32 $0x5000, v2  }
0xc1: {  	[tilespmem:$0x1FC10] =	vst v59;
	v59 =	vld.idx.msk [tilespmem:v2+s2+$0x0], $0xffff;
	v2 =	vadd.s32 $0x7800, v2  }
0xc2: {  	[tilespmem:$0x1FC00] =	vst v58;
	v58 =	vadd.s32 $0x5000, v5  }
0xc3: {  	[tilespmem:$0x1FC40] =	vst v60;
	v5 =	vadd.s32 $0x7800, v5;
	v60 =	vld.idx.msk [tilespmem:v3+s2+$0x0], $0xffff  }
0xc4: {  	[tilespmem:$0x1FC60] =	vst v0;
	v0 =	vld.idx.msk [tilespmem:v62+s2+$0x0], $0xffff  }
0xc5: {  	v62 =	vadd.s32 $0x7800, v6;
	[tilespmem:$0x1FC50] =	vst v61;
	v61 =	vld.idx.msk [tilespmem:v63+s2+$0x0], $0xffff  }
0xc6: {  	v2 =	vld.idx.msk [tilespmem:v2+s2+$0x0], $0xffff  }
0xc7: {  	[tilespmem:$0x1FBA0] =	vst v7;
	v63 =	vld.idx.msk [tilespmem:v58+s2+$0x0], $0xffff;
	v58 =	vadd.s32 $0x5000, v3  }
0xc8: {  	v7 =	vld.idx.msk [tilespmem:v5+s2+$0x0], $0xffff;
	[tilespmem:$0x1FC30] =	vst v59;
	v59 =	vadd.s32 $0x5000, v6  }
0xc9: {  	v5 =	vld [tilespmem:s28+$0xB900];
	v3 =	vadd.s32 $0x7800, v3  }
0xca: {  	[tilespmem:$0x1FCB0] =	vst v60;
	v60 =	vld.idx.msk [tilespmem:v62+s2+$0x0], $0xffff  }
0xcb: {  	[tilespmem:$0x1FC90] =	vst v2;
	v2 =	vld [tilespmem:s28+$0xA900]  }
0xcc: {  	[tilespmem:$0x1FCD0] =	vst v0;
	v0 =	vld.idx.msk [tilespmem:v58+s2+$0x0], $0xffff  }
0xcd: {  	v58 =	vld.idx.msk [tilespmem:v59+s2+$0x0], $0xffff  }
0xce: {  	v62 =	vadd.s32 $0x2800, v5;
	v59 =	vld.idx.msk [tilespmem:v3+s2+$0x0], $0xffff  }
0xcf: {  	[tilespmem:$0x1FC70] =	vst v61;
	v3 =	vld [tilespmem:s28+$0xA980]  }
0xd0: {  	[tilespmem:$0x1FC80] =	vst v63;
	v61 =	vld.idx.msk [tilespmem:v6+s2+$0x0], $0xffff;
	v63 =	vadd.s32 $0x2800, v2;
	_ =	sdelay $0x2  }
0xd1: {  	[tilespmem:$0x1FCF0] =	vst v0;
	v0 =	vld.idx.msk [tilespmem:v62+s2+$0x0], $0xffff  }
0xd2: {  	[tilespmem:$0x1FD10] =	vst v59;
	v62 =	vadd.s32 $0x2800, v3;
	v59 =	vld.idx.msk [tilespmem:v2+s2+$0x0], $0xffff  }
0xd3: {  	[tilespmem:$0x1FCC0] =	vst v61;
	v61 =	vld.idx.msk [tilespmem:v63+s2+$0x0], $0xffff;
	v63 =	vadd.s32 $0x5000, v2;
	v2 =	vadd.s32 $0x7800, v2  }
0xd4: {  	[tilespmem:$0x1FAE0] =	vst v1;
	v1 =	vld.idx.msk [tilespmem:v4+s2+$0x0], $0xffff  }
0xd5: {  	v4 =	vadd.s32 $0x2800, v6;
	v6 =	vld [tilespmem:s28+$0xB980];
	[tilespmem:$0x1FD00] =	vst v58;
	v58 =	vadd.s32 $0x5000, v5  }
0xd6: {  	[tilespmem:$0x1FD20] =	vst v60;
	v60 =	vld.idx.msk [tilespmem:v5+s2+$0x0], $0xffff  }
0xd7: {  	v5 =	vadd.s32 $0x7800, v5;
	[tilespmem:$0x1FD60] =	vst v0;
	v0 =	vld.idx.msk [tilespmem:v62+s2+$0x0], $0xffff  }
0xd8: {  	v2 =	vld.idx.msk [tilespmem:v2+s2+$0x0], $0xffff  }
0xd9: {  	[tilespmem:$0x1FD50] =	vst v61;
	v61 =	vld.idx.msk [tilespmem:v63+s2+$0x0], $0xffff  }
0xda: {  	[tilespmem:$0x1FBE0] =	vst v1;
	v63 =	vld.idx.msk [tilespmem:v58+s2+$0x0], $0xffff  }
0xdb: {  	v1 =	vld.idx.msk [tilespmem:v4+s2+$0x0], $0xffff;
	[tilespmem:$0x1FCA0] =	vst v7;
	v58 =	vadd.s32 $0x5000, v6  }
0xdc: {  	v7 =	vld.idx.msk [tilespmem:v5+s2+$0x0], $0xffff;
	[tilespmem:$0x1FD30] =	vst v59;
	v59 =	vadd.s32 $0x7800, v6  }
0xdd: {  	[tilespmem:$0x1FD90] =	vst v2;
	v2 =	vld [tilespmem:s28+$0xAA00]  }
0xde: {  	v62 =	vld.idx.msk [tilespmem:v6+s2+$0x0], $0xffff;
	[tilespmem:$0x1FDB0] =	vst v0  }
0xdf: {  	v0 =	vadd.s32 $0x5000, v3;
	[tilespmem:$0x1FD80] =	vst v63;
	v63 =	vld.idx.msk [tilespmem:v3+s2+$0x0], $0xffff  }
0xe0: {  	[tilespmem:$0x1FD70] =	vst v61;
	v3 =	vadd.s32 $0x7800, v3;
	v61 =	vld.idx.msk [tilespmem:v58+s2+$0x0], $0xffff  }
0xe1: {  	v58 =	vld.idx.msk [tilespmem:v59+s2+$0x0], $0xffff  }
0xe2: {  	[tilespmem:$0x1FD40] =	vst v60;
	v5 =	vld [tilespmem:s28+$0xBA00];
	v60 =	vadd.s32 $0x2800, v2  }
0xe3: {  	v4 =	vadd.s32 $0x2800, v6;
	v6 =	vld [tilespmem:s28+$0xBA80]  }
0xe4: {  	v0 =	vld.idx.msk [tilespmem:v0+s2+$0x0], $0xffff  }
0xe5: {  	[tilespmem:$0x1FDA0] =	vst v7;
	v7 =	vld.idx.msk [tilespmem:v3+s2+$0x0], $0xffff  }
0xe6: {  	[tilespmem:$0x1FE00] =	vst v58;
	v58 =	vld.idx.msk [tilespmem:v2+s2+$0x0], $0xffff  }
0xe7: {  	v59 =	vld.idx.msk [tilespmem:v60+s2+$0x0], $0xffff;
	v60 =	vadd.s32 $0x2800, v5  }
0xe8: {  	[tilespmem:$0x1FDE0] =	vst v61;
	v61 =	vadd.s32 $0x5000, v2;
	v3 =	vld [tilespmem:s28+$0xAA80]  }
0xe9: {  	v2 =	vadd.s32 $0x7800, v2  }
0xea: {  	[tilespmem:$0x1FCE0] =	vst v1  }
0xeb: {  	v1 =	vld.idx.msk [tilespmem:v4+s2+$0x0], $0xffff;
	[tilespmem:$0x1FDD0] =	vst v0  }
0xec: {  	[tilespmem:$0x1FE10] =	vst v58;
	v58 =	vadd.s32 $0x2800, v6;
	v0 =	vld.idx.msk [tilespmem:v60+s2+$0x0], $0xffff  }
0xed: {  	v60 =	vld.idx.msk [tilespmem:v61+s2+$0x0], $0xffff;
	v61 =	vadd.s32 $0x2800, v3  }
0xee: {  	v2 =	vld.idx.msk [tilespmem:v2+s2+$0x0], $0xffff  }
0xef: {  	v4 =	vadd.s32 $0x5000, v5;
	[tilespmem:$0x1FE30] =	vst v59;
	v59 =	vld.idx.msk [tilespmem:v5+s2+$0x0], $0xffff;
	v5 =	vadd.s32 $0x7800, v5  }
0xf0: {  	[tilespmem:$0x1FDC0] =	vst v1  }
0xf1: {  	[tilespmem:$0x1FDF0] =	vst v7;
	v1 =	vld.idx.msk [tilespmem:v58+s2+$0x0], $0xffff  }
0xf2: {  	[tilespmem:$0x1FE40] =	vst v0;
	v0 =	vld.idx.msk [tilespmem:v61+s2+$0x0], $0xffff  }
0xf3: {  	[tilespmem:$0x1FE70] =	vst v2;
	v2 =	vld [tilespmem:s28+$0xAB00]  }
0xf4: {  	[tilespmem:$0x1FE20] =	vst v59;
	v59 =	vld.idx.msk [tilespmem:v5+s2+$0x0], $0xffff  }
0xf5: {  	v58 =	vadd.s32 $0x7800, v6;
	[tilespmem:$0x1FE50] =	vst v60  }
0xf6: {  	v60 =	vld.idx.msk [tilespmem:v3+s2+$0x0], $0xffff;
	[tilespmem:$0x1FEC0] =	vst v1;
	v1 =	vadd.s32 $0x5000, v6  }
0xf7: {  	v7 =	vld.idx.msk [tilespmem:v4+s2+$0x0], $0xffff;
	[tilespmem:$0x1FEB0] =	vst v0;
	v0 =	vadd.s32 $0x5000, v3  }
0xf8: {  	v61 =	vld.idx.msk [tilespmem:v6+s2+$0x0], $0xffff;
	v3 =	vadd.s32 $0x7800, v3  }
0xf9: {  	v5 =	vld [tilespmem:s28+$0xBB00];
	[tilespmem:$0x1FE80] =	vst v59;
	v59 =	vadd.s32 $0x2800, v2  }
0xfa: {  	v4 =	vld.idx.msk [tilespmem:v58+s2+$0x0], $0xffff  }
0xfb: {  	[tilespmem:$0x1FE90] =	vst v60;
	v60 =	vld.idx.msk [tilespmem:v1+s2+$0x0], $0xffff  }
0xfc: {  	v0 =	vld.idx.msk [tilespmem:v0+s2+$0x0], $0xffff  }
0xfd: {  	[tilespmem:$0x1FEA0] =	vst v61;
	v61 =	vld.idx.msk [tilespmem:v3+s2+$0x0], $0xffff  }
0xfe: {  	[tilespmem:$0x1FE60] =	vst v7;
	v58 =	vadd.s32 $0x5000, v2;
	v7 =	vld.idx.msk [tilespmem:v59+s2+$0x0], $0xffff  }
0xff: {  	v6 =	vld [tilespmem:s28+$0xBB80];
	v59 =	vadd.s32 $0x5000, v5  }
0x100: {  	v3 =	vld [tilespmem:s28+$0xAB80];
	[tilespmem:$0x1FEE0] =	vst v60  }
0x101: {  	v60 =	vld.idx.msk [tilespmem:v2+s2+$0x0], $0xffff;
	v2 =	vadd.s32 $0x7800, v2;
	[tilespmem:$0x1FED0] =	vst v0  }
0x102: {  	[tilespmem:$0x1FEF0] =	vst v61;
	v0 =	vadd.s32 $0x2800, v5;
	v61 =	vld.idx.msk [tilespmem:v5+s2+$0x0], $0xffff  }
0x103: {  	[tilespmem:$0x1FF30] =	vst v7;
	v5 =	vadd.s32 $0x7800, v5;
	v7 =	vld.idx.msk [tilespmem:v58+s2+$0x0], $0xffff  }
0x104: {  	v58 =	vld.idx.msk [tilespmem:v59+s2+$0x0], $0xffff;
	v59 =	vadd.s32 $0x2800, v6  }
0x105: {  	[tilespmem:$0x1FF00] =	vst v4;
	v4 =	vld [tilespmem:s28+$0xAC00]  }
0x106: {  	v2 =	vld.idx.msk [tilespmem:v2+s2+$0x0], $0xffff  }
0x107: {  	v0 =	vld.idx.msk [tilespmem:v0+s2+$0x0], $0xffff  }
0x108: {  	[tilespmem:$0x1FF10] =	vst v60;
	v60 =	vld.idx.msk [tilespmem:v5+s2+$0x0], $0xffff;
	v5 =	vsub.bf16 v11, v15  }
0x109: {  	[tilespmem:$0x1FF60] =	vst v58;
	v58 =	vsub.bf16 v13, v14;
	v1 =	vld.idx.msk [tilespmem:v59+s2+$0x0], $0xffff;
	v14 =	vsub.bf16 v17, v23  }
0x10a: {  	v15 =	vld.idx.msk [tilespmem:v3+s2+$0x0], $0xffff;
	v17 =	vsub.bf16 v21, v24;
	v21 =	vsub.bf16 v26, v31  }
0x10b: {  	v23 =	vsub.bf16 v27, v28;
	v26 =	vsub.bf16 v30, v36;
	v36 =	vld [tilespmem:s28+$0xAC80]  }
0x10c: {  	v24 =	vsub.bf16 v29, v32;
	v27 =	vsub.bf16 v43, v48;
	v43 =	vld [tilespmem:s28+$0xBC80]  }
0x10d: {  	v32 =	vsub.bf16 v33, v37;
	v37 =	vsub.bf16 v34, v38;
	v34 =	vld [tilespmem:$0x1F890]  }
0x10e: {  	v16 =	vsub.bf16 v16, v22;
	v48 =	vsub.bf16 v35, v39;
	v35 =	vld [tilespmem:$0x1F8A0]  }
0x10f: {  	[tilespmem:$0x1FF20] =	vst v61;
	v61 =	vsub.bf16 v8, v9;
	v29 =	vsub.bf16 v42, v44;
	v39 =	vld [tilespmem:s28+$0xBD00]  }
0x110: {  	v44 =	vsub.bf16 v46, v49;
	v49 =	vsub.bf16 v40, v57;
	v40 =	vld [tilespmem:$0x1F9F0]  }
0x111: {  	v59 =	vadd.s32 $0x5000, v6;
	[tilespmem:$0x1FF70] =	vst v2;
	v2 =	vmax.bf16 v61, v16;
	v61 =	vld.idx.msk [tilespmem:v6+s2+$0x0], $0xffff  }
0x112: {  	v5 =	vmax.bf16 v5, v14;
	v16 =	vsub.bf16 v18, v20;
	v18 =	vsub.bf16 v19, v25;
	v19 =	vld [tilespmem:s28+$0xBC00]  }
0x113: {  	v33 =	vadd.s32 $0x5000, v4;
	v9 =	vmax.bf16 v58, v17;
	v25 =	vmax.bf16 v5, v21;
	v21 =	vld [tilespmem:$0x1F7F0]  }
0x114: {  	v28 =	vmax.bf16 v9, v24;
	v24 =	vld [tilespmem:$0x1F820]  }
0x115: {  	v9 =	vld [tilespmem:s28+$0xAD00]  }
0x116: {  	[tilespmem:$0x1FFB0] =	vst v1;
	v1 =	vld.idx.msk [tilespmem:v59+s2+$0x0], $0xffff  }
0x117: {  	v22 =	vsub.bf16 v10, v12;
	[tilespmem:$0x1FF80] =	vst v60;
	v60 =	vld.idx.msk [tilespmem:v4+s2+$0x0], $0xffff  }
0x118: {  	v57 =	vld.idx.msk [tilespmem:v33+s2+$0x0], $0xffff  }
0x119: {  	v6 =	vadd.s32 $0x7800, v6;
	v8 =	vmax.bf16 v22, v16;
	v22 =	vmax.bf16 v2, v18;
	v18 =	vld [tilespmem:$0x1F7D0]  }
0x11a: {  	v20 =	vadd.s32 $0x2800, v4;
	v33 =	vld [tilespmem:$0x1F880]  }
0x11b: {  	v10 =	vsub.bf16 v34, v35;
	v34 =	vld [tilespmem:$0x1F9B0]  }
0x11c: {  	v35 =	vld [tilespmem:$0x1F9C0]  }
0x11d: {  	[tilespmem:$0x1FF40] =	vst v0;
	v0 =	vadd.s32 $0x2800, v3;
	v2 =	vmax.bf16 v8, v23;
	v23 =	vld [tilespmem:$0x1F810]  }
0x11e: {  	v4 =	vadd.s32 $0x7800, v4;
	v59 =	vld.idx.msk [tilespmem:v6+s2+$0x0], $0xffff  }
0x11f: {  	v30 =	vld.idx.msk [tilespmem:v20+s2+$0x0], $0xffff  }
0x120: {  	v20 =	vld [tilespmem:$0x1F7E0]  }
0x121: {  	v17 =	vsub.bf16 v47, v50;
	v16 =	vadd.s32 $0x2800, v36;
	v50 =	vld.idx.msk [tilespmem:v36+s2+$0x0], $0xffff  }
0x122: {  	v0 =	vld.idx.msk [tilespmem:v0+s2+$0x0], $0xffff  }
0x123: {  	v38 =	vsub.bf16 v45, v54;
	v54 =	vld.idx.msk [tilespmem:v4+s2+$0x0], $0xffff  }
0x124: {  	[tilespmem:$0x1FFD0] =	vst v1;
	v1 =	vmax.bf16 v25, v27;
	v25 =	vld [tilespmem:$0x1F830]  }
0x125: {  	v27 =	vld [tilespmem:$0x1F850]  }
0x126: {  	v4 =	vsub.bf16 v53, v21;
	v53 =	vld.idx.msk [tilespmem:v16+s2+$0x0], $0xffff  }
0x127: {  	v12 =	vsub.bf16 v51, v18;
	v18 =	vld [tilespmem:$0x1F8D0]  }
0x128: {  	v31 =	vadd.s32 $0x2800, v19;
	v21 =	vld [tilespmem:$0x1F900]  }
0x129: {  	v42 =	vadd.s32 $0x5000, v19;
	v16 =	vld [tilespmem:$0x1FB10]  }
0x12a: {  	v46 =	vadd.s32 $0x7800, v19;
	v58 =	vld.idx.msk [tilespmem:v19+s2+$0x0], $0xffff  }
0x12b: {  	v1 =	vmax.bf16 v1, v38;
	v38 =	vld [tilespmem:$0x1F8C0]  }
0x12c: {  	v1 =	vmax.bf16 v1, v49;
	v49 =	vld.idx.msk [tilespmem:v43+s2+$0x0], $0xffff  }
0x12d: {  	v45 =	vsub.bf16 v55, v56;
	v2 =	vmax.bf16 v2, v29;
	v29 =	vadd.s32 $0x5000, v43;
	v56 =	vld.idx.msk [tilespmem:v31+s2+$0x0], $0xffff  }
0x12e: {  	v55 =	vld.idx.msk [tilespmem:v42+s2+$0x0], $0xffff  }
0x12f: {  	v2 =	vmax.bf16 v2, v44;
	v5 =	vsub.bf16 v52, v20;
	v52 =	vld.idx.msk [tilespmem:v46+s2+$0x0], $0xffff  }
0x130: {  	v2 =	vmax.bf16 v2, v17;
	v17 =	vadd.s32 $0x2800, v9;
	[tilespmem:$0x1FFF0] =	vst v30;
	v30 =	vld [tilespmem:$0x1F860]  }
0x131: {  	v20 =	vld [tilespmem:$0x1F8F0]  }
0x132: {  	v46 =	vld.idx.msk [tilespmem:v29+s2+$0x0], $0xffff  }
0x133: {  	v29 =	vld [tilespmem:$0x1F980];
	[tilespmem:$0x1FFA0] =	vst v0;
	v0 =	vadd.s32 $0x5000, v3  }
0x134: {  	v42 =	vld [tilespmem:$0x1FA10]  }
0x135: {  	v47 =	vld.idx.msk [tilespmem:v17+s2+$0x0], $0xffff;
	v3 =	vadd.s32 $0x7800, v3  }
0x136: {  	v19 =	vadd.s32 $0x2800, v43;
	v17 =	vld [tilespmem:$0x1FB20]  }
0x137: {  	v6 =	vsub.bf16 v24, v25;
	v24 =	vld [tilespmem:$0x1F930]  }
0x138: {  	v0 =	vld.idx.msk [tilespmem:v0+s2+$0x0], $0xffff  }
0x139: {  	v25 =	vld [tilespmem:$0x1F940]  }
0x13a: {  	v3 =	vld.idx.msk [tilespmem:v3+s2+$0x0], $0xffff  }
0x13b: {  	v51 =	vld.idx.msk [tilespmem:v19+s2+$0x0], $0xffff  }
0x13c: {  	v19 =	vld [tilespmem:$0x1F8E0]  }
0x13d: {  	v31 =	vadd.s32 $0x7800, v36;
	[tilespmem:$0x1FFC0] =	vst v0;
	v0 =	vmax.bf16 v22, v26;
	v22 =	vld [tilespmem:$0x1F800]  }
0x13e: {  	v26 =	vld [tilespmem:$0x1F840]  }
0x13f: {  	[tilespmem:$0x1FFE0] =	vst v3;
	v3 =	vmax.bf16 v28, v32;
	v28 =	vadd.s32 $0x5000, v36;
	v32 =	vld [tilespmem:$0x1F870]  }
0x140: {  	v36 =	vadd.s32 $0x7800, v43;
	v43 =	vld [tilespmem:$0x1FA20]  }
0x141: {  	v0 =	vmax.bf16 v0, v37;
	v37 =	vld [tilespmem:$0x1F8B0]  }
0x142: {  	v3 =	vmax.bf16 v3, v45;
	v45 =	vld.idx.msk [tilespmem:v31+s2+$0x0], $0xffff  }
0x143: {  	v31 =	vld [tilespmem:$0x1F990]  }
0x144: {  	v0 =	vmax.bf16 v0, v48;
	v48 =	vld.idx.msk [tilespmem:v28+s2+$0x0], $0xffff  }
0x145: {  	v0 =	vmax.bf16 v0, v5;
	v5 =	vsub.bf16 v22, v23;
	v22 =	vld [tilespmem:$0x1F910]  }
0x146: {  	v23 =	vld [tilespmem:$0x1F920]  }
0x147: {  	v1 =	vmax.bf16 v1, v4;
	v4 =	vsub.bf16 v26, v27;
	v26 =	vld [tilespmem:$0x1F950]  }
0x148: {  	v27 =	vld [tilespmem:$0x1F960]  }
0x149: {  	v28 =	vld [tilespmem:$0x1F970]  }
0x14a: {  	v44 =	vld.idx.msk [tilespmem:v36+s2+$0x0], $0xffff  }
0x14b: {  	v8 =	vsub.bf16 v32, v33;
	v32 =	vld [tilespmem:$0x1F9A0]  }
0x14c: {  	v36 =	vld [tilespmem:$0x1F9D0]  }
0x14d: {  	[tilespmem:$0x1FF90] =	vst v15;
	v15 =	vsub.bf16 v42, v43;
	v43 =	vld.idx.msk [tilespmem:v9+s2+$0x0], $0xffff  }
0x14e: {  	v42 =	vld.idx.msk [tilespmem:v39+s2+$0x0], $0xffff  }
0x14f: {  	v0 =	vmax.bf16 v0, v4;
	v4 =	vsub.bf16 v41, v30;
	v41 =	vld [tilespmem:$0x1FA00]  }
0x150: {  	v2 =	vmax.bf16 v2, v5;
	v5 =	vsub.bf16 v24, v25;
	v25 =	vld [tilespmem:$0x1FAB0]  }
0x151: {  	v2 =	vmax.bf16 v2, v8;
	v8 =	vsub.bf16 v18, v19;
	v19 =	vld [tilespmem:$0x1FA70]  }
0x152: {  	v1 =	vmax.bf16 v1, v4;
	v4 =	vsub.bf16 v37, v38;
	v37 =	vld [tilespmem:$0x1F9E0]  }
0x153: {  	[tilespmem:$0x1FF50] =	vst v7;
	v3 =	vmax.bf16 v3, v12;
	v7 =	vsub.bf16 v22, v23;
	v22 =	vld [tilespmem:$0x1FAA0]  }
0x154: {  	v30 =	vadd.s32 $0x2800, v39;
	v1 =	vmax.bf16 v1, v8;
	v8 =	vsub.bf16 v26, v27;
	v26 =	vld [tilespmem:$0x1FAC0]  }
0x155: {  	v3 =	vmax.bf16 v3, v6;
	v0 =	vmax.bf16 v0, v4;
	v4 =	vsub.bf16 v20, v21;
	v20 =	vld [tilespmem:$0x1FA80]  }
0x156: {  	v3 =	vmax.bf16 v3, v10;
	v33 =	vadd.s32 $0x5000, v9;
	v21 =	vld [tilespmem:$0x1FA90]  }
0x157: {  	v3 =	vmax.bf16 v3, v7;
	v7 =	vld [tilespmem:s28+$0xAD80]  }
0x158: {  	v0 =	vmax.bf16 v0, v5;
	v5 =	vld [tilespmem:s28+$0xBD80]  }
0x159: {  	v14 =	vsub.bf16 v40, v41;
	v41 =	vld.idx.msk [tilespmem:v30+s2+$0x0], $0xffff  }
0x15a: {  	v30 =	vld [tilespmem:$0x1FA50]  }
0x15b: {  	v38 =	vadd.s32 $0x5000, v39;
	v40 =	vld.idx.msk [tilespmem:v33+s2+$0x0], $0xffff  }
0x15c: {  	v9 =	vadd.s32 $0x7800, v9;
	v33 =	vld [tilespmem:$0x1FAF0]  }
0x15d: {  	v18 =	vadd.s32 $0x7800, v39;
	v1 =	vmax.bf16 v1, v8;
	v8 =	vsub.bf16 v34, v35;
	v34 =	vld [tilespmem:$0x1FB00]  }
0x15e: {  	v2 =	vmax.bf16 v2, v4;
	v4 =	vsub.bf16 v28, v29;
	v28 =	vld [tilespmem:$0x1FA30]  }
0x15f: {  	v29 =	vld [tilespmem:$0x1FA40]  }
0x160: {  	v39 =	vld.idx.msk [tilespmem:v38+s2+$0x0], $0xffff  }
0x161: {  	v38 =	vld.idx.msk [tilespmem:v9+s2+$0x0], $0xffff  }
0x162: {  	v10 =	vsub.bf16 v36, v37;
	v37 =	vld.idx.msk [tilespmem:v18+s2+$0x0], $0xffff  }
0x163: {  	v2 =	vmax.bf16 v2, v4;
	v4 =	vsub.bf16 v31, v32;
	v31 =	vld [tilespmem:$0x1FA60]  }
0x164: {  	v0 =	vmax.bf16 v0, v8;
	v12 =	vsub.bf16 v19, v20;
	v19 =	vld [tilespmem:$0x1FB30]  }
0x165: {  	v2 =	vmax.bf16 v2, v14;
	v13 =	vsub.bf16 v21, v22;
	v20 =	vld [tilespmem:$0x1FB40];
	v3 =	vmax.bf16 v3, v4  }
0x166: {  	v35 =	vsub.bf16 v33, v34;
	v3 =	vmax.bf16 v3, v15;
	v8 =	vsub.bf16 v28, v29;
	v29 =	vld [tilespmem:$0x1FAD0]  }
0x167: {  	v27 =	vmax.bf16 v2, v12;
	v28 =	vmax.bf16 v3, v13;
	v3 =	vld [tilespmem:s28+$0xAE00]  }
0x168: {  	v4 =	vmax.bf16 v27, v35;
	v27 =	vld [tilespmem:$0x1FB70]  }
0x169: {  	v18 =	vsub.bf16 v16, v17;
	v13 =	vld [tilespmem:$0x1FBC0]  }
0x16a: {  	v1 =	vmax.bf16 v1, v10;
	v32 =	vadd.s32 $0x2800, v7;
	v10 =	vsub.bf16 v30, v31;
	v30 =	vld [tilespmem:$0x1FAE0]  }
0x16b: {  	v23 =	vadd.s32 $0x2800, v5;
	v0 =	vmax.bf16 v0, v8;
	v8 =	vsub.bf16 v25, v26;
	v25 =	vld [tilespmem:$0x1FB60]  }
0x16c: {  	v34 =	vld.idx.msk [tilespmem:v7+s2+$0x0], $0xffff  }
0x16d: {  	v22 =	vmax.bf16 v28, v18;
	v28 =	vld [tilespmem:$0x1FB80]  }
0x16e: {  	v21 =	vadd.s32 $0x5000, v7;
	v12 =	vadd.s32 $0x7800, v7;
	v7 =	vld [tilespmem:$0x1FB90]  }
0x16f: {  	v36 =	vld.idx.msk [tilespmem:v32+s2+$0x0], $0xffff  }
0x170: {  	v35 =	vld.idx.msk [tilespmem:v23+s2+$0x0], $0xffff  }
0x171: {  	v32 =	vld.idx.msk [tilespmem:v5+s2+$0x0], $0xffff  }
0x172: {  	v24 =	vmax.bf16 v1, v10;
	v10 =	vld [tilespmem:$0x1FBB0]  }
0x173: {  	v31 =	vmax.bf16 v0, v8;
	v0 =	vld [tilespmem:s28+$0xBE00]  }
0x174: {  	v33 =	vld.idx.msk [tilespmem:v21+s2+$0x0], $0xffff  }
0x175: {  	v9 =	vsub.bf16 v29, v30;
	v29 =	vsub.bf16 v27, v28;
	v27 =	vld [tilespmem:$0x1FC30]  }
0x176: {  	v28 =	vld [tilespmem:$0x1FC40]  }
0x177: {  	v30 =	vld [tilespmem:$0x1FC60]  }
0x178: {  	v15 =	vadd.s32 $0x5000, v5;
	v6 =	vmax.bf16 v24, v9;
	v24 =	vld [tilespmem:$0x1FB50]  }
0x179: {  	v9 =	vsub.bf16 v19, v20;
	v19 =	vld [tilespmem:$0x1FBD0]  }
0x17a: {  	v20 =	vld [tilespmem:$0x1FBE0]  }
0x17b: {  	v2 =	vmax.bf16 v4, v29;
	v29 =	vld [tilespmem:$0x1FC50]  }
0x17c: {  	v23 =	vmax.bf16 v31, v9;
	v9 =	vld [tilespmem:$0x1FBA0]  }
0x17d: {  	v16 =	vsub.bf16 v10, v13;
	v31 =	vld.idx.msk [tilespmem:v15+s2+$0x0], $0xffff  }
0x17e: {  	v15 =	vld [tilespmem:$0x1FC70]  }
0x17f: {  	v21 =	vmax.bf16 v23, v16;
	v23 =	vld [tilespmem:$0x1FC00]  }
0x180: {  	v16 =	vld [tilespmem:$0x1FC80]  }
0x181: {  	v26 =	vsub.bf16 v24, v25;
	v25 =	vld [tilespmem:$0x1FC10]  }
0x182: {  	v4 =	vsub.bf16 v19, v20;
	v19 =	vld [tilespmem:$0x1FCB0]  }
0x183: {  	v17 =	vadd.s32 $0x2800, v3;
	v20 =	vld [tilespmem:$0x1FCC0]  }
0x184: {  	v1 =	vsub.bf16 v7, v9;
	v6 =	vmax.bf16 v6, v26;
	v26 =	vld [tilespmem:$0x1FC20]  }
0x185: {  	v4 =	vmax.bf16 v6, v4;
	v6 =	vsub.bf16 v27, v28;
	v27 =	vld [tilespmem:$0x1FD20]  }
0x186: {  	v18 =	vmax.bf16 v22, v1;
	v22 =	vld [tilespmem:$0x1FBF0]  }
0x187: {  	v1 =	vsub.bf16 v29, v30;
	v30 =	vld.idx.msk [tilespmem:v12+s2+$0x0], $0xffff  }
0x188: {  	v9 =	vadd.s32 $0x7800, v5;
	v29 =	vld.idx.msk [tilespmem:v17+s2+$0x0], $0xffff  }
0x189: {  	v17 =	vld [tilespmem:$0x1FC90]  }
0x18a: {  	v11 =	vmax.bf16 v4, v1;
	v1 =	vld [tilespmem:s28+$0xAE80]  }
0x18b: {  	v4 =	vsub.bf16 v19, v20;
	v19 =	vld [tilespmem:$0x1FD50]  }
0x18c: {  	v20 =	vld [tilespmem:$0x1FD60]  }
0x18d: {  	v28 =	vld.idx.msk [tilespmem:v9+s2+$0x0], $0xffff  }
0x18e: {  	v9 =	vmax.bf16 v21, v6;
	v21 =	vld [tilespmem:$0x1FCD0]  }
0x18f: {  	v8 =	vsub.bf16 v25, v26;
	v25 =	vld [tilespmem:$0x1FD00]  }
0x190: {  	v26 =	vld [tilespmem:$0x1FD10]  }
0x191: {  	v14 =	vadd.s32 $0x5000, v3;
	v24 =	vsub.bf16 v22, v23;
	v12 =	vmax.bf16 v18, v8;
	v18 =	vld [tilespmem:$0x1FCA0]  }
0x192: {  	v8 =	vsub.bf16 v15, v16;
	v22 =	vld [tilespmem:$0x1FCE0]  }
0x193: {  	v2 =	vmax.bf16 v2, v24;
	v24 =	vld [tilespmem:$0x1FCF0]  }
0x194: {  	v10 =	vmax.bf16 v2, v8;
	v2 =	vld [tilespmem:s28+$0xBE80]  }
0x195: {  	v6 =	vsub.bf16 v26, v27;
	v26 =	vld.idx.msk [tilespmem:v3+s2+$0x0], $0xffff  }
0x196: {  	v13 =	vadd.s32 $0x2800, v0;
	v27 =	vld.idx.msk [tilespmem:v14+s2+$0x0], $0xffff  }
0x197: {  	v8 =	vsub.bf16 v17, v18;
	v17 =	vld [tilespmem:$0x1FD40]  }
0x198: {  	v23 =	vsub.bf16 v21, v22;
	v21 =	vld [tilespmem:$0x1FD70]  }
0x199: {  	v22 =	vld [tilespmem:$0x1FD80]  }
0x19a: {  	v16 =	vadd.s32 $0x7800, v3;
	v5 =	vsub.bf16 v24, v25;
	v24 =	vld.idx.msk [tilespmem:v0+s2+$0x0], $0xffff  }
0x19b: {  	v7 =	vmax.bf16 v11, v23;
	v23 =	vld.idx.msk [tilespmem:v13+s2+$0x0], $0xffff  }
0x19c: {  	v13 =	vld [tilespmem:$0x1FD30]  }
0x19d: {  	v8 =	vmax.bf16 v12, v8;
	v25 =	vld [tilespmem:$0x1FD90]  }
0x19e: {  	v8 =	vmax.bf16 v8, v6;
	v6 =	vld [tilespmem:$0x1FDA0]  }
0x19f: {  	v15 =	vadd.s32 $0x5000, v0;
	v10 =	vmax.bf16 v10, v5;
	v5 =	vsub.bf16 v21, v22;
	v22 =	vld.idx.msk [tilespmem:v16+s2+$0x0], $0xffff  }
0x1a0: {  	v12 =	vadd.s32 $0x7800, v0;
	v21 =	vld [tilespmem:$0x1FDE0]  }
0x1a1: {  	v16 =	vld [tilespmem:$0x1FE20]  }
0x1a2: {  	v18 =	vsub.bf16 v13, v17;
	v17 =	vld [tilespmem:$0x1FDB0]  }
0x1a3: {  	v13 =	vsub.bf16 v19, v20;
	v20 =	vld [tilespmem:$0x1FDD0]  }
0x1a4: {  	v0 =	vsub.bf16 v25, v6;
	v25 =	vld.idx.msk [tilespmem:v15+s2+$0x0], $0xffff  }
0x1a5: {  	v15 =	vsub.bf16 v63, v62;
	v63 =	vld.idx.msk [tilespmem:v12+s2+$0x0], $0xffff  }
0x1a6: {  	v12 =	vld [tilespmem:$0x1FDF0]  }
0x1a7: {  	v9 =	vmax.bf16 v9, v4;
	v14 =	vadd.s32 $0x2800, v1;
	v6 =	vld [tilespmem:$0x1FEA0]  }
0x1a8: {  	v9 =	vmax.bf16 v9, v18;
	v18 =	vld [tilespmem:$0x1FDC0]  }
0x1a9: {  	v7 =	vmax.bf16 v7, v13;
	v13 =	vld [tilespmem:$0x1FE00]  }
0x1aa: {  	v0 =	vmax.bf16 v8, v0;
	v8 =	vmax.bf16 v9, v15;
	v15 =	vld [tilespmem:$0x1FE10]  }
0x1ab: {  	v9 =	vld [tilespmem:$0x1FE40];
	v62 =	vsub.bf16 v20, v21  }
0x1ac: {  	v5 =	vmax.bf16 v10, v5;
	v21 =	vld.idx.msk [tilespmem:v14+s2+$0x0], $0xffff  }
0x1ad: {  	v5 =	vmax.bf16 v5, v62;
	v62 =	vld [tilespmem:$0x1FE30]  }
0x1ae: {  	v3 =	vadd.s32 $0x2800, v2;
	v11 =	vsub.bf16 v12, v13;
	v12 =	vld [tilespmem:$0x1FE60]  }
0x1af: {  	v19 =	vsub.bf16 v17, v18;
	v17 =	vsub.bf16 v15, v16;
	v15 =	vld [tilespmem:$0x1FE70]  }
0x1b0: {  	v16 =	vld [tilespmem:$0x1FE80]  }
0x1b1: {  	v8 =	vmax.bf16 v8, v17;
	v17 =	vld [tilespmem:$0x1FE90]  }
0x1b2: {  	v4 =	vmax.bf16 v0, v11;
	v11 =	vld [tilespmem:$0x1FE50]  }
0x1b3: {  	v20 =	vld.idx.msk [tilespmem:v3+s2+$0x0], $0xffff  }
0x1b4: {  	v14 =	vadd.s32 $0x5000, v1;
	v7 =	vmax.bf16 v7, v19;
	v19 =	vld.idx.msk [tilespmem:v1+s2+$0x0], $0xffff  }
0x1b5: {  	v13 =	vadd.s32 $0x7800, v1;
	v9 =	vsub.bf16 v62, v9;
	v1 =	vsub.bf16 v15, v16;
	v16 =	vld [tilespmem:$0x1FED0]  }
0x1b6: {  	v6 =	vsub.bf16 v17, v6;
	v17 =	vld [tilespmem:$0x1FEE0]  }
0x1b7: {  	v18 =	vld.idx.msk [tilespmem:v2+s2+$0x0], $0xffff;
	v7 =	vmax.bf16 v7, v9;
	v9 =	vsub.bf16 v11, v12  }
0x1b8: {  	v15 =	vld [tilespmem:$0x1FEC0]  }
0x1b9: {  	v5 =	vmax.bf16 v5, v9;
	v9 =	vld [tilespmem:$0x1FEB0]  }
0x1ba: {  	v3 =	vmax.bf16 v4, v1;
	v1 =	vld [tilespmem:$0x1FF10]  }
0x1bb: {  	v62 =	vadd.s32 $0x5000, v2;
	v12 =	vadd.s32 $0x7800, v2;
	v2 =	vsub.bf16 v16, v17;
	v17 =	vld.idx.msk [tilespmem:v14+s2+$0x0], $0xffff  }
0x1bc: {  	v14 =	vld [tilespmem:$0x1FEF0]  }
0x1bd: {  	v16 =	vld [tilespmem:$0x1FF20]  }
0x1be: {  	v9 =	vsub.bf16 v9, v15;
	v15 =	vld [tilespmem:$0x1FF00]  }
0x1bf: {  	v10 =	vld [tilespmem:s28+$0xAF00]  }
0x1c0: {  	v6 =	vmax.bf16 v8, v6;
	v8 =	vld [tilespmem:$0x1FF30]  }
0x1c1: {  	v7 =	vmax.bf16 v7, v9;
	v9 =	vld [tilespmem:$0x1FF40]  }
0x1c2: {  	v1 =	vsub.bf16 v1, v16;
	v16 =	vld [tilespmem:$0x1FF60]  }
0x1c3: {  	v4 =	vsub.bf16 v14, v15;
	v15 =	vld.idx.msk [tilespmem:v13+s2+$0x0], $0xffff  }
0x1c4: {  	v13 =	vld [tilespmem:$0x1FF50]  }
0x1c5: {  	v14 =	vld.idx.msk [tilespmem:v12+s2+$0x0], $0xffff  }
0x1c6: {  	v12 =	vld [tilespmem:$0x1FF80]  }
0x1c7: {  	v3 =	vmax.bf16 v3, v4;
	v4 =	vsub.bf16 v8, v9;
	v9 =	vld [tilespmem:$0x1FF70]  }
0x1c8: {  	v11 =	vadd.s32 $0x2800, v10  }
0x1c9: {  	v8 =	vsub.bf16 v13, v16;
	v13 =	vld [tilespmem:$0x1FF90]  }
0x1ca: {  	v57 =	vsub.bf16 v57, v55;
	v55 =	vld [tilespmem:s28+$0xB000]  }
0x1cb: {  	v0 =	vld [tilespmem:s28+$0xBF00]  }
0x1cc: {  	v62 =	vld.idx.msk [tilespmem:v62+s2+$0x0], $0xffff;
	v9 =	vsub.bf16 v9, v12  }
0x1cd: {  	v1 =	vmax.bf16 v6, v1;
	v4 =	vmax.bf16 v7, v4;
	v16 =	vld.idx.msk [tilespmem:v11+s2+$0x0], $0xffff  }
0x1ce: {  	v6 =	vmax.bf16 v3, v9;
	v9 =	vld [tilespmem:s28+$0xAF80];
	v7 =	vsub.bf16 v13, v61;
	v61 =	vadd.s32 $0x5000, v10  }
0x1cf: {  	v11 =	vld [tilespmem:$0x1FFB0]  }
0x1d0: {  	v2 =	vmax.bf16 v5, v2;
	v3 =	vmax.bf16 v1, v7;
	v7 =	vld [tilespmem:$0x1FFA0]  }
0x1d1: {  	v12 =	vadd.s32 $0x2800, v0;
	v5 =	vmax.bf16 v2, v8;
	v2 =	vld [tilespmem:$0x1FFC0]  }
0x1d2: {  	v13 =	vld.idx.msk [tilespmem:v10+s2+$0x0], $0xffff  }
0x1d3: {  	v52 =	vsub.bf16 v54, v52;
	v54 =	vld.idx.msk [tilespmem:v61+s2+$0x0], $0xffff;
	v61 =	vadd.s32 $0x2800, v9  }
0x1d4: {  	v8 =	vadd.s32 $0x5000, v0;
	v1 =	vld [tilespmem:s28+$0xBF80]  }
0x1d5: {  	v7 =	vsub.bf16 v7, v11;
	v11 =	vld [tilespmem:$0x1FFD0]  }
0x1d6: {  	v46 =	vsub.bf16 v48, v46;
	v10 =	vadd.s32 $0x7800, v10;
	v12 =	vld.idx.msk [tilespmem:v12+s2+$0x0], $0xffff  }
0x1d7: {  	v41 =	vsub.bf16 v47, v41;
	v4 =	vmax.bf16 v4, v7;
	v7 =	vsub.bf16 v60, v58;
	v60 =	vld [tilespmem:$0x1FFF0]  }
0x1d8: {  	v39 =	vsub.bf16 v40, v39;
	v32 =	vsub.bf16 v34, v32;
	v34 =	vld.idx.msk [tilespmem:v61+s2+$0x0], $0xffff;
	v61 =	vadd.s32 $0x2800, v55  }
0x1d9: {  	v37 =	vsub.bf16 v38, v37;
	v28 =	vsub.bf16 v30, v28;
	v3 =	vmax.bf16 v3, v7;
	v7 =	vld.idx.msk [tilespmem:v8+s2+$0x0], $0xffff  }
0x1da: {  	v24 =	vsub.bf16 v26, v24;
	v2 =	vsub.bf16 v2, v11;
	v11 =	vld [tilespmem:$0x1FFE0]  }
0x1db: {  	v38 =	vadd.s32 $0x5000, v55;
	v22 =	vsub.bf16 v22, v63;
	v18 =	vsub.bf16 v19, v18;
	v8 =	vld.idx.msk [tilespmem:v10+s2+$0x0], $0xffff  }
0x1dc: {  	v17 =	vsub.bf16 v17, v62;
	v10 =	vld.idx.msk [tilespmem:v1+s2+$0x0], $0xffff;
	v56 =	vsub.bf16 v60, v56;
	v2 =	vmax.bf16 v5, v2  }
0x1dd: {  	v60 =	vsub.bf16 v53, v51;
	v53 =	vadd.s32 $0x5000, v1;
	v2 =	vmax.bf16 v2, v57;
	v47 =	vld.idx.msk [tilespmem:v61+s2+$0x0], $0xffff  }
0x1de: {  	v4 =	vmax.bf16 v4, v56;
	v2 =	vmax.bf16 v2, v46;
	v56 =	vld [tilespmem:s28+$0xC000];
	v46 =	vadd.s32 $0x7800, v55  }
0x1df: {  	v14 =	vsub.bf16 v15, v14;
	v59 =	vsub.bf16 v11, v59;
	v11 =	vld.idx.msk [tilespmem:v0+s2+$0x0], $0xffff;
	v0 =	vadd.s32 $0x7800, v0  }
0x1e0: {  	v51 =	vadd.s32 $0x5000, v9;
	v4 =	vmax.bf16 v4, v60;
	v2 =	vmax.bf16 v2, v39;
	v39 =	vld.idx.msk [tilespmem:v55+s2+$0x0], $0xffff  }
0x1e1: {  	v6 =	vmax.bf16 v6, v59;
	v59 =	vsub.bf16 v50, v49;
	v49 =	vsub.bf16 v45, v44;
	v44 =	vld.idx.msk [tilespmem:v9+s2+$0x0], $0xffff  }
0x1e2: {  	v50 =	vadd.s32 $0x2800, v1;
	v60 =	vld.idx.msk [tilespmem:v53+s2+$0x0], $0xffff;
	v58 =	vmax.bf16 v6, v52;
	v52 =	vsub.bf16 v43, v42  }
0x1e3: {  	v7 =	vsub.bf16 v54, v7;
	v9 =	vadd.s32 $0x7800, v9;
	v3 =	vmax.bf16 v3, v59;
	v54 =	vld.idx.msk [tilespmem:v46+s2+$0x0], $0xffff  }
0x1e4: {  	v57 =	vsub.bf16 v36, v35;
	v1 =	vadd.s32 $0x7800, v1;
	v0 =	vld.idx.msk [tilespmem:v0+s2+$0x0], $0xffff;
	v3 =	vmax.bf16 v3, v52  }
0x1e5: {  	v12 =	vsub.bf16 v16, v12;
	v4 =	vmax.bf16 v4, v41;
	v3 =	vmax.bf16 v3, v32;
	v32 =	vld.idx.msk [tilespmem:v51+s2+$0x0], $0xffff  }
0x1e6: {  	v4 =	vmax.bf16 v4, v57;
	v42 =	vsub.bf16 v27, v25;
	v36 =	vadd.s32 $0x2800, v56;
	v51 =	vld.idx.msk [tilespmem:v38+s2+$0x0], $0xffff  }
0x1e7: {  	v5 =	vmax.bf16 v58, v49;
	v59 =	vsub.bf16 v33, v31;
	v41 =	vadd.s32 $0x5000, v56;
	v58 =	vld.idx.msk [tilespmem:v50+s2+$0x0], $0xffff  }
0x1e8: {  	v48 =	vadd.s32 $0x7800, v56;
	v5 =	vmax.bf16 v5, v37;
	v37 =	vsub.bf16 v29, v23;
	v9 =	vld.idx.msk [tilespmem:v9+s2+$0x0], $0xffff  }
0x1e9: {  	v49 =	vsub.bf16 v21, v20;
	v52 =	vsub.bf16 v13, v11;
	v2 =	vmax.bf16 v2, v59;
	v1 =	vld.idx.msk [tilespmem:v1+s2+$0x0], $0xffff  }
0x1ea: {  	v5 =	vmax.bf16 v5, v28;
	v3 =	vmax.bf16 v3, v24;
	v4 =	vmax.bf16 v4, v37;
	v45 =	vld.idx.msk [tilespmem:v56+s2+$0x0], $0xffff  }
0x1eb: {  	v2 =	vmax.bf16 v2, v42;
	v5 =	vmax.bf16 v5, v22;
	v55 =	vsub.bf16 v44, v10;
	v50 =	vld.idx.msk [tilespmem:v36+s2+$0x0], $0xffff  }
0x1ec: {  	v3 =	vmax.bf16 v3, v18;
	v4 =	vmax.bf16 v4, v49;
	v2 =	vmax.bf16 v2, v17;
	v53 =	vld.idx.msk [tilespmem:v41+s2+$0x0], $0xffff  }
0x1ed: {  	v5 =	vmax.bf16 v5, v14;
	v3 =	vmax.bf16 v3, v52;
	v56 =	vld.idx.msk [tilespmem:v48+s2+$0x0], $0xffff;
	v4 =	vmax.bf16 v4, v12  }
0x1ee: {  	v2 =	vmax.bf16 v2, v7;
	v0 =	vsub.bf16 v8, v0;
	v59 =	vsub.bf16 v32, v60  }
0x1ef: {  	v3 =	vmax.bf16 v3, v55;
	v57 =	vsub.bf16 v34, v58;
	v58 =	vsub.bf16 v39, v45  }
0x1f0: {  	p0 =	sne.s32 s26, $0xFFFFFFC0;
	v0 =	vmax.bf16 v5, v0;
	v1 =	vsub.bf16 v9, v1;
	v60 =	vsub.bf16 v47, v50  }
.Ltmp0:
0x1f1: {  	v4 =	vmax.bf16 v4, v57;
	v3 =	vmax.bf16 v3, v58;
	v61 =	vsub.bf16 v51, v53;
	(pc) =	sbr.rel @p0 .LBB2_3-.Ltmp0, $4  }
0x1f2: {  	v2 =	vmax.bf16 v2, v59;
	v62 =	vsub.bf16 v54, v56;
	[tilespmem:s28+$0xE080] =	vst v3;
	v4 =	vmax.bf16 v4, v60  }
0x1f3: {  	v0 =	vmax.bf16 v0, v1;
	v63 =	vmax.bf16 v2, v61;
	[tilespmem:s28+$0xE100] =	vst v4  }
0x1f4: {  	v0 =	vmax.bf16 v0, v62;
	[tilespmem:s28+$0xE180] =	vst v63  }
0x1f5: {  	s26 =	sadd.s32 $0x40, s26;
	[tilespmem:s28+$0xE200] =	vst v0  }
0x1f6: {  	s28 =	sshll.u32 s24, $0x8  }
0x1f7: {  	s26 =	sand.u32 $0x1C00, s28  }
0x1f8: {  	s28 =	sand.u32 $0x300, s28;
	s26 =	sadd.s32 s26, s8  }
0x1f9: {  	s28 =	sor.u32 s28, s26  }
0x1fa: {  	s28 =	sshrl.u32 s28, $0x3  }
0x1fb: {  	p0 =	seq.s32 s24, $0x13;
	s28 =	sadd.s32 s4, s28  }
0x1fc: {  	[hbm4b:s28+s11] =	stream.strided.scatter [tilespmem:s18], [sflag:$0x3], $0x200, s17, s11, $0x38;
	[tilespmem:$0xE400] =	vst v63  }
0x1fd: {  	s28 =	sshll.u32 @!p0 s24, $0xE  }
0x1fe: {  	p1 =	seq.s32 @!p0 s24, $0x0;
	_ =	swait.ge [sflag:s19], $0x2000;
	s28 =	sadd.s32 @!p0 s28, s9  }
0x1ff: {  	s29 =	simm.s32 @!p0 $0x0;
	[sflag:s19] =	ssyncset.done $0x0;
	s28 =	sshrl.u32 @!p0 s28, $0x3  }
0x200: {  	s30 =	simm.s32 @!p0 $0xA000;
	[sflag:s19] =	ssyncadd.s32 $0xFFFFE000;
	s28 =	sadd.s32 @!p0 s3, s28  }
0x201: {  	[tilespmem:s30], [sflag:$0x1] =	stream.linear.gather @!p0 [hbm4b:s28+s29], $0x2000, $0x38;
	[tilespmem:$0xE400] =	vst v63  }
0x202: {  	p0 =	por p0, !p1  }
0x203: {  	_ =	swait.ge @p0 [sflag:s22], $0x200  }
0x204: {  	[sflag:s22] =	ssyncset.done @p0 $0x0  }
0x205: {  	s28 =	simm.s32 $0xFFFFFE00;
	[sflag:s22] =	ssyncadd.s32 @p0 $0xFFFFFE00  }
.LBB2_5:
0x206: {  	s29 =	sshra.s32 s28, $0x2  }
0x207: {  	v0 =	vld [tilespmem:s29+$0xC080]  }
0x208: {  	v1 =	vld [tilespmem:s29+$0xD080]  }
0x209: {  	v6 =	vld [tilespmem:s29+$0xC100]  }
0x20a: {  	v7 =	vld [tilespmem:s29+$0xD100]  }
0x20b: {  	v41 =	vld [tilespmem:s29+$0xC180]  }
0x20c: {  	v43 =	vld [tilespmem:s29+$0xD180]  }
0x20d: {  	v49 =	vld [tilespmem:s29+$0xC200]  }
0x20e: {  	v50 =	vld [tilespmem:s29+$0xD200]  }
0x20f: {  	v56 =	vld [tilespmem:s29+$0xC280]  }
0x210: {  	v57 =	vld [tilespmem:s29+$0xD280]  }
0x211: {  	v63 =	vld [tilespmem:s29+$0xC300]  }
0x212: {  	v8 =	vld.idx.msk [tilespmem:v0+s2+$0x0], $0xffff  }
0x213: {  	v9 =	vld.idx.msk [tilespmem:v1+s2+$0x0], $0xffff  }
0x214: {  	v16 =	vld.idx.msk [tilespmem:v6+s2+$0x0], $0xffff  }
0x215: {  	v22 =	vld.idx.msk [tilespmem:v7+s2+$0x0], $0xffff  }
0x216: {  	v19 =	vld.idx.msk [tilespmem:v41+s2+$0x0], $0xffff  }
0x217: {  	v25 =	vld.idx.msk [tilespmem:v43+s2+$0x0], $0xffff  }
0x218: {  	v30 =	vld.idx.msk [tilespmem:v49+s2+$0x0], $0xffff  }
0x219: {  	v2 =	vadd.s32 $0x2800, v0;
	v36 =	vld.idx.msk [tilespmem:v50+s2+$0x0], $0xffff  }
0x21a: {  	v3 =	vadd.s32 $0x2800, v1;
	v4 =	vadd.s32 $0x5000, v0;
	v34 =	vld.idx.msk [tilespmem:v56+s2+$0x0], $0xffff  }
0x21b: {  	v38 =	vadd.s32 $0x2800, v7;
	v40 =	vadd.s32 $0x5000, v7;
	v44 =	vadd.s32 $0x7800, v7;
	v7 =	vld [tilespmem:s29+$0xD300]  }
0x21c: {  	v5 =	vadd.s32 $0x5000, v1;
	v35 =	vld.idx.msk [tilespmem:v63+s2+$0x0], $0xffff  }
0x21d: {  	v37 =	vadd.s32 $0x2800, v6;
	v39 =	vadd.s32 $0x5000, v6;
	v42 =	vadd.s32 $0x7800, v6;
	v6 =	vld [tilespmem:s29+$0xD380]  }
0x21e: {  	v11 =	vld.idx.msk [tilespmem:v2+s2+$0x0], $0xffff  }
0x21f: {  	v15 =	vld.idx.msk [tilespmem:v3+s2+$0x0], $0xffff  }
0x220: {  	v10 =	vld.idx.msk [tilespmem:v4+s2+$0x0], $0xffff  }
0x221: {  	v12 =	vld.idx.msk [tilespmem:v5+s2+$0x0], $0xffff  }
0x222: {  	v45 =	vadd.s32 $0x2800, v41;
	v17 =	vld.idx.msk [tilespmem:v37+s2+$0x0], $0xffff  }
0x223: {  	v46 =	vadd.s32 $0x2800, v43;
	v23 =	vld.idx.msk [tilespmem:v38+s2+$0x0], $0xffff  }
0x224: {  	v47 =	vadd.s32 $0x5000, v41;
	v20 =	vld.idx.msk [tilespmem:v40+s2+$0x0], $0xffff  }
0x225: {  	v48 =	vadd.s32 $0x5000, v43;
	v21 =	vld.idx.msk [tilespmem:v42+s2+$0x0], $0xffff  }
0x226: {  	v51 =	vadd.s32 $0x7800, v43;
	v24 =	vld.idx.msk [tilespmem:v44+s2+$0x0], $0xffff  }
0x227: {  	v52 =	vadd.s32 $0x2800, v49;
	v26 =	vld.idx.msk [tilespmem:v45+s2+$0x0], $0xffff  }
0x228: {  	v53 =	vadd.s32 $0x2800, v50;
	v31 =	vld.idx.msk [tilespmem:v46+s2+$0x0], $0xffff  }
0x229: {  	v54 =	vadd.s32 $0x5000, v49;
	v27 =	vld.idx.msk [tilespmem:v47+s2+$0x0], $0xffff  }
0x22a: {  	v55 =	vadd.s32 $0x5000, v50;
	v28 =	vld.idx.msk [tilespmem:v48+s2+$0x0], $0xffff  }
0x22b: {  	v58 =	vadd.s32 $0x7800, v50;
	v32 =	vld.idx.msk [tilespmem:v51+s2+$0x0], $0xffff  }
0x22c: {  	v43 =	vld.idx.msk [tilespmem:v52+s2+$0x0], $0xffff  }
0x22d: {  	v59 =	vadd.s32 $0x2800, v56;
	v48 =	vld.idx.msk [tilespmem:v53+s2+$0x0], $0xffff  }
0x22e: {  	v60 =	vadd.s32 $0x2800, v57;
	v42 =	vld.idx.msk [tilespmem:v54+s2+$0x0], $0xffff  }
0x22f: {  	v61 =	vadd.s32 $0x5000, v56;
	v44 =	vld.idx.msk [tilespmem:v55+s2+$0x0], $0xffff  }
0x230: {  	v62 =	vadd.s32 $0x5000, v57;
	v37 =	vld.idx.msk [tilespmem:v58+s2+$0x0], $0xffff  }
0x231: {  	v38 =	vld.idx.msk [tilespmem:v57+s2+$0x0], $0xffff  }
0x232: {  	v0 =	vadd.s32 $0x7800, v0;
	v45 =	vld.idx.msk [tilespmem:v59+s2+$0x0], $0xffff  }
0x233: {  	v4 =	vadd.s32 $0x7800, v41;
	v54 =	vld.idx.msk [tilespmem:v60+s2+$0x0], $0xffff  }
0x234: {  	v1 =	vadd.s32 $0x7800, v1;
	v46 =	vld.idx.msk [tilespmem:v61+s2+$0x0], $0xffff  }
0x235: {  	v5 =	vadd.s32 $0x7800, v49;
	v41 =	vadd.s32 $0x7800, v57;
	v49 =	vld.idx.msk [tilespmem:v62+s2+$0x0], $0xffff  }
0x236: {  	v51 =	vadd.s32 $0x2800, v63;
	v2 =	vld [tilespmem:s29+$0xC400]  }
0x237: {  	v61 =	vadd.s32 $0x5000, v63;
	v13 =	vld.idx.msk [tilespmem:v0+s2+$0x0], $0xffff  }
0x238: {  	v29 =	vld.idx.msk [tilespmem:v4+s2+$0x0], $0xffff;
	v4 =	vadd.s32 $0x7800, v56  }
0x239: {  	v14 =	vld.idx.msk [tilespmem:v1+s2+$0x0], $0xffff  }
0x23a: {  	v60 =	vadd.s32 $0x2800, v7;
	v56 =	vld.idx.msk [tilespmem:v41+s2+$0x0], $0xffff  }
0x23b: {  	v63 =	vadd.s32 $0x7800, v63;
	v40 =	vld.idx.msk [tilespmem:v51+s2+$0x0], $0xffff  }
0x23c: {  	v41 =	vadd.s32 $0x7800, v7;
	v47 =	vld.idx.msk [tilespmem:v61+s2+$0x0], $0xffff  }
0x23d: {  	v62 =	vadd.s32 $0x5000, v7;
	v55 =	vld.idx.msk [tilespmem:v4+s2+$0x0], $0xffff  }
0x23e: {  	v4 =	vld [tilespmem:s29+$0xC380]  }
0x23f: {  	v57 =	vld.idx.msk [tilespmem:v60+s2+$0x0], $0xffff;
	v60 =	vadd.s32 $0x2800, v6  }
0x240: {  	v51 =	vld.idx.msk [tilespmem:v63+s2+$0x0], $0xffff;
	v63 =	vadd.s32 $0x5000, v6  }
0x241: {  	v59 =	vld.idx.msk [tilespmem:v41+s2+$0x0], $0xffff  }
0x242: {  	v50 =	vld.idx.msk [tilespmem:v62+s2+$0x0], $0xffff  }
0x243: {  	v62 =	vld.idx.msk [tilespmem:v6+s2+$0x0], $0xffff;
	v58 =	vadd.s32 $0x2800, v4  }
0x244: {  	v1 =	vld.idx.msk [tilespmem:v60+s2+$0x0], $0xffff;
	v61 =	vadd.s32 $0x5000, v4  }
0x245: {  	v60 =	vld.idx.msk [tilespmem:v63+s2+$0x0], $0xffff;
	v41 =	vadd.s32 $0x7800, v4  }
0x246: {  	[tilespmem:$0x1EFA0] =	vst v59;
	v59 =	vadd.s32 $0x2800, v2;
	v52 =	vld.idx.msk [tilespmem:v4+s2+$0x0], $0xffff  }
0x247: {  	v4 =	vld [tilespmem:s29+$0xD400]  }
0x248: {  	v53 =	vld.idx.msk [tilespmem:v58+s2+$0x0], $0xffff  }
0x249: {  	v58 =	vadd.s32 $0x7800, v6;
	v3 =	vld.idx.msk [tilespmem:v61+s2+$0x0], $0xffff  }
0x24a: {  	v0 =	vld.idx.msk [tilespmem:v41+s2+$0x0], $0xffff  }
0x24b: {  	v41 =	vld.idx.msk [tilespmem:v59+s2+$0x0], $0xffff  }
0x24c: {  	v6 =	vld [tilespmem:s29+$0xD480]  }
0x24d: {  	[tilespmem:$0x1EFB0] =	vst v62;
	v59 =	vld.idx.msk [tilespmem:v2+s2+$0x0], $0xffff  }
0x24e: {  	[tilespmem:$0x1EFC0] =	vst v1;
	v61 =	vld.idx.msk [tilespmem:v58+s2+$0x0], $0xffff  }
0x24f: {  	[tilespmem:$0x1EFE0] =	vst v60;
	v60 =	vld.idx.msk [tilespmem:v4+s2+$0x0], $0xffff  }
0x250: {  	v62 =	vadd.s32 $0x2800, v4;
	[tilespmem:$0x1EFD0] =	vst v3;
	v3 =	vld [tilespmem:s29+$0xC480]  }
0x251: {  	v63 =	vadd.s32 $0x5000, v2;
	v2 =	vadd.s32 $0x7800, v2;
	[tilespmem:$0x1EFF0] =	vst v0  }
0x252: {  	v18 =	vld.idx.msk [tilespmem:v39+s2+$0x0], $0xffff;
	[tilespmem:$0x1F010] =	vst v59  }
0x253: {  	v33 =	vld.idx.msk [tilespmem:v5+s2+$0x0], $0xffff;
	v58 =	vadd.s32 $0x5000, v4;
	[tilespmem:$0x1F000] =	vst v61  }
0x254: {  	v39 =	vld.idx.msk [tilespmem:v7+s2+$0x0], $0xffff;
	v5 =	vadd.s32 $0x2800, v6;
	[tilespmem:$0x1F020] =	vst v60  }
0x255: {  	v0 =	vld.idx.msk [tilespmem:v62+s2+$0x0], $0xffff;
	v62 =	vadd.s32 $0x2800, v3  }
0x256: {  	v2 =	vld.idx.msk [tilespmem:v2+s2+$0x0], $0xffff  }
0x257: {  	v61 =	vld.idx.msk [tilespmem:v63+s2+$0x0], $0xffff  }
0x258: {  	v63 =	vld.idx.msk [tilespmem:v58+s2+$0x0], $0xffff  }
0x259: {  	v1 =	vld.idx.msk [tilespmem:v5+s2+$0x0], $0xffff  }
0x25a: {  	v58 =	vadd.s32 $0x5000, v3;
	[tilespmem:$0x1F030] =	vst v0;
	v0 =	vld.idx.msk [tilespmem:v62+s2+$0x0], $0xffff  }
0x25b: {  	v59 =	vadd.s32 $0x5000, v6;
	[tilespmem:$0x1F060] =	vst v2;
	v2 =	vld [tilespmem:s29+$0xC500]  }
0x25c: {  	v60 =	vld.idx.msk [tilespmem:v3+s2+$0x0], $0xffff;
	v3 =	vadd.s32 $0x7800, v3  }
0x25d: {  	v5 =	vld [tilespmem:s29+$0xD500];
	v62 =	vadd.s32 $0x7800, v6  }
0x25e: {  	[tilespmem:$0x1F040] =	vst v61;
	v61 =	vld.idx.msk [tilespmem:v6+s2+$0x0], $0xffff  }
0x25f: {  	v4 =	vadd.s32 $0x7800, v4;
	[tilespmem:$0x1F0A0] =	vst v0;
	v0 =	vld.idx.msk [tilespmem:v58+s2+$0x0], $0xffff  }
0x260: {  	[tilespmem:$0x1F050] =	vst v63;
	v63 =	vadd.s32 $0x2800, v2;
	v58 =	vld.idx.msk [tilespmem:v59+s2+$0x0], $0xffff  }
0x261: {  	v59 =	vld.idx.msk [tilespmem:v3+s2+$0x0], $0xffff  }
0x262: {  	[tilespmem:$0x1F080] =	vst v60;
	v60 =	vld.idx.msk [tilespmem:v62+s2+$0x0], $0xffff  }
0x263: {  	v62 =	vadd.s32 $0x2800, v5;
	v3 =	vld [tilespmem:s29+$0xC580]  }
0x264: {  	v7 =	vld.idx.msk [tilespmem:v4+s2+$0x0], $0xffff  }
0x265: {  	[tilespmem:$0x1F090] =	vst v61;
	v61 =	vld.idx.msk [tilespmem:v63+s2+$0x0], $0xffff;
	v63 =	vadd.s32 $0x5000, v2  }
0x266: {  	v6 =	vld [tilespmem:s29+$0xD580];
	[tilespmem:$0x1F0D0] =	vst v58;
	v58 =	vadd.s32 $0x5000, v5  }
0x267: {  	[tilespmem:$0x1F0E0] =	vst v59;
	v59 =	vld.idx.msk [tilespmem:v2+s2+$0x0], $0xffff;
	v2 =	vadd.s32 $0x7800, v2  }
0x268: {  	[tilespmem:$0x1F0C0] =	vst v0;
	v0 =	vld.idx.msk [tilespmem:v62+s2+$0x0], $0xffff;
	v62 =	vadd.s32 $0x2800, v3  }
0x269: {  	[tilespmem:$0x1F0F0] =	vst v60;
	v60 =	vld.idx.msk [tilespmem:v5+s2+$0x0], $0xffff;
	v5 =	vadd.s32 $0x7800, v5  }
0x26a: {  	[tilespmem:$0x1F120] =	vst v61;
	v61 =	vld.idx.msk [tilespmem:v63+s2+$0x0], $0xffff  }
0x26b: {  	v63 =	vld.idx.msk [tilespmem:v58+s2+$0x0], $0xffff  }
0x26c: {  	[tilespmem:$0x1F070] =	vst v7;
	v2 =	vld.idx.msk [tilespmem:v2+s2+$0x0], $0xffff  }
0x26d: {  	[tilespmem:$0x1F130] =	vst v0;
	v0 =	vld.idx.msk [tilespmem:v62+s2+$0x0], $0xffff;
	v58 =	vadd.s32 $0x5000, v3  }
0x26e: {  	[tilespmem:$0x1F100] =	vst v59;
	v7 =	vld.idx.msk [tilespmem:v5+s2+$0x0], $0xffff;
	v59 =	vadd.s32 $0x5000, v6  }
0x26f: {  	[tilespmem:$0x1F110] =	vst v60;
	v60 =	vld.idx.msk [tilespmem:v3+s2+$0x0], $0xffff;
	v3 =	vadd.s32 $0x7800, v3  }
0x270: {  	v62 =	vadd.s32 $0x7800, v6;
	v5 =	vld [tilespmem:s29+$0xD600]  }
0x271: {  	[tilespmem:$0x1F160] =	vst v2;
	v2 =	vld [tilespmem:s29+$0xC600]  }
0x272: {  	[tilespmem:$0x1F1A0] =	vst v0;
	v0 =	vld.idx.msk [tilespmem:v58+s2+$0x0], $0xffff  }
0x273: {  	v58 =	vld.idx.msk [tilespmem:v59+s2+$0x0], $0xffff  }
0x274: {  	v59 =	vld.idx.msk [tilespmem:v3+s2+$0x0], $0xffff  }
0x275: {  	[tilespmem:$0x1F180] =	vst v60;
	v60 =	vld.idx.msk [tilespmem:v62+s2+$0x0], $0xffff  }
0x276: {  	v62 =	vadd.s32 $0x2800, v5;
	v3 =	vld [tilespmem:s29+$0xC680]  }
0x277: {  	[tilespmem:$0x1F140] =	vst v61  }
0x278: {  	[tilespmem:$0x1F150] =	vst v63;
	v61 =	vld.idx.msk [tilespmem:v6+s2+$0x0], $0xffff;
	v63 =	vadd.s32 $0x2800, v2;
	_ =	sdelay $0x1  }
0x279: {  	v4 =	vadd.s32 $0x2800, v6;
	v6 =	vld [tilespmem:s29+$0xD680]  }
0x27a: {  	[tilespmem:$0x1F1C0] =	vst v0;
	v0 =	vld.idx.msk [tilespmem:v62+s2+$0x0], $0xffff;
	v62 =	vadd.s32 $0x2800, v3  }
0x27b: {  	[tilespmem:$0x1F1F0] =	vst v60;
	v60 =	vld.idx.msk [tilespmem:v5+s2+$0x0], $0xffff  }
0x27c: {  	[tilespmem:$0x1F190] =	vst v61;
	v61 =	vld.idx.msk [tilespmem:v63+s2+$0x0], $0xffff;
	v63 =	vadd.s32 $0x5000, v2  }
0x27d: {  	[tilespmem:$0x1F1E0] =	vst v59;
	v59 =	vld.idx.msk [tilespmem:v2+s2+$0x0], $0xffff;
	v2 =	vadd.s32 $0x7800, v2  }
0x27e: {  	[tilespmem:$0x1F1D0] =	vst v58;
	v58 =	vadd.s32 $0x5000, v5  }
0x27f: {  	v5 =	vadd.s32 $0x7800, v5;
	[tilespmem:$0x1F230] =	vst v0;
	v0 =	vld.idx.msk [tilespmem:v62+s2+$0x0], $0xffff  }
0x280: {  	[tilespmem:$0x1F210] =	vst v60;
	v60 =	vld.idx.msk [tilespmem:v3+s2+$0x0], $0xffff  }
0x281: {  	v62 =	vadd.s32 $0x7800, v6;
	[tilespmem:$0x1F220] =	vst v61;
	v61 =	vld.idx.msk [tilespmem:v63+s2+$0x0], $0xffff  }
0x282: {  	v2 =	vld.idx.msk [tilespmem:v2+s2+$0x0], $0xffff  }
0x283: {  	[tilespmem:$0x1F170] =	vst v7;
	v63 =	vld.idx.msk [tilespmem:v58+s2+$0x0], $0xffff;
	v58 =	vadd.s32 $0x5000, v3  }
0x284: {  	v7 =	vld.idx.msk [tilespmem:v5+s2+$0x0], $0xffff;
	[tilespmem:$0x1F200] =	vst v59;
	v59 =	vadd.s32 $0x5000, v6  }
0x285: {  	v5 =	vld [tilespmem:s29+$0xD700];
	v3 =	vadd.s32 $0x7800, v3  }
0x286: {  	[tilespmem:$0x1F280] =	vst v60;
	v60 =	vld.idx.msk [tilespmem:v62+s2+$0x0], $0xffff  }
0x287: {  	[tilespmem:$0x1F260] =	vst v2;
	v2 =	vld [tilespmem:s29+$0xC700]  }
0x288: {  	[tilespmem:$0x1F2A0] =	vst v0;
	v0 =	vld.idx.msk [tilespmem:v58+s2+$0x0], $0xffff  }
0x289: {  	v58 =	vld.idx.msk [tilespmem:v59+s2+$0x0], $0xffff  }
0x28a: {  	v59 =	vld.idx.msk [tilespmem:v3+s2+$0x0], $0xffff  }
0x28b: {  	v62 =	vadd.s32 $0x2800, v5;
	[tilespmem:$0x1F240] =	vst v61;
	v3 =	vld [tilespmem:s29+$0xC780]  }
0x28c: {  	[tilespmem:$0x1F250] =	vst v63;
	v61 =	vld.idx.msk [tilespmem:v6+s2+$0x0], $0xffff;
	v63 =	vadd.s32 $0x2800, v2  }
0x28d: {  	[tilespmem:$0x1F0B0] =	vst v1;
	v1 =	vld.idx.msk [tilespmem:v4+s2+$0x0], $0xffff  }
0x28e: {  	v4 =	vadd.s32 $0x2800, v6;
	v6 =	vld [tilespmem:s29+$0xD780]  }
0x28f: {  	[tilespmem:$0x1F2F0] =	vst v60;
	v60 =	vld.idx.msk [tilespmem:v5+s2+$0x0], $0xffff  }
0x290: {  	[tilespmem:$0x1F2C0] =	vst v0;
	v0 =	vld.idx.msk [tilespmem:v62+s2+$0x0], $0xffff;
	v62 =	vadd.s32 $0x2800, v3  }
0x291: {  	[tilespmem:$0x1F290] =	vst v61;
	v61 =	vld.idx.msk [tilespmem:v63+s2+$0x0], $0xffff;
	v63 =	vadd.s32 $0x5000, v2  }
0x292: {  	[tilespmem:$0x1F2E0] =	vst v59;
	v59 =	vld.idx.msk [tilespmem:v2+s2+$0x0], $0xffff;
	v2 =	vadd.s32 $0x7800, v2  }
0x293: {  	[tilespmem:$0x1F2D0] =	vst v58;
	v58 =	vadd.s32 $0x5000, v5  }
0x294: {  	[tilespmem:$0x1F310] =	vst v60;
	v5 =	vadd.s32 $0x7800, v5;
	v60 =	vld.idx.msk [tilespmem:v3+s2+$0x0], $0xffff  }
0x295: {  	[tilespmem:$0x1F330] =	vst v0;
	v0 =	vld.idx.msk [tilespmem:v62+s2+$0x0], $0xffff  }
0x296: {  	v62 =	vadd.s32 $0x7800, v6;
	[tilespmem:$0x1F320] =	vst v61;
	v61 =	vld.idx.msk [tilespmem:v63+s2+$0x0], $0xffff  }
0x297: {  	v2 =	vld.idx.msk [tilespmem:v2+s2+$0x0], $0xffff  }
0x298: {  	[tilespmem:$0x1F270] =	vst v7;
	v63 =	vld.idx.msk [tilespmem:v58+s2+$0x0], $0xffff;
	v58 =	vadd.s32 $0x5000, v3  }
0x299: {  	v7 =	vld.idx.msk [tilespmem:v5+s2+$0x0], $0xffff;
	[tilespmem:$0x1F300] =	vst v59;
	v59 =	vadd.s32 $0x5000, v6  }
0x29a: {  	v5 =	vld [tilespmem:s29+$0xD800];
	v3 =	vadd.s32 $0x7800, v3  }
0x29b: {  	[tilespmem:$0x1F380] =	vst v60;
	v60 =	vld.idx.msk [tilespmem:v62+s2+$0x0], $0xffff  }
0x29c: {  	[tilespmem:$0x1F360] =	vst v2;
	v2 =	vld [tilespmem:s29+$0xC800]  }
0x29d: {  	[tilespmem:$0x1F3A0] =	vst v0;
	v0 =	vld.idx.msk [tilespmem:v58+s2+$0x0], $0xffff  }
0x29e: {  	v58 =	vld.idx.msk [tilespmem:v59+s2+$0x0], $0xffff  }
0x29f: {  	v59 =	vld.idx.msk [tilespmem:v3+s2+$0x0], $0xffff  }
0x2a0: {  	v62 =	vadd.s32 $0x2800, v5;
	[tilespmem:$0x1F340] =	vst v61;
	v3 =	vld [tilespmem:s29+$0xC880]  }
0x2a1: {  	[tilespmem:$0x1F350] =	vst v63;
	v61 =	vld.idx.msk [tilespmem:v6+s2+$0x0], $0xffff;
	v63 =	vadd.s32 $0x2800, v2  }
0x2a2: {  	[tilespmem:$0x1F1B0] =	vst v1;
	v1 =	vld.idx.msk [tilespmem:v4+s2+$0x0], $0xffff  }
0x2a3: {  	v4 =	vadd.s32 $0x2800, v6;
	v6 =	vld [tilespmem:s29+$0xD880]  }
0x2a4: {  	[tilespmem:$0x1F3F0] =	vst v60;
	v60 =	vld.idx.msk [tilespmem:v5+s2+$0x0], $0xffff  }
0x2a5: {  	[tilespmem:$0x1F3C0] =	vst v0;
	v0 =	vld.idx.msk [tilespmem:v62+s2+$0x0], $0xffff;
	v62 =	vadd.s32 $0x2800, v3  }
0x2a6: {  	[tilespmem:$0x1F390] =	vst v61;
	v61 =	vld.idx.msk [tilespmem:v63+s2+$0x0], $0xffff;
	v63 =	vadd.s32 $0x5000, v2  }
0x2a7: {  	[tilespmem:$0x1F3E0] =	vst v59;
	v59 =	vld.idx.msk [tilespmem:v2+s2+$0x0], $0xffff;
	v2 =	vadd.s32 $0x7800, v2  }
0x2a8: {  	[tilespmem:$0x1F3D0] =	vst v58;
	v58 =	vadd.s32 $0x5000, v5  }
0x2a9: {  	[tilespmem:$0x1F410] =	vst v60;
	v5 =	vadd.s32 $0x7800, v5;
	v60 =	vld.idx.msk [tilespmem:v3+s2+$0x0], $0xffff  }
0x2aa: {  	[tilespmem:$0x1F430] =	vst v0;
	v0 =	vld.idx.msk [tilespmem:v62+s2+$0x0], $0xffff  }
0x2ab: {  	v62 =	vadd.s32 $0x7800, v6;
	[tilespmem:$0x1F420] =	vst v61;
	v61 =	vld.idx.msk [tilespmem:v63+s2+$0x0], $0xffff  }
0x2ac: {  	v2 =	vld.idx.msk [tilespmem:v2+s2+$0x0], $0xffff  }
0x2ad: {  	[tilespmem:$0x1F370] =	vst v7;
	v63 =	vld.idx.msk [tilespmem:v58+s2+$0x0], $0xffff;
	v58 =	vadd.s32 $0x5000, v3  }
0x2ae: {  	v7 =	vld.idx.msk [tilespmem:v5+s2+$0x0], $0xffff;
	[tilespmem:$0x1F400] =	vst v59;
	v59 =	vadd.s32 $0x5000, v6  }
0x2af: {  	v5 =	vld [tilespmem:s29+$0xD900];
	v3 =	vadd.s32 $0x7800, v3  }
0x2b0: {  	[tilespmem:$0x1F480] =	vst v60;
	v60 =	vld.idx.msk [tilespmem:v62+s2+$0x0], $0xffff  }
0x2b1: {  	[tilespmem:$0x1F460] =	vst v2;
	v2 =	vld [tilespmem:s29+$0xC900]  }
0x2b2: {  	[tilespmem:$0x1F4A0] =	vst v0;
	v0 =	vld.idx.msk [tilespmem:v58+s2+$0x0], $0xffff  }
0x2b3: {  	v58 =	vld.idx.msk [tilespmem:v59+s2+$0x0], $0xffff  }
0x2b4: {  	v62 =	vadd.s32 $0x2800, v5;
	v59 =	vld.idx.msk [tilespmem:v3+s2+$0x0], $0xffff  }
0x2b5: {  	[tilespmem:$0x1F440] =	vst v61;
	v3 =	vld [tilespmem:s29+$0xC980]  }
0x2b6: {  	[tilespmem:$0x1F450] =	vst v63;
	v61 =	vld.idx.msk [tilespmem:v6+s2+$0x0], $0xffff;
	v63 =	vadd.s32 $0x2800, v2;
	_ =	sdelay $0x2  }
0x2b7: {  	[tilespmem:$0x1F4C0] =	vst v0;
	v0 =	vld.idx.msk [tilespmem:v62+s2+$0x0], $0xffff  }
0x2b8: {  	[tilespmem:$0x1F4E0] =	vst v59;
	v62 =	vadd.s32 $0x2800, v3;
	v59 =	vld.idx.msk [tilespmem:v2+s2+$0x0], $0xffff  }
0x2b9: {  	[tilespmem:$0x1F490] =	vst v61;
	v61 =	vld.idx.msk [tilespmem:v63+s2+$0x0], $0xffff;
	v63 =	vadd.s32 $0x5000, v2;
	v2 =	vadd.s32 $0x7800, v2  }
0x2ba: {  	[tilespmem:$0x1F2B0] =	vst v1;
	v1 =	vld.idx.msk [tilespmem:v4+s2+$0x0], $0xffff  }
0x2bb: {  	v4 =	vadd.s32 $0x2800, v6;
	v6 =	vld [tilespmem:s29+$0xD980];
	[tilespmem:$0x1F4D0] =	vst v58;
	v58 =	vadd.s32 $0x5000, v5  }
0x2bc: {  	[tilespmem:$0x1F4F0] =	vst v60;
	v60 =	vld.idx.msk [tilespmem:v5+s2+$0x0], $0xffff  }
0x2bd: {  	v5 =	vadd.s32 $0x7800, v5;
	[tilespmem:$0x1F530] =	vst v0;
	v0 =	vld.idx.msk [tilespmem:v62+s2+$0x0], $0xffff  }
0x2be: {  	v2 =	vld.idx.msk [tilespmem:v2+s2+$0x0], $0xffff  }
0x2bf: {  	[tilespmem:$0x1F520] =	vst v61;
	v61 =	vld.idx.msk [tilespmem:v63+s2+$0x0], $0xffff  }
0x2c0: {  	[tilespmem:$0x1F3B0] =	vst v1;
	v63 =	vld.idx.msk [tilespmem:v58+s2+$0x0], $0xffff  }
0x2c1: {  	v1 =	vld.idx.msk [tilespmem:v4+s2+$0x0], $0xffff;
	[tilespmem:$0x1F470] =	vst v7;
	v58 =	vadd.s32 $0x5000, v6  }
0x2c2: {  	v7 =	vld.idx.msk [tilespmem:v5+s2+$0x0], $0xffff;
	[tilespmem:$0x1F500] =	vst v59;
	v59 =	vadd.s32 $0x7800, v6  }
0x2c3: {  	[tilespmem:$0x1F560] =	vst v2;
	v2 =	vld [tilespmem:s29+$0xCA00]  }
0x2c4: {  	v62 =	vld.idx.msk [tilespmem:v6+s2+$0x0], $0xffff;
	[tilespmem:$0x1F580] =	vst v0  }
0x2c5: {  	v0 =	vadd.s32 $0x5000, v3;
	[tilespmem:$0x1F550] =	vst v63;
	v63 =	vld.idx.msk [tilespmem:v3+s2+$0x0], $0xffff  }
0x2c6: {  	[tilespmem:$0x1F540] =	vst v61;
	v3 =	vadd.s32 $0x7800, v3;
	v61 =	vld.idx.msk [tilespmem:v58+s2+$0x0], $0xffff  }
0x2c7: {  	v58 =	vld.idx.msk [tilespmem:v59+s2+$0x0], $0xffff  }
0x2c8: {  	[tilespmem:$0x1F510] =	vst v60;
	v5 =	vld [tilespmem:s29+$0xDA00];
	v60 =	vadd.s32 $0x2800, v2  }
0x2c9: {  	v4 =	vadd.s32 $0x2800, v6;
	v6 =	vld [tilespmem:s29+$0xDA80]  }
0x2ca: {  	v0 =	vld.idx.msk [tilespmem:v0+s2+$0x0], $0xffff  }
0x2cb: {  	[tilespmem:$0x1F570] =	vst v7;
	v7 =	vld.idx.msk [tilespmem:v3+s2+$0x0], $0xffff  }
0x2cc: {  	[tilespmem:$0x1F5D0] =	vst v58;
	v58 =	vld.idx.msk [tilespmem:v2+s2+$0x0], $0xffff  }
0x2cd: {  	v59 =	vld.idx.msk [tilespmem:v60+s2+$0x0], $0xffff;
	v60 =	vadd.s32 $0x2800, v5  }
0x2ce: {  	[tilespmem:$0x1F5B0] =	vst v61;
	v61 =	vadd.s32 $0x5000, v2;
	v3 =	vld [tilespmem:s29+$0xCA80]  }
0x2cf: {  	v2 =	vadd.s32 $0x7800, v2  }
0x2d0: {  	[tilespmem:$0x1F4B0] =	vst v1  }
0x2d1: {  	v1 =	vld.idx.msk [tilespmem:v4+s2+$0x0], $0xffff;
	[tilespmem:$0x1F5A0] =	vst v0  }
0x2d2: {  	[tilespmem:$0x1F5E0] =	vst v58;
	v58 =	vadd.s32 $0x2800, v6;
	v0 =	vld.idx.msk [tilespmem:v60+s2+$0x0], $0xffff  }
0x2d3: {  	v60 =	vld.idx.msk [tilespmem:v61+s2+$0x0], $0xffff;
	v61 =	vadd.s32 $0x2800, v3  }
0x2d4: {  	v2 =	vld.idx.msk [tilespmem:v2+s2+$0x0], $0xffff  }
0x2d5: {  	v4 =	vadd.s32 $0x5000, v5;
	[tilespmem:$0x1F600] =	vst v59;
	v59 =	vld.idx.msk [tilespmem:v5+s2+$0x0], $0xffff;
	v5 =	vadd.s32 $0x7800, v5  }
0x2d6: {  	[tilespmem:$0x1F590] =	vst v1  }
0x2d7: {  	[tilespmem:$0x1F5C0] =	vst v7;
	v1 =	vld.idx.msk [tilespmem:v58+s2+$0x0], $0xffff  }
0x2d8: {  	[tilespmem:$0x1F610] =	vst v0;
	v0 =	vld.idx.msk [tilespmem:v61+s2+$0x0], $0xffff  }
0x2d9: {  	[tilespmem:$0x1F640] =	vst v2;
	v2 =	vld [tilespmem:s29+$0xCB00]  }
0x2da: {  	[tilespmem:$0x1F5F0] =	vst v59;
	v59 =	vld.idx.msk [tilespmem:v5+s2+$0x0], $0xffff  }
0x2db: {  	v58 =	vadd.s32 $0x7800, v6;
	[tilespmem:$0x1F620] =	vst v60  }
0x2dc: {  	v60 =	vld.idx.msk [tilespmem:v3+s2+$0x0], $0xffff;
	[tilespmem:$0x1F690] =	vst v1;
	v1 =	vadd.s32 $0x5000, v6  }
0x2dd: {  	v7 =	vld.idx.msk [tilespmem:v4+s2+$0x0], $0xffff;
	[tilespmem:$0x1F680] =	vst v0;
	v0 =	vadd.s32 $0x5000, v3  }
0x2de: {  	v61 =	vld.idx.msk [tilespmem:v6+s2+$0x0], $0xffff;
	v3 =	vadd.s32 $0x7800, v3  }
0x2df: {  	v5 =	vld [tilespmem:s29+$0xDB00];
	[tilespmem:$0x1F650] =	vst v59;
	v59 =	vadd.s32 $0x2800, v2  }
0x2e0: {  	v4 =	vld.idx.msk [tilespmem:v58+s2+$0x0], $0xffff  }
0x2e1: {  	[tilespmem:$0x1F660] =	vst v60;
	v60 =	vld.idx.msk [tilespmem:v1+s2+$0x0], $0xffff  }
0x2e2: {  	v0 =	vld.idx.msk [tilespmem:v0+s2+$0x0], $0xffff  }
0x2e3: {  	[tilespmem:$0x1F670] =	vst v61;
	v61 =	vld.idx.msk [tilespmem:v3+s2+$0x0], $0xffff  }
0x2e4: {  	[tilespmem:$0x1F630] =	vst v7;
	v58 =	vadd.s32 $0x5000, v2;
	v7 =	vld.idx.msk [tilespmem:v59+s2+$0x0], $0xffff  }
0x2e5: {  	v6 =	vld [tilespmem:s29+$0xDB80];
	v59 =	vadd.s32 $0x5000, v5  }
0x2e6: {  	v3 =	vld [tilespmem:s29+$0xCB80];
	[tilespmem:$0x1F6B0] =	vst v60  }
0x2e7: {  	v60 =	vld.idx.msk [tilespmem:v2+s2+$0x0], $0xffff;
	v2 =	vadd.s32 $0x7800, v2;
	[tilespmem:$0x1F6A0] =	vst v0  }
0x2e8: {  	[tilespmem:$0x1F6C0] =	vst v61;
	v0 =	vadd.s32 $0x2800, v5;
	v61 =	vld.idx.msk [tilespmem:v5+s2+$0x0], $0xffff  }
0x2e9: {  	[tilespmem:$0x1F700] =	vst v7;
	v5 =	vadd.s32 $0x7800, v5;
	v7 =	vld.idx.msk [tilespmem:v58+s2+$0x0], $0xffff  }
0x2ea: {  	v58 =	vld.idx.msk [tilespmem:v59+s2+$0x0], $0xffff;
	v59 =	vadd.s32 $0x2800, v6  }
0x2eb: {  	[tilespmem:$0x1F6D0] =	vst v4;
	v4 =	vld [tilespmem:s29+$0xCC00]  }
0x2ec: {  	v2 =	vld.idx.msk [tilespmem:v2+s2+$0x0], $0xffff  }
0x2ed: {  	v0 =	vld.idx.msk [tilespmem:v0+s2+$0x0], $0xffff  }
0x2ee: {  	[tilespmem:$0x1F6E0] =	vst v60;
	v60 =	vld.idx.msk [tilespmem:v5+s2+$0x0], $0xffff;
	v5 =	vsub.bf16 v11, v15  }
0x2ef: {  	[tilespmem:$0x1F730] =	vst v58;
	v58 =	vsub.bf16 v13, v14;
	v1 =	vld.idx.msk [tilespmem:v59+s2+$0x0], $0xffff;
	v14 =	vsub.bf16 v17, v23  }
0x2f0: {  	v15 =	vld.idx.msk [tilespmem:v3+s2+$0x0], $0xffff;
	v17 =	vsub.bf16 v21, v24;
	v21 =	vsub.bf16 v26, v31  }
0x2f1: {  	v23 =	vsub.bf16 v27, v28;
	v26 =	vsub.bf16 v30, v36;
	v36 =	vld [tilespmem:s29+$0xCC80]  }
0x2f2: {  	v24 =	vsub.bf16 v29, v32;
	v27 =	vsub.bf16 v43, v48;
	v43 =	vld [tilespmem:s29+$0xDC80]  }
0x2f3: {  	v32 =	vsub.bf16 v33, v37;
	v37 =	vsub.bf16 v34, v38;
	v34 =	vld [tilespmem:$0x1F060]  }
0x2f4: {  	v16 =	vsub.bf16 v16, v22;
	v48 =	vsub.bf16 v35, v39;
	v35 =	vld [tilespmem:$0x1F070]  }
0x2f5: {  	[tilespmem:$0x1F6F0] =	vst v61;
	v61 =	vsub.bf16 v8, v9;
	v29 =	vsub.bf16 v42, v44;
	v39 =	vld [tilespmem:s29+$0xDD00]  }
0x2f6: {  	v44 =	vsub.bf16 v46, v49;
	v49 =	vsub.bf16 v40, v57;
	v40 =	vld [tilespmem:$0x1F1C0]  }
0x2f7: {  	v59 =	vadd.s32 $0x5000, v6;
	[tilespmem:$0x1F740] =	vst v2;
	v2 =	vmax.bf16 v61, v16;
	v61 =	vld.idx.msk [tilespmem:v6+s2+$0x0], $0xffff  }
0x2f8: {  	v5 =	vmax.bf16 v5, v14;
	v16 =	vsub.bf16 v18, v20;
	v18 =	vsub.bf16 v19, v25;
	v19 =	vld [tilespmem:s29+$0xDC00]  }
0x2f9: {  	v33 =	vadd.s32 $0x5000, v4;
	v9 =	vmax.bf16 v58, v17;
	v25 =	vmax.bf16 v5, v21;
	v21 =	vld [tilespmem:$0x1EFC0]  }
0x2fa: {  	v28 =	vmax.bf16 v9, v24;
	v24 =	vld [tilespmem:$0x1EFF0]  }
0x2fb: {  	v9 =	vld [tilespmem:s29+$0xCD00]  }
0x2fc: {  	[tilespmem:$0x1F780] =	vst v1;
	v1 =	vld.idx.msk [tilespmem:v59+s2+$0x0], $0xffff  }
0x2fd: {  	v22 =	vsub.bf16 v10, v12;
	[tilespmem:$0x1F750] =	vst v60;
	v60 =	vld.idx.msk [tilespmem:v4+s2+$0x0], $0xffff  }
0x2fe: {  	v57 =	vld.idx.msk [tilespmem:v33+s2+$0x0], $0xffff  }
0x2ff: {  	v6 =	vadd.s32 $0x7800, v6;
	v8 =	vmax.bf16 v22, v16;
	v22 =	vmax.bf16 v2, v18;
	v18 =	vld [tilespmem:$0x1EFA0]  }
0x300: {  	v20 =	vadd.s32 $0x2800, v4;
	v33 =	vld [tilespmem:$0x1F050]  }
0x301: {  	v10 =	vsub.bf16 v34, v35;
	v34 =	vld [tilespmem:$0x1F180]  }
0x302: {  	v35 =	vld [tilespmem:$0x1F190]  }
0x303: {  	[tilespmem:$0x1F710] =	vst v0;
	v0 =	vadd.s32 $0x2800, v3;
	v2 =	vmax.bf16 v8, v23;
	v23 =	vld [tilespmem:$0x1EFE0]  }
0x304: {  	v4 =	vadd.s32 $0x7800, v4;
	v59 =	vld.idx.msk [tilespmem:v6+s2+$0x0], $0xffff  }
0x305: {  	v30 =	vld.idx.msk [tilespmem:v20+s2+$0x0], $0xffff  }
0x306: {  	v20 =	vld [tilespmem:$0x1EFB0]  }
0x307: {  	v17 =	vsub.bf16 v47, v50;
	v16 =	vadd.s32 $0x2800, v36;
	v50 =	vld.idx.msk [tilespmem:v36+s2+$0x0], $0xffff  }
0x308: {  	v0 =	vld.idx.msk [tilespmem:v0+s2+$0x0], $0xffff  }
0x309: {  	v38 =	vsub.bf16 v45, v54;
	v54 =	vld.idx.msk [tilespmem:v4+s2+$0x0], $0xffff  }
0x30a: {  	[tilespmem:$0x1F7A0] =	vst v1;
	v1 =	vmax.bf16 v25, v27;
	v25 =	vld [tilespmem:$0x1F000]  }
0x30b: {  	v27 =	vld [tilespmem:$0x1F020]  }
0x30c: {  	v4 =	vsub.bf16 v53, v21;
	v53 =	vld.idx.msk [tilespmem:v16+s2+$0x0], $0xffff  }
0x30d: {  	v12 =	vsub.bf16 v51, v18;
	v18 =	vld [tilespmem:$0x1F0A0]  }
0x30e: {  	v31 =	vadd.s32 $0x2800, v19;
	v21 =	vld [tilespmem:$0x1F0D0]  }
0x30f: {  	v42 =	vadd.s32 $0x5000, v19;
	v16 =	vld [tilespmem:$0x1F2E0]  }
0x310: {  	v46 =	vadd.s32 $0x7800, v19;
	v58 =	vld.idx.msk [tilespmem:v19+s2+$0x0], $0xffff  }
0x311: {  	v1 =	vmax.bf16 v1, v38;
	v38 =	vld [tilespmem:$0x1F090]  }
0x312: {  	v1 =	vmax.bf16 v1, v49;
	v49 =	vld.idx.msk [tilespmem:v43+s2+$0x0], $0xffff  }
0x313: {  	v45 =	vsub.bf16 v55, v56;
	v2 =	vmax.bf16 v2, v29;
	v29 =	vadd.s32 $0x5000, v43;
	v56 =	vld.idx.msk [tilespmem:v31+s2+$0x0], $0xffff  }
0x314: {  	v55 =	vld.idx.msk [tilespmem:v42+s2+$0x0], $0xffff  }
0x315: {  	v2 =	vmax.bf16 v2, v44;
	v5 =	vsub.bf16 v52, v20;
	v52 =	vld.idx.msk [tilespmem:v46+s2+$0x0], $0xffff  }
0x316: {  	v2 =	vmax.bf16 v2, v17;
	v17 =	vadd.s32 $0x2800, v9;
	[tilespmem:$0x1F7C0] =	vst v30;
	v30 =	vld [tilespmem:$0x1F030]  }
0x317: {  	v20 =	vld [tilespmem:$0x1F0C0]  }
0x318: {  	v46 =	vld.idx.msk [tilespmem:v29+s2+$0x0], $0xffff  }
0x319: {  	v29 =	vld [tilespmem:$0x1F150];
	[tilespmem:$0x1F770] =	vst v0;
	v0 =	vadd.s32 $0x5000, v3  }
0x31a: {  	v42 =	vld [tilespmem:$0x1F1E0]  }
0x31b: {  	v47 =	vld.idx.msk [tilespmem:v17+s2+$0x0], $0xffff;
	v3 =	vadd.s32 $0x7800, v3  }
0x31c: {  	v19 =	vadd.s32 $0x2800, v43;
	v17 =	vld [tilespmem:$0x1F2F0]  }
0x31d: {  	v6 =	vsub.bf16 v24, v25;
	v24 =	vld [tilespmem:$0x1F100]  }
0x31e: {  	v0 =	vld.idx.msk [tilespmem:v0+s2+$0x0], $0xffff  }
0x31f: {  	v25 =	vld [tilespmem:$0x1F110]  }
0x320: {  	v3 =	vld.idx.msk [tilespmem:v3+s2+$0x0], $0xffff  }
0x321: {  	v51 =	vld.idx.msk [tilespmem:v19+s2+$0x0], $0xffff  }
0x322: {  	v19 =	vld [tilespmem:$0x1F0B0]  }
0x323: {  	v31 =	vadd.s32 $0x7800, v36;
	[tilespmem:$0x1F790] =	vst v0;
	v0 =	vmax.bf16 v22, v26;
	v22 =	vld [tilespmem:$0x1EFD0]  }
0x324: {  	v26 =	vld [tilespmem:$0x1F010]  }
0x325: {  	[tilespmem:$0x1F7B0] =	vst v3;
	v3 =	vmax.bf16 v28, v32;
	v28 =	vadd.s32 $0x5000, v36;
	v32 =	vld [tilespmem:$0x1F040]  }
0x326: {  	v36 =	vadd.s32 $0x7800, v43;
	v43 =	vld [tilespmem:$0x1F1F0]  }
0x327: {  	v0 =	vmax.bf16 v0, v37;
	v37 =	vld [tilespmem:$0x1F080]  }
0x328: {  	v3 =	vmax.bf16 v3, v45;
	v45 =	vld.idx.msk [tilespmem:v31+s2+$0x0], $0xffff  }
0x329: {  	v31 =	vld [tilespmem:$0x1F160]  }
0x32a: {  	v0 =	vmax.bf16 v0, v48;
	v48 =	vld.idx.msk [tilespmem:v28+s2+$0x0], $0xffff  }
0x32b: {  	v0 =	vmax.bf16 v0, v5;
	v5 =	vsub.bf16 v22, v23;
	v22 =	vld [tilespmem:$0x1F0E0]  }
0x32c: {  	v23 =	vld [tilespmem:$0x1F0F0]  }
0x32d: {  	v1 =	vmax.bf16 v1, v4;
	v4 =	vsub.bf16 v26, v27;
	v26 =	vld [tilespmem:$0x1F120]  }
0x32e: {  	v27 =	vld [tilespmem:$0x1F130]  }
0x32f: {  	v28 =	vld [tilespmem:$0x1F140]  }
0x330: {  	v44 =	vld.idx.msk [tilespmem:v36+s2+$0x0], $0xffff  }
0x331: {  	v8 =	vsub.bf16 v32, v33;
	v32 =	vld [tilespmem:$0x1F170]  }
0x332: {  	v36 =	vld [tilespmem:$0x1F1A0]  }
0x333: {  	[tilespmem:$0x1F760] =	vst v15;
	v15 =	vsub.bf16 v42, v43;
	v43 =	vld.idx.msk [tilespmem:v9+s2+$0x0], $0xffff  }
0x334: {  	v42 =	vld.idx.msk [tilespmem:v39+s2+$0x0], $0xffff  }
0x335: {  	v0 =	vmax.bf16 v0, v4;
	v4 =	vsub.bf16 v41, v30;
	v41 =	vld [tilespmem:$0x1F1D0]  }
0x336: {  	v2 =	vmax.bf16 v2, v5;
	v5 =	vsub.bf16 v24, v25;
	v25 =	vld [tilespmem:$0x1F280]  }
0x337: {  	v2 =	vmax.bf16 v2, v8;
	v8 =	vsub.bf16 v18, v19;
	v19 =	vld [tilespmem:$0x1F240]  }
0x338: {  	v1 =	vmax.bf16 v1, v4;
	v4 =	vsub.bf16 v37, v38;
	v37 =	vld [tilespmem:$0x1F1B0]  }
0x339: {  	[tilespmem:$0x1F720] =	vst v7;
	v3 =	vmax.bf16 v3, v12;
	v7 =	vsub.bf16 v22, v23;
	v22 =	vld [tilespmem:$0x1F270]  }
0x33a: {  	v30 =	vadd.s32 $0x2800, v39;
	v1 =	vmax.bf16 v1, v8;
	v8 =	vsub.bf16 v26, v27;
	v26 =	vld [tilespmem:$0x1F290]  }
0x33b: {  	v3 =	vmax.bf16 v3, v6;
	v0 =	vmax.bf16 v0, v4;
	v4 =	vsub.bf16 v20, v21;
	v20 =	vld [tilespmem:$0x1F250]  }
0x33c: {  	v3 =	vmax.bf16 v3, v10;
	v33 =	vadd.s32 $0x5000, v9;
	v21 =	vld [tilespmem:$0x1F260]  }
0x33d: {  	v3 =	vmax.bf16 v3, v7;
	v7 =	vld [tilespmem:s29+$0xCD80]  }
0x33e: {  	v0 =	vmax.bf16 v0, v5;
	v5 =	vld [tilespmem:s29+$0xDD80]  }
0x33f: {  	v14 =	vsub.bf16 v40, v41;
	v41 =	vld.idx.msk [tilespmem:v30+s2+$0x0], $0xffff  }
0x340: {  	v30 =	vld [tilespmem:$0x1F220]  }
0x341: {  	v38 =	vadd.s32 $0x5000, v39;
	v40 =	vld.idx.msk [tilespmem:v33+s2+$0x0], $0xffff  }
0x342: {  	v9 =	vadd.s32 $0x7800, v9;
	v33 =	vld [tilespmem:$0x1F2C0]  }
0x343: {  	v18 =	vadd.s32 $0x7800, v39;
	v1 =	vmax.bf16 v1, v8;
	v8 =	vsub.bf16 v34, v35;
	v34 =	vld [tilespmem:$0x1F2D0]  }
0x344: {  	v2 =	vmax.bf16 v2, v4;
	v4 =	vsub.bf16 v28, v29;
	v28 =	vld [tilespmem:$0x1F200]  }
0x345: {  	v29 =	vld [tilespmem:$0x1F210]  }
0x346: {  	v39 =	vld.idx.msk [tilespmem:v38+s2+$0x0], $0xffff  }
0x347: {  	v38 =	vld.idx.msk [tilespmem:v9+s2+$0x0], $0xffff  }
0x348: {  	v10 =	vsub.bf16 v36, v37;
	v37 =	vld.idx.msk [tilespmem:v18+s2+$0x0], $0xffff  }
0x349: {  	v2 =	vmax.bf16 v2, v4;
	v4 =	vsub.bf16 v31, v32;
	v31 =	vld [tilespmem:$0x1F230]  }
0x34a: {  	v0 =	vmax.bf16 v0, v8;
	v12 =	vsub.bf16 v19, v20;
	v19 =	vld [tilespmem:$0x1F300]  }
0x34b: {  	v2 =	vmax.bf16 v2, v14;
	v13 =	vsub.bf16 v21, v22;
	v20 =	vld [tilespmem:$0x1F310];
	v3 =	vmax.bf16 v3, v4  }
0x34c: {  	v35 =	vsub.bf16 v33, v34;
	v3 =	vmax.bf16 v3, v15;
	v8 =	vsub.bf16 v28, v29;
	v29 =	vld [tilespmem:$0x1F2A0]  }
0x34d: {  	v27 =	vmax.bf16 v2, v12;
	v28 =	vmax.bf16 v3, v13;
	v3 =	vld [tilespmem:s29+$0xCE00]  }
0x34e: {  	v4 =	vmax.bf16 v27, v35;
	v27 =	vld [tilespmem:$0x1F340]  }
0x34f: {  	v18 =	vsub.bf16 v16, v17;
	v13 =	vld [tilespmem:$0x1F390]  }
0x350: {  	v1 =	vmax.bf16 v1, v10;
	v32 =	vadd.s32 $0x2800, v7;
	v10 =	vsub.bf16 v30, v31;
	v30 =	vld [tilespmem:$0x1F2B0]  }
0x351: {  	v23 =	vadd.s32 $0x2800, v5;
	v0 =	vmax.bf16 v0, v8;
	v8 =	vsub.bf16 v25, v26;
	v25 =	vld [tilespmem:$0x1F330]  }
0x352: {  	v34 =	vld.idx.msk [tilespmem:v7+s2+$0x0], $0xffff  }
0x353: {  	v22 =	vmax.bf16 v28, v18;
	v28 =	vld [tilespmem:$0x1F350]  }
0x354: {  	v21 =	vadd.s32 $0x5000, v7;
	v12 =	vadd.s32 $0x7800, v7;
	v7 =	vld [tilespmem:$0x1F360]  }
0x355: {  	v36 =	vld.idx.msk [tilespmem:v32+s2+$0x0], $0xffff  }
0x356: {  	v35 =	vld.idx.msk [tilespmem:v23+s2+$0x0], $0xffff  }
0x357: {  	v32 =	vld.idx.msk [tilespmem:v5+s2+$0x0], $0xffff  }
0x358: {  	v24 =	vmax.bf16 v1, v10;
	v10 =	vld [tilespmem:$0x1F380]  }
0x359: {  	v31 =	vmax.bf16 v0, v8;
	v0 =	vld [tilespmem:s29+$0xDE00]  }
0x35a: {  	v33 =	vld.idx.msk [tilespmem:v21+s2+$0x0], $0xffff  }
0x35b: {  	v9 =	vsub.bf16 v29, v30;
	v29 =	vsub.bf16 v27, v28;
	v27 =	vld [tilespmem:$0x1F400]  }
0x35c: {  	v28 =	vld [tilespmem:$0x1F410]  }
0x35d: {  	v30 =	vld [tilespmem:$0x1F430]  }
0x35e: {  	v15 =	vadd.s32 $0x5000, v5;
	v6 =	vmax.bf16 v24, v9;
	v24 =	vld [tilespmem:$0x1F320]  }
0x35f: {  	v9 =	vsub.bf16 v19, v20;
	v19 =	vld [tilespmem:$0x1F3A0]  }
0x360: {  	v20 =	vld [tilespmem:$0x1F3B0]  }
0x361: {  	v2 =	vmax.bf16 v4, v29;
	v29 =	vld [tilespmem:$0x1F420]  }
0x362: {  	v23 =	vmax.bf16 v31, v9;
	v9 =	vld [tilespmem:$0x1F370]  }
0x363: {  	v16 =	vsub.bf16 v10, v13;
	v31 =	vld.idx.msk [tilespmem:v15+s2+$0x0], $0xffff  }
0x364: {  	v15 =	vld [tilespmem:$0x1F440]  }
0x365: {  	v21 =	vmax.bf16 v23, v16;
	v23 =	vld [tilespmem:$0x1F3D0]  }
0x366: {  	v16 =	vld [tilespmem:$0x1F450]  }
0x367: {  	v26 =	vsub.bf16 v24, v25;
	v25 =	vld [tilespmem:$0x1F3E0]  }
0x368: {  	v4 =	vsub.bf16 v19, v20;
	v19 =	vld [tilespmem:$0x1F480]  }
0x369: {  	v17 =	vadd.s32 $0x2800, v3;
	v20 =	vld [tilespmem:$0x1F490]  }
0x36a: {  	v1 =	vsub.bf16 v7, v9;
	v6 =	vmax.bf16 v6, v26;
	v26 =	vld [tilespmem:$0x1F3F0]  }
0x36b: {  	v4 =	vmax.bf16 v6, v4;
	v6 =	vsub.bf16 v27, v28;
	v27 =	vld [tilespmem:$0x1F4F0]  }
0x36c: {  	v18 =	vmax.bf16 v22, v1;
	v22 =	vld [tilespmem:$0x1F3C0]  }
0x36d: {  	v1 =	vsub.bf16 v29, v30;
	v30 =	vld.idx.msk [tilespmem:v12+s2+$0x0], $0xffff  }
0x36e: {  	v9 =	vadd.s32 $0x7800, v5;
	v29 =	vld.idx.msk [tilespmem:v17+s2+$0x0], $0xffff  }
0x36f: {  	v17 =	vld [tilespmem:$0x1F460]  }
0x370: {  	v11 =	vmax.bf16 v4, v1;
	v1 =	vld [tilespmem:s29+$0xCE80]  }
0x371: {  	v4 =	vsub.bf16 v19, v20;
	v19 =	vld [tilespmem:$0x1F520]  }
0x372: {  	v20 =	vld [tilespmem:$0x1F530]  }
0x373: {  	v28 =	vld.idx.msk [tilespmem:v9+s2+$0x0], $0xffff  }
0x374: {  	v9 =	vmax.bf16 v21, v6;
	v21 =	vld [tilespmem:$0x1F4A0]  }
0x375: {  	v8 =	vsub.bf16 v25, v26;
	v25 =	vld [tilespmem:$0x1F4D0]  }
0x376: {  	v26 =	vld [tilespmem:$0x1F4E0]  }
0x377: {  	v14 =	vadd.s32 $0x5000, v3;
	v24 =	vsub.bf16 v22, v23;
	v12 =	vmax.bf16 v18, v8;
	v18 =	vld [tilespmem:$0x1F470]  }
0x378: {  	v8 =	vsub.bf16 v15, v16;
	v22 =	vld [tilespmem:$0x1F4B0]  }
0x379: {  	v2 =	vmax.bf16 v2, v24;
	v24 =	vld [tilespmem:$0x1F4C0]  }
0x37a: {  	v10 =	vmax.bf16 v2, v8;
	v2 =	vld [tilespmem:s29+$0xDE80]  }
0x37b: {  	v6 =	vsub.bf16 v26, v27;
	v26 =	vld.idx.msk [tilespmem:v3+s2+$0x0], $0xffff  }
0x37c: {  	v13 =	vadd.s32 $0x2800, v0;
	v27 =	vld.idx.msk [tilespmem:v14+s2+$0x0], $0xffff  }
0x37d: {  	v8 =	vsub.bf16 v17, v18;
	v17 =	vld [tilespmem:$0x1F510]  }
0x37e: {  	v23 =	vsub.bf16 v21, v22;
	v21 =	vld [tilespmem:$0x1F540]  }
0x37f: {  	v22 =	vld [tilespmem:$0x1F550]  }
0x380: {  	v16 =	vadd.s32 $0x7800, v3;
	v5 =	vsub.bf16 v24, v25;
	v24 =	vld.idx.msk [tilespmem:v0+s2+$0x0], $0xffff  }
0x381: {  	v7 =	vmax.bf16 v11, v23;
	v23 =	vld.idx.msk [tilespmem:v13+s2+$0x0], $0xffff  }
0x382: {  	v13 =	vld [tilespmem:$0x1F500]  }
0x383: {  	v8 =	vmax.bf16 v12, v8;
	v25 =	vld [tilespmem:$0x1F560]  }
0x384: {  	v8 =	vmax.bf16 v8, v6;
	v6 =	vld [tilespmem:$0x1F570]  }
0x385: {  	v15 =	vadd.s32 $0x5000, v0;
	v10 =	vmax.bf16 v10, v5;
	v5 =	vsub.bf16 v21, v22;
	v22 =	vld.idx.msk [tilespmem:v16+s2+$0x0], $0xffff  }
0x386: {  	v12 =	vadd.s32 $0x7800, v0;
	v21 =	vld [tilespmem:$0x1F5B0]  }
0x387: {  	v16 =	vld [tilespmem:$0x1F5F0]  }
0x388: {  	v18 =	vsub.bf16 v13, v17;
	v17 =	vld [tilespmem:$0x1F580]  }
0x389: {  	v13 =	vsub.bf16 v19, v20;
	v20 =	vld [tilespmem:$0x1F5A0]  }
0x38a: {  	v0 =	vsub.bf16 v25, v6;
	v25 =	vld.idx.msk [tilespmem:v15+s2+$0x0], $0xffff  }
0x38b: {  	v15 =	vsub.bf16 v63, v62;
	v63 =	vld.idx.msk [tilespmem:v12+s2+$0x0], $0xffff  }
0x38c: {  	v12 =	vld [tilespmem:$0x1F5C0]  }
0x38d: {  	v9 =	vmax.bf16 v9, v4;
	v14 =	vadd.s32 $0x2800, v1;
	v6 =	vld [tilespmem:$0x1F670]  }
0x38e: {  	v9 =	vmax.bf16 v9, v18;
	v18 =	vld [tilespmem:$0x1F590]  }
0x38f: {  	v7 =	vmax.bf16 v7, v13;
	v13 =	vld [tilespmem:$0x1F5D0]  }
0x390: {  	v0 =	vmax.bf16 v8, v0;
	v8 =	vmax.bf16 v9, v15;
	v15 =	vld [tilespmem:$0x1F5E0]  }
0x391: {  	v9 =	vld [tilespmem:$0x1F610];
	v62 =	vsub.bf16 v20, v21  }
0x392: {  	v5 =	vmax.bf16 v10, v5;
	v21 =	vld.idx.msk [tilespmem:v14+s2+$0x0], $0xffff  }
0x393: {  	v5 =	vmax.bf16 v5, v62;
	v62 =	vld [tilespmem:$0x1F600]  }
0x394: {  	v3 =	vadd.s32 $0x2800, v2;
	v11 =	vsub.bf16 v12, v13;
	v12 =	vld [tilespmem:$0x1F630]  }
0x395: {  	v19 =	vsub.bf16 v17, v18;
	v17 =	vsub.bf16 v15, v16;
	v15 =	vld [tilespmem:$0x1F640]  }
0x396: {  	v16 =	vld [tilespmem:$0x1F650]  }
0x397: {  	v8 =	vmax.bf16 v8, v17;
	v17 =	vld [tilespmem:$0x1F660]  }
0x398: {  	v4 =	vmax.bf16 v0, v11;
	v11 =	vld [tilespmem:$0x1F620]  }
0x399: {  	v20 =	vld.idx.msk [tilespmem:v3+s2+$0x0], $0xffff  }
0x39a: {  	v14 =	vadd.s32 $0x5000, v1;
	v7 =	vmax.bf16 v7, v19;
	v19 =	vld.idx.msk [tilespmem:v1+s2+$0x0], $0xffff  }
0x39b: {  	v13 =	vadd.s32 $0x7800, v1;
	v9 =	vsub.bf16 v62, v9;
	v1 =	vsub.bf16 v15, v16;
	v16 =	vld [tilespmem:$0x1F6A0]  }
0x39c: {  	v6 =	vsub.bf16 v17, v6;
	v17 =	vld [tilespmem:$0x1F6B0]  }
0x39d: {  	v18 =	vld.idx.msk [tilespmem:v2+s2+$0x0], $0xffff;
	v7 =	vmax.bf16 v7, v9;
	v9 =	vsub.bf16 v11, v12  }
0x39e: {  	v15 =	vld [tilespmem:$0x1F690]  }
0x39f: {  	v5 =	vmax.bf16 v5, v9;
	v9 =	vld [tilespmem:$0x1F680]  }
0x3a0: {  	v3 =	vmax.bf16 v4, v1;
	v1 =	vld [tilespmem:$0x1F6E0]  }
0x3a1: {  	v62 =	vadd.s32 $0x5000, v2;
	v12 =	vadd.s32 $0x7800, v2;
	v2 =	vsub.bf16 v16, v17;
	v17 =	vld.idx.msk [tilespmem:v14+s2+$0x0], $0xffff  }
0x3a2: {  	v14 =	vld [tilespmem:$0x1F6C0]  }
0x3a3: {  	v16 =	vld [tilespmem:$0x1F6F0]  }
0x3a4: {  	v9 =	vsub.bf16 v9, v15;
	v15 =	vld [tilespmem:$0x1F6D0]  }
0x3a5: {  	v10 =	vld [tilespmem:s29+$0xCF00]  }
0x3a6: {  	v6 =	vmax.bf16 v8, v6;
	v8 =	vld [tilespmem:$0x1F700]  }
0x3a7: {  	v7 =	vmax.bf16 v7, v9;
	v9 =	vld [tilespmem:$0x1F710]  }
0x3a8: {  	v1 =	vsub.bf16 v1, v16;
	v16 =	vld [tilespmem:$0x1F730]  }
0x3a9: {  	v4 =	vsub.bf16 v14, v15;
	v15 =	vld.idx.msk [tilespmem:v13+s2+$0x0], $0xffff  }
0x3aa: {  	v13 =	vld [tilespmem:$0x1F720]  }
0x3ab: {  	v14 =	vld.idx.msk [tilespmem:v12+s2+$0x0], $0xffff  }
0x3ac: {  	v12 =	vld [tilespmem:$0x1F750]  }
0x3ad: {  	v3 =	vmax.bf16 v3, v4;
	v4 =	vsub.bf16 v8, v9;
	v9 =	vld [tilespmem:$0x1F740]  }
0x3ae: {  	v11 =	vadd.s32 $0x2800, v10  }
0x3af: {  	v8 =	vsub.bf16 v13, v16;
	v13 =	vld [tilespmem:$0x1F760]  }
0x3b0: {  	v57 =	vsub.bf16 v57, v55;
	v55 =	vld [tilespmem:s29+$0xD000]  }
0x3b1: {  	v0 =	vld [tilespmem:s29+$0xDF00]  }
0x3b2: {  	v62 =	vld.idx.msk [tilespmem:v62+s2+$0x0], $0xffff;
	v9 =	vsub.bf16 v9, v12  }
0x3b3: {  	v1 =	vmax.bf16 v6, v1;
	v4 =	vmax.bf16 v7, v4;
	v16 =	vld.idx.msk [tilespmem:v11+s2+$0x0], $0xffff  }
0x3b4: {  	v6 =	vmax.bf16 v3, v9;
	v9 =	vld [tilespmem:s29+$0xCF80];
	v7 =	vsub.bf16 v13, v61;
	v61 =	vadd.s32 $0x5000, v10  }
0x3b5: {  	v11 =	vld [tilespmem:$0x1F780]  }
0x3b6: {  	v2 =	vmax.bf16 v5, v2;
	v3 =	vmax.bf16 v1, v7;
	v7 =	vld [tilespmem:$0x1F770]  }
0x3b7: {  	v12 =	vadd.s32 $0x2800, v0;
	v5 =	vmax.bf16 v2, v8;
	v2 =	vld [tilespmem:$0x1F790]  }
0x3b8: {  	v13 =	vld.idx.msk [tilespmem:v10+s2+$0x0], $0xffff  }
0x3b9: {  	v52 =	vsub.bf16 v54, v52;
	v54 =	vld.idx.msk [tilespmem:v61+s2+$0x0], $0xffff;
	v61 =	vadd.s32 $0x2800, v9  }
0x3ba: {  	v8 =	vadd.s32 $0x5000, v0;
	v1 =	vld [tilespmem:s29+$0xDF80]  }
0x3bb: {  	v7 =	vsub.bf16 v7, v11;
	v11 =	vld [tilespmem:$0x1F7A0]  }
0x3bc: {  	v46 =	vsub.bf16 v48, v46;
	v10 =	vadd.s32 $0x7800, v10;
	v12 =	vld.idx.msk [tilespmem:v12+s2+$0x0], $0xffff  }
0x3bd: {  	v41 =	vsub.bf16 v47, v41;
	v4 =	vmax.bf16 v4, v7;
	v7 =	vsub.bf16 v60, v58;
	v60 =	vld [tilespmem:$0x1F7C0]  }
0x3be: {  	v39 =	vsub.bf16 v40, v39;
	v32 =	vsub.bf16 v34, v32;
	v34 =	vld.idx.msk [tilespmem:v61+s2+$0x0], $0xffff;
	v61 =	vadd.s32 $0x2800, v55  }
0x3bf: {  	v37 =	vsub.bf16 v38, v37;
	v28 =	vsub.bf16 v30, v28;
	v3 =	vmax.bf16 v3, v7;
	v7 =	vld.idx.msk [tilespmem:v8+s2+$0x0], $0xffff  }
0x3c0: {  	v24 =	vsub.bf16 v26, v24;
	v2 =	vsub.bf16 v2, v11;
	v11 =	vld [tilespmem:$0x1F7B0]  }
0x3c1: {  	v38 =	vadd.s32 $0x5000, v55;
	v22 =	vsub.bf16 v22, v63;
	v18 =	vsub.bf16 v19, v18;
	v8 =	vld.idx.msk [tilespmem:v10+s2+$0x0], $0xffff  }
0x3c2: {  	v17 =	vsub.bf16 v17, v62;
	v10 =	vld.idx.msk [tilespmem:v1+s2+$0x0], $0xffff;
	v56 =	vsub.bf16 v60, v56;
	v2 =	vmax.bf16 v5, v2  }
0x3c3: {  	v60 =	vsub.bf16 v53, v51;
	v53 =	vadd.s32 $0x5000, v1;
	v2 =	vmax.bf16 v2, v57;
	v47 =	vld.idx.msk [tilespmem:v61+s2+$0x0], $0xffff  }
0x3c4: {  	v4 =	vmax.bf16 v4, v56;
	v2 =	vmax.bf16 v2, v46;
	v56 =	vld [tilespmem:s29+$0xE000];
	v46 =	vadd.s32 $0x7800, v55  }
0x3c5: {  	v14 =	vsub.bf16 v15, v14;
	v59 =	vsub.bf16 v11, v59;
	v11 =	vld.idx.msk [tilespmem:v0+s2+$0x0], $0xffff;
	v0 =	vadd.s32 $0x7800, v0  }
0x3c6: {  	v51 =	vadd.s32 $0x5000, v9;
	v4 =	vmax.bf16 v4, v60;
	v2 =	vmax.bf16 v2, v39;
	v39 =	vld.idx.msk [tilespmem:v55+s2+$0x0], $0xffff  }
0x3c7: {  	v6 =	vmax.bf16 v6, v59;
	v59 =	vsub.bf16 v50, v49;
	v49 =	vsub.bf16 v45, v44;
	v44 =	vld.idx.msk [tilespmem:v9+s2+$0x0], $0xffff  }
0x3c8: {  	v50 =	vadd.s32 $0x2800, v1;
	v60 =	vld.idx.msk [tilespmem:v53+s2+$0x0], $0xffff;
	v58 =	vmax.bf16 v6, v52;
	v52 =	vsub.bf16 v43, v42  }
0x3c9: {  	v7 =	vsub.bf16 v54, v7;
	v9 =	vadd.s32 $0x7800, v9;
	v3 =	vmax.bf16 v3, v59;
	v54 =	vld.idx.msk [tilespmem:v46+s2+$0x0], $0xffff  }
0x3ca: {  	v57 =	vsub.bf16 v36, v35;
	v1 =	vadd.s32 $0x7800, v1;
	v0 =	vld.idx.msk [tilespmem:v0+s2+$0x0], $0xffff;
	v3 =	vmax.bf16 v3, v52  }
0x3cb: {  	v12 =	vsub.bf16 v16, v12;
	v4 =	vmax.bf16 v4, v41;
	v3 =	vmax.bf16 v3, v32;
	v32 =	vld.idx.msk [tilespmem:v51+s2+$0x0], $0xffff  }
0x3cc: {  	v4 =	vmax.bf16 v4, v57;
	v42 =	vsub.bf16 v27, v25;
	v36 =	vadd.s32 $0x2800, v56;
	v51 =	vld.idx.msk [tilespmem:v38+s2+$0x0], $0xffff  }
0x3cd: {  	v5 =	vmax.bf16 v58, v49;
	v59 =	vsub.bf16 v33, v31;
	v41 =	vadd.s32 $0x5000, v56;
	v58 =	vld.idx.msk [tilespmem:v50+s2+$0x0], $0xffff  }
0x3ce: {  	v48 =	vadd.s32 $0x7800, v56;
	v5 =	vmax.bf16 v5, v37;
	v37 =	vsub.bf16 v29, v23;
	v9 =	vld.idx.msk [tilespmem:v9+s2+$0x0], $0xffff  }
0x3cf: {  	v49 =	vsub.bf16 v21, v20;
	v52 =	vsub.bf16 v13, v11;
	v2 =	vmax.bf16 v2, v59;
	v1 =	vld.idx.msk [tilespmem:v1+s2+$0x0], $0xffff  }
0x3d0: {  	v5 =	vmax.bf16 v5, v28;
	v3 =	vmax.bf16 v3, v24;
	v4 =	vmax.bf16 v4, v37;
	v45 =	vld.idx.msk [tilespmem:v56+s2+$0x0], $0xffff  }
0x3d1: {  	v2 =	vmax.bf16 v2, v42;
	v5 =	vmax.bf16 v5, v22;
	v55 =	vsub.bf16 v44, v10;
	v50 =	vld.idx.msk [tilespmem:v36+s2+$0x0], $0xffff  }
0x3d2: {  	v3 =	vmax.bf16 v3, v18;
	v4 =	vmax.bf16 v4, v49;
	v2 =	vmax.bf16 v2, v17;
	v53 =	vld.idx.msk [tilespmem:v41+s2+$0x0], $0xffff  }
0x3d3: {  	v5 =	vmax.bf16 v5, v14;
	v3 =	vmax.bf16 v3, v52;
	v56 =	vld.idx.msk [tilespmem:v48+s2+$0x0], $0xffff;
	v4 =	vmax.bf16 v4, v12  }
0x3d4: {  	v2 =	vmax.bf16 v2, v7;
	v0 =	vsub.bf16 v8, v0;
	v59 =	vsub.bf16 v32, v60  }
0x3d5: {  	v3 =	vmax.bf16 v3, v55;
	v57 =	vsub.bf16 v34, v58;
	v58 =	vsub.bf16 v39, v45  }
0x3d6: {  	p0 =	sne.s32 s28, $0xFFFFFFC0;
	v0 =	vmax.bf16 v5, v0;
	v1 =	vsub.bf16 v9, v1;
	v60 =	vsub.bf16 v47, v50  }
.Ltmp1:
0x3d7: {  	v4 =	vmax.bf16 v4, v57;
	v3 =	vmax.bf16 v3, v58;
	v61 =	vsub.bf16 v51, v53;
	(pc) =	sbr.rel @p0 .LBB2_5-.Ltmp1, $4  }
0x3d8: {  	v2 =	vmax.bf16 v2, v59;
	v62 =	vsub.bf16 v54, v56;
	[tilespmem:s29+$0xE280] =	vst v3;
	v4 =	vmax.bf16 v4, v60  }
0x3d9: {  	v0 =	vmax.bf16 v0, v1;
	v63 =	vmax.bf16 v2, v61;
	[tilespmem:s29+$0xE300] =	vst v4  }
0x3da: {  	v0 =	vmax.bf16 v0, v62;
	[tilespmem:s29+$0xE380] =	vst v63  }
0x3db: {  	s28 =	sadd.s32 $0x40, s28;
	[tilespmem:s29+$0xE400] =	vst v0  }
0x3dc: {  	s24 =	sadd.s32 $0x1, s24  }
0x3dd: {  	s25 =	sshll.u32 s25, $0x7;
	p0 =	sne.s32 s24, $0x14  }
.Ltmp2:
0x3de: {  	s25 =	sand.u32 $0x380, s25;
	(pc) =	sbr.rel @p0 .LBB2_2-.Ltmp2, $4  }
0x3df: {  	s25 =	sor.u32 s26, s25  }
0x3e0: {  	s25 =	sshrl.u32 s25, $0x3  }
0x3e1: {  	s25 =	sadd.s32 s4, s25  }
0x3e2: {  	[hbm4b:s25+s11] =	stream.strided.scatter [tilespmem:s20], [sflag:$0x4], $0x200, s17, s11, $0x38;
	[tilespmem:$0xE400] =	vst v63  }
0x3e3: {  	s23 =	sadd.s32 $0x1, s23  }
0x3e4: {  	_ =	swait.ge [sflag:s21], $0x200;
	p0 =	sne.s32 s23, s10  }
.Ltmp3:
0x3e5: {  	[sflag:s21] =	ssyncset.done $0x0;
	(pc) =	sbr.rel @p0 .LBB2_1-.Ltmp3, $4  }
0x3e6: {  	[sflag:s21] =	ssyncadd.s32 $0xFFFFFE00  }
0x3e7: {  	_ =	swait.ge [sflag:s22], $0x200  }
0x3e8: {  	[sflag:s22] =	ssyncset.done $0x0  }
0x3e9: {  	[sflag:s22] =	ssyncadd.s32 $0xFFFFFE00  }
0x3ea: {  	_ =	sfence.sel $0x180000  }
0x3eb: {  	[bflag:$0x0] =	sbarrier.arrive $0xFFFF  }
0x3ec: {  	p0 =	sne.s32 s1, $0x0;
	_ =	strace $0x90000047  }
0x3ed: {  	s0 =	sadd.s32 @!p0 $0x100000, s0;
	[bflag:$0x2] =	sbarrier.arrive $0xFFFF  }
0x3ee: {  	[sflag:s0] =	ssyncadd.tile.s32 @!p0 $0x1;
	_ =	shalt  }
.Lfunc_end2:
_tile_overlayer_lowered:
.L_overlay_start_2:
0x3ef: {  	(tag) =	ssettag $0x2  }
0x3f0: {  	s0 =	rddreg [dreg:$0x0];
	s2 =	stileid.u32  }
0x3f1: {  	s1 =	rddreg [dreg:$0x1];
	p0 =	sne.s32 s2, $0x0  }
0x3f2: {  	s3 =	rddreg [dreg:$0x2];
	[bflag:$0x3] =	sbarrier.arrive $0xFFFF;
	s2 =	simm.s32 @!p0 $0x1C05  }
0x3f3: {  	[timem:s3], [sflag:s2] =	dma.local @!p0 [hbm:s0], s1  }
0x3f4: {  	s0 =	simm.s32 @!p0 $0x5  }
0x3f5: {  	_ =	swait.ge @!p0 [sflag:s0], s1  }
0x3f6: {  	s1 =	ssub.s32 @!p0 $0x0, s1;
	[sflag:s0] =	ssyncset.done @!p0 $0x0  }
0x3f7: {  	[sflag:s0] =	ssyncadd.s32 @!p0 s1  }
0x3f8: {  	[bflag:$0x3] =	sbarrier.arrive $0xFFFF  }
0x3f9: {  	_ =	shalt  }

</sc_bundles>
